<compile_context>
chip_gen: v7x
topology: tpu7x:2x2x1
jax: 0.10.2.dev20260603
libtpu: 0.0.44.dev20260713+nightly
codegen_flags: <defaults>
</compile_context>

<pallas_src>
import functools

import jax
import jax.numpy as jnp
from jax import lax
from jax.experimental import pallas as pl
from jax.experimental.pallas import tpu as pltpu
from jax.experimental.pallas import tpu_sc as plsc

N = 10000
E = 320000
D = 128
C1 = 100
C2 = 10
THR = 1.0 / (C1 - 1)
EPS = 1e-5

NC = 2
NS = 16
KCH = 128
G = 8
NBT = 20
TB = NS * NBT
EPAD = TB * G * KCH
NP = 10240
RT = NP // NS

RB = 1000
GB = N // RB


def _sc_pass_body(table, idxg, idxs, zeros, out, idxg_v, idxs_v, rows_v, acc,
                  semg0, semg1, sems0, sems1, semr0, semr1):
    c = lax.axis_index("c")
    s = lax.axis_index("s")
    b0 = s * NBT
    semg = (semg0, semg1)
    semsd = (sems0, sems1)
    semr = (semr0, semr1)

    def fire_idx(slot, b):
        pltpu.async_copy(idxg.at[b0 + b], idxg_v.at[pl.ds(slot * G, G)], semg[slot])
        pltpu.async_copy(idxs.at[b0 + b], idxs_v.at[pl.ds(slot * G, G)], semsd[slot])

    def wait_idx(slot, b):
        pltpu.make_async_copy(idxg.at[b0 + b], idxg_v.at[pl.ds(slot * G, G)], semg[slot]).wait()
        pltpu.make_async_copy(idxs.at[b0 + b], idxs_v.at[pl.ds(slot * G, G)], semsd[slot]).wait()

    def fire_g(slot, j, rb):
        pltpu.async_copy(table.at[idxg_v.at[slot * G + j]], rows_v.at[rb], semr[rb])

    def wait_g(slot, j, rb):
        pltpu.make_async_copy(table.at[idxg_v.at[slot * G + j]], rows_v.at[rb], semr[rb]).wait()

    @pl.when(c == 0)
    def _run():
        fire_idx(0, 0)
        fire_idx(1, 1)
        pltpu.sync_copy(zeros, acc.at[pl.ds(s * RT, RT)])
        plsc.subcore_barrier()
        wait_idx(0, 0)
        fire_g(0, 0, 0)
        fire_g(0, 1, 1)

        def body(i, carry):
            for b2 in range(2):
                b = 2 * i + b2
                slot, other = b2, 1 - b2
                for j in range(G):
                    rb = j % 2
                    wait_g(slot, j, rb)
                    pltpu.sync_copy(rows_v.at[rb], acc.at[idxs_v.at[slot * G + j]], add=True)
                    if j < G - 2:
                        fire_g(slot, j + 2, rb)
                    if j == G - 3:
                        @pl.when(b + 1 < NBT)
                        def _():
                            wait_idx(other, b + 1)
                    if j >= G - 2:
                        @pl.when(b + 1 < NBT)
                        def _():
                            fire_g(other, j - (G - 2), rb)
                    if j == G - 1:
                        @pl.when(b + 2 < NBT)
                        def _():
                            fire_idx(slot, b + 2)
            return carry

        lax.fori_loop(0, NBT // 2, body, 0)
        plsc.subcore_barrier()
        pltpu.sync_copy(acc.at[pl.ds(s * RT, RT)], out.at[pl.ds(s * RT, RT)])


@functools.cache
def _sc_pass():
    return pl.kernel(
        _sc_pass_body,
        out_type=jax.ShapeDtypeStruct((NP, D), jnp.float32),
        mesh=plsc.VectorSubcoreMesh(core_axis_name="c", subcore_axis_name="s",
                                    num_cores=NC, num_subcores=NS),
        scratch_types=[
            pltpu.VMEM((2 * G, KCH), jnp.int32),
            pltpu.VMEM((2 * G, KCH), jnp.int32),
            pltpu.VMEM((2, KCH, D), jnp.float32),
            pltpu.VMEM_SHARED((NP, D), jnp.float32),
            pltpu.SemaphoreType.DMA,
            pltpu.SemaphoreType.DMA,
            pltpu.SemaphoreType.DMA,
            pltpu.SemaphoreType.DMA,
            pltpu.SemaphoreType.DMA,
            pltpu.SemaphoreType.DMA,
        ],
    )


def _k1_body(x_ref, a_ref, w1r_ref, w1n_ref, b1_ref, wp1_ref,
             bp1_ref, g1_ref, be1_ref, x1_ref, s1p_ref, logsm_ref):
    xb = x_ref[...]
    agg = a_ref[...]
    h = jnp.dot(agg, w1n_ref[...], preferred_element_type=jnp.float32)
    h = h + jnp.dot(xb, w1r_ref[...], preferred_element_type=jnp.float32)
    x1 = jnp.maximum(h + b1_ref[...], 0.0)
    x1_ref[...] = x1
    t = jnp.dot(x1, wp1_ref[...], preferred_element_type=jnp.float32) + bp1_ref[...]
    lane = lax.broadcasted_iota(jnp.int32, (RB, D), 1)
    valid = lane < C1
    mu = jnp.sum(jnp.where(valid, t, 0.0), axis=-1, keepdims=True) * (1.0 / C1)
    ctr = jnp.where(valid, t - mu, 0.0)
    var = jnp.sum(ctr * ctr, axis=-1, keepdims=True) * (1.0 / C1)
    ln = (t - mu) / jnp.sqrt(var + EPS) * g1_ref[...] + be1_ref[...]
    mx = jnp.max(jnp.where(valid, ln, -jnp.inf), axis=-1, keepdims=True)
    ex = jnp.where(valid, jnp.exp(ln - mx), 0.0)
    se = jnp.sum(ex, axis=-1, keepdims=True)
    logsm_ref[...] = (ln - mx - jnp.log(se))[:, :C1]
    s1 = ex / se
    s1p_ref[...] = jnp.where(lane == C1, 1.0, s1)


def _k1(x, aggp, w1rT, w1nT, b1r, wp1p, bp1p, g1p, be1p):
    blk = pl.BlockSpec((RB, D), lambda i: (i, 0))
    wblk = pl.BlockSpec((D, D), lambda i: (0, 0))
    vblk = pl.BlockSpec((1, D), lambda i: (0, 0))
    return pl.pallas_call(
        _k1_body,
        grid=(GB,),
        in_specs=[blk, blk, wblk, wblk, vblk, wblk, vblk, vblk, vblk],
        out_specs=[blk, blk, pl.BlockSpec((RB, C1), lambda i: (i, 0))],
        out_shape=[
            jax.ShapeDtypeStruct((N, D), jnp.float32),
            jax.ShapeDtypeStruct((N, D), jnp.float32),
            jax.ShapeDtypeStruct((N, C1), jnp.float32),
        ],
    )(x, aggp, w1rT, w1nT, b1r, wp1p, bp1p, g1p, be1p)


_DN = (((0,), (0,)), ((), ()))


def _k2_body(x1_ref, s1p_ref, as_ref, w2r_ref, w2n_ref, b2_ref,
             wp2_ref, bp2_ref, g2_ref, be2_ref,
             mc1_ref, o1_ref, mc2_ref, o2_ref, logsm2_ref,
             m1_ref, m2_ref, m3_ref, m4_ref):
    i = pl.program_id(0)

    @pl.when(i == 0)
    def _():
        m1_ref[...] = jnp.zeros((D, D), jnp.float32)
        m2_ref[...] = jnp.zeros((D, D), jnp.float32)
        m3_ref[...] = jnp.zeros((D, D), jnp.float32)
        m4_ref[...] = jnp.zeros((D, D), jnp.float32)

    s1p = s1p_ref[...]
    x1 = x1_ref[...]
    asf = as_ref[...]
    lane = lax.broadcasted_iota(jnp.int32, (RB, D), 1)
    deg = jnp.sum(jnp.where(lane == C1, asf, 0.0), axis=-1, keepdims=True)
    m1_ref[...] += lax.dot_general(s1p, x1, _DN, preferred_element_type=jnp.float32)
    m2_ref[...] += lax.dot_general(s1p, asf, _DN, preferred_element_type=jnp.float32)
    m3_ref[...] += lax.dot_general(s1p, s1p, _DN, preferred_element_type=jnp.float32)
    m4_ref[...] += lax.dot_general(s1p, s1p * deg, _DN, preferred_element_type=jnp.float32)

    @pl.when(i == GB - 1)
    def _():
        r = lax.broadcasted_iota(jnp.int32, (D, D), 0)
        c = lax.broadcasted_iota(jnp.int32, (D, D), 1)
        v100 = (r < C1) & (c < C1)
        eye100 = jnp.where((r == c) & (r < C1), 1.0, 0.0)
        eyeF = jnp.where(r == c, 1.0, 0.0)
        padj = jnp.where(v100, m2_ref[...], 0.0)
        num1 = jnp.sum(padj * eye100)
        den1 = jnp.sum(jnp.where(v100, m4_ref[...], 0.0) * eye100) + 1e-10
        mc1_ref[...] = jnp.reshape(-num1 / den1, (1, 1))
        sts1 = jnp.where(v100, m3_ref[...], 0.0)
        nf1 = jnp.sqrt(jnp.sum(sts1 * sts1))
        o1m = sts1 / (nf1 + 1e-10) - eye100 * 0.1
        o1_ref[...] = jnp.reshape(jnp.sqrt(jnp.sum(o1m * o1m)), (1, 1))
        adj = padj * (1.0 - eye100)
        dsum = jnp.sum(adj, axis=1, keepdims=True)
        dinv = 1.0 / (jnp.sqrt(dsum) + 1e-15)
        dinv_row = lax.dot_general(dinv, eyeF, _DN, preferred_element_type=jnp.float32)
        adjn = adj * dinv * dinv_row
        a_mask = jnp.where(adjn > jnp.float32(THR), 1.0, 0.0)
        px = jnp.where(r < C1, m1_ref[...], 0.0)
        agg2 = lax.dot_general(a_mask, px, _DN, preferred_element_type=jnp.float32)
        x2 = jnp.dot(agg2, w2n_ref[...], preferred_element_type=jnp.float32)
        x2 = x2 + jnp.dot(px, w2r_ref[...], preferred_element_type=jnp.float32)
        x2 = jnp.maximum(x2 + b2_ref[...], 0.0)
        x2 = jnp.where(r < C1, x2, 0.0)
        t2 = jnp.dot(x2, wp2_ref[...], preferred_element_type=jnp.float32) + bp2_ref[...]
        vK = c < C2
        mu2 = jnp.sum(jnp.where(vK, t2, 0.0), axis=-1, keepdims=True) * (1.0 / C2)
        ct2 = jnp.where(vK, t2 - mu2, 0.0)
        var2 = jnp.sum(ct2 * ct2, axis=-1, keepdims=True) * (1.0 / C2)
        ln2 = (t2 - mu2) / jnp.sqrt(var2 + EPS) * g2_ref[...] + be2_ref[...]
        mx2 = jnp.max(jnp.where(vK, ln2, -jnp.inf), axis=-1, keepdims=True)
        ex2 = jnp.where(vK, jnp.exp(ln2 - mx2), 0.0)
        se2 = jnp.sum(ex2, axis=-1, keepdims=True)
        logsm2_ref[...] = (ln2 - mx2 - jnp.log(se2))[:C1, :C2]
        s2 = jnp.where(r < C1, ex2 / se2, 0.0)
        as2 = jnp.dot(a_mask, s2, preferred_element_type=jnp.float32)
        deg2 = jnp.sum(a_mask, axis=-1, keepdims=True)
        padj2 = lax.dot_general(s2, as2, _DN, preferred_element_type=jnp.float32)
        eye10 = jnp.where((r == c) & (r < C2), 1.0, 0.0)
        num2 = jnp.sum(padj2 * eye10)
        den2 = jnp.sum(deg2 * jnp.sum(s2 * s2, axis=-1, keepdims=True)) + 1e-10
        mc2_ref[...] = jnp.reshape(-num2 / den2, (1, 1))
        sts2 = lax.dot_general(s2, s2, _DN, preferred_element_type=jnp.float32)
        nf2 = jnp.sqrt(jnp.sum(sts2 * sts2))
        o2m = sts2 / (nf2 + 1e-10) - eye10 * (1.0 / jnp.sqrt(jnp.float32(C2)))
        o2_ref[...] = jnp.reshape(jnp.sqrt(jnp.sum(o2m * o2m)), (1, 1))


def _k2(x1, s1p, asp, w2rT, w2nT, b2r, wp2p, bp2p, g2p, be2p):
    blk = pl.BlockSpec((RB, D), lambda i: (i, 0))
    wblk = pl.BlockSpec((D, D), lambda i: (0, 0))
    vblk = pl.BlockSpec((1, D), lambda i: (0, 0))
    sblk = pl.BlockSpec((1, 1), lambda i: (0, 0))
    return pl.pallas_call(
        _k2_body,
        grid=(GB,),
        in_specs=[blk, blk, blk, wblk, wblk, vblk, wblk, vblk, vblk, vblk],
        out_specs=[sblk, sblk, sblk, sblk, pl.BlockSpec((C1, C2), lambda i: (0, 0))],
        out_shape=[
            jax.ShapeDtypeStruct((1, 1), jnp.float32),
            jax.ShapeDtypeStruct((1, 1), jnp.float32),
            jax.ShapeDtypeStruct((1, 1), jnp.float32),
            jax.ShapeDtypeStruct((1, 1), jnp.float32),
            jax.ShapeDtypeStruct((C1, C2), jnp.float32),
        ],
        scratch_shapes=[pltpu.VMEM((D, D), jnp.float32)] * 4,
    )(x1, s1p, asp, w2rT, w2nT, b2r, wp2p, bp2p, g2p, be2p)


def kernel(x, edge_index, W1r, W1n, b1, Wp1, bp1, g1, be1,
           W2r, W2n, b2, Wp2, bp2, g2, be2):
    f32 = jnp.float32
    pad = EPAD - E
    pad0 = jnp.zeros((pad,), jnp.int32)
    padd = N + jnp.arange(pad, dtype=jnp.int32) % (NP - N)
    src_g = jnp.concatenate([edge_index[0], pad0]).reshape(TB, G, KCH)
    src_s = jnp.concatenate([edge_index[0], padd]).reshape(TB, G, KCH)
    dst_g = jnp.concatenate([edge_index[1], pad0]).reshape(TB, G, KCH)
    dst_s = jnp.concatenate([edge_index[1], padd]).reshape(TB, G, KCH)
    zeros = jnp.zeros((RT, D), f32)

    aggp = _sc_pass()(x, src_g, dst_s, zeros)

    wp1p = jnp.zeros((D, D), f32).at[:, :C1].set(Wp1.T)
    bp1p = jnp.zeros((1, D), f32).at[0, :C1].set(bp1)
    g1p = jnp.zeros((1, D), f32).at[0, :C1].set(g1)
    be1p = jnp.zeros((1, D), f32).at[0, :C1].set(be1)
    x1, s1p, logsm1 = _k1(x, aggp, W1r.T, W1n.T,
                          b1.reshape(1, D), wp1p, bp1p, g1p, be1p)

    asp = _sc_pass()(s1p, dst_g, src_s, zeros)

    wp2p = jnp.zeros((D, D), f32).at[:, :C2].set(Wp2.T)
    bp2p = jnp.zeros((1, D), f32).at[0, :C2].set(bp2)
    g2p = jnp.zeros((1, D), f32).at[0, :C2].set(g2)
    be2p = jnp.zeros((1, D), f32).at[0, :C2].set(be2)
    mc1, o1, mc2, o2, logsm2 = _k2(x1, s1p, asp, W2r.T, W2n.T,
                                   b2.reshape(1, D), wp2p, bp2p, g2p, be2p)

    return (mc1[0, 0], o1[0, 0], mc2[0, 0], o2[0, 0], logsm1, logsm2)

# --- scband reference (transcript-rebuilt; emitter-appended) ---
"""Pipeline reference for scband-sparse-net-grand-83399674954374 (READ-ONLY COPY).

The authoritative reference and input builder live on the scoring server;
editing this copy changes nothing except your own understanding.
"""

import jax, jax.numpy as jnp
import numpy as np

N = 10000
E = 320000
IN = 128
H = 128
C1 = 100
C2 = 10
THR = 1.0 / (C1 - 1)


def _layer_norm(x, g, b, eps=1e-5):
    mu = jnp.mean(x, axis=-1, keepdims=True)
    var = jnp.mean((x - mu) ** 2, axis=-1, keepdims=True)
    return (x - mu) / jnp.sqrt(var + eps) * g + b


def _mincut_stats(x, s, A_s, deg):
    # pooled features, pooled adjacency, mincut loss, ortho loss, normalized pooled adj
    pooled_x = s.T @ x
    pooled_adj = s.T @ A_s
    mincut_num = jnp.trace(pooled_adj)
    mincut_den = jnp.trace(s.T @ (deg[:, None] * s)) + 1e-10
    mincut_loss = -mincut_num / mincut_den
    sT_s = s.T @ s
    nf = jnp.linalg.norm(sT_s)
    C = s.shape[1]
    ident = jnp.eye(C, dtype=x.dtype) / jnp.sqrt(jnp.asarray(C, dtype=x.dtype))
    ortho_loss = jnp.linalg.norm(sT_s / (nf + 1e-10) - ident)
    adj = pooled_adj * (1.0 - jnp.eye(C, dtype=x.dtype))  # fill_diagonal_(0)
    d = jnp.sum(adj, axis=1)
    dsq = jnp.sqrt(d)[:, None]
    dinv = 1.0 / (dsq + 1e-15)
    adj_norm = adj * dinv * dinv.T
    return pooled_x, adj_norm, mincut_loss, ortho_loss


def _forward(x, edge_index, params):
    (W1r, W1n, b1, Wp1, bp1, g1, be1, W2r, W2n, b2, Wp2, bp2, g2, be2) = params
    src = edge_index[0]
    dst = edge_index[1]
    # drop_node with drop_rate=0.0 and training=True: bernoulli(1.0) masks == all ones -> identity
    x_drop = x
    # GraphConv (Morris et al.): out = lin_rel(sum_{j->i} x_j) + lin_root(x_i)
    agg1 = jax.ops.segment_sum(x_drop[src], dst, num_segments=N)
    x1 = jax.nn.relu(agg1 @ W1n.T + x_drop @ W1r.T + b1)
    s1_logits = _layer_norm(x1 @ Wp1.T + bp1, g1, be1)
    logsm1 = jax.nn.log_softmax(s1_logits, axis=-1)
    s1 = jax.nn.softmax(s1_logits, axis=-1)
    w = jnp.ones((src.shape[0],), dtype=x.dtype)
    # A_s[row] += edge_weight * s[col]  (row=src, col=dst in torch code)
    A_s1 = jax.ops.segment_sum(s1[dst] * w[:, None], src, num_segments=N)
    deg1 = jax.ops.segment_sum(w, src, num_segments=N)
    x_pool1, adj_pool1, mc1, o1 = _mincut_stats(x1, s1, A_s1, deg1)
    # adj_pool1 = where(adj > thr, 1, 0); nonzero -> edge list.
    # Equivalent dense formulation over the 100x100 cluster graph:
    A_mask = jnp.where(adj_pool1 > THR, 1.0, 0.0).astype(x.dtype)
    # conv2 aggregation: agg[c] = sum over edges (r,c) of x_pool1[r] = A_mask.T @ x_pool1
    agg2 = A_mask.T @ x_pool1
    x2 = jax.nn.relu(agg2 @ W2n.T + x_pool1 @ W2r.T + b2)
    s2_logits = _layer_norm(x2 @ Wp2.T + bp2, g2, be2)
    logsm2 = jax.nn.log_softmax(s2_logits, axis=-1)
    s2 = jax.nn.softmax(s2_logits, axis=-1)
    # A_s[r] = sum_{c: edge (r,c)} s[c] = A_mask @ s ; deg[r] = A_mask.sum(1)
    A_s2 = A_mask @ s2
    deg2 = jnp.sum(A_mask, axis=1)
    _, _, mc2, o2 = _mincut_stats(x2, s2, A_s2, deg2)
    # S=1 -> losses divided by 1; output lists have a single element each
    return (mc1, o1, mc2, o2, logsm1, logsm2)


def setup_inputs(seed: int = 0) -> dict:
    key = jax.random.key(seed)
    ks = jax.random.split(key, 20)
    sc = 0.05
    inp = {}
    inp["x"] = jax.random.normal(ks[0], (N, IN), dtype=jnp.float32)
    inp["edge_index"] = jax.random.randint(ks[1], (2, E), 0, N, dtype=jnp.int32)
    inp["W1r"] = jax.random.normal(ks[2], (H, IN), dtype=jnp.float32) * sc
    inp["W1n"] = jax.random.normal(ks[3], (H, IN), dtype=jnp.float32) * sc
    inp["b1"] = jnp.zeros((H,), dtype=jnp.float32)
    inp["Wp1"] = jax.random.normal(ks[4], (C1, H), dtype=jnp.float32) * sc
    inp["bp1"] = jnp.zeros((C1,), dtype=jnp.float32)
    inp["g1"] = jnp.ones((C1,), dtype=jnp.float32)
    inp["be1"] = jnp.zeros((C1,), dtype=jnp.float32)
    inp["W2r"] = jax.random.normal(ks[5], (H, H), dtype=jnp.float32) * sc
    inp["W2n"] = jax.random.normal(ks[6], (H, H), dtype=jnp.float32) * sc
    inp["b2"] = jnp.zeros((H,), dtype=jnp.float32)
    inp["Wp2"] = jax.random.normal(ks[7], (C2, H), dtype=jnp.float32) * sc
    inp["bp2"] = jnp.zeros((C2,), dtype=jnp.float32)
    inp["g2"] = jnp.ones((C2,), dtype=jnp.float32)
    inp["be2"] = jnp.zeros((C2,), dtype=jnp.float32)
    return inp


def reference(x, edge_index, W1r, W1n, b1, Wp1, bp1, g1, be1, W2r, W2n, b2, Wp2, bp2, g2, be2):
    params = (W1r, W1n, b1, Wp1, bp1, g1, be1, W2r, W2n, b2, Wp2, bp2, g2, be2)
    return _forward(x, edge_index, params)

if __name__ == "__main__":
    import jax
    _d = setup_inputs()
    print(jax.jit(kernel)(*tuple(_d.values())))

</pallas_src>

<mosaic_0001>
#map = affine_map<(d0, d1) -> (0, 0)>
#map1 = affine_map<(d0, d1) -> (0, 0, 0)>
module attributes {stable_mosaic.version = 14 : i64} {
  func.func @_sc_pass_body(%arg0: i32, %arg1: i32, %arg2: memref<10000x128xf32, #tpu.memory_space<hbm>>, %arg3: memref<320x8x128xi32, #tpu.memory_space<hbm>>, %arg4: memref<320x8x128xi32, #tpu.memory_space<hbm>>, %arg5: memref<640x128xf32, #tpu.memory_space<hbm>>, %arg6: memref<10240x128xf32, #tpu.memory_space<hbm>>, %arg7: memref<16x128xi32, #tpu.memory_space<vmem>>, %arg8: memref<16x128xi32, #tpu.memory_space<vmem>>, %arg9: memref<2x128x128xf32, #tpu.memory_space<vmem>>, %arg10: memref<10240x128xf32, #tpu.memory_space<vmem_shared>>, %arg11: memref<!tpu.dma_semaphore, #tpu.memory_space<semaphore_mem>>, %arg12: memref<!tpu.dma_semaphore, #tpu.memory_space<semaphore_mem>>, %arg13: memref<!tpu.dma_semaphore, #tpu.memory_space<semaphore_mem>>, %arg14: memref<!tpu.dma_semaphore, #tpu.memory_space<semaphore_mem>>, %arg15: memref<!tpu.dma_semaphore, #tpu.memory_space<semaphore_mem>>, %arg16: memref<!tpu.dma_semaphore, #tpu.memory_space<semaphore_mem>>) attributes {dimension_semantics = [#tpu.dimension_semantics<core_parallel>, #tpu.dimension_semantics<subcore_parallel>], iteration_bounds = array<i64: 2, 16>, scalar_prefetch = 0 : i64, scratch_operands = 10 : i64, tpu.core_type = #tpu.core_type<sc_vector_subcore>, window_params = [{transform_indices = #map}, {transform_indices = #map1}, {transform_indices = #map1}, {transform_indices = #map}, {transform_indices = #map}]} {
    %mul3A = arith.constant 20 : i32
    %mul3A_0 = arith.muli %arg1, %mul3A : i32
    %eq3A = arith.constant 0 : i32
    %eq3A_1 = arith.cmpi eq, %arg0, %eq3A : i32
    %convert_element_type3A = arith.extui %eq3A_1 : i1 to i32
    %cond3A = arith.constant 0 : i32
    %cond3A_2 = arith.cmpi ne, %convert_element_type3A, %cond3A : i32
    scf.if %cond3A_2 {
      %add3A = arith.constant 0 : i32
      %add3A_3 = arith.addi %mul3A_0, %add3A : i32
      %dma_start3A = arith.constant 0 : i32
      %dma_start3A_4 = arith.constant 0 : i32
      %dma_start3A_5 = tpu.memref_slice %arg7[%dma_start3A, %dma_start3A_4] : memref<16x128xi32, #tpu.memory_space<vmem>> -> memref<8x128xi32, #tpu.memory_space<vmem>>
      %dma_start3A_6 = arith.constant 0 : i32
      %dma_start3A_7 = arith.constant 0 : i32
      %dma_start3A_8 = tpu.memref_slice %arg3[%add3A_3, %dma_start3A_6, %dma_start3A_7] : memref<320x8x128xi32, #tpu.memory_space<hbm>> -> memref<1x8x128xi32, #tpu.memory_space<hbm>>
      %dma_start3A_9 = tpu.memref_squeeze %dma_start3A_8 : memref<1x8x128xi32, #tpu.memory_space<hbm>> -> memref<8x128xi32, #tpu.memory_space<hbm>>
      %dma_start3A_10 = arith.constant 0 : i32
      %dma_start3A_11 = arith.constant 0 : i32
      %dma_start3A_12 = tpu.memref_slice %arg7[%dma_start3A_10, %dma_start3A_11] : memref<16x128xi32, #tpu.memory_space<vmem>> -> memref<8x128xi32, #tpu.memory_space<vmem>>
      %dma_start3A_13 = arith.constant 0 : i32
      %dma_start3A_14 = arith.constant 0 : i32
      %dma_start3A_15 = tpu.memref_slice %arg3[%add3A_3, %dma_start3A_13, %dma_start3A_14] : memref<320x8x128xi32, #tpu.memory_space<hbm>> -> memref<1x8x128xi32, #tpu.memory_space<hbm>>
      %dma_start3A_16 = tpu.memref_squeeze %dma_start3A_15 : memref<1x8x128xi32, #tpu.memory_space<hbm>> -> memref<8x128xi32, #tpu.memory_space<hbm>>
      tpu.enqueue_dma source(%dma_start3A_16 : memref<8x128xi32, #tpu.memory_space<hbm>>) target(%dma_start3A_12 : memref<8x128xi32, #tpu.memory_space<vmem>>) target_semaphore(%arg11 : memref<!tpu.dma_semaphore, #tpu.memory_space<semaphore_mem>>)
      %add3A_17 = arith.constant 0 : i32
      %add3A_18 = arith.addi %mul3A_0, %add3A_17 : i32
      %dma_start3A_19 = arith.constant 0 : i32
      %dma_start3A_20 = arith.constant 0 : i32
      %dma_start3A_21 = tpu.memref_slice %arg8[%dma_start3A_19, %dma_start3A_20] : memref<16x128xi32, #tpu.memory_space<vmem>> -> memref<8x128xi32, #tpu.memory_space<vmem>>
      %dma_start3A_22 = arith.constant 0 : i32
      %dma_start3A_23 = arith.constant 0 : i32
      %dma_start3A_24 = tpu.memref_slice %arg4[%add3A_18, %dma_start3A_22, %dma_start3A_23] : memref<320x8x128xi32, #tpu.memory_space<hbm>> -> memref<1x8x128xi32, #tpu.memory_space<hbm>>
      %dma_start3A_25 = tpu.memref_squeeze %dma_start3A_24 : memref<1x8x128xi32, #tpu.memory_space<hbm>> -> memref<8x128xi32, #tpu.memory_space<hbm>>
      %dma_start3A_26 = arith.constant 0 : i32
      %dma_start3A_27 = arith.constant 0 : i32
      %dma_start3A_28 = tpu.memref_slice %arg8[%dma_start3A_26, %dma_start3A_27] : memref<16x128xi32, #tpu.memory_space<vmem>> -> memref<8x128xi32, #tpu.memory_space<vmem>>
      %dma_start3A_29 = arith.constant 0 : i32
      %dma_start3A_30 = arith.constant 0 : i32
      %dma_start3A_31 = tpu.memref_slice %arg4[%add3A_18, %dma_start3A_29, %dma_start3A_30] : memref<320x8x128xi32, #tpu.memory_space<hbm>> -> memref<1x8x128xi32, #tpu.memory_space<hbm>>
      %dma_start3A_32 = tpu.memref_squeeze %dma_start3A_31 : memref<1x8x128xi32, #tpu.memory_space<hbm>> -> memref<8x128xi32, #tpu.memory_space<hbm>>
      tpu.enqueue_dma source(%dma_start3A_32 : memref<8x128xi32, #tpu.memory_space<hbm>>) target(%dma_start3A_28 : memref<8x128xi32, #tpu.memory_space<vmem>>) target_semaphore(%arg13 : memref<!tpu.dma_semaphore, #tpu.memory_space<semaphore_mem>>)
      %add3A_33 = arith.constant 1 : i32
      %add3A_34 = arith.addi %mul3A_0, %add3A_33 : i32
      %dma_start3A_35 = arith.constant 8 : i32
      %dma_start3A_36 = arith.constant 0 : i32
      %dma_start3A_37 = tpu.memref_slice %arg7[%dma_start3A_35, %dma_start3A_36] : memref<16x128xi32, #tpu.memory_space<vmem>> -> memref<8x128xi32, #tpu.memory_space<vmem>>
      %dma_start3A_38 = arith.constant 0 : i32
      %dma_start3A_39 = arith.constant 0 : i32
      %dma_start3A_40 = tpu.memref_slice %arg3[%add3A_34, %dma_start3A_38, %dma_start3A_39] : memref<320x8x128xi32, #tpu.memory_space<hbm>> -> memref<1x8x128xi32, #tpu.memory_space<hbm>>
      %dma_start3A_41 = tpu.memref_squeeze %dma_start3A_40 : memref<1x8x128xi32, #tpu.memory_space<hbm>> -> memref<8x128xi32, #tpu.memory_space<hbm>>
      %dma_start3A_42 = arith.constant 8 : i32
      %dma_start3A_43 = arith.constant 0 : i32
      %dma_start3A_44 = tpu.memref_slice %arg7[%dma_start3A_42, %dma_start3A_43] : memref<16x128xi32, #tpu.memory_space<vmem>> -> memref<8x128xi32, #tpu.memory_space<vmem>>
      %dma_start3A_45 = arith.constant 0 : i32
      %dma_start3A_46 = arith.constant 0 : i32
      %dma_start3A_47 = tpu.memref_slice %arg3[%add3A_34, %dma_start3A_45, %dma_start3A_46] : memref<320x8x128xi32, #tpu.memory_space<hbm>> -> memref<1x8x128xi32, #tpu.memory_space<hbm>>
      %dma_start3A_48 = tpu.memref_squeeze %dma_start3A_47 : memref<1x8x128xi32, #tpu.memory_space<hbm>> -> memref<8x128xi32, #tpu.memory_space<hbm>>
      tpu.enqueue_dma source(%dma_start3A_48 : memref<8x128xi32, #tpu.memory_space<hbm>>) target(%dma_start3A_44 : memref<8x128xi32, #tpu.memory_space<vmem>>) target_semaphore(%arg12 : memref<!tpu.dma_semaphore, #tpu.memory_space<semaphore_mem>>)
      %add3A_49 = arith.constant 1 : i32
      %add3A_50 = arith.addi %mul3A_0, %add3A_49 : i32
      %dma_start3A_51 = arith.constant 8 : i32
      %dma_start3A_52 = arith.constant 0 : i32
      %dma_start3A_53 = tpu.memref_slice %arg8[%dma_start3A_51, %dma_start3A_52] : memref<16x128xi32, #tpu.memory_space<vmem>> -> memref<8x128xi32, #tpu.memory_space<vmem>>
      %dma_start3A_54 = arith.constant 0 : i32
      %dma_start3A_55 = arith.constant 0 : i32
      %dma_start3A_56 = tpu.memref_slice %arg4[%add3A_50, %dma_start3A_54, %dma_start3A_55] : memref<320x8x128xi32, #tpu.memory_space<hbm>> -> memref<1x8x128xi32, #tpu.memory_space<hbm>>
      %dma_start3A_57 = tpu.memref_squeeze %dma_start3A_56 : memref<1x8x128xi32, #tpu.memory_space<hbm>> -> memref<8x128xi32, #tpu.memory_space<hbm>>
      %dma_start3A_58 = arith.constant 8 : i32
      %dma_start3A_59 = arith.constant 0 : i32
      %dma_start3A_60 = tpu.memref_slice %arg8[%dma_start3A_58, %dma_start3A_59] : memref<16x128xi32, #tpu.memory_space<vmem>> -> memref<8x128xi32, #tpu.memory_space<vmem>>
      %dma_start3A_61 = arith.constant 0 : i32
      %dma_start3A_62 = arith.constant 0 : i32
      %dma_start3A_63 = tpu.memref_slice %arg4[%add3A_50, %dma_start3A_61, %dma_start3A_62] : memref<320x8x128xi32, #tpu.memory_space<hbm>> -> memref<1x8x128xi32, #tpu.memory_space<hbm>>
      %dma_start3A_64 = tpu.memref_squeeze %dma_start3A_63 : memref<1x8x128xi32, #tpu.memory_space<hbm>> -> memref<8x128xi32, #tpu.memory_space<hbm>>
      tpu.enqueue_dma source(%dma_start3A_64 : memref<8x128xi32, #tpu.memory_space<hbm>>) target(%dma_start3A_60 : memref<8x128xi32, #tpu.memory_space<vmem>>) target_semaphore(%arg14 : memref<!tpu.dma_semaphore, #tpu.memory_space<semaphore_mem>>)
      %mul3A_65 = arith.constant 640 : i32
      %mul3A_66 = arith.muli %arg1, %mul3A_65 : i32
      "tpu.region"() ({
        %run_scoped3A = tpu.sem_alloc : memref<!tpu.dma_semaphore, #tpu.memory_space<semaphore_mem>>
        %dma_start3A_132 = arith.constant 0 : i32
        %dma_start3A_133 = tpu.memref_slice %arg10[%mul3A_66, %dma_start3A_132] : memref<10240x128xf32, #tpu.memory_space<vmem_shared>> -> memref<640x128xf32, #tpu.memory_space<vmem_shared>>
        tpu.enqueue_dma source(%arg5 : memref<640x128xf32, #tpu.memory_space<hbm>>) target(%dma_start3A_133 : memref<640x128xf32, #tpu.memory_space<vmem_shared>>) target_semaphore(%run_scoped3A : memref<!tpu.dma_semaphore, #tpu.memory_space<semaphore_mem>>)
        %dma_wait3A_134 = arith.constant 0 : i32
        %dma_wait3A_135 = tpu.memref_slice %arg10[%mul3A_66, %dma_wait3A_134] : memref<10240x128xf32, #tpu.memory_space<vmem_shared>> -> memref<640x128xf32, #tpu.memory_space<vmem_shared>>
        tpu.wait_dma2 semaphore(%run_scoped3A : memref<!tpu.dma_semaphore, #tpu.memory_space<semaphore_mem>>) src(%arg5 : memref<640x128xf32, #tpu.memory_space<hbm>>) dst(%dma_wait3A_135 : memref<640x128xf32, #tpu.memory_space<vmem_shared>>)
        tpu.yield
      }) : () -> ()
      %barrier3A = arith.constant 0 : index
      tpu.barrier barrier_id(%barrier3A)
      %add3A_67 = arith.constant 0 : i32
      %add3A_68 = arith.addi %mul3A_0, %add3A_67 : i32
      %dma_wait3A = arith.constant 0 : i32
      %dma_wait3A_69 = arith.constant 0 : i32
      %dma_wait3A_70 = tpu.memref_slice %arg7[%dma_wait3A, %dma_wait3A_69] : memref<16x128xi32, #tpu.memory_space<vmem>> -> memref<8x128xi32, #tpu.memory_space<vmem>>
      %dma_wait3A_71 = arith.constant 0 : i32
      %dma_wait3A_72 = arith.constant 0 : i32
      %dma_wait3A_73 = tpu.memref_slice %arg3[%add3A_68, %dma_wait3A_71, %dma_wait3A_72] : memref<320x8x128xi32, #tpu.memory_space<hbm>> -> memref<1x8x128xi32, #tpu.memory_space<hbm>>
      %dma_wait3A_74 = tpu.memref_squeeze %dma_wait3A_73 : memref<1x8x128xi32, #tpu.memory_space<hbm>> -> memref<8x128xi32, #tpu.memory_space<hbm>>
      %dma_wait3A_75 = arith.constant 0 : i32
      %dma_wait3A_76 = arith.constant 0 : i32
      %dma_wait3A_77 = tpu.memref_slice %arg7[%dma_wait3A_75, %dma_wait3A_76] : memref<16x128xi32, #tpu.memory_space<vmem>> -> memref<8x128xi32, #tpu.memory_space<vmem>>
      %dma_wait3A_78 = arith.constant 0 : i32
      %dma_wait3A_79 = arith.constant 0 : i32
      %dma_wait3A_80 = tpu.memref_slice %arg3[%add3A_68, %dma_wait3A_78, %dma_wait3A_79] : memref<320x8x128xi32, #tpu.memory_space<hbm>> -> memref<1x8x128xi32, #tpu.memory_space<hbm>>
      %dma_wait3A_81 = tpu.memref_squeeze %dma_wait3A_80 : memref<1x8x128xi32, #tpu.memory_space<hbm>> -> memref<8x128xi32, #tpu.memory_space<hbm>>
      tpu.wait_dma2 semaphore(%arg11 : memref<!tpu.dma_semaphore, #tpu.memory_space<semaphore_mem>>) src(%dma_wait3A_81 : memref<8x128xi32, #tpu.memory_space<hbm>>) dst(%dma_wait3A_77 : memref<8x128xi32, #tpu.memory_space<vmem>>)
      %add3A_82 = arith.constant 0 : i32
      %add3A_83 = arith.addi %mul3A_0, %add3A_82 : i32
      %dma_wait3A_84 = arith.constant 0 : i32
      %dma_wait3A_85 = arith.constant 0 : i32
      %dma_wait3A_86 = tpu.memref_slice %arg8[%dma_wait3A_84, %dma_wait3A_85] : memref<16x128xi32, #tpu.memory_space<vmem>> -> memref<8x128xi32, #tpu.memory_space<vmem>>
      %dma_wait3A_87 = arith.constant 0 : i32
      %dma_wait3A_88 = arith.constant 0 : i32
      %dma_wait3A_89 = tpu.memref_slice %arg4[%add3A_83, %dma_wait3A_87, %dma_wait3A_88] : memref<320x8x128xi32, #tpu.memory_space<hbm>> -> memref<1x8x128xi32, #tpu.memory_space<hbm>>
      %dma_wait3A_90 = tpu.memref_squeeze %dma_wait3A_89 : memref<1x8x128xi32, #tpu.memory_space<hbm>> -> memref<8x128xi32, #tpu.memory_space<hbm>>
      %dma_wait3A_91 = arith.constant 0 : i32
      %dma_wait3A_92 = arith.constant 0 : i32
      %dma_wait3A_93 = tpu.memref_slice %arg8[%dma_wait3A_91, %dma_wait3A_92] : memref<16x128xi32, #tpu.memory_space<vmem>> -> memref<8x128xi32, #tpu.memory_space<vmem>>
      %dma_wait3A_94 = arith.constant 0 : i32
      %dma_wait3A_95 = arith.constant 0 : i32
      %dma_wait3A_96 = tpu.memref_slice %arg4[%add3A_83, %dma_wait3A_94, %dma_wait3A_95] : memref<320x8x128xi32, #tpu.memory_space<hbm>> -> memref<1x8x128xi32, #tpu.memory_space<hbm>>
      %dma_wait3A_97 = tpu.memref_squeeze %dma_wait3A_96 : memref<1x8x128xi32, #tpu.memory_space<hbm>> -> memref<8x128xi32, #tpu.memory_space<hbm>>
      tpu.wait_dma2 semaphore(%arg13 : memref<!tpu.dma_semaphore, #tpu.memory_space<semaphore_mem>>) src(%dma_wait3A_97 : memref<8x128xi32, #tpu.memory_space<hbm>>) dst(%dma_wait3A_93 : memref<8x128xi32, #tpu.memory_space<vmem>>)
      %dma_start3A_98 = arith.constant 0 : i32
      %dma_start3A_99 = arith.constant 0 : i32
      %dma_start3A_100 = arith.constant 0 : i32
      %dma_start3A_101 = arith.constant 0 : i32
      %dma_start3A_102 = tpu.memref_slice %arg9[%dma_start3A_99, %dma_start3A_100, %dma_start3A_101] : memref<2x128x128xf32, #tpu.memory_space<vmem>> -> memref<1x128x128xf32, #tpu.memory_space<vmem>>
      %dma_start3A_103 = tpu.memref_squeeze %dma_start3A_102 : memref<1x128x128xf32, #tpu.memory_space<vmem>> -> memref<128x128xf32, #tpu.memory_space<vmem>>
      %dma_start3A_104 = arith.constant 0 : i32
      %dma_start3A_105 = tpu.memref_slice %arg7[%dma_start3A_98, %dma_start3A_104] : memref<16x128xi32, #tpu.memory_space<vmem>> -> memref<1x128xi32, #tpu.memory_space<vmem>>
      %dma_start3A_106 = tpu.memref_squeeze %dma_start3A_105 : memref<1x128xi32, #tpu.memory_space<vmem>> -> memref<128xi32, #tpu.memory_space<vmem>>
      %dma_start3A_107 = arith.constant 0 : i32
      %dma_start3A_108 = arith.constant 0 : i32
      %dma_start3A_109 = tpu.memref_slice %arg2[%dma_start3A_107, %dma_start3A_108] : memref<10000x128xf32, #tpu.memory_space<hbm>> -> memref<10000x128xf32, #tpu.memory_space<hbm>>
      tpu.enqueue_indirect_dma source(%dma_start3A_109 : memref<10000x128xf32, #tpu.memory_space<hbm>>) target(%dma_start3A_103 : memref<128x128xf32, #tpu.memory_space<vmem>>) offsets(%dma_start3A_106 : memref<128xi32, #tpu.memory_space<vmem>>) semaphore(%arg15 : memref<!tpu.dma_semaphore, #tpu.memory_space<semaphore_mem>>)
      %dma_start3A_110 = arith.constant 1 : i32
      %dma_start3A_111 = arith.constant 1 : i32
      %dma_start3A_112 = arith.constant 0 : i32
      %dma_start3A_113 = arith.constant 0 : i32
      %dma_start3A_114 = tpu.memref_slice %arg9[%dma_start3A_111, %dma_start3A_112, %dma_start3A_113] : memref<2x128x128xf32, #tpu.memory_space<vmem>> -> memref<1x128x128xf32, #tpu.memory_space<vmem>>
      %dma_start3A_115 = tpu.memref_squeeze %dma_start3A_114 : memref<1x128x128xf32, #tpu.memory_space<vmem>> -> memref<128x128xf32, #tpu.memory_space<vmem>>
      %dma_start3A_116 = arith.constant 0 : i32
      %dma_start3A_117 = tpu.memref_slice %arg7[%dma_start3A_110, %dma_start3A_116] : memref<16x128xi32, #tpu.memory_space<vmem>> -> memref<1x128xi32, #tpu.memory_space<vmem>>
      %dma_start3A_118 = tpu.memref_squeeze %dma_start3A_117 : memref<1x128xi32, #tpu.memory_space<vmem>> -> memref<128xi32, #tpu.memory_space<vmem>>
      %dma_start3A_119 = arith.constant 0 : i32
      %dma_start3A_120 = arith.constant 0 : i32
      %dma_start3A_121 = tpu.memref_slice %arg2[%dma_start3A_119, %dma_start3A_120] : memref<10000x128xf32, #tpu.memory_space<hbm>> -> memref<10000x128xf32, #tpu.memory_space<hbm>>
      tpu.enqueue_indirect_dma source(%dma_start3A_121 : memref<10000x128xf32, #tpu.memory_space<hbm>>) target(%dma_start3A_115 : memref<128x128xf32, #tpu.memory_space<vmem>>) offsets(%dma_start3A_118 : memref<128xi32, #tpu.memory_space<vmem>>) semaphore(%arg16 : memref<!tpu.dma_semaphore, #tpu.memory_space<semaphore_mem>>)
      %scan3A = arith.constant 0 : i32
      %scan3A_122 = arith.constant 0 : i32
      %scan3A_123 = arith.constant 10 : i32
      %scan3A_124 = arith.addi %scan3A_122, %scan3A_123 : i32
      %scan3A_125 = arith.constant 1 : i32
      scf.for %scan3A_132 = %scan3A_122 to %scan3A_124 step %scan3A_125  : i32 {
        %mul3A_133 = arith.constant 2 : i32
        %mul3A_134 = arith.muli %mul3A_133, %scan3A_132 : i32
        %add3A_135 = arith.constant 0 : i32
        %add3A_136 = arith.addi %mul3A_134, %add3A_135 : i32
        %dma_wait3A_137 = arith.constant 0 : i32
        %dma_wait3A_138 = arith.constant 0 : i32
        %dma_wait3A_139 = arith.constant 0 : i32
        %dma_wait3A_140 = arith.constant 0 : i32
        %dma_wait3A_141 = tpu.memref_slice %arg9[%dma_wait3A_138, %dma_wait3A_139, %dma_wait3A_140] : memref<2x128x128xf32, #tpu.memory_space<vmem>> -> memref<1x128x128xf32, #tpu.memory_space<vmem>>
        %dma_wait3A_142 = tpu.memref_squeeze %dma_wait3A_141 : memref<1x128x128xf32, #tpu.memory_space<vmem>> -> memref<128x128xf32, #tpu.memory_space<vmem>>
        %dma_wait3A_143 = arith.constant 0 : i32
        %dma_wait3A_144 = tpu.memref_slice %arg7[%dma_wait3A_137, %dma_wait3A_143] : memref<16x128xi32, #tpu.memory_space<vmem>> -> memref<1x128xi32, #tpu.memory_space<vmem>>
        %dma_wait3A_145 = tpu.memref_squeeze %dma_wait3A_144 : memref<1x128xi32, #tpu.memory_space<vmem>> -> memref<128xi32, #tpu.memory_space<vmem>>
        %dma_wait3A_146 = arith.constant 0 : i32
        %dma_wait3A_147 = arith.constant 0 : i32
        %dma_wait3A_148 = tpu.memref_slice %arg2[%dma_wait3A_146, %dma_wait3A_147] : memref<10000x128xf32, #tpu.memory_space<hbm>> -> memref<10000x128xf32, #tpu.memory_space<hbm>>
        tpu.wait_indirect_dma semaphore(%arg15 : memref<!tpu.dma_semaphore, #tpu.memory_space<semaphore_mem>>) src(%dma_wait3A_148 : memref<10000x128xf32, #tpu.memory_space<hbm>>) dst(%dma_wait3A_142 : memref<128x128xf32, #tpu.memory_space<vmem>>)
        %run_scoped3A = arith.constant 0 : i32
        %run_scoped3A_149 = arith.constant 0 : i32
        "tpu.region"() ({
          %run_scoped3A_563 = tpu.sem_alloc : memref<!tpu.dma_semaphore, #tpu.memory_space<semaphore_mem>>
          %dma_start3A_564 = arith.constant 0 : i32
          %dma_start3A_565 = arith.constant 0 : i32
          %dma_start3A_566 = tpu.memref_slice %arg9[%run_scoped3A, %dma_start3A_564, %dma_start3A_565] : memref<2x128x128xf32, #tpu.memory_space<vmem>> -> memref<1x128x128xf32, #tpu.memory_space<vmem>>
          %dma_start3A_567 = tpu.memref_squeeze %dma_start3A_566 : memref<1x128x128xf32, #tpu.memory_space<vmem>> -> memref<128x128xf32, #tpu.memory_space<vmem>>
          %dma_start3A_568 = arith.constant 0 : i32
          %dma_start3A_569 = tpu.memref_slice %arg8[%run_scoped3A_149, %dma_start3A_568] : memref<16x128xi32, #tpu.memory_space<vmem>> -> memref<1x128xi32, #tpu.memory_space<vmem>>
          %dma_start3A_570 = tpu.memref_squeeze %dma_start3A_569 : memref<1x128xi32, #tpu.memory_space<vmem>> -> memref<128xi32, #tpu.memory_space<vmem>>
          %dma_start3A_571 = arith.constant 0 : i32
          %dma_start3A_572 = arith.constant 0 : i32
          %dma_start3A_573 = tpu.memref_slice %arg10[%dma_start3A_571, %dma_start3A_572] : memref<10240x128xf32, #tpu.memory_space<vmem_shared>> -> memref<10240x128xf32, #tpu.memory_space<vmem_shared>>
          tpu.enqueue_indirect_dma source(%dma_start3A_567 : memref<128x128xf32, #tpu.memory_space<vmem>>) target(%dma_start3A_573 : memref<10240x128xf32, #tpu.memory_space<vmem_shared>>) offsets(%dma_start3A_570 : memref<128xi32, #tpu.memory_space<vmem>>) semaphore(%run_scoped3A_563 : memref<!tpu.dma_semaphore, #tpu.memory_space<semaphore_mem>>) {add = true}
          %dma_wait3A_574 = arith.constant 0 : i32
          %dma_wait3A_575 = arith.constant 0 : i32
          %dma_wait3A_576 = tpu.memref_slice %arg9[%run_scoped3A, %dma_wait3A_574, %dma_wait3A_575] : memref<2x128x128xf32, #tpu.memory_space<vmem>> -> memref<1x128x128xf32, #tpu.memory_space<vmem>>
          %dma_wait3A_577 = tpu.memref_squeeze %dma_wait3A_576 : memref<1x128x128xf32, #tpu.memory_space<vmem>> -> memref<128x128xf32, #tpu.memory_space<vmem>>
          %dma_wait3A_578 = arith.constant 0 : i32
          %dma_wait3A_579 = tpu.memref_slice %arg8[%run_scoped3A_149, %dma_wait3A_578] : memref<16x128xi32, #tpu.memory_space<vmem>> -> memref<1x128xi32, #tpu.memory_space<vmem>>
          %dma_wait3A_580 = tpu.memref_squeeze %dma_wait3A_579 : memref<1x128xi32, #tpu.memory_space<vmem>> -> memref<128xi32, #tpu.memory_space<vmem>>
          %dma_wait3A_581 = arith.constant 0 : i32
          %dma_wait3A_582 = arith.constant 0 : i32
          %dma_wait3A_583 = tpu.memref_slice %arg10[%dma_wait3A_581, %dma_wait3A_582] : memref<10240x128xf32, #tpu.memory_space<vmem_shared>> -> memref<10240x128xf32, #tpu.memory_space<vmem_shared>>
          tpu.wait_indirect_dma semaphore(%run_scoped3A_563 : memref<!tpu.dma_semaphore, #tpu.memory_space<semaphore_mem>>) src(%dma_wait3A_577 : memref<128x128xf32, #tpu.memory_space<vmem>>) dst(%dma_wait3A_583 : memref<10240x128xf32, #tpu.memory_space<vmem_shared>>)
          tpu.yield
        }) : () -> ()
        %dma_start3A_150 = arith.constant 2 : i32
        %dma_start3A_151 = arith.constant 0 : i32
        %dma_start3A_152 = arith.constant 0 : i32
        %dma_start3A_153 = arith.constant 0 : i32
        %dma_start3A_154 = tpu.memref_slice %arg9[%dma_start3A_151, %dma_start3A_152, %dma_start3A_153] : memref<2x128x128xf32, #tpu.memory_space<vmem>> -> memref<1x128x128xf32, #tpu.memory_space<vmem>>
        %dma_start3A_155 = tpu.memref_squeeze %dma_start3A_154 : memref<1x128x128xf32, #tpu.memory_space<vmem>> -> memref<128x128xf32, #tpu.memory_space<vmem>>
        %dma_start3A_156 = arith.constant 0 : i32
        %dma_start3A_157 = tpu.memref_slice %arg7[%dma_start3A_150, %dma_start3A_156] : memref<16x128xi32, #tpu.memory_space<vmem>> -> memref<1x128xi32, #tpu.memory_space<vmem>>
        %dma_start3A_158 = tpu.memref_squeeze %dma_start3A_157 : memref<1x128xi32, #tpu.memory_space<vmem>> -> memref<128xi32, #tpu.memory_space<vmem>>
        %dma_start3A_159 = arith.constant 0 : i32
        %dma_start3A_160 = arith.constant 0 : i32
        %dma_start3A_161 = tpu.memref_slice %arg2[%dma_start3A_159, %dma_start3A_160] : memref<10000x128xf32, #tpu.memory_space<hbm>> -> memref<10000x128xf32, #tpu.memory_space<hbm>>
        tpu.enqueue_indirect_dma source(%dma_start3A_161 : memref<10000x128xf32, #tpu.memory_space<hbm>>) target(%dma_start3A_155 : memref<128x128xf32, #tpu.memory_space<vmem>>) offsets(%dma_start3A_158 : memref<128xi32, #tpu.memory_space<vmem>>) semaphore(%arg15 : memref<!tpu.dma_semaphore, #tpu.memory_space<semaphore_mem>>)
        %dma_wait3A_162 = arith.constant 1 : i32
        %dma_wait3A_163 = arith.constant 1 : i32
        %dma_wait3A_164 = arith.constant 0 : i32
        %dma_wait3A_165 = arith.constant 0 : i32
        %dma_wait3A_166 = tpu.memref_slice %arg9[%dma_wait3A_163, %dma_wait3A_164, %dma_wait3A_165] : memref<2x128x128xf32, #tpu.memory_space<vmem>> -> memref<1x128x128xf32, #tpu.memory_space<vmem>>
        %dma_wait3A_167 = tpu.memref_squeeze %dma_wait3A_166 : memref<1x128x128xf32, #tpu.memory_space<vmem>> -> memref<128x128xf32, #tpu.memory_space<vmem>>
        %dma_wait3A_168 = arith.constant 0 : i32
        %dma_wait3A_169 = tpu.memref_slice %arg7[%dma_wait3A_162, %dma_wait3A_168] : memref<16x128xi32, #tpu.memory_space<vmem>> -> memref<1x128xi32, #tpu.memory_space<vmem>>
        %dma_wait3A_170 = tpu.memref_squeeze %dma_wait3A_169 : memref<1x128xi32, #tpu.memory_space<vmem>> -> memref<128xi32, #tpu.memory_space<vmem>>
        %dma_wait3A_171 = arith.constant 0 : i32
        %dma_wait3A_172 = arith.constant 0 : i32
        %dma_wait3A_173 = tpu.memref_slice %arg2[%dma_wait3A_171, %dma_wait3A_172] : memref<10000x128xf32, #tpu.memory_space<hbm>> -> memref<10000x128xf32, #tpu.memory_space<hbm>>
        tpu.wait_indirect_dma semaphore(%arg16 : memref<!tpu.dma_semaphore, #tpu.memory_space<semaphore_mem>>) src(%dma_wait3A_173 : memref<10000x128xf32, #tpu.memory_space<hbm>>) dst(%dma_wait3A_167 : memref<128x128xf32, #tpu.memory_space<vmem>>)
        %run_scoped3A_174 = arith.constant 1 : i32
        %run_scoped3A_175 = arith.constant 1 : i32
        "tpu.region"() ({
          %run_scoped3A_563 = tpu.sem_alloc : memref<!tpu.dma_semaphore, #tpu.memory_space<semaphore_mem>>
          %dma_start3A_564 = arith.constant 0 : i32
          %dma_start3A_565 = arith.constant 0 : i32
          %dma_start3A_566 = tpu.memref_slice %arg9[%run_scoped3A_174, %dma_start3A_564, %dma_start3A_565] : memref<2x128x128xf32, #tpu.memory_space<vmem>> -> memref<1x128x128xf32, #tpu.memory_space<vmem>>
          %dma_start3A_567 = tpu.memref_squeeze %dma_start3A_566 : memref<1x128x128xf32, #tpu.memory_space<vmem>> -> memref<128x128xf32, #tpu.memory_space<vmem>>
          %dma_start3A_568 = arith.constant 0 : i32
          %dma_start3A_569 = tpu.memref_slice %arg8[%run_scoped3A_175, %dma_start3A_568] : memref<16x128xi32, #tpu.memory_space<vmem>> -> memref<1x128xi32, #tpu.memory_space<vmem>>
          %dma_start3A_570 = tpu.memref_squeeze %dma_start3A_569 : memref<1x128xi32, #tpu.memory_space<vmem>> -> memref<128xi32, #tpu.memory_space<vmem>>
          %dma_start3A_571 = arith.constant 0 : i32
          %dma_start3A_572 = arith.constant 0 : i32
          %dma_start3A_573 = tpu.memref_slice %arg10[%dma_start3A_571, %dma_start3A_572] : memref<10240x128xf32, #tpu.memory_space<vmem_shared>> -> memref<10240x128xf32, #tpu.memory_space<vmem_shared>>
          tpu.enqueue_indirect_dma source(%dma_start3A_567 : memref<128x128xf32, #tpu.memory_space<vmem>>) target(%dma_start3A_573 : memref<10240x128xf32, #tpu.memory_space<vmem_shared>>) offsets(%dma_start3A_570 : memref<128xi32, #tpu.memory_space<vmem>>) semaphore(%run_scoped3A_563 : memref<!tpu.dma_semaphore, #tpu.memory_space<semaphore_mem>>) {add = true}
          %dma_wait3A_574 = arith.constant 0 : i32
          %dma_wait3A_575 = arith.constant 0 : i32
          %dma_wait3A_576 = tpu.memref_slice %arg9[%run_scoped3A_174, %dma_wait3A_574, %dma_wait3A_575] : memref<2x128x128xf32, #tpu.memory_space<vmem>> -> memref<1x128x128xf32, #tpu.memory_space<vmem>>
          %dma_wait3A_577 = tpu.memref_squeeze %dma_wait3A_576 : memref<1x128x128xf32, #tpu.memory_space<vmem>> -> memref<128x128xf32, #tpu.memory_space<vmem>>
          %dma_wait3A_578 = arith.constant 0 : i32
          %dma_wait3A_579 = tpu.memref_slice %arg8[%run_scoped3A_175, %dma_wait3A_578] : memref<16x128xi32, #tpu.memory_space<vmem>> -> memref<1x128xi32, #tpu.memory_space<vmem>>
          %dma_wait3A_580 = tpu.memref_squeeze %dma_wait3A_579 : memref<1x128xi32, #tpu.memory_space<vmem>> -> memref<128xi32, #tpu.memory_space<vmem>>
          %dma_wait3A_581 = arith.constant 0 : i32
          %dma_wait3A_582 = arith.constant 0 : i32
          %dma_wait3A_583 = tpu.memref_slice %arg10[%dma_wait3A_581, %dma_wait3A_582] : memref<10240x128xf32, #tpu.memory_space<vmem_shared>> -> memref<10240x128xf32, #tpu.memory_space<vmem_shared>>
          tpu.wait_indirect_dma semaphore(%run_scoped3A_563 : memref<!tpu.dma_semaphore, #tpu.memory_space<semaphore_mem>>) src(%dma_wait3A_577 : memref<128x128xf32, #tpu.memory_space<vmem>>) dst(%dma_wait3A_583 : memref<10240x128xf32, #tpu.memory_space<vmem_shared>>)
          tpu.yield
        }) : () -> ()
        %dma_start3A_176 = arith.constant 3 : i32
        %dma_start3A_177 = arith.constant 1 : i32
        %dma_start3A_178 = arith.constant 0 : i32
        %dma_start3A_179 = arith.constant 0 : i32
        %dma_start3A_180 = tpu.memref_slice %arg9[%dma_start3A_177, %dma_start3A_178, %dma_start3A_179] : memref<2x128x128xf32, #tpu.memory_space<vmem>> -> memref<1x128x128xf32, #tpu.memory_space<vmem>>
        %dma_start3A_181 = tpu.memref_squeeze %dma_start3A_180 : memref<1x128x128xf32, #tpu.memory_space<vmem>> -> memref<128x128xf32, #tpu.memory_space<vmem>>
        %dma_start3A_182 = arith.constant 0 : i32
        %dma_start3A_183 = tpu.memref_slice %arg7[%dma_start3A_176, %dma_start3A_182] : memref<16x128xi32, #tpu.memory_space<vmem>> -> memref<1x128xi32, #tpu.memory_space<vmem>>
        %dma_start3A_184 = tpu.memref_squeeze %dma_start3A_183 : memref<1x128xi32, #tpu.memory_space<vmem>> -> memref<128xi32, #tpu.memory_space<vmem>>
        %dma_start3A_185 = arith.constant 0 : i32
        %dma_start3A_186 = arith.constant 0 : i32
        %dma_start3A_187 = tpu.memref_slice %arg2[%dma_start3A_185, %dma_start3A_186] : memref<10000x128xf32, #tpu.memory_space<hbm>> -> memref<10000x128xf32, #tpu.memory_space<hbm>>
        tpu.enqueue_indirect_dma source(%dma_start3A_187 : memref<10000x128xf32, #tpu.memory_space<hbm>>) target(%dma_start3A_181 : memref<128x128xf32, #tpu.memory_space<vmem>>) offsets(%dma_start3A_184 : memref<128xi32, #tpu.memory_space<vmem>>) semaphore(%arg16 : memref<!tpu.dma_semaphore, #tpu.memory_space<semaphore_mem>>)
        %dma_wait3A_188 = arith.constant 2 : i32
        %dma_wait3A_189 = arith.constant 0 : i32
        %dma_wait3A_190 = arith.constant 0 : i32
        %dma_wait3A_191 = arith.constant 0 : i32
        %dma_wait3A_192 = tpu.memref_slice %arg9[%dma_wait3A_189, %dma_wait3A_190, %dma_wait3A_191] : memref<2x128x128xf32, #tpu.memory_space<vmem>> -> memref<1x128x128xf32, #tpu.memory_space<vmem>>
        %dma_wait3A_193 = tpu.memref_squeeze %dma_wait3A_192 : memref<1x128x128xf32, #tpu.memory_space<vmem>> -> memref<128x128xf32, #tpu.memory_space<vmem>>
        %dma_wait3A_194 = arith.constant 0 : i32
        %dma_wait3A_195 = tpu.memref_slice %arg7[%dma_wait3A_188, %dma_wait3A_194] : memref<16x128xi32, #tpu.memory_space<vmem>> -> memref<1x128xi32, #tpu.memory_space<vmem>>
        %dma_wait3A_196 = tpu.memref_squeeze %dma_wait3A_195 : memref<1x128xi32, #tpu.memory_space<vmem>> -> memref<128xi32, #tpu.memory_space<vmem>>
        %dma_wait3A_197 = arith.constant 0 : i32
        %dma_wait3A_198 = arith.constant 0 : i32
        %dma_wait3A_199 = tpu.memref_slice %arg2[%dma_wait3A_197, %dma_wait3A_198] : memref<10000x128xf32, #tpu.memory_space<hbm>> -> memref<10000x128xf32, #tpu.memory_space<hbm>>
        tpu.wait_indirect_dma semaphore(%arg15 : memref<!tpu.dma_semaphore, #tpu.memory_space<semaphore_mem>>) src(%dma_wait3A_199 : memref<10000x128xf32, #tpu.memory_space<hbm>>) dst(%dma_wait3A_193 : memref<128x128xf32, #tpu.memory_space<vmem>>)
        %run_scoped3A_200 = arith.constant 0 : i32
        %run_scoped3A_201 = arith.constant 2 : i32
        "tpu.region"() ({
          %run_scoped3A_563 = tpu.sem_alloc : memref<!tpu.dma_semaphore, #tpu.memory_space<semaphore_mem>>
          %dma_start3A_564 = arith.constant 0 : i32
          %dma_start3A_565 = arith.constant 0 : i32
          %dma_start3A_566 = tpu.memref_slice %arg9[%run_scoped3A_200, %dma_start3A_564, %dma_start3A_565] : memref<2x128x128xf32, #tpu.memory_space<vmem>> -> memref<1x128x128xf32, #tpu.memory_space<vmem>>
          %dma_start3A_567 = tpu.memref_squeeze %dma_start3A_566 : memref<1x128x128xf32, #tpu.memory_space<vmem>> -> memref<128x128xf32, #tpu.memory_space<vmem>>
          %dma_start3A_568 = arith.constant 0 : i32
          %dma_start3A_569 = tpu.memref_slice %arg8[%run_scoped3A_201, %dma_start3A_568] : memref<16x128xi32, #tpu.memory_space<vmem>> -> memref<1x128xi32, #tpu.memory_space<vmem>>
          %dma_start3A_570 = tpu.memref_squeeze %dma_start3A_569 : memref<1x128xi32, #tpu.memory_space<vmem>> -> memref<128xi32, #tpu.memory_space<vmem>>
          %dma_start3A_571 = arith.constant 0 : i32
          %dma_start3A_572 = arith.constant 0 : i32
          %dma_start3A_573 = tpu.memref_slice %arg10[%dma_start3A_571, %dma_start3A_572] : memref<10240x128xf32, #tpu.memory_space<vmem_shared>> -> memref<10240x128xf32, #tpu.memory_space<vmem_shared>>
          tpu.enqueue_indirect_dma source(%dma_start3A_567 : memref<128x128xf32, #tpu.memory_space<vmem>>) target(%dma_start3A_573 : memref<10240x128xf32, #tpu.memory_space<vmem_shared>>) offsets(%dma_start3A_570 : memref<128xi32, #tpu.memory_space<vmem>>) semaphore(%run_scoped3A_563 : memref<!tpu.dma_semaphore, #tpu.memory_space<semaphore_mem>>) {add = true}
          %dma_wait3A_574 = arith.constant 0 : i32
          %dma_wait3A_575 = arith.constant 0 : i32
          %dma_wait3A_576 = tpu.memref_slice %arg9[%run_scoped3A_200, %dma_wait3A_574, %dma_wait3A_575] : memref<2x128x128xf32, #tpu.memory_space<vmem>> -> memref<1x128x128xf32, #tpu.memory_space<vmem>>
          %dma_wait3A_577 = tpu.memref_squeeze %dma_wait3A_576 : memref<1x128x128xf32, #tpu.memory_space<vmem>> -> memref<128x128xf32, #tpu.memory_space<vmem>>
          %dma_wait3A_578 = arith.constant 0 : i32
          %dma_wait3A_579 = tpu.memref_slice %arg8[%run_scoped3A_201, %dma_wait3A_578] : memref<16x128xi32, #tpu.memory_space<vmem>> -> memref<1x128xi32, #tpu.memory_space<vmem>>
          %dma_wait3A_580 = tpu.memref_squeeze %dma_wait3A_579 : memref<1x128xi32, #tpu.memory_space<vmem>> -> memref<128xi32, #tpu.memory_space<vmem>>
          %dma_wait3A_581 = arith.constant 0 : i32
          %dma_wait3A_582 = arith.constant 0 : i32
          %dma_wait3A_583 = tpu.memref_slice %arg10[%dma_wait3A_581, %dma_wait3A_582] : memref<10240x128xf32, #tpu.memory_space<vmem_shared>> -> memref<10240x128xf32, #tpu.memory_space<vmem_shared>>
          tpu.wait_indirect_dma semaphore(%run_scoped3A_563 : memref<!tpu.dma_semaphore, #tpu.memory_space<semaphore_mem>>) src(%dma_wait3A_577 : memref<128x128xf32, #tpu.memory_space<vmem>>) dst(%dma_wait3A_583 : memref<10240x128xf32, #tpu.memory_space<vmem_shared>>)
          tpu.yield
        }) : () -> ()
        %dma_start3A_202 = arith.constant 4 : i32
        %dma_start3A_203 = arith.constant 0 : i32
        %dma_start3A_204 = arith.constant 0 : i32
        %dma_start3A_205 = arith.constant 0 : i32
        %dma_start3A_206 = tpu.memref_slice %arg9[%dma_start3A_203, %dma_start3A_204, %dma_start3A_205] : memref<2x128x128xf32, #tpu.memory_space<vmem>> -> memref<1x128x128xf32, #tpu.memory_space<vmem>>
        %dma_start3A_207 = tpu.memref_squeeze %dma_start3A_206 : memref<1x128x128xf32, #tpu.memory_space<vmem>> -> memref<128x128xf32, #tpu.memory_space<vmem>>
        %dma_start3A_208 = arith.constant 0 : i32
        %dma_start3A_209 = tpu.memref_slice %arg7[%dma_start3A_202, %dma_start3A_208] : memref<16x128xi32, #tpu.memory_space<vmem>> -> memref<1x128xi32, #tpu.memory_space<vmem>>
        %dma_start3A_210 = tpu.memref_squeeze %dma_start3A_209 : memref<1x128xi32, #tpu.memory_space<vmem>> -> memref<128xi32, #tpu.memory_space<vmem>>
        %dma_start3A_211 = arith.constant 0 : i32
        %dma_start3A_212 = arith.constant 0 : i32
        %dma_start3A_213 = tpu.memref_slice %arg2[%dma_start3A_211, %dma_start3A_212] : memref<10000x128xf32, #tpu.memory_space<hbm>> -> memref<10000x128xf32, #tpu.memory_space<hbm>>
        tpu.enqueue_indirect_dma source(%dma_start3A_213 : memref<10000x128xf32, #tpu.memory_space<hbm>>) target(%dma_start3A_207 : memref<128x128xf32, #tpu.memory_space<vmem>>) offsets(%dma_start3A_210 : memref<128xi32, #tpu.memory_space<vmem>>) semaphore(%arg15 : memref<!tpu.dma_semaphore, #tpu.memory_space<semaphore_mem>>)
        %dma_wait3A_214 = arith.constant 3 : i32
        %dma_wait3A_215 = arith.constant 1 : i32
        %dma_wait3A_216 = arith.constant 0 : i32
        %dma_wait3A_217 = arith.constant 0 : i32
        %dma_wait3A_218 = tpu.memref_slice %arg9[%dma_wait3A_215, %dma_wait3A_216, %dma_wait3A_217] : memref<2x128x128xf32, #tpu.memory_space<vmem>> -> memref<1x128x128xf32, #tpu.memory_space<vmem>>
        %dma_wait3A_219 = tpu.memref_squeeze %dma_wait3A_218 : memref<1x128x128xf32, #tpu.memory_space<vmem>> -> memref<128x128xf32, #tpu.memory_space<vmem>>
        %dma_wait3A_220 = arith.constant 0 : i32
        %dma_wait3A_221 = tpu.memref_slice %arg7[%dma_wait3A_214, %dma_wait3A_220] : memref<16x128xi32, #tpu.memory_space<vmem>> -> memref<1x128xi32, #tpu.memory_space<vmem>>
        %dma_wait3A_222 = tpu.memref_squeeze %dma_wait3A_221 : memref<1x128xi32, #tpu.memory_space<vmem>> -> memref<128xi32, #tpu.memory_space<vmem>>
        %dma_wait3A_223 = arith.constant 0 : i32
        %dma_wait3A_224 = arith.constant 0 : i32
        %dma_wait3A_225 = tpu.memref_slice %arg2[%dma_wait3A_223, %dma_wait3A_224] : memref<10000x128xf32, #tpu.memory_space<hbm>> -> memref<10000x128xf32, #tpu.memory_space<hbm>>
        tpu.wait_indirect_dma semaphore(%arg16 : memref<!tpu.dma_semaphore, #tpu.memory_space<semaphore_mem>>) src(%dma_wait3A_225 : memref<10000x128xf32, #tpu.memory_space<hbm>>) dst(%dma_wait3A_219 : memref<128x128xf32, #tpu.memory_space<vmem>>)
        %run_scoped3A_226 = arith.constant 1 : i32
        %run_scoped3A_227 = arith.constant 3 : i32
        "tpu.region"() ({
          %run_scoped3A_563 = tpu.sem_alloc : memref<!tpu.dma_semaphore, #tpu.memory_space<semaphore_mem>>
          %dma_start3A_564 = arith.constant 0 : i32
          %dma_start3A_565 = arith.constant 0 : i32
          %dma_start3A_566 = tpu.memref_slice %arg9[%run_scoped3A_226, %dma_start3A_564, %dma_start3A_565] : memref<2x128x128xf32, #tpu.memory_space<vmem>> -> memref<1x128x128xf32, #tpu.memory_space<vmem>>
          %dma_start3A_567 = tpu.memref_squeeze %dma_start3A_566 : memref<1x128x128xf32, #tpu.memory_space<vmem>> -> memref<128x128xf32, #tpu.memory_space<vmem>>
          %dma_start3A_568 = arith.constant 0 : i32
          %dma_start3A_569 = tpu.memref_slice %arg8[%run_scoped3A_227, %dma_start3A_568] : memref<16x128xi32, #tpu.memory_space<vmem>> -> memref<1x128xi32, #tpu.memory_space<vmem>>
          %dma_start3A_570 = tpu.memref_squeeze %dma_start3A_569 : memref<1x128xi32, #tpu.memory_space<vmem>> -> memref<128xi32, #tpu.memory_space<vmem>>
          %dma_start3A_571 = arith.constant 0 : i32
          %dma_start3A_572 = arith.constant 0 : i32
          %dma_start3A_573 = tpu.memref_slice %arg10[%dma_start3A_571, %dma_start3A_572] : memref<10240x128xf32, #tpu.memory_space<vmem_shared>> -> memref<10240x128xf32, #tpu.memory_space<vmem_shared>>
          tpu.enqueue_indirect_dma source(%dma_start3A_567 : memref<128x128xf32, #tpu.memory_space<vmem>>) target(%dma_start3A_573 : memref<10240x128xf32, #tpu.memory_space<vmem_shared>>) offsets(%dma_start3A_570 : memref<128xi32, #tpu.memory_space<vmem>>) semaphore(%run_scoped3A_563 : memref<!tpu.dma_semaphore, #tpu.memory_space<semaphore_mem>>) {add = true}
          %dma_wait3A_574 = arith.constant 0 : i32
          %dma_wait3A_575 = arith.constant 0 : i32
          %dma_wait3A_576 = tpu.memref_slice %arg9[%run_scoped3A_226, %dma_wait3A_574, %dma_wait3A_575] : memref<2x128x128xf32, #tpu.memory_space<vmem>> -> memref<1x128x128xf32, #tpu.memory_space<vmem>>
          %dma_wait3A_577 = tpu.memref_squeeze %dma_wait3A_576 : memref<1x128x128xf32, #tpu.memory_space<vmem>> -> memref<128x128xf32, #tpu.memory_space<vmem>>
          %dma_wait3A_578 = arith.constant 0 : i32
          %dma_wait3A_579 = tpu.memref_slice %arg8[%run_scoped3A_227, %dma_wait3A_578] : memref<16x128xi32, #tpu.memory_space<vmem>> -> memref<1x128xi32, #tpu.memory_space<vmem>>
          %dma_wait3A_580 = tpu.memref_squeeze %dma_wait3A_579 : memref<1x128xi32, #tpu.memory_space<vmem>> -> memref<128xi32, #tpu.memory_space<vmem>>
          %dma_wait3A_581 = arith.constant 0 : i32
          %dma_wait3A_582 = arith.constant 0 : i32
          %dma_wait3A_583 = tpu.memref_slice %arg10[%dma_wait3A_581, %dma_wait3A_582] : memref<10240x128xf32, #tpu.memory_space<vmem_shared>> -> memref<10240x128xf32, #tpu.memory_space<vmem_shared>>
          tpu.wait_indirect_dma semaphore(%run_scoped3A_563 : memref<!tpu.dma_semaphore, #tpu.memory_space<semaphore_mem>>) src(%dma_wait3A_577 : memref<128x128xf32, #tpu.memory_space<vmem>>) dst(%dma_wait3A_583 : memref<10240x128xf32, #tpu.memory_space<vmem_shared>>)
          tpu.yield
        }) : () -> ()
        %dma_start3A_228 = arith.constant 5 : i32
        %dma_start3A_229 = arith.constant 1 : i32
        %dma_start3A_230 = arith.constant 0 : i32
        %dma_start3A_231 = arith.constant 0 : i32
        %dma_start3A_232 = tpu.memref_slice %arg9[%dma_start3A_229, %dma_start3A_230, %dma_start3A_231] : memref<2x128x128xf32, #tpu.memory_space<vmem>> -> memref<1x128x128xf32, #tpu.memory_space<vmem>>
        %dma_start3A_233 = tpu.memref_squeeze %dma_start3A_232 : memref<1x128x128xf32, #tpu.memory_space<vmem>> -> memref<128x128xf32, #tpu.memory_space<vmem>>
        %dma_start3A_234 = arith.constant 0 : i32
        %dma_start3A_235 = tpu.memref_slice %arg7[%dma_start3A_228, %dma_start3A_234] : memref<16x128xi32, #tpu.memory_space<vmem>> -> memref<1x128xi32, #tpu.memory_space<vmem>>
        %dma_start3A_236 = tpu.memref_squeeze %dma_start3A_235 : memref<1x128xi32, #tpu.memory_space<vmem>> -> memref<128xi32, #tpu.memory_space<vmem>>
        %dma_start3A_237 = arith.constant 0 : i32
        %dma_start3A_238 = arith.constant 0 : i32
        %dma_start3A_239 = tpu.memref_slice %arg2[%dma_start3A_237, %dma_start3A_238] : memref<10000x128xf32, #tpu.memory_space<hbm>> -> memref<10000x128xf32, #tpu.memory_space<hbm>>
        tpu.enqueue_indirect_dma source(%dma_start3A_239 : memref<10000x128xf32, #tpu.memory_space<hbm>>) target(%dma_start3A_233 : memref<128x128xf32, #tpu.memory_space<vmem>>) offsets(%dma_start3A_236 : memref<128xi32, #tpu.memory_space<vmem>>) semaphore(%arg16 : memref<!tpu.dma_semaphore, #tpu.memory_space<semaphore_mem>>)
        %dma_wait3A_240 = arith.constant 4 : i32
        %dma_wait3A_241 = arith.constant 0 : i32
        %dma_wait3A_242 = arith.constant 0 : i32
        %dma_wait3A_243 = arith.constant 0 : i32
        %dma_wait3A_244 = tpu.memref_slice %arg9[%dma_wait3A_241, %dma_wait3A_242, %dma_wait3A_243] : memref<2x128x128xf32, #tpu.memory_space<vmem>> -> memref<1x128x128xf32, #tpu.memory_space<vmem>>
        %dma_wait3A_245 = tpu.memref_squeeze %dma_wait3A_244 : memref<1x128x128xf32, #tpu.memory_space<vmem>> -> memref<128x128xf32, #tpu.memory_space<vmem>>
        %dma_wait3A_246 = arith.constant 0 : i32
        %dma_wait3A_247 = tpu.memref_slice %arg7[%dma_wait3A_240, %dma_wait3A_246] : memref<16x128xi32, #tpu.memory_space<vmem>> -> memref<1x128xi32, #tpu.memory_space<vmem>>
        %dma_wait3A_248 = tpu.memref_squeeze %dma_wait3A_247 : memref<1x128xi32, #tpu.memory_space<vmem>> -> memref<128xi32, #tpu.memory_space<vmem>>
        %dma_wait3A_249 = arith.constant 0 : i32
        %dma_wait3A_250 = arith.constant 0 : i32
        %dma_wait3A_251 = tpu.memref_slice %arg2[%dma_wait3A_249, %dma_wait3A_250] : memref<10000x128xf32, #tpu.memory_space<hbm>> -> memref<10000x128xf32, #tpu.memory_space<hbm>>
        tpu.wait_indirect_dma semaphore(%arg15 : memref<!tpu.dma_semaphore, #tpu.memory_space<semaphore_mem>>) src(%dma_wait3A_251 : memref<10000x128xf32, #tpu.memory_space<hbm>>) dst(%dma_wait3A_245 : memref<128x128xf32, #tpu.memory_space<vmem>>)
        %run_scoped3A_252 = arith.constant 0 : i32
        %run_scoped3A_253 = arith.constant 4 : i32
        "tpu.region"() ({
          %run_scoped3A_563 = tpu.sem_alloc : memref<!tpu.dma_semaphore, #tpu.memory_space<semaphore_mem>>
          %dma_start3A_564 = arith.constant 0 : i32
          %dma_start3A_565 = arith.constant 0 : i32
          %dma_start3A_566 = tpu.memref_slice %arg9[%run_scoped3A_252, %dma_start3A_564, %dma_start3A_565] : memref<2x128x128xf32, #tpu.memory_space<vmem>> -> memref<1x128x128xf32, #tpu.memory_space<vmem>>
          %dma_start3A_567 = tpu.memref_squeeze %dma_start3A_566 : memref<1x128x128xf32, #tpu.memory_space<vmem>> -> memref<128x128xf32, #tpu.memory_space<vmem>>
          %dma_start3A_568 = arith.constant 0 : i32
          %dma_start3A_569 = tpu.memref_slice %arg8[%run_scoped3A_253, %dma_start3A_568] : memref<16x128xi32, #tpu.memory_space<vmem>> -> memref<1x128xi32, #tpu.memory_space<vmem>>
          %dma_start3A_570 = tpu.memref_squeeze %dma_start3A_569 : memref<1x128xi32, #tpu.memory_space<vmem>> -> memref<128xi32, #tpu.memory_space<vmem>>
          %dma_start3A_571 = arith.constant 0 : i32
          %dma_start3A_572 = arith.constant 0 : i32
          %dma_start3A_573 = tpu.memref_slice %arg10[%dma_start3A_571, %dma_start3A_572] : memref<10240x128xf32, #tpu.memory_space<vmem_shared>> -> memref<10240x128xf32, #tpu.memory_space<vmem_shared>>
          tpu.enqueue_indirect_dma source(%dma_start3A_567 : memref<128x128xf32, #tpu.memory_space<vmem>>) target(%dma_start3A_573 : memref<10240x128xf32, #tpu.memory_space<vmem_shared>>) offsets(%dma_start3A_570 : memref<128xi32, #tpu.memory_space<vmem>>) semaphore(%run_scoped3A_563 : memref<!tpu.dma_semaphore, #tpu.memory_space<semaphore_mem>>) {add = true}
          %dma_wait3A_574 = arith.constant 0 : i32
          %dma_wait3A_575 = arith.constant 0 : i32
          %dma_wait3A_576 = tpu.memref_slice %arg9[%run_scoped3A_252, %dma_wait3A_574, %dma_wait3A_575] : memref<2x128x128xf32, #tpu.memory_space<vmem>> -> memref<1x128x128xf32, #tpu.memory_space<vmem>>
          %dma_wait3A_577 = tpu.memref_squeeze %dma_wait3A_576 : memref<1x128x128xf32, #tpu.memory_space<vmem>> -> memref<128x128xf32, #tpu.memory_space<vmem>>
          %dma_wait3A_578 = arith.constant 0 : i32
          %dma_wait3A_579 = tpu.memref_slice %arg8[%run_scoped3A_253, %dma_wait3A_578] : memref<16x128xi32, #tpu.memory_space<vmem>> -> memref<1x128xi32, #tpu.memory_space<vmem>>
          %dma_wait3A_580 = tpu.memref_squeeze %dma_wait3A_579 : memref<1x128xi32, #tpu.memory_space<vmem>> -> memref<128xi32, #tpu.memory_space<vmem>>
          %dma_wait3A_581 = arith.constant 0 : i32
          %dma_wait3A_582 = arith.constant 0 : i32
          %dma_wait3A_583 = tpu.memref_slice %arg10[%dma_wait3A_581, %dma_wait3A_582] : memref<10240x128xf32, #tpu.memory_space<vmem_shared>> -> memref<10240x128xf32, #tpu.memory_space<vmem_shared>>
          tpu.wait_indirect_dma semaphore(%run_scoped3A_563 : memref<!tpu.dma_semaphore, #tpu.memory_space<semaphore_mem>>) src(%dma_wait3A_577 : memref<128x128xf32, #tpu.memory_space<vmem>>) dst(%dma_wait3A_583 : memref<10240x128xf32, #tpu.memory_space<vmem_shared>>)
          tpu.yield
        }) : () -> ()
        %dma_start3A_254 = arith.constant 6 : i32
        %dma_start3A_255 = arith.constant 0 : i32
        %dma_start3A_256 = arith.constant 0 : i32
        %dma_start3A_257 = arith.constant 0 : i32
        %dma_start3A_258 = tpu.memref_slice %arg9[%dma_start3A_255, %dma_start3A_256, %dma_start3A_257] : memref<2x128x128xf32, #tpu.memory_space<vmem>> -> memref<1x128x128xf32, #tpu.memory_space<vmem>>
        %dma_start3A_259 = tpu.memref_squeeze %dma_start3A_258 : memref<1x128x128xf32, #tpu.memory_space<vmem>> -> memref<128x128xf32, #tpu.memory_space<vmem>>
        %dma_start3A_260 = arith.constant 0 : i32
        %dma_start3A_261 = tpu.memref_slice %arg7[%dma_start3A_254, %dma_start3A_260] : memref<16x128xi32, #tpu.memory_space<vmem>> -> memref<1x128xi32, #tpu.memory_space<vmem>>
        %dma_start3A_262 = tpu.memref_squeeze %dma_start3A_261 : memref<1x128xi32, #tpu.memory_space<vmem>> -> memref<128xi32, #tpu.memory_space<vmem>>
        %dma_start3A_263 = arith.constant 0 : i32
        %dma_start3A_264 = arith.constant 0 : i32
        %dma_start3A_265 = tpu.memref_slice %arg2[%dma_start3A_263, %dma_start3A_264] : memref<10000x128xf32, #tpu.memory_space<hbm>> -> memref<10000x128xf32, #tpu.memory_space<hbm>>
        tpu.enqueue_indirect_dma source(%dma_start3A_265 : memref<10000x128xf32, #tpu.memory_space<hbm>>) target(%dma_start3A_259 : memref<128x128xf32, #tpu.memory_space<vmem>>) offsets(%dma_start3A_262 : memref<128xi32, #tpu.memory_space<vmem>>) semaphore(%arg15 : memref<!tpu.dma_semaphore, #tpu.memory_space<semaphore_mem>>)
        %dma_wait3A_266 = arith.constant 5 : i32
        %dma_wait3A_267 = arith.constant 1 : i32
        %dma_wait3A_268 = arith.constant 0 : i32
        %dma_wait3A_269 = arith.constant 0 : i32
        %dma_wait3A_270 = tpu.memref_slice %arg9[%dma_wait3A_267, %dma_wait3A_268, %dma_wait3A_269] : memref<2x128x128xf32, #tpu.memory_space<vmem>> -> memref<1x128x128xf32, #tpu.memory_space<vmem>>
        %dma_wait3A_271 = tpu.memref_squeeze %dma_wait3A_270 : memref<1x128x128xf32, #tpu.memory_space<vmem>> -> memref<128x128xf32, #tpu.memory_space<vmem>>
        %dma_wait3A_272 = arith.constant 0 : i32
        %dma_wait3A_273 = tpu.memref_slice %arg7[%dma_wait3A_266, %dma_wait3A_272] : memref<16x128xi32, #tpu.memory_space<vmem>> -> memref<1x128xi32, #tpu.memory_space<vmem>>
        %dma_wait3A_274 = tpu.memref_squeeze %dma_wait3A_273 : memref<1x128xi32, #tpu.memory_space<vmem>> -> memref<128xi32, #tpu.memory_space<vmem>>
        %dma_wait3A_275 = arith.constant 0 : i32
        %dma_wait3A_276 = arith.constant 0 : i32
        %dma_wait3A_277 = tpu.memref_slice %arg2[%dma_wait3A_275, %dma_wait3A_276] : memref<10000x128xf32, #tpu.memory_space<hbm>> -> memref<10000x128xf32, #tpu.memory_space<hbm>>
        tpu.wait_indirect_dma semaphore(%arg16 : memref<!tpu.dma_semaphore, #tpu.memory_space<semaphore_mem>>) src(%dma_wait3A_277 : memref<10000x128xf32, #tpu.memory_space<hbm>>) dst(%dma_wait3A_271 : memref<128x128xf32, #tpu.memory_space<vmem>>)
        %run_scoped3A_278 = arith.constant 1 : i32
        %run_scoped3A_279 = arith.constant 5 : i32
        "tpu.region"() ({
          %run_scoped3A_563 = tpu.sem_alloc : memref<!tpu.dma_semaphore, #tpu.memory_space<semaphore_mem>>
          %dma_start3A_564 = arith.constant 0 : i32
          %dma_start3A_565 = arith.constant 0 : i32
          %dma_start3A_566 = tpu.memref_slice %arg9[%run_scoped3A_278, %dma_start3A_564, %dma_start3A_565] : memref<2x128x128xf32, #tpu.memory_space<vmem>> -> memref<1x128x128xf32, #tpu.memory_space<vmem>>
          %dma_start3A_567 = tpu.memref_squeeze %dma_start3A_566 : memref<1x128x128xf32, #tpu.memory_space<vmem>> -> memref<128x128xf32, #tpu.memory_space<vmem>>
          %dma_start3A_568 = arith.constant 0 : i32
          %dma_start3A_569 = tpu.memref_slice %arg8[%run_scoped3A_279, %dma_start3A_568] : memref<16x128xi32, #tpu.memory_space<vmem>> -> memref<1x128xi32, #tpu.memory_space<vmem>>
          %dma_start3A_570 = tpu.memref_squeeze %dma_start3A_569 : memref<1x128xi32, #tpu.memory_space<vmem>> -> memref<128xi32, #tpu.memory_space<vmem>>
          %dma_start3A_571 = arith.constant 0 : i32
          %dma_start3A_572 = arith.constant 0 : i32
          %dma_start3A_573 = tpu.memref_slice %arg10[%dma_start3A_571, %dma_start3A_572] : memref<10240x128xf32, #tpu.memory_space<vmem_shared>> -> memref<10240x128xf32, #tpu.memory_space<vmem_shared>>
          tpu.enqueue_indirect_dma source(%dma_start3A_567 : memref<128x128xf32, #tpu.memory_space<vmem>>) target(%dma_start3A_573 : memref<10240x128xf32, #tpu.memory_space<vmem_shared>>) offsets(%dma_start3A_570 : memref<128xi32, #tpu.memory_space<vmem>>) semaphore(%run_scoped3A_563 : memref<!tpu.dma_semaphore, #tpu.memory_space<semaphore_mem>>) {add = true}
          %dma_wait3A_574 = arith.constant 0 : i32
          %dma_wait3A_575 = arith.constant 0 : i32
          %dma_wait3A_576 = tpu.memref_slice %arg9[%run_scoped3A_278, %dma_wait3A_574, %dma_wait3A_575] : memref<2x128x128xf32, #tpu.memory_space<vmem>> -> memref<1x128x128xf32, #tpu.memory_space<vmem>>
          %dma_wait3A_577 = tpu.memref_squeeze %dma_wait3A_576 : memref<1x128x128xf32, #tpu.memory_space<vmem>> -> memref<128x128xf32, #tpu.memory_space<vmem>>
          %dma_wait3A_578 = arith.constant 0 : i32
          %dma_wait3A_579 = tpu.memref_slice %arg8[%run_scoped3A_279, %dma_wait3A_578] : memref<16x128xi32, #tpu.memory_space<vmem>> -> memref<1x128xi32, #tpu.memory_space<vmem>>
          %dma_wait3A_580 = tpu.memref_squeeze %dma_wait3A_579 : memref<1x128xi32, #tpu.memory_space<vmem>> -> memref<128xi32, #tpu.memory_space<vmem>>
          %dma_wait3A_581 = arith.constant 0 : i32
          %dma_wait3A_582 = arith.constant 0 : i32
          %dma_wait3A_583 = tpu.memref_slice %arg10[%dma_wait3A_581, %dma_wait3A_582] : memref<10240x128xf32, #tpu.memory_space<vmem_shared>> -> memref<10240x128xf32, #tpu.memory_space<vmem_shared>>
          tpu.wait_indirect_dma semaphore(%run_scoped3A_563 : memref<!tpu.dma_semaphore, #tpu.memory_space<semaphore_mem>>) src(%dma_wait3A_577 : memref<128x128xf32, #tpu.memory_space<vmem>>) dst(%dma_wait3A_583 : memref<10240x128xf32, #tpu.memory_space<vmem_shared>>)
          tpu.yield
        }) : () -> ()
        %dma_start3A_280 = arith.constant 7 : i32
        %dma_start3A_281 = arith.constant 1 : i32
        %dma_start3A_282 = arith.constant 0 : i32
        %dma_start3A_283 = arith.constant 0 : i32
        %dma_start3A_284 = tpu.memref_slice %arg9[%dma_start3A_281, %dma_start3A_282, %dma_start3A_283] : memref<2x128x128xf32, #tpu.memory_space<vmem>> -> memref<1x128x128xf32, #tpu.memory_space<vmem>>
        %dma_start3A_285 = tpu.memref_squeeze %dma_start3A_284 : memref<1x128x128xf32, #tpu.memory_space<vmem>> -> memref<128x128xf32, #tpu.memory_space<vmem>>
        %dma_start3A_286 = arith.constant 0 : i32
        %dma_start3A_287 = tpu.memref_slice %arg7[%dma_start3A_280, %dma_start3A_286] : memref<16x128xi32, #tpu.memory_space<vmem>> -> memref<1x128xi32, #tpu.memory_space<vmem>>
        %dma_start3A_288 = tpu.memref_squeeze %dma_start3A_287 : memref<1x128xi32, #tpu.memory_space<vmem>> -> memref<128xi32, #tpu.memory_space<vmem>>
        %dma_start3A_289 = arith.constant 0 : i32
        %dma_start3A_290 = arith.constant 0 : i32
        %dma_start3A_291 = tpu.memref_slice %arg2[%dma_start3A_289, %dma_start3A_290] : memref<10000x128xf32, #tpu.memory_space<hbm>> -> memref<10000x128xf32, #tpu.memory_space<hbm>>
        tpu.enqueue_indirect_dma source(%dma_start3A_291 : memref<10000x128xf32, #tpu.memory_space<hbm>>) target(%dma_start3A_285 : memref<128x128xf32, #tpu.memory_space<vmem>>) offsets(%dma_start3A_288 : memref<128xi32, #tpu.memory_space<vmem>>) semaphore(%arg16 : memref<!tpu.dma_semaphore, #tpu.memory_space<semaphore_mem>>)
        %add3A_292 = arith.constant 1 : i32
        %add3A_293 = arith.addi %add3A_136, %add3A_292 : i32
        %lt3A = arith.constant 20 : i32
        %lt3A_294 = arith.cmpi slt, %add3A_293, %lt3A : i32
        %convert_element_type3A_295 = arith.extui %lt3A_294 : i1 to i32
        %cond3A_296 = arith.constant 0 : i32
        %cond3A_297 = arith.cmpi ne, %convert_element_type3A_295, %cond3A_296 : i32
        scf.if %cond3A_297 {
          %add3A_563 = arith.constant 1 : i32
          %add3A_564 = arith.addi %add3A_136, %add3A_563 : i32
          %add3A_565 = arith.addi %mul3A_0, %add3A_564 : i32
          %dma_wait3A_566 = arith.constant 8 : i32
          %dma_wait3A_567 = arith.constant 0 : i32
          %dma_wait3A_568 = tpu.memref_slice %arg7[%dma_wait3A_566, %dma_wait3A_567] : memref<16x128xi32, #tpu.memory_space<vmem>> -> memref<8x128xi32, #tpu.memory_space<vmem>>
          %dma_wait3A_569 = arith.constant 0 : i32
          %dma_wait3A_570 = arith.constant 0 : i32
          %dma_wait3A_571 = tpu.memref_slice %arg3[%add3A_565, %dma_wait3A_569, %dma_wait3A_570] : memref<320x8x128xi32, #tpu.memory_space<hbm>> -> memref<1x8x128xi32, #tpu.memory_space<hbm>>
          %dma_wait3A_572 = tpu.memref_squeeze %dma_wait3A_571 : memref<1x8x128xi32, #tpu.memory_space<hbm>> -> memref<8x128xi32, #tpu.memory_space<hbm>>
          %dma_wait3A_573 = arith.constant 8 : i32
          %dma_wait3A_574 = arith.constant 0 : i32
          %dma_wait3A_575 = tpu.memref_slice %arg7[%dma_wait3A_573, %dma_wait3A_574] : memref<16x128xi32, #tpu.memory_space<vmem>> -> memref<8x128xi32, #tpu.memory_space<vmem>>
          %dma_wait3A_576 = arith.constant 0 : i32
          %dma_wait3A_577 = arith.constant 0 : i32
          %dma_wait3A_578 = tpu.memref_slice %arg3[%add3A_565, %dma_wait3A_576, %dma_wait3A_577] : memref<320x8x128xi32, #tpu.memory_space<hbm>> -> memref<1x8x128xi32, #tpu.memory_space<hbm>>
          %dma_wait3A_579 = tpu.memref_squeeze %dma_wait3A_578 : memref<1x8x128xi32, #tpu.memory_space<hbm>> -> memref<8x128xi32, #tpu.memory_space<hbm>>
          tpu.wait_dma2 semaphore(%arg12 : memref<!tpu.dma_semaphore, #tpu.memory_space<semaphore_mem>>) src(%dma_wait3A_579 : memref<8x128xi32, #tpu.memory_space<hbm>>) dst(%dma_wait3A_575 : memref<8x128xi32, #tpu.memory_space<vmem>>)
          %add3A_580 = arith.addi %mul3A_0, %add3A_564 : i32
          %dma_wait3A_581 = arith.constant 8 : i32
          %dma_wait3A_582 = arith.constant 0 : i32
          %dma_wait3A_583 = tpu.memref_slice %arg8[%dma_wait3A_581, %dma_wait3A_582] : memref<16x128xi32, #tpu.memory_space<vmem>> -> memref<8x128xi32, #tpu.memory_space<vmem>>
          %dma_wait3A_584 = arith.constant 0 : i32
          %dma_wait3A_585 = arith.constant 0 : i32
          %dma_wait3A_586 = tpu.memref_slice %arg4[%add3A_580, %dma_wait3A_584, %dma_wait3A_585] : memref<320x8x128xi32, #tpu.memory_space<hbm>> -> memref<1x8x128xi32, #tpu.memory_space<hbm>>
          %dma_wait3A_587 = tpu.memref_squeeze %dma_wait3A_586 : memref<1x8x128xi32, #tpu.memory_space<hbm>> -> memref<8x128xi32, #tpu.memory_space<hbm>>
          %dma_wait3A_588 = arith.constant 8 : i32
          %dma_wait3A_589 = arith.constant 0 : i32
          %dma_wait3A_590 = tpu.memref_slice %arg8[%dma_wait3A_588, %dma_wait3A_589] : memref<16x128xi32, #tpu.memory_space<vmem>> -> memref<8x128xi32, #tpu.memory_space<vmem>>
          %dma_wait3A_591 = arith.constant 0 : i32
          %dma_wait3A_592 = arith.constant 0 : i32
          %dma_wait3A_593 = tpu.memref_slice %arg4[%add3A_580, %dma_wait3A_591, %dma_wait3A_592] : memref<320x8x128xi32, #tpu.memory_space<hbm>> -> memref<1x8x128xi32, #tpu.memory_space<hbm>>
          %dma_wait3A_594 = tpu.memref_squeeze %dma_wait3A_593 : memref<1x8x128xi32, #tpu.memory_space<hbm>> -> memref<8x128xi32, #tpu.memory_space<hbm>>
          tpu.wait_dma2 semaphore(%arg14 : memref<!tpu.dma_semaphore, #tpu.memory_space<semaphore_mem>>) src(%dma_wait3A_594 : memref<8x128xi32, #tpu.memory_space<hbm>>) dst(%dma_wait3A_590 : memref<8x128xi32, #tpu.memory_space<vmem>>)
        } else {
        }
        %dma_wait3A_298 = arith.constant 6 : i32
        %dma_wait3A_299 = arith.constant 0 : i32
        %dma_wait3A_300 = arith.constant 0 : i32
        %dma_wait3A_301 = arith.constant 0 : i32
        %dma_wait3A_302 = tpu.memref_slice %arg9[%dma_wait3A_299, %dma_wait3A_300, %dma_wait3A_301] : memref<2x128x128xf32, #tpu.memory_space<vmem>> -> memref<1x128x128xf32, #tpu.memory_space<vmem>>
        %dma_wait3A_303 = tpu.memref_squeeze %dma_wait3A_302 : memref<1x128x128xf32, #tpu.memory_space<vmem>> -> memref<128x128xf32, #tpu.memory_space<vmem>>
        %dma_wait3A_304 = arith.constant 0 : i32
        %dma_wait3A_305 = tpu.memref_slice %arg7[%dma_wait3A_298, %dma_wait3A_304] : memref<16x128xi32, #tpu.memory_space<vmem>> -> memref<1x128xi32, #tpu.memory_space<vmem>>
        %dma_wait3A_306 = tpu.memref_squeeze %dma_wait3A_305 : memref<1x128xi32, #tpu.memory_space<vmem>> -> memref<128xi32, #tpu.memory_space<vmem>>
        %dma_wait3A_307 = arith.constant 0 : i32
        %dma_wait3A_308 = arith.constant 0 : i32
        %dma_wait3A_309 = tpu.memref_slice %arg2[%dma_wait3A_307, %dma_wait3A_308] : memref<10000x128xf32, #tpu.memory_space<hbm>> -> memref<10000x128xf32, #tpu.memory_space<hbm>>
        tpu.wait_indirect_dma semaphore(%arg15 : memref<!tpu.dma_semaphore, #tpu.memory_space<semaphore_mem>>) src(%dma_wait3A_309 : memref<10000x128xf32, #tpu.memory_space<hbm>>) dst(%dma_wait3A_303 : memref<128x128xf32, #tpu.memory_space<vmem>>)
        %run_scoped3A_310 = arith.constant 0 : i32
        %run_scoped3A_311 = arith.constant 6 : i32
        "tpu.region"() ({
          %run_scoped3A_563 = tpu.sem_alloc : memref<!tpu.dma_semaphore, #tpu.memory_space<semaphore_mem>>
          %dma_start3A_564 = arith.constant 0 : i32
          %dma_start3A_565 = arith.constant 0 : i32
          %dma_start3A_566 = tpu.memref_slice %arg9[%run_scoped3A_310, %dma_start3A_564, %dma_start3A_565] : memref<2x128x128xf32, #tpu.memory_space<vmem>> -> memref<1x128x128xf32, #tpu.memory_space<vmem>>
          %dma_start3A_567 = tpu.memref_squeeze %dma_start3A_566 : memref<1x128x128xf32, #tpu.memory_space<vmem>> -> memref<128x128xf32, #tpu.memory_space<vmem>>
          %dma_start3A_568 = arith.constant 0 : i32
          %dma_start3A_569 = tpu.memref_slice %arg8[%run_scoped3A_311, %dma_start3A_568] : memref<16x128xi32, #tpu.memory_space<vmem>> -> memref<1x128xi32, #tpu.memory_space<vmem>>
          %dma_start3A_570 = tpu.memref_squeeze %dma_start3A_569 : memref<1x128xi32, #tpu.memory_space<vmem>> -> memref<128xi32, #tpu.memory_space<vmem>>
          %dma_start3A_571 = arith.constant 0 : i32
          %dma_start3A_572 = arith.constant 0 : i32
          %dma_start3A_573 = tpu.memref_slice %arg10[%dma_start3A_571, %dma_start3A_572] : memref<10240x128xf32, #tpu.memory_space<vmem_shared>> -> memref<10240x128xf32, #tpu.memory_space<vmem_shared>>
          tpu.enqueue_indirect_dma source(%dma_start3A_567 : memref<128x128xf32, #tpu.memory_space<vmem>>) target(%dma_start3A_573 : memref<10240x128xf32, #tpu.memory_space<vmem_shared>>) offsets(%dma_start3A_570 : memref<128xi32, #tpu.memory_space<vmem>>) semaphore(%run_scoped3A_563 : memref<!tpu.dma_semaphore, #tpu.memory_space<semaphore_mem>>) {add = true}
          %dma_wait3A_574 = arith.constant 0 : i32
          %dma_wait3A_575 = arith.constant 0 : i32
          %dma_wait3A_576 = tpu.memref_slice %arg9[%run_scoped3A_310, %dma_wait3A_574, %dma_wait3A_575] : memref<2x128x128xf32, #tpu.memory_space<vmem>> -> memref<1x128x128xf32, #tpu.memory_space<vmem>>
          %dma_wait3A_577 = tpu.memref_squeeze %dma_wait3A_576 : memref<1x128x128xf32, #tpu.memory_space<vmem>> -> memref<128x128xf32, #tpu.memory_space<vmem>>
          %dma_wait3A_578 = arith.constant 0 : i32
          %dma_wait3A_579 = tpu.memref_slice %arg8[%run_scoped3A_311, %dma_wait3A_578] : memref<16x128xi32, #tpu.memory_space<vmem>> -> memref<1x128xi32, #tpu.memory_space<vmem>>
          %dma_wait3A_580 = tpu.memref_squeeze %dma_wait3A_579 : memref<1x128xi32, #tpu.memory_space<vmem>> -> memref<128xi32, #tpu.memory_space<vmem>>
          %dma_wait3A_581 = arith.constant 0 : i32
          %dma_wait3A_582 = arith.constant 0 : i32
          %dma_wait3A_583 = tpu.memref_slice %arg10[%dma_wait3A_581, %dma_wait3A_582] : memref<10240x128xf32, #tpu.memory_space<vmem_shared>> -> memref<10240x128xf32, #tpu.memory_space<vmem_shared>>
          tpu.wait_indirect_dma semaphore(%run_scoped3A_563 : memref<!tpu.dma_semaphore, #tpu.memory_space<semaphore_mem>>) src(%dma_wait3A_577 : memref<128x128xf32, #tpu.memory_space<vmem>>) dst(%dma_wait3A_583 : memref<10240x128xf32, #tpu.memory_space<vmem_shared>>)
          tpu.yield
        }) : () -> ()
        %add3A_312 = arith.constant 1 : i32
        %add3A_313 = arith.addi %add3A_136, %add3A_312 : i32
        %lt3A_314 = arith.constant 20 : i32
        %lt3A_315 = arith.cmpi slt, %add3A_313, %lt3A_314 : i32
        %convert_element_type3A_316 = arith.extui %lt3A_315 : i1 to i32
        %cond3A_317 = arith.constant 0 : i32
        %cond3A_318 = arith.cmpi ne, %convert_element_type3A_316, %cond3A_317 : i32
        scf.if %cond3A_318 {
          %dma_start3A_563 = arith.constant 8 : i32
          %dma_start3A_564 = arith.constant 0 : i32
          %dma_start3A_565 = arith.constant 0 : i32
          %dma_start3A_566 = arith.constant 0 : i32
          %dma_start3A_567 = tpu.memref_slice %arg9[%dma_start3A_564, %dma_start3A_565, %dma_start3A_566] : memref<2x128x128xf32, #tpu.memory_space<vmem>> -> memref<1x128x128xf32, #tpu.memory_space<vmem>>
          %dma_start3A_568 = tpu.memref_squeeze %dma_start3A_567 : memref<1x128x128xf32, #tpu.memory_space<vmem>> -> memref<128x128xf32, #tpu.memory_space<vmem>>
          %dma_start3A_569 = arith.constant 0 : i32
          %dma_start3A_570 = tpu.memref_slice %arg7[%dma_start3A_563, %dma_start3A_569] : memref<16x128xi32, #tpu.memory_space<vmem>> -> memref<1x128xi32, #tpu.memory_space<vmem>>
          %dma_start3A_571 = tpu.memref_squeeze %dma_start3A_570 : memref<1x128xi32, #tpu.memory_space<vmem>> -> memref<128xi32, #tpu.memory_space<vmem>>
          %dma_start3A_572 = arith.constant 0 : i32
          %dma_start3A_573 = arith.constant 0 : i32
          %dma_start3A_574 = tpu.memref_slice %arg2[%dma_start3A_572, %dma_start3A_573] : memref<10000x128xf32, #tpu.memory_space<hbm>> -> memref<10000x128xf32, #tpu.memory_space<hbm>>
          tpu.enqueue_indirect_dma source(%dma_start3A_574 : memref<10000x128xf32, #tpu.memory_space<hbm>>) target(%dma_start3A_568 : memref<128x128xf32, #tpu.memory_space<vmem>>) offsets(%dma_start3A_571 : memref<128xi32, #tpu.memory_space<vmem>>) semaphore(%arg15 : memref<!tpu.dma_semaphore, #tpu.memory_space<semaphore_mem>>)
        } else {
        }
        %dma_wait3A_319 = arith.constant 7 : i32
        %dma_wait3A_320 = arith.constant 1 : i32
        %dma_wait3A_321 = arith.constant 0 : i32
        %dma_wait3A_322 = arith.constant 0 : i32
        %dma_wait3A_323 = tpu.memref_slice %arg9[%dma_wait3A_320, %dma_wait3A_321, %dma_wait3A_322] : memref<2x128x128xf32, #tpu.memory_space<vmem>> -> memref<1x128x128xf32, #tpu.memory_space<vmem>>
        %dma_wait3A_324 = tpu.memref_squeeze %dma_wait3A_323 : memref<1x128x128xf32, #tpu.memory_space<vmem>> -> memref<128x128xf32, #tpu.memory_space<vmem>>
        %dma_wait3A_325 = arith.constant 0 : i32
        %dma_wait3A_326 = tpu.memref_slice %arg7[%dma_wait3A_319, %dma_wait3A_325] : memref<16x128xi32, #tpu.memory_space<vmem>> -> memref<1x128xi32, #tpu.memory_space<vmem>>
        %dma_wait3A_327 = tpu.memref_squeeze %dma_wait3A_326 : memref<1x128xi32, #tpu.memory_space<vmem>> -> memref<128xi32, #tpu.memory_space<vmem>>
        %dma_wait3A_328 = arith.constant 0 : i32
        %dma_wait3A_329 = arith.constant 0 : i32
        %dma_wait3A_330 = tpu.memref_slice %arg2[%dma_wait3A_328, %dma_wait3A_329] : memref<10000x128xf32, #tpu.memory_space<hbm>> -> memref<10000x128xf32, #tpu.memory_space<hbm>>
        tpu.wait_indirect_dma semaphore(%arg16 : memref<!tpu.dma_semaphore, #tpu.memory_space<semaphore_mem>>) src(%dma_wait3A_330 : memref<10000x128xf32, #tpu.memory_space<hbm>>) dst(%dma_wait3A_324 : memref<128x128xf32, #tpu.memory_space<vmem>>)
        %run_scoped3A_331 = arith.constant 1 : i32
        %run_scoped3A_332 = arith.constant 7 : i32
        "tpu.region"() ({
          %run_scoped3A_563 = tpu.sem_alloc : memref<!tpu.dma_semaphore, #tpu.memory_space<semaphore_mem>>
          %dma_start3A_564 = arith.constant 0 : i32
          %dma_start3A_565 = arith.constant 0 : i32
          %dma_start3A_566 = tpu.memref_slice %arg9[%run_scoped3A_331, %dma_start3A_564, %dma_start3A_565] : memref<2x128x128xf32, #tpu.memory_space<vmem>> -> memref<1x128x128xf32, #tpu.memory_space<vmem>>
          %dma_start3A_567 = tpu.memref_squeeze %dma_start3A_566 : memref<1x128x128xf32, #tpu.memory_space<vmem>> -> memref<128x128xf32, #tpu.memory_space<vmem>>
          %dma_start3A_568 = arith.constant 0 : i32
          %dma_start3A_569 = tpu.memref_slice %arg8[%run_scoped3A_332, %dma_start3A_568] : memref<16x128xi32, #tpu.memory_space<vmem>> -> memref<1x128xi32, #tpu.memory_space<vmem>>
          %dma_start3A_570 = tpu.memref_squeeze %dma_start3A_569 : memref<1x128xi32, #tpu.memory_space<vmem>> -> memref<128xi32, #tpu.memory_space<vmem>>
          %dma_start3A_571 = arith.constant 0 : i32
          %dma_start3A_572 = arith.constant 0 : i32
          %dma_start3A_573 = tpu.memref_slice %arg10[%dma_start3A_571, %dma_start3A_572] : memref<10240x128xf32, #tpu.memory_space<vmem_shared>> -> memref<10240x128xf32, #tpu.memory_space<vmem_shared>>
          tpu.enqueue_indirect_dma source(%dma_start3A_567 : memref<128x128xf32, #tpu.memory_space<vmem>>) target(%dma_start3A_573 : memref<10240x128xf32, #tpu.memory_space<vmem_shared>>) offsets(%dma_start3A_570 : memref<128xi32, #tpu.memory_space<vmem>>) semaphore(%run_scoped3A_563 : memref<!tpu.dma_semaphore, #tpu.memory_space<semaphore_mem>>) {add = true}
          %dma_wait3A_574 = arith.constant 0 : i32
          %dma_wait3A_575 = arith.constant 0 : i32
          %dma_wait3A_576 = tpu.memref_slice %arg9[%run_scoped3A_331, %dma_wait3A_574, %dma_wait3A_575] : memref<2x128x128xf32, #tpu.memory_space<vmem>> -> memref<1x128x128xf32, #tpu.memory_space<vmem>>
          %dma_wait3A_577 = tpu.memref_squeeze %dma_wait3A_576 : memref<1x128x128xf32, #tpu.memory_space<vmem>> -> memref<128x128xf32, #tpu.memory_space<vmem>>
          %dma_wait3A_578 = arith.constant 0 : i32
          %dma_wait3A_579 = tpu.memref_slice %arg8[%run_scoped3A_332, %dma_wait3A_578] : memref<16x128xi32, #tpu.memory_space<vmem>> -> memref<1x128xi32, #tpu.memory_space<vmem>>
          %dma_wait3A_580 = tpu.memref_squeeze %dma_wait3A_579 : memref<1x128xi32, #tpu.memory_space<vmem>> -> memref<128xi32, #tpu.memory_space<vmem>>
          %dma_wait3A_581 = arith.constant 0 : i32
          %dma_wait3A_582 = arith.constant 0 : i32
          %dma_wait3A_583 = tpu.memref_slice %arg10[%dma_wait3A_581, %dma_wait3A_582] : memref<10240x128xf32, #tpu.memory_space<vmem_shared>> -> memref<10240x128xf32, #tpu.memory_space<vmem_shared>>
          tpu.wait_indirect_dma semaphore(%run_scoped3A_563 : memref<!tpu.dma_semaphore, #tpu.memory_space<semaphore_mem>>) src(%dma_wait3A_577 : memref<128x128xf32, #tpu.memory_space<vmem>>) dst(%dma_wait3A_583 : memref<10240x128xf32, #tpu.memory_space<vmem_shared>>)
          tpu.yield
        }) : () -> ()
        %add3A_333 = arith.constant 1 : i32
        %add3A_334 = arith.addi %add3A_136, %add3A_333 : i32
        %lt3A_335 = arith.constant 20 : i32
        %lt3A_336 = arith.cmpi slt, %add3A_334, %lt3A_335 : i32
        %convert_element_type3A_337 = arith.extui %lt3A_336 : i1 to i32
        %cond3A_338 = arith.constant 0 : i32
        %cond3A_339 = arith.cmpi ne, %convert_element_type3A_337, %cond3A_338 : i32
        scf.if %cond3A_339 {
          %dma_start3A_563 = arith.constant 9 : i32
          %dma_start3A_564 = arith.constant 1 : i32
          %dma_start3A_565 = arith.constant 0 : i32
          %dma_start3A_566 = arith.constant 0 : i32
          %dma_start3A_567 = tpu.memref_slice %arg9[%dma_start3A_564, %dma_start3A_565, %dma_start3A_566] : memref<2x128x128xf32, #tpu.memory_space<vmem>> -> memref<1x128x128xf32, #tpu.memory_space<vmem>>
          %dma_start3A_568 = tpu.memref_squeeze %dma_start3A_567 : memref<1x128x128xf32, #tpu.memory_space<vmem>> -> memref<128x128xf32, #tpu.memory_space<vmem>>
          %dma_start3A_569 = arith.constant 0 : i32
          %dma_start3A_570 = tpu.memref_slice %arg7[%dma_start3A_563, %dma_start3A_569] : memref<16x128xi32, #tpu.memory_space<vmem>> -> memref<1x128xi32, #tpu.memory_space<vmem>>
          %dma_start3A_571 = tpu.memref_squeeze %dma_start3A_570 : memref<1x128xi32, #tpu.memory_space<vmem>> -> memref<128xi32, #tpu.memory_space<vmem>>
          %dma_start3A_572 = arith.constant 0 : i32
          %dma_start3A_573 = arith.constant 0 : i32
          %dma_start3A_574 = tpu.memref_slice %arg2[%dma_start3A_572, %dma_start3A_573] : memref<10000x128xf32, #tpu.memory_space<hbm>> -> memref<10000x128xf32, #tpu.memory_space<hbm>>
          tpu.enqueue_indirect_dma source(%dma_start3A_574 : memref<10000x128xf32, #tpu.memory_space<hbm>>) target(%dma_start3A_568 : memref<128x128xf32, #tpu.memory_space<vmem>>) offsets(%dma_start3A_571 : memref<128xi32, #tpu.memory_space<vmem>>) semaphore(%arg16 : memref<!tpu.dma_semaphore, #tpu.memory_space<semaphore_mem>>)
        } else {
        }
        %add3A_340 = arith.constant 2 : i32
        %add3A_341 = arith.addi %add3A_136, %add3A_340 : i32
        %lt3A_342 = arith.constant 20 : i32
        %lt3A_343 = arith.cmpi slt, %add3A_341, %lt3A_342 : i32
        %convert_element_type3A_344 = arith.extui %lt3A_343 : i1 to i32
        %cond3A_345 = arith.constant 0 : i32
        %cond3A_346 = arith.cmpi ne, %convert_element_type3A_344, %cond3A_345 : i32
        scf.if %cond3A_346 {
          %add3A_563 = arith.constant 2 : i32
          %add3A_564 = arith.addi %add3A_136, %add3A_563 : i32
          %add3A_565 = arith.addi %mul3A_0, %add3A_564 : i32
          %dma_start3A_566 = arith.constant 0 : i32
          %dma_start3A_567 = arith.constant 0 : i32
          %dma_start3A_568 = tpu.memref_slice %arg7[%dma_start3A_566, %dma_start3A_567] : memref<16x128xi32, #tpu.memory_space<vmem>> -> memref<8x128xi32, #tpu.memory_space<vmem>>
          %dma_start3A_569 = arith.constant 0 : i32
          %dma_start3A_570 = arith.constant 0 : i32
          %dma_start3A_571 = tpu.memref_slice %arg3[%add3A_565, %dma_start3A_569, %dma_start3A_570] : memref<320x8x128xi32, #tpu.memory_space<hbm>> -> memref<1x8x128xi32, #tpu.memory_space<hbm>>
          %dma_start3A_572 = tpu.memref_squeeze %dma_start3A_571 : memref<1x8x128xi32, #tpu.memory_space<hbm>> -> memref<8x128xi32, #tpu.memory_space<hbm>>
          %dma_start3A_573 = arith.constant 0 : i32
          %dma_start3A_574 = arith.constant 0 : i32
          %dma_start3A_575 = tpu.memref_slice %arg7[%dma_start3A_573, %dma_start3A_574] : memref<16x128xi32, #tpu.memory_space<vmem>> -> memref<8x128xi32, #tpu.memory_space<vmem>>
          %dma_start3A_576 = arith.constant 0 : i32
          %dma_start3A_577 = arith.constant 0 : i32
          %dma_start3A_578 = tpu.memref_slice %arg3[%add3A_565, %dma_start3A_576, %dma_start3A_577] : memref<320x8x128xi32, #tpu.memory_space<hbm>> -> memref<1x8x128xi32, #tpu.memory_space<hbm>>
          %dma_start3A_579 = tpu.memref_squeeze %dma_start3A_578 : memref<1x8x128xi32, #tpu.memory_space<hbm>> -> memref<8x128xi32, #tpu.memory_space<hbm>>
          tpu.enqueue_dma source(%dma_start3A_579 : memref<8x128xi32, #tpu.memory_space<hbm>>) target(%dma_start3A_575 : memref<8x128xi32, #tpu.memory_space<vmem>>) target_semaphore(%arg11 : memref<!tpu.dma_semaphore, #tpu.memory_space<semaphore_mem>>)
          %add3A_580 = arith.addi %mul3A_0, %add3A_564 : i32
          %dma_start3A_581 = arith.constant 0 : i32
          %dma_start3A_582 = arith.constant 0 : i32
          %dma_start3A_583 = tpu.memref_slice %arg8[%dma_start3A_581, %dma_start3A_582] : memref<16x128xi32, #tpu.memory_space<vmem>> -> memref<8x128xi32, #tpu.memory_space<vmem>>
          %dma_start3A_584 = arith.constant 0 : i32
          %dma_start3A_585 = arith.constant 0 : i32
          %dma_start3A_586 = tpu.memref_slice %arg4[%add3A_580, %dma_start3A_584, %dma_start3A_585] : memref<320x8x128xi32, #tpu.memory_space<hbm>> -> memref<1x8x128xi32, #tpu.memory_space<hbm>>
          %dma_start3A_587 = tpu.memref_squeeze %dma_start3A_586 : memref<1x8x128xi32, #tpu.memory_space<hbm>> -> memref<8x128xi32, #tpu.memory_space<hbm>>
          %dma_start3A_588 = arith.constant 0 : i32
          %dma_start3A_589 = arith.constant 0 : i32
          %dma_start3A_590 = tpu.memref_slice %arg8[%dma_start3A_588, %dma_start3A_589] : memref<16x128xi32, #tpu.memory_space<vmem>> -> memref<8x128xi32, #tpu.memory_space<vmem>>
          %dma_start3A_591 = arith.constant 0 : i32
          %dma_start3A_592 = arith.constant 0 : i32
          %dma_start3A_593 = tpu.memref_slice %arg4[%add3A_580, %dma_start3A_591, %dma_start3A_592] : memref<320x8x128xi32, #tpu.memory_space<hbm>> -> memref<1x8x128xi32, #tpu.memory_space<hbm>>
          %dma_start3A_594 = tpu.memref_squeeze %dma_start3A_593 : memref<1x8x128xi32, #tpu.memory_space<hbm>> -> memref<8x128xi32, #tpu.memory_space<hbm>>
          tpu.enqueue_dma source(%dma_start3A_594 : memref<8x128xi32, #tpu.memory_space<hbm>>) target(%dma_start3A_590 : memref<8x128xi32, #tpu.memory_space<vmem>>) target_semaphore(%arg13 : memref<!tpu.dma_semaphore, #tpu.memory_space<semaphore_mem>>)
        } else {
        }
        %mul3A_347 = arith.constant 2 : i32
        %mul3A_348 = arith.muli %mul3A_347, %scan3A_132 : i32
        %add3A_349 = arith.constant 1 : i32
        %add3A_350 = arith.addi %mul3A_348, %add3A_349 : i32
        %dma_wait3A_351 = arith.constant 8 : i32
        %dma_wait3A_352 = arith.constant 0 : i32
        %dma_wait3A_353 = arith.constant 0 : i32
        %dma_wait3A_354 = arith.constant 0 : i32
        %dma_wait3A_355 = tpu.memref_slice %arg9[%dma_wait3A_352, %dma_wait3A_353, %dma_wait3A_354] : memref<2x128x128xf32, #tpu.memory_space<vmem>> -> memref<1x128x128xf32, #tpu.memory_space<vmem>>
        %dma_wait3A_356 = tpu.memref_squeeze %dma_wait3A_355 : memref<1x128x128xf32, #tpu.memory_space<vmem>> -> memref<128x128xf32, #tpu.memory_space<vmem>>
        %dma_wait3A_357 = arith.constant 0 : i32
        %dma_wait3A_358 = tpu.memref_slice %arg7[%dma_wait3A_351, %dma_wait3A_357] : memref<16x128xi32, #tpu.memory_space<vmem>> -> memref<1x128xi32, #tpu.memory_space<vmem>>
        %dma_wait3A_359 = tpu.memref_squeeze %dma_wait3A_358 : memref<1x128xi32, #tpu.memory_space<vmem>> -> memref<128xi32, #tpu.memory_space<vmem>>
        %dma_wait3A_360 = arith.constant 0 : i32
        %dma_wait3A_361 = arith.constant 0 : i32
        %dma_wait3A_362 = tpu.memref_slice %arg2[%dma_wait3A_360, %dma_wait3A_361] : memref<10000x128xf32, #tpu.memory_space<hbm>> -> memref<10000x128xf32, #tpu.memory_space<hbm>>
        tpu.wait_indirect_dma semaphore(%arg15 : memref<!tpu.dma_semaphore, #tpu.memory_space<semaphore_mem>>) src(%dma_wait3A_362 : memref<10000x128xf32, #tpu.memory_space<hbm>>) dst(%dma_wait3A_356 : memref<128x128xf32, #tpu.memory_space<vmem>>)
        %run_scoped3A_363 = arith.constant 0 : i32
        %run_scoped3A_364 = arith.constant 8 : i32
        "tpu.region"() ({
          %run_scoped3A_563 = tpu.sem_alloc : memref<!tpu.dma_semaphore, #tpu.memory_space<semaphore_mem>>
          %dma_start3A_564 = arith.constant 0 : i32
          %dma_start3A_565 = arith.constant 0 : i32
          %dma_start3A_566 = tpu.memref_slice %arg9[%run_scoped3A_363, %dma_start3A_564, %dma_start3A_565] : memref<2x128x128xf32, #tpu.memory_space<vmem>> -> memref<1x128x128xf32, #tpu.memory_space<vmem>>
          %dma_start3A_567 = tpu.memref_squeeze %dma_start3A_566 : memref<1x128x128xf32, #tpu.memory_space<vmem>> -> memref<128x128xf32, #tpu.memory_space<vmem>>
          %dma_start3A_568 = arith.constant 0 : i32
          %dma_start3A_569 = tpu.memref_slice %arg8[%run_scoped3A_364, %dma_start3A_568] : memref<16x128xi32, #tpu.memory_space<vmem>> -> memref<1x128xi32, #tpu.memory_space<vmem>>
          %dma_start3A_570 = tpu.memref_squeeze %dma_start3A_569 : memref<1x128xi32, #tpu.memory_space<vmem>> -> memref<128xi32, #tpu.memory_space<vmem>>
          %dma_start3A_571 = arith.constant 0 : i32
          %dma_start3A_572 = arith.constant 0 : i32
          %dma_start3A_573 = tpu.memref_slice %arg10[%dma_start3A_571, %dma_start3A_572] : memref<10240x128xf32, #tpu.memory_space<vmem_shared>> -> memref<10240x128xf32, #tpu.memory_space<vmem_shared>>
          tpu.enqueue_indirect_dma source(%dma_start3A_567 : memref<128x128xf32, #tpu.memory_space<vmem>>) target(%dma_start3A_573 : memref<10240x128xf32, #tpu.memory_space<vmem_shared>>) offsets(%dma_start3A_570 : memref<128xi32, #tpu.memory_space<vmem>>) semaphore(%run_scoped3A_563 : memref<!tpu.dma_semaphore, #tpu.memory_space<semaphore_mem>>) {add = true}
          %dma_wait3A_574 = arith.constant 0 : i32
          %dma_wait3A_575 = arith.constant 0 : i32
          %dma_wait3A_576 = tpu.memref_slice %arg9[%run_scoped3A_363, %dma_wait3A_574, %dma_wait3A_575] : memref<2x128x128xf32, #tpu.memory_space<vmem>> -> memref<1x128x128xf32, #tpu.memory_space<vmem>>
          %dma_wait3A_577 = tpu.memref_squeeze %dma_wait3A_576 : memref<1x128x128xf32, #tpu.memory_space<vmem>> -> memref<128x128xf32, #tpu.memory_space<vmem>>
          %dma_wait3A_578 = arith.constant 0 : i32
          %dma_wait3A_579 = tpu.memref_slice %arg8[%run_scoped3A_364, %dma_wait3A_578] : memref<16x128xi32, #tpu.memory_space<vmem>> -> memref<1x128xi32, #tpu.memory_space<vmem>>
          %dma_wait3A_580 = tpu.memref_squeeze %dma_wait3A_579 : memref<1x128xi32, #tpu.memory_space<vmem>> -> memref<128xi32, #tpu.memory_space<vmem>>
          %dma_wait3A_581 = arith.constant 0 : i32
          %dma_wait3A_582 = arith.constant 0 : i32
          %dma_wait3A_583 = tpu.memref_slice %arg10[%dma_wait3A_581, %dma_wait3A_582] : memref<10240x128xf32, #tpu.memory_space<vmem_shared>> -> memref<10240x128xf32, #tpu.memory_space<vmem_shared>>
          tpu.wait_indirect_dma semaphore(%run_scoped3A_563 : memref<!tpu.dma_semaphore, #tpu.memory_space<semaphore_mem>>) src(%dma_wait3A_577 : memref<128x128xf32, #tpu.memory_space<vmem>>) dst(%dma_wait3A_583 : memref<10240x128xf32, #tpu.memory_space<vmem_shared>>)
          tpu.yield
        }) : () -> ()
        %dma_start3A_365 = arith.constant 10 : i32
        %dma_start3A_366 = arith.constant 0 : i32
        %dma_start3A_367 = arith.constant 0 : i32
        %dma_start3A_368 = arith.constant 0 : i32
        %dma_start3A_369 = tpu.memref_slice %arg9[%dma_start3A_366, %dma_start3A_367, %dma_start3A_368] : memref<2x128x128xf32, #tpu.memory_space<vmem>> -> memref<1x128x128xf32, #tpu.memory_space<vmem>>
        %dma_start3A_370 = tpu.memref_squeeze %dma_start3A_369 : memref<1x128x128xf32, #tpu.memory_space<vmem>> -> memref<128x128xf32, #tpu.memory_space<vmem>>
        %dma_start3A_371 = arith.constant 0 : i32
        %dma_start3A_372 = tpu.memref_slice %arg7[%dma_start3A_365, %dma_start3A_371] : memref<16x128xi32, #tpu.memory_space<vmem>> -> memref<1x128xi32, #tpu.memory_space<vmem>>
        %dma_start3A_373 = tpu.memref_squeeze %dma_start3A_372 : memref<1x128xi32, #tpu.memory_space<vmem>> -> memref<128xi32, #tpu.memory_space<vmem>>
        %dma_start3A_374 = arith.constant 0 : i32
        %dma_start3A_375 = arith.constant 0 : i32
        %dma_start3A_376 = tpu.memref_slice %arg2[%dma_start3A_374, %dma_start3A_375] : memref<10000x128xf32, #tpu.memory_space<hbm>> -> memref<10000x128xf32, #tpu.memory_space<hbm>>
        tpu.enqueue_indirect_dma source(%dma_start3A_376 : memref<10000x128xf32, #tpu.memory_space<hbm>>) target(%dma_start3A_370 : memref<128x128xf32, #tpu.memory_space<vmem>>) offsets(%dma_start3A_373 : memref<128xi32, #tpu.memory_space<vmem>>) semaphore(%arg15 : memref<!tpu.dma_semaphore, #tpu.memory_space<semaphore_mem>>)
        %dma_wait3A_377 = arith.constant 9 : i32
        %dma_wait3A_378 = arith.constant 1 : i32
        %dma_wait3A_379 = arith.constant 0 : i32
        %dma_wait3A_380 = arith.constant 0 : i32
        %dma_wait3A_381 = tpu.memref_slice %arg9[%dma_wait3A_378, %dma_wait3A_379, %dma_wait3A_380] : memref<2x128x128xf32, #tpu.memory_space<vmem>> -> memref<1x128x128xf32, #tpu.memory_space<vmem>>
        %dma_wait3A_382 = tpu.memref_squeeze %dma_wait3A_381 : memref<1x128x128xf32, #tpu.memory_space<vmem>> -> memref<128x128xf32, #tpu.memory_space<vmem>>
        %dma_wait3A_383 = arith.constant 0 : i32
        %dma_wait3A_384 = tpu.memref_slice %arg7[%dma_wait3A_377, %dma_wait3A_383] : memref<16x128xi32, #tpu.memory_space<vmem>> -> memref<1x128xi32, #tpu.memory_space<vmem>>
        %dma_wait3A_385 = tpu.memref_squeeze %dma_wait3A_384 : memref<1x128xi32, #tpu.memory_space<vmem>> -> memref<128xi32, #tpu.memory_space<vmem>>
        %dma_wait3A_386 = arith.constant 0 : i32
        %dma_wait3A_387 = arith.constant 0 : i32
        %dma_wait3A_388 = tpu.memref_slice %arg2[%dma_wait3A_386, %dma_wait3A_387] : memref<10000x128xf32, #tpu.memory_space<hbm>> -> memref<10000x128xf32, #tpu.memory_space<hbm>>
        tpu.wait_indirect_dma semaphore(%arg16 : memref<!tpu.dma_semaphore, #tpu.memory_space<semaphore_mem>>) src(%dma_wait3A_388 : memref<10000x128xf32, #tpu.memory_space<hbm>>) dst(%dma_wait3A_382 : memref<128x128xf32, #tpu.memory_space<vmem>>)
        %run_scoped3A_389 = arith.constant 1 : i32
        %run_scoped3A_390 = arith.constant 9 : i32
        "tpu.region"() ({
          %run_scoped3A_563 = tpu.sem_alloc : memref<!tpu.dma_semaphore, #tpu.memory_space<semaphore_mem>>
          %dma_start3A_564 = arith.constant 0 : i32
          %dma_start3A_565 = arith.constant 0 : i32
          %dma_start3A_566 = tpu.memref_slice %arg9[%run_scoped3A_389, %dma_start3A_564, %dma_start3A_565] : memref<2x128x128xf32, #tpu.memory_space<vmem>> -> memref<1x128x128xf32, #tpu.memory_space<vmem>>
          %dma_start3A_567 = tpu.memref_squeeze %dma_start3A_566 : memref<1x128x128xf32, #tpu.memory_space<vmem>> -> memref<128x128xf32, #tpu.memory_space<vmem>>
          %dma_start3A_568 = arith.constant 0 : i32
          %dma_start3A_569 = tpu.memref_slice %arg8[%run_scoped3A_390, %dma_start3A_568] : memref<16x128xi32, #tpu.memory_space<vmem>> -> memref<1x128xi32, #tpu.memory_space<vmem>>
          %dma_start3A_570 = tpu.memref_squeeze %dma_start3A_569 : memref<1x128xi32, #tpu.memory_space<vmem>> -> memref<128xi32, #tpu.memory_space<vmem>>
          %dma_start3A_571 = arith.constant 0 : i32
          %dma_start3A_572 = arith.constant 0 : i32
          %dma_start3A_573 = tpu.memref_slice %arg10[%dma_start3A_571, %dma_start3A_572] : memref<10240x128xf32, #tpu.memory_space<vmem_shared>> -> memref<10240x128xf32, #tpu.memory_space<vmem_shared>>
          tpu.enqueue_indirect_dma source(%dma_start3A_567 : memref<128x128xf32, #tpu.memory_space<vmem>>) target(%dma_start3A_573 : memref<10240x128xf32, #tpu.memory_space<vmem_shared>>) offsets(%dma_start3A_570 : memref<128xi32, #tpu.memory_space<vmem>>) semaphore(%run_scoped3A_563 : memref<!tpu.dma_semaphore, #tpu.memory_space<semaphore_mem>>) {add = true}
          %dma_wait3A_574 = arith.constant 0 : i32
          %dma_wait3A_575 = arith.constant 0 : i32
          %dma_wait3A_576 = tpu.memref_slice %arg9[%run_scoped3A_389, %dma_wait3A_574, %dma_wait3A_575] : memref<2x128x128xf32, #tpu.memory_space<vmem>> -> memref<1x128x128xf32, #tpu.memory_space<vmem>>
          %dma_wait3A_577 = tpu.memref_squeeze %dma_wait3A_576 : memref<1x128x128xf32, #tpu.memory_space<vmem>> -> memref<128x128xf32, #tpu.memory_space<vmem>>
          %dma_wait3A_578 = arith.constant 0 : i32
          %dma_wait3A_579 = tpu.memref_slice %arg8[%run_scoped3A_390, %dma_wait3A_578] : memref<16x128xi32, #tpu.memory_space<vmem>> -> memref<1x128xi32, #tpu.memory_space<vmem>>
          %dma_wait3A_580 = tpu.memref_squeeze %dma_wait3A_579 : memref<1x128xi32, #tpu.memory_space<vmem>> -> memref<128xi32, #tpu.memory_space<vmem>>
          %dma_wait3A_581 = arith.constant 0 : i32
          %dma_wait3A_582 = arith.constant 0 : i32
          %dma_wait3A_583 = tpu.memref_slice %arg10[%dma_wait3A_581, %dma_wait3A_582] : memref<10240x128xf32, #tpu.memory_space<vmem_shared>> -> memref<10240x128xf32, #tpu.memory_space<vmem_shared>>
          tpu.wait_indirect_dma semaphore(%run_scoped3A_563 : memref<!tpu.dma_semaphore, #tpu.memory_space<semaphore_mem>>) src(%dma_wait3A_577 : memref<128x128xf32, #tpu.memory_space<vmem>>) dst(%dma_wait3A_583 : memref<10240x128xf32, #tpu.memory_space<vmem_shared>>)
          tpu.yield
        }) : () -> ()
        %dma_start3A_391 = arith.constant 11 : i32
        %dma_start3A_392 = arith.constant 1 : i32
        %dma_start3A_393 = arith.constant 0 : i32
        %dma_start3A_394 = arith.constant 0 : i32
        %dma_start3A_395 = tpu.memref_slice %arg9[%dma_start3A_392, %dma_start3A_393, %dma_start3A_394] : memref<2x128x128xf32, #tpu.memory_space<vmem>> -> memref<1x128x128xf32, #tpu.memory_space<vmem>>
        %dma_start3A_396 = tpu.memref_squeeze %dma_start3A_395 : memref<1x128x128xf32, #tpu.memory_space<vmem>> -> memref<128x128xf32, #tpu.memory_space<vmem>>
        %dma_start3A_397 = arith.constant 0 : i32
        %dma_start3A_398 = tpu.memref_slice %arg7[%dma_start3A_391, %dma_start3A_397] : memref<16x128xi32, #tpu.memory_space<vmem>> -> memref<1x128xi32, #tpu.memory_space<vmem>>
        %dma_start3A_399 = tpu.memref_squeeze %dma_start3A_398 : memref<1x128xi32, #tpu.memory_space<vmem>> -> memref<128xi32, #tpu.memory_space<vmem>>
        %dma_start3A_400 = arith.constant 0 : i32
        %dma_start3A_401 = arith.constant 0 : i32
        %dma_start3A_402 = tpu.memref_slice %arg2[%dma_start3A_400, %dma_start3A_401] : memref<10000x128xf32, #tpu.memory_space<hbm>> -> memref<10000x128xf32, #tpu.memory_space<hbm>>
        tpu.enqueue_indirect_dma source(%dma_start3A_402 : memref<10000x128xf32, #tpu.memory_space<hbm>>) target(%dma_start3A_396 : memref<128x128xf32, #tpu.memory_space<vmem>>) offsets(%dma_start3A_399 : memref<128xi32, #tpu.memory_space<vmem>>) semaphore(%arg16 : memref<!tpu.dma_semaphore, #tpu.memory_space<semaphore_mem>>)
        %dma_wait3A_403 = arith.constant 10 : i32
        %dma_wait3A_404 = arith.constant 0 : i32
        %dma_wait3A_405 = arith.constant 0 : i32
        %dma_wait3A_406 = arith.constant 0 : i32
        %dma_wait3A_407 = tpu.memref_slice %arg9[%dma_wait3A_404, %dma_wait3A_405, %dma_wait3A_406] : memref<2x128x128xf32, #tpu.memory_space<vmem>> -> memref<1x128x128xf32, #tpu.memory_space<vmem>>
        %dma_wait3A_408 = tpu.memref_squeeze %dma_wait3A_407 : memref<1x128x128xf32, #tpu.memory_space<vmem>> -> memref<128x128xf32, #tpu.memory_space<vmem>>
        %dma_wait3A_409 = arith.constant 0 : i32
        %dma_wait3A_410 = tpu.memref_slice %arg7[%dma_wait3A_403, %dma_wait3A_409] : memref<16x128xi32, #tpu.memory_space<vmem>> -> memref<1x128xi32, #tpu.memory_space<vmem>>
        %dma_wait3A_411 = tpu.memref_squeeze %dma_wait3A_410 : memref<1x128xi32, #tpu.memory_space<vmem>> -> memref<128xi32, #tpu.memory_space<vmem>>
        %dma_wait3A_412 = arith.constant 0 : i32
        %dma_wait3A_413 = arith.constant 0 : i32
        %dma_wait3A_414 = tpu.memref_slice %arg2[%dma_wait3A_412, %dma_wait3A_413] : memref<10000x128xf32, #tpu.memory_space<hbm>> -> memref<10000x128xf32, #tpu.memory_space<hbm>>
        tpu.wait_indirect_dma semaphore(%arg15 : memref<!tpu.dma_semaphore, #tpu.memory_space<semaphore_mem>>) src(%dma_wait3A_414 : memref<10000x128xf32, #tpu.memory_space<hbm>>) dst(%dma_wait3A_408 : memref<128x128xf32, #tpu.memory_space<vmem>>)
        %run_scoped3A_415 = arith.constant 0 : i32
        %run_scoped3A_416 = arith.constant 10 : i32
        "tpu.region"() ({
          %run_scoped3A_563 = tpu.sem_alloc : memref<!tpu.dma_semaphore, #tpu.memory_space<semaphore_mem>>
          %dma_start3A_564 = arith.constant 0 : i32
          %dma_start3A_565 = arith.constant 0 : i32
          %dma_start3A_566 = tpu.memref_slice %arg9[%run_scoped3A_415, %dma_start3A_564, %dma_start3A_565] : memref<2x128x128xf32, #tpu.memory_space<vmem>> -> memref<1x128x128xf32, #tpu.memory_space<vmem>>
          %dma_start3A_567 = tpu.memref_squeeze %dma_start3A_566 : memref<1x128x128xf32, #tpu.memory_space<vmem>> -> memref<128x128xf32, #tpu.memory_space<vmem>>
          %dma_start3A_568 = arith.constant 0 : i32
          %dma_start3A_569 = tpu.memref_slice %arg8[%run_scoped3A_416, %dma_start3A_568] : memref<16x128xi32, #tpu.memory_space<vmem>> -> memref<1x128xi32, #tpu.memory_space<vmem>>
          %dma_start3A_570 = tpu.memref_squeeze %dma_start3A_569 : memref<1x128xi32, #tpu.memory_space<vmem>> -> memref<128xi32, #tpu.memory_space<vmem>>
          %dma_start3A_571 = arith.constant 0 : i32
          %dma_start3A_572 = arith.constant 0 : i32
          %dma_start3A_573 = tpu.memref_slice %arg10[%dma_start3A_571, %dma_start3A_572] : memref<10240x128xf32, #tpu.memory_space<vmem_shared>> -> memref<10240x128xf32, #tpu.memory_space<vmem_shared>>
          tpu.enqueue_indirect_dma source(%dma_start3A_567 : memref<128x128xf32, #tpu.memory_space<vmem>>) target(%dma_start3A_573 : memref<10240x128xf32, #tpu.memory_space<vmem_shared>>) offsets(%dma_start3A_570 : memref<128xi32, #tpu.memory_space<vmem>>) semaphore(%run_scoped3A_563 : memref<!tpu.dma_semaphore, #tpu.memory_space<semaphore_mem>>) {add = true}
          %dma_wait3A_574 = arith.constant 0 : i32
          %dma_wait3A_575 = arith.constant 0 : i32
          %dma_wait3A_576 = tpu.memref_slice %arg9[%run_scoped3A_415, %dma_wait3A_574, %dma_wait3A_575] : memref<2x128x128xf32, #tpu.memory_space<vmem>> -> memref<1x128x128xf32, #tpu.memory_space<vmem>>
          %dma_wait3A_577 = tpu.memref_squeeze %dma_wait3A_576 : memref<1x128x128xf32, #tpu.memory_space<vmem>> -> memref<128x128xf32, #tpu.memory_space<vmem>>
          %dma_wait3A_578 = arith.constant 0 : i32
          %dma_wait3A_579 = tpu.memref_slice %arg8[%run_scoped3A_416, %dma_wait3A_578] : memref<16x128xi32, #tpu.memory_space<vmem>> -> memref<1x128xi32, #tpu.memory_space<vmem>>
          %dma_wait3A_580 = tpu.memref_squeeze %dma_wait3A_579 : memref<1x128xi32, #tpu.memory_space<vmem>> -> memref<128xi32, #tpu.memory_space<vmem>>
          %dma_wait3A_581 = arith.constant 0 : i32
          %dma_wait3A_582 = arith.constant 0 : i32
          %dma_wait3A_583 = tpu.memref_slice %arg10[%dma_wait3A_581, %dma_wait3A_582] : memref<10240x128xf32, #tpu.memory_space<vmem_shared>> -> memref<10240x128xf32, #tpu.memory_space<vmem_shared>>
          tpu.wait_indirect_dma semaphore(%run_scoped3A_563 : memref<!tpu.dma_semaphore, #tpu.memory_space<semaphore_mem>>) src(%dma_wait3A_577 : memref<128x128xf32, #tpu.memory_space<vmem>>) dst(%dma_wait3A_583 : memref<10240x128xf32, #tpu.memory_space<vmem_shared>>)
          tpu.yield
        }) : () -> ()
        %dma_start3A_417 = arith.constant 12 : i32
        %dma_start3A_418 = arith.constant 0 : i32
        %dma_start3A_419 = arith.constant 0 : i32
        %dma_start3A_420 = arith.constant 0 : i32
        %dma_start3A_421 = tpu.memref_slice %arg9[%dma_start3A_418, %dma_start3A_419, %dma_start3A_420] : memref<2x128x128xf32, #tpu.memory_space<vmem>> -> memref<1x128x128xf32, #tpu.memory_space<vmem>>
        %dma_start3A_422 = tpu.memref_squeeze %dma_start3A_421 : memref<1x128x128xf32, #tpu.memory_space<vmem>> -> memref<128x128xf32, #tpu.memory_space<vmem>>
        %dma_start3A_423 = arith.constant 0 : i32
        %dma_start3A_424 = tpu.memref_slice %arg7[%dma_start3A_417, %dma_start3A_423] : memref<16x128xi32, #tpu.memory_space<vmem>> -> memref<1x128xi32, #tpu.memory_space<vmem>>
        %dma_start3A_425 = tpu.memref_squeeze %dma_start3A_424 : memref<1x128xi32, #tpu.memory_space<vmem>> -> memref<128xi32, #tpu.memory_space<vmem>>
        %dma_start3A_426 = arith.constant 0 : i32
        %dma_start3A_427 = arith.constant 0 : i32
        %dma_start3A_428 = tpu.memref_slice %arg2[%dma_start3A_426, %dma_start3A_427] : memref<10000x128xf32, #tpu.memory_space<hbm>> -> memref<10000x128xf32, #tpu.memory_space<hbm>>
        tpu.enqueue_indirect_dma source(%dma_start3A_428 : memref<10000x128xf32, #tpu.memory_space<hbm>>) target(%dma_start3A_422 : memref<128x128xf32, #tpu.memory_space<vmem>>) offsets(%dma_start3A_425 : memref<128xi32, #tpu.memory_space<vmem>>) semaphore(%arg15 : memref<!tpu.dma_semaphore, #tpu.memory_space<semaphore_mem>>)
        %dma_wait3A_429 = arith.constant 11 : i32
        %dma_wait3A_430 = arith.constant 1 : i32
        %dma_wait3A_431 = arith.constant 0 : i32
        %dma_wait3A_432 = arith.constant 0 : i32
        %dma_wait3A_433 = tpu.memref_slice %arg9[%dma_wait3A_430, %dma_wait3A_431, %dma_wait3A_432] : memref<2x128x128xf32, #tpu.memory_space<vmem>> -> memref<1x128x128xf32, #tpu.memory_space<vmem>>
        %dma_wait3A_434 = tpu.memref_squeeze %dma_wait3A_433 : memref<1x128x128xf32, #tpu.memory_space<vmem>> -> memref<128x128xf32, #tpu.memory_space<vmem>>
        %dma_wait3A_435 = arith.constant 0 : i32
        %dma_wait3A_436 = tpu.memref_slice %arg7[%dma_wait3A_429, %dma_wait3A_435] : memref<16x128xi32, #tpu.memory_space<vmem>> -> memref<1x128xi32, #tpu.memory_space<vmem>>
        %dma_wait3A_437 = tpu.memref_squeeze %dma_wait3A_436 : memref<1x128xi32, #tpu.memory_space<vmem>> -> memref<128xi32, #tpu.memory_space<vmem>>
        %dma_wait3A_438 = arith.constant 0 : i32
        %dma_wait3A_439 = arith.constant 0 : i32
        %dma_wait3A_440 = tpu.memref_slice %arg2[%dma_wait3A_438, %dma_wait3A_439] : memref<10000x128xf32, #tpu.memory_space<hbm>> -> memref<10000x128xf32, #tpu.memory_space<hbm>>
        tpu.wait_indirect_dma semaphore(%arg16 : memref<!tpu.dma_semaphore, #tpu.memory_space<semaphore_mem>>) src(%dma_wait3A_440 : memref<10000x128xf32, #tpu.memory_space<hbm>>) dst(%dma_wait3A_434 : memref<128x128xf32, #tpu.memory_space<vmem>>)
        %run_scoped3A_441 = arith.constant 1 : i32
        %run_scoped3A_442 = arith.constant 11 : i32
        "tpu.region"() ({
          %run_scoped3A_563 = tpu.sem_alloc : memref<!tpu.dma_semaphore, #tpu.memory_space<semaphore_mem>>
          %dma_start3A_564 = arith.constant 0 : i32
          %dma_start3A_565 = arith.constant 0 : i32
          %dma_start3A_566 = tpu.memref_slice %arg9[%run_scoped3A_441, %dma_start3A_564, %dma_start3A_565] : memref<2x128x128xf32, #tpu.memory_space<vmem>> -> memref<1x128x128xf32, #tpu.memory_space<vmem>>
          %dma_start3A_567 = tpu.memref_squeeze %dma_start3A_566 : memref<1x128x128xf32, #tpu.memory_space<vmem>> -> memref<128x128xf32, #tpu.memory_space<vmem>>
          %dma_start3A_568 = arith.constant 0 : i32
          %dma_start3A_569 = tpu.memref_slice %arg8[%run_scoped3A_442, %dma_start3A_568] : memref<16x128xi32, #tpu.memory_space<vmem>> -> memref<1x128xi32, #tpu.memory_space<vmem>>
          %dma_start3A_570 = tpu.memref_squeeze %dma_start3A_569 : memref<1x128xi32, #tpu.memory_space<vmem>> -> memref<128xi32, #tpu.memory_space<vmem>>
          %dma_start3A_571 = arith.constant 0 : i32
          %dma_start3A_572 = arith.constant 0 : i32
          %dma_start3A_573 = tpu.memref_slice %arg10[%dma_start3A_571, %dma_start3A_572] : memref<10240x128xf32, #tpu.memory_space<vmem_shared>> -> memref<10240x128xf32, #tpu.memory_space<vmem_shared>>
          tpu.enqueue_indirect_dma source(%dma_start3A_567 : memref<128x128xf32, #tpu.memory_space<vmem>>) target(%dma_start3A_573 : memref<10240x128xf32, #tpu.memory_space<vmem_shared>>) offsets(%dma_start3A_570 : memref<128xi32, #tpu.memory_space<vmem>>) semaphore(%run_scoped3A_563 : memref<!tpu.dma_semaphore, #tpu.memory_space<semaphore_mem>>) {add = true}
          %dma_wait3A_574 = arith.constant 0 : i32
          %dma_wait3A_575 = arith.constant 0 : i32
          %dma_wait3A_576 = tpu.memref_slice %arg9[%run_scoped3A_441, %dma_wait3A_574, %dma_wait3A_575] : memref<2x128x128xf32, #tpu.memory_space<vmem>> -> memref<1x128x128xf32, #tpu.memory_space<vmem>>
          %dma_wait3A_577 = tpu.memref_squeeze %dma_wait3A_576 : memref<1x128x128xf32, #tpu.memory_space<vmem>> -> memref<128x128xf32, #tpu.memory_space<vmem>>
          %dma_wait3A_578 = arith.constant 0 : i32
          %dma_wait3A_579 = tpu.memref_slice %arg8[%run_scoped3A_442, %dma_wait3A_578] : memref<16x128xi32, #tpu.memory_space<vmem>> -> memref<1x128xi32, #tpu.memory_space<vmem>>
          %dma_wait3A_580 = tpu.memref_squeeze %dma_wait3A_579 : memref<1x128xi32, #tpu.memory_space<vmem>> -> memref<128xi32, #tpu.memory_space<vmem>>
          %dma_wait3A_581 = arith.constant 0 : i32
          %dma_wait3A_582 = arith.constant 0 : i32
          %dma_wait3A_583 = tpu.memref_slice %arg10[%dma_wait3A_581, %dma_wait3A_582] : memref<10240x128xf32, #tpu.memory_space<vmem_shared>> -> memref<10240x128xf32, #tpu.memory_space<vmem_shared>>
          tpu.wait_indirect_dma semaphore(%run_scoped3A_563 : memref<!tpu.dma_semaphore, #tpu.memory_space<semaphore_mem>>) src(%dma_wait3A_577 : memref<128x128xf32, #tpu.memory_space<vmem>>) dst(%dma_wait3A_583 : memref<10240x128xf32, #tpu.memory_space<vmem_shared>>)
          tpu.yield
        }) : () -> ()
        %dma_start3A_443 = arith.constant 13 : i32
        %dma_start3A_444 = arith.constant 1 : i32
        %dma_start3A_445 = arith.constant 0 : i32
        %dma_start3A_446 = arith.constant 0 : i32
        %dma_start3A_447 = tpu.memref_slice %arg9[%dma_start3A_444, %dma_start3A_445, %dma_start3A_446] : memref<2x128x128xf32, #tpu.memory_space<vmem>> -> memref<1x128x128xf32, #tpu.memory_space<vmem>>
        %dma_start3A_448 = tpu.memref_squeeze %dma_start3A_447 : memref<1x128x128xf32, #tpu.memory_space<vmem>> -> memref<128x128xf32, #tpu.memory_space<vmem>>
        %dma_start3A_449 = arith.constant 0 : i32
        %dma_start3A_450 = tpu.memref_slice %arg7[%dma_start3A_443, %dma_start3A_449] : memref<16x128xi32, #tpu.memory_space<vmem>> -> memref<1x128xi32, #tpu.memory_space<vmem>>
        %dma_start3A_451 = tpu.memref_squeeze %dma_start3A_450 : memref<1x128xi32, #tpu.memory_space<vmem>> -> memref<128xi32, #tpu.memory_space<vmem>>
        %dma_start3A_452 = arith.constant 0 : i32
        %dma_start3A_453 = arith.constant 0 : i32
        %dma_start3A_454 = tpu.memref_slice %arg2[%dma_start3A_452, %dma_start3A_453] : memref<10000x128xf32, #tpu.memory_space<hbm>> -> memref<10000x128xf32, #tpu.memory_space<hbm>>
        tpu.enqueue_indirect_dma source(%dma_start3A_454 : memref<10000x128xf32, #tpu.memory_space<hbm>>) target(%dma_start3A_448 : memref<128x128xf32, #tpu.memory_space<vmem>>) offsets(%dma_start3A_451 : memref<128xi32, #tpu.memory_space<vmem>>) semaphore(%arg16 : memref<!tpu.dma_semaphore, #tpu.memory_space<semaphore_mem>>)
        %dma_wait3A_455 = arith.constant 12 : i32
        %dma_wait3A_456 = arith.constant 0 : i32
        %dma_wait3A_457 = arith.constant 0 : i32
        %dma_wait3A_458 = arith.constant 0 : i32
        %dma_wait3A_459 = tpu.memref_slice %arg9[%dma_wait3A_456, %dma_wait3A_457, %dma_wait3A_458] : memref<2x128x128xf32, #tpu.memory_space<vmem>> -> memref<1x128x128xf32, #tpu.memory_space<vmem>>
        %dma_wait3A_460 = tpu.memref_squeeze %dma_wait3A_459 : memref<1x128x128xf32, #tpu.memory_space<vmem>> -> memref<128x128xf32, #tpu.memory_space<vmem>>
        %dma_wait3A_461 = arith.constant 0 : i32
        %dma_wait3A_462 = tpu.memref_slice %arg7[%dma_wait3A_455, %dma_wait3A_461] : memref<16x128xi32, #tpu.memory_space<vmem>> -> memref<1x128xi32, #tpu.memory_space<vmem>>
        %dma_wait3A_463 = tpu.memref_squeeze %dma_wait3A_462 : memref<1x128xi32, #tpu.memory_space<vmem>> -> memref<128xi32, #tpu.memory_space<vmem>>
        %dma_wait3A_464 = arith.constant 0 : i32
        %dma_wait3A_465 = arith.constant 0 : i32
        %dma_wait3A_466 = tpu.memref_slice %arg2[%dma_wait3A_464, %dma_wait3A_465] : memref<10000x128xf32, #tpu.memory_space<hbm>> -> memref<10000x128xf32, #tpu.memory_space<hbm>>
        tpu.wait_indirect_dma semaphore(%arg15 : memref<!tpu.dma_semaphore, #tpu.memory_space<semaphore_mem>>) src(%dma_wait3A_466 : memref<10000x128xf32, #tpu.memory_space<hbm>>) dst(%dma_wait3A_460 : memref<128x128xf32, #tpu.memory_space<vmem>>)
        %run_scoped3A_467 = arith.constant 0 : i32
        %run_scoped3A_468 = arith.constant 12 : i32
        "tpu.region"() ({
          %run_scoped3A_563 = tpu.sem_alloc : memref<!tpu.dma_semaphore, #tpu.memory_space<semaphore_mem>>
          %dma_start3A_564 = arith.constant 0 : i32
          %dma_start3A_565 = arith.constant 0 : i32
          %dma_start3A_566 = tpu.memref_slice %arg9[%run_scoped3A_467, %dma_start3A_564, %dma_start3A_565] : memref<2x128x128xf32, #tpu.memory_space<vmem>> -> memref<1x128x128xf32, #tpu.memory_space<vmem>>
          %dma_start3A_567 = tpu.memref_squeeze %dma_start3A_566 : memref<1x128x128xf32, #tpu.memory_space<vmem>> -> memref<128x128xf32, #tpu.memory_space<vmem>>
          %dma_start3A_568 = arith.constant 0 : i32
          %dma_start3A_569 = tpu.memref_slice %arg8[%run_scoped3A_468, %dma_start3A_568] : memref<16x128xi32, #tpu.memory_space<vmem>> -> memref<1x128xi32, #tpu.memory_space<vmem>>
          %dma_start3A_570 = tpu.memref_squeeze %dma_start3A_569 : memref<1x128xi32, #tpu.memory_space<vmem>> -> memref<128xi32, #tpu.memory_space<vmem>>
          %dma_start3A_571 = arith.constant 0 : i32
          %dma_start3A_572 = arith.constant 0 : i32
          %dma_start3A_573 = tpu.memref_slice %arg10[%dma_start3A_571, %dma_start3A_572] : memref<10240x128xf32, #tpu.memory_space<vmem_shared>> -> memref<10240x128xf32, #tpu.memory_space<vmem_shared>>
          tpu.enqueue_indirect_dma source(%dma_start3A_567 : memref<128x128xf32, #tpu.memory_space<vmem>>) target(%dma_start3A_573 : memref<10240x128xf32, #tpu.memory_space<vmem_shared>>) offsets(%dma_start3A_570 : memref<128xi32, #tpu.memory_space<vmem>>) semaphore(%run_scoped3A_563 : memref<!tpu.dma_semaphore, #tpu.memory_space<semaphore_mem>>) {add = true}
          %dma_wait3A_574 = arith.constant 0 : i32
          %dma_wait3A_575 = arith.constant 0 : i32
          %dma_wait3A_576 = tpu.memref_slice %arg9[%run_scoped3A_467, %dma_wait3A_574, %dma_wait3A_575] : memref<2x128x128xf32, #tpu.memory_space<vmem>> -> memref<1x128x128xf32, #tpu.memory_space<vmem>>
          %dma_wait3A_577 = tpu.memref_squeeze %dma_wait3A_576 : memref<1x128x128xf32, #tpu.memory_space<vmem>> -> memref<128x128xf32, #tpu.memory_space<vmem>>
          %dma_wait3A_578 = arith.constant 0 : i32
          %dma_wait3A_579 = tpu.memref_slice %arg8[%run_scoped3A_468, %dma_wait3A_578] : memref<16x128xi32, #tpu.memory_space<vmem>> -> memref<1x128xi32, #tpu.memory_space<vmem>>
          %dma_wait3A_580 = tpu.memref_squeeze %dma_wait3A_579 : memref<1x128xi32, #tpu.memory_space<vmem>> -> memref<128xi32, #tpu.memory_space<vmem>>
          %dma_wait3A_581 = arith.constant 0 : i32
          %dma_wait3A_582 = arith.constant 0 : i32
          %dma_wait3A_583 = tpu.memref_slice %arg10[%dma_wait3A_581, %dma_wait3A_582] : memref<10240x128xf32, #tpu.memory_space<vmem_shared>> -> memref<10240x128xf32, #tpu.memory_space<vmem_shared>>
          tpu.wait_indirect_dma semaphore(%run_scoped3A_563 : memref<!tpu.dma_semaphore, #tpu.memory_space<semaphore_mem>>) src(%dma_wait3A_577 : memref<128x128xf32, #tpu.memory_space<vmem>>) dst(%dma_wait3A_583 : memref<10240x128xf32, #tpu.memory_space<vmem_shared>>)
          tpu.yield
        }) : () -> ()
        %dma_start3A_469 = arith.constant 14 : i32
        %dma_start3A_470 = arith.constant 0 : i32
        %dma_start3A_471 = arith.constant 0 : i32
        %dma_start3A_472 = arith.constant 0 : i32
        %dma_start3A_473 = tpu.memref_slice %arg9[%dma_start3A_470, %dma_start3A_471, %dma_start3A_472] : memref<2x128x128xf32, #tpu.memory_space<vmem>> -> memref<1x128x128xf32, #tpu.memory_space<vmem>>
        %dma_start3A_474 = tpu.memref_squeeze %dma_start3A_473 : memref<1x128x128xf32, #tpu.memory_space<vmem>> -> memref<128x128xf32, #tpu.memory_space<vmem>>
        %dma_start3A_475 = arith.constant 0 : i32
        %dma_start3A_476 = tpu.memref_slice %arg7[%dma_start3A_469, %dma_start3A_475] : memref<16x128xi32, #tpu.memory_space<vmem>> -> memref<1x128xi32, #tpu.memory_space<vmem>>
        %dma_start3A_477 = tpu.memref_squeeze %dma_start3A_476 : memref<1x128xi32, #tpu.memory_space<vmem>> -> memref<128xi32, #tpu.memory_space<vmem>>
        %dma_start3A_478 = arith.constant 0 : i32
        %dma_start3A_479 = arith.constant 0 : i32
        %dma_start3A_480 = tpu.memref_slice %arg2[%dma_start3A_478, %dma_start3A_479] : memref<10000x128xf32, #tpu.memory_space<hbm>> -> memref<10000x128xf32, #tpu.memory_space<hbm>>
        tpu.enqueue_indirect_dma source(%dma_start3A_480 : memref<10000x128xf32, #tpu.memory_space<hbm>>) target(%dma_start3A_474 : memref<128x128xf32, #tpu.memory_space<vmem>>) offsets(%dma_start3A_477 : memref<128xi32, #tpu.memory_space<vmem>>) semaphore(%arg15 : memref<!tpu.dma_semaphore, #tpu.memory_space<semaphore_mem>>)
        %dma_wait3A_481 = arith.constant 13 : i32
        %dma_wait3A_482 = arith.constant 1 : i32
        %dma_wait3A_483 = arith.constant 0 : i32
        %dma_wait3A_484 = arith.constant 0 : i32
        %dma_wait3A_485 = tpu.memref_slice %arg9[%dma_wait3A_482, %dma_wait3A_483, %dma_wait3A_484] : memref<2x128x128xf32, #tpu.memory_space<vmem>> -> memref<1x128x128xf32, #tpu.memory_space<vmem>>
        %dma_wait3A_486 = tpu.memref_squeeze %dma_wait3A_485 : memref<1x128x128xf32, #tpu.memory_space<vmem>> -> memref<128x128xf32, #tpu.memory_space<vmem>>
        %dma_wait3A_487 = arith.constant 0 : i32
        %dma_wait3A_488 = tpu.memref_slice %arg7[%dma_wait3A_481, %dma_wait3A_487] : memref<16x128xi32, #tpu.memory_space<vmem>> -> memref<1x128xi32, #tpu.memory_space<vmem>>
        %dma_wait3A_489 = tpu.memref_squeeze %dma_wait3A_488 : memref<1x128xi32, #tpu.memory_space<vmem>> -> memref<128xi32, #tpu.memory_space<vmem>>
        %dma_wait3A_490 = arith.constant 0 : i32
        %dma_wait3A_491 = arith.constant 0 : i32
        %dma_wait3A_492 = tpu.memref_slice %arg2[%dma_wait3A_490, %dma_wait3A_491] : memref<10000x128xf32, #tpu.memory_space<hbm>> -> memref<10000x128xf32, #tpu.memory_space<hbm>>
        tpu.wait_indirect_dma semaphore(%arg16 : memref<!tpu.dma_semaphore, #tpu.memory_space<semaphore_mem>>) src(%dma_wait3A_492 : memref<10000x128xf32, #tpu.memory_space<hbm>>) dst(%dma_wait3A_486 : memref<128x128xf32, #tpu.memory_space<vmem>>)
        %run_scoped3A_493 = arith.constant 1 : i32
        %run_scoped3A_494 = arith.constant 13 : i32
        "tpu.region"() ({
          %run_scoped3A_563 = tpu.sem_alloc : memref<!tpu.dma_semaphore, #tpu.memory_space<semaphore_mem>>
          %dma_start3A_564 = arith.constant 0 : i32
          %dma_start3A_565 = arith.constant 0 : i32
          %dma_start3A_566 = tpu.memref_slice %arg9[%run_scoped3A_493, %dma_start3A_564, %dma_start3A_565] : memref<2x128x128xf32, #tpu.memory_space<vmem>> -> memref<1x128x128xf32, #tpu.memory_space<vmem>>
          %dma_start3A_567 = tpu.memref_squeeze %dma_start3A_566 : memref<1x128x128xf32, #tpu.memory_space<vmem>> -> memref<128x128xf32, #tpu.memory_space<vmem>>
          %dma_start3A_568 = arith.constant 0 : i32
          %dma_start3A_569 = tpu.memref_slice %arg8[%run_scoped3A_494, %dma_start3A_568] : memref<16x128xi32, #tpu.memory_space<vmem>> -> memref<1x128xi32, #tpu.memory_space<vmem>>
          %dma_start3A_570 = tpu.memref_squeeze %dma_start3A_569 : memref<1x128xi32, #tpu.memory_space<vmem>> -> memref<128xi32, #tpu.memory_space<vmem>>
          %dma_start3A_571 = arith.constant 0 : i32
          %dma_start3A_572 = arith.constant 0 : i32
          %dma_start3A_573 = tpu.memref_slice %arg10[%dma_start3A_571, %dma_start3A_572] : memref<10240x128xf32, #tpu.memory_space<vmem_shared>> -> memref<10240x128xf32, #tpu.memory_space<vmem_shared>>
          tpu.enqueue_indirect_dma source(%dma_start3A_567 : memref<128x128xf32, #tpu.memory_space<vmem>>) target(%dma_start3A_573 : memref<10240x128xf32, #tpu.memory_space<vmem_shared>>) offsets(%dma_start3A_570 : memref<128xi32, #tpu.memory_space<vmem>>) semaphore(%run_scoped3A_563 : memref<!tpu.dma_semaphore, #tpu.memory_space<semaphore_mem>>) {add = true}
          %dma_wait3A_574 = arith.constant 0 : i32
          %dma_wait3A_575 = arith.constant 0 : i32
          %dma_wait3A_576 = tpu.memref_slice %arg9[%run_scoped3A_493, %dma_wait3A_574, %dma_wait3A_575] : memref<2x128x128xf32, #tpu.memory_space<vmem>> -> memref<1x128x128xf32, #tpu.memory_space<vmem>>
          %dma_wait3A_577 = tpu.memref_squeeze %dma_wait3A_576 : memref<1x128x128xf32, #tpu.memory_space<vmem>> -> memref<128x128xf32, #tpu.memory_space<vmem>>
          %dma_wait3A_578 = arith.constant 0 : i32
          %dma_wait3A_579 = tpu.memref_slice %arg8[%run_scoped3A_494, %dma_wait3A_578] : memref<16x128xi32, #tpu.memory_space<vmem>> -> memref<1x128xi32, #tpu.memory_space<vmem>>
          %dma_wait3A_580 = tpu.memref_squeeze %dma_wait3A_579 : memref<1x128xi32, #tpu.memory_space<vmem>> -> memref<128xi32, #tpu.memory_space<vmem>>
          %dma_wait3A_581 = arith.constant 0 : i32
          %dma_wait3A_582 = arith.constant 0 : i32
          %dma_wait3A_583 = tpu.memref_slice %arg10[%dma_wait3A_581, %dma_wait3A_582] : memref<10240x128xf32, #tpu.memory_space<vmem_shared>> -> memref<10240x128xf32, #tpu.memory_space<vmem_shared>>
          tpu.wait_indirect_dma semaphore(%run_scoped3A_563 : memref<!tpu.dma_semaphore, #tpu.memory_space<semaphore_mem>>) src(%dma_wait3A_577 : memref<128x128xf32, #tpu.memory_space<vmem>>) dst(%dma_wait3A_583 : memref<10240x128xf32, #tpu.memory_space<vmem_shared>>)
          tpu.yield
        }) : () -> ()
        %dma_start3A_495 = arith.constant 15 : i32
        %dma_start3A_496 = arith.constant 1 : i32
        %dma_start3A_497 = arith.constant 0 : i32
        %dma_start3A_498 = arith.constant 0 : i32
        %dma_start3A_499 = tpu.memref_slice %arg9[%dma_start3A_496, %dma_start3A_497, %dma_start3A_498] : memref<2x128x128xf32, #tpu.memory_space<vmem>> -> memref<1x128x128xf32, #tpu.memory_space<vmem>>
        %dma_start3A_500 = tpu.memref_squeeze %dma_start3A_499 : memref<1x128x128xf32, #tpu.memory_space<vmem>> -> memref<128x128xf32, #tpu.memory_space<vmem>>
        %dma_start3A_501 = arith.constant 0 : i32
        %dma_start3A_502 = tpu.memref_slice %arg7[%dma_start3A_495, %dma_start3A_501] : memref<16x128xi32, #tpu.memory_space<vmem>> -> memref<1x128xi32, #tpu.memory_space<vmem>>
        %dma_start3A_503 = tpu.memref_squeeze %dma_start3A_502 : memref<1x128xi32, #tpu.memory_space<vmem>> -> memref<128xi32, #tpu.memory_space<vmem>>
        %dma_start3A_504 = arith.constant 0 : i32
        %dma_start3A_505 = arith.constant 0 : i32
        %dma_start3A_506 = tpu.memref_slice %arg2[%dma_start3A_504, %dma_start3A_505] : memref<10000x128xf32, #tpu.memory_space<hbm>> -> memref<10000x128xf32, #tpu.memory_space<hbm>>
        tpu.enqueue_indirect_dma source(%dma_start3A_506 : memref<10000x128xf32, #tpu.memory_space<hbm>>) target(%dma_start3A_500 : memref<128x128xf32, #tpu.memory_space<vmem>>) offsets(%dma_start3A_503 : memref<128xi32, #tpu.memory_space<vmem>>) semaphore(%arg16 : memref<!tpu.dma_semaphore, #tpu.memory_space<semaphore_mem>>)
        %add3A_507 = arith.constant 1 : i32
        %add3A_508 = arith.addi %add3A_350, %add3A_507 : i32
        %lt3A_509 = arith.constant 20 : i32
        %lt3A_510 = arith.cmpi slt, %add3A_508, %lt3A_509 : i32
        %convert_element_type3A_511 = arith.extui %lt3A_510 : i1 to i32
        %cond3A_512 = arith.constant 0 : i32
        %cond3A_513 = arith.cmpi ne, %convert_element_type3A_511, %cond3A_512 : i32
        scf.if %cond3A_513 {
          %add3A_563 = arith.constant 1 : i32
          %add3A_564 = arith.addi %add3A_350, %add3A_563 : i32
          %add3A_565 = arith.addi %mul3A_0, %add3A_564 : i32
          %dma_wait3A_566 = arith.constant 0 : i32
          %dma_wait3A_567 = arith.constant 0 : i32
          %dma_wait3A_568 = tpu.memref_slice %arg7[%dma_wait3A_566, %dma_wait3A_567] : memref<16x128xi32, #tpu.memory_space<vmem>> -> memref<8x128xi32, #tpu.memory_space<vmem>>
          %dma_wait3A_569 = arith.constant 0 : i32
          %dma_wait3A_570 = arith.constant 0 : i32
          %dma_wait3A_571 = tpu.memref_slice %arg3[%add3A_565, %dma_wait3A_569, %dma_wait3A_570] : memref<320x8x128xi32, #tpu.memory_space<hbm>> -> memref<1x8x128xi32, #tpu.memory_space<hbm>>
          %dma_wait3A_572 = tpu.memref_squeeze %dma_wait3A_571 : memref<1x8x128xi32, #tpu.memory_space<hbm>> -> memref<8x128xi32, #tpu.memory_space<hbm>>
          %dma_wait3A_573 = arith.constant 0 : i32
          %dma_wait3A_574 = arith.constant 0 : i32
          %dma_wait3A_575 = tpu.memref_slice %arg7[%dma_wait3A_573, %dma_wait3A_574] : memref<16x128xi32, #tpu.memory_space<vmem>> -> memref<8x128xi32, #tpu.memory_space<vmem>>
          %dma_wait3A_576 = arith.constant 0 : i32
          %dma_wait3A_577 = arith.constant 0 : i32
          %dma_wait3A_578 = tpu.memref_slice %arg3[%add3A_565, %dma_wait3A_576, %dma_wait3A_577] : memref<320x8x128xi32, #tpu.memory_space<hbm>> -> memref<1x8x128xi32, #tpu.memory_space<hbm>>
          %dma_wait3A_579 = tpu.memref_squeeze %dma_wait3A_578 : memref<1x8x128xi32, #tpu.memory_space<hbm>> -> memref<8x128xi32, #tpu.memory_space<hbm>>
          tpu.wait_dma2 semaphore(%arg11 : memref<!tpu.dma_semaphore, #tpu.memory_space<semaphore_mem>>) src(%dma_wait3A_579 : memref<8x128xi32, #tpu.memory_space<hbm>>) dst(%dma_wait3A_575 : memref<8x128xi32, #tpu.memory_space<vmem>>)
          %add3A_580 = arith.addi %mul3A_0, %add3A_564 : i32
          %dma_wait3A_581 = arith.constant 0 : i32
          %dma_wait3A_582 = arith.constant 0 : i32
          %dma_wait3A_583 = tpu.memref_slice %arg8[%dma_wait3A_581, %dma_wait3A_582] : memref<16x128xi32, #tpu.memory_space<vmem>> -> memref<8x128xi32, #tpu.memory_space<vmem>>
          %dma_wait3A_584 = arith.constant 0 : i32
          %dma_wait3A_585 = arith.constant 0 : i32
          %dma_wait3A_586 = tpu.memref_slice %arg4[%add3A_580, %dma_wait3A_584, %dma_wait3A_585] : memref<320x8x128xi32, #tpu.memory_space<hbm>> -> memref<1x8x128xi32, #tpu.memory_space<hbm>>
          %dma_wait3A_587 = tpu.memref_squeeze %dma_wait3A_586 : memref<1x8x128xi32, #tpu.memory_space<hbm>> -> memref<8x128xi32, #tpu.memory_space<hbm>>
          %dma_wait3A_588 = arith.constant 0 : i32
          %dma_wait3A_589 = arith.constant 0 : i32
          %dma_wait3A_590 = tpu.memref_slice %arg8[%dma_wait3A_588, %dma_wait3A_589] : memref<16x128xi32, #tpu.memory_space<vmem>> -> memref<8x128xi32, #tpu.memory_space<vmem>>
          %dma_wait3A_591 = arith.constant 0 : i32
          %dma_wait3A_592 = arith.constant 0 : i32
          %dma_wait3A_593 = tpu.memref_slice %arg4[%add3A_580, %dma_wait3A_591, %dma_wait3A_592] : memref<320x8x128xi32, #tpu.memory_space<hbm>> -> memref<1x8x128xi32, #tpu.memory_space<hbm>>
          %dma_wait3A_594 = tpu.memref_squeeze %dma_wait3A_593 : memref<1x8x128xi32, #tpu.memory_space<hbm>> -> memref<8x128xi32, #tpu.memory_space<hbm>>
          tpu.wait_dma2 semaphore(%arg13 : memref<!tpu.dma_semaphore, #tpu.memory_space<semaphore_mem>>) src(%dma_wait3A_594 : memref<8x128xi32, #tpu.memory_space<hbm>>) dst(%dma_wait3A_590 : memref<8x128xi32, #tpu.memory_space<vmem>>)
        } else {
        }
        %dma_wait3A_514 = arith.constant 14 : i32
        %dma_wait3A_515 = arith.constant 0 : i32
        %dma_wait3A_516 = arith.constant 0 : i32
        %dma_wait3A_517 = arith.constant 0 : i32
        %dma_wait3A_518 = tpu.memref_slice %arg9[%dma_wait3A_515, %dma_wait3A_516, %dma_wait3A_517] : memref<2x128x128xf32, #tpu.memory_space<vmem>> -> memref<1x128x128xf32, #tpu.memory_space<vmem>>
        %dma_wait3A_519 = tpu.memref_squeeze %dma_wait3A_518 : memref<1x128x128xf32, #tpu.memory_space<vmem>> -> memref<128x128xf32, #tpu.memory_space<vmem>>
        %dma_wait3A_520 = arith.constant 0 : i32
        %dma_wait3A_521 = tpu.memref_slice %arg7[%dma_wait3A_514, %dma_wait3A_520] : memref<16x128xi32, #tpu.memory_space<vmem>> -> memref<1x128xi32, #tpu.memory_space<vmem>>
        %dma_wait3A_522 = tpu.memref_squeeze %dma_wait3A_521 : memref<1x128xi32, #tpu.memory_space<vmem>> -> memref<128xi32, #tpu.memory_space<vmem>>
        %dma_wait3A_523 = arith.constant 0 : i32
        %dma_wait3A_524 = arith.constant 0 : i32
        %dma_wait3A_525 = tpu.memref_slice %arg2[%dma_wait3A_523, %dma_wait3A_524] : memref<10000x128xf32, #tpu.memory_space<hbm>> -> memref<10000x128xf32, #tpu.memory_space<hbm>>
        tpu.wait_indirect_dma semaphore(%arg15 : memref<!tpu.dma_semaphore, #tpu.memory_space<semaphore_mem>>) src(%dma_wait3A_525 : memref<10000x128xf32, #tpu.memory_space<hbm>>) dst(%dma_wait3A_519 : memref<128x128xf32, #tpu.memory_space<vmem>>)
        %run_scoped3A_526 = arith.constant 0 : i32
        %run_scoped3A_527 = arith.constant 14 : i32
        "tpu.region"() ({
          %run_scoped3A_563 = tpu.sem_alloc : memref<!tpu.dma_semaphore, #tpu.memory_space<semaphore_mem>>
          %dma_start3A_564 = arith.constant 0 : i32
          %dma_start3A_565 = arith.constant 0 : i32
          %dma_start3A_566 = tpu.memref_slice %arg9[%run_scoped3A_526, %dma_start3A_564, %dma_start3A_565] : memref<2x128x128xf32, #tpu.memory_space<vmem>> -> memref<1x128x128xf32, #tpu.memory_space<vmem>>
          %dma_start3A_567 = tpu.memref_squeeze %dma_start3A_566 : memref<1x128x128xf32, #tpu.memory_space<vmem>> -> memref<128x128xf32, #tpu.memory_space<vmem>>
          %dma_start3A_568 = arith.constant 0 : i32
          %dma_start3A_569 = tpu.memref_slice %arg8[%run_scoped3A_527, %dma_start3A_568] : memref<16x128xi32, #tpu.memory_space<vmem>> -> memref<1x128xi32, #tpu.memory_space<vmem>>
          %dma_start3A_570 = tpu.memref_squeeze %dma_start3A_569 : memref<1x128xi32, #tpu.memory_space<vmem>> -> memref<128xi32, #tpu.memory_space<vmem>>
          %dma_start3A_571 = arith.constant 0 : i32
          %dma_start3A_572 = arith.constant 0 : i32
          %dma_start3A_573 = tpu.memref_slice %arg10[%dma_start3A_571, %dma_start3A_572] : memref<10240x128xf32, #tpu.memory_space<vmem_shared>> -> memref<10240x128xf32, #tpu.memory_space<vmem_shared>>
          tpu.enqueue_indirect_dma source(%dma_start3A_567 : memref<128x128xf32, #tpu.memory_space<vmem>>) target(%dma_start3A_573 : memref<10240x128xf32, #tpu.memory_space<vmem_shared>>) offsets(%dma_start3A_570 : memref<128xi32, #tpu.memory_space<vmem>>) semaphore(%run_scoped3A_563 : memref<!tpu.dma_semaphore, #tpu.memory_space<semaphore_mem>>) {add = true}
          %dma_wait3A_574 = arith.constant 0 : i32
          %dma_wait3A_575 = arith.constant 0 : i32
          %dma_wait3A_576 = tpu.memref_slice %arg9[%run_scoped3A_526, %dma_wait3A_574, %dma_wait3A_575] : memref<2x128x128xf32, #tpu.memory_space<vmem>> -> memref<1x128x128xf32, #tpu.memory_space<vmem>>
          %dma_wait3A_577 = tpu.memref_squeeze %dma_wait3A_576 : memref<1x128x128xf32, #tpu.memory_space<vmem>> -> memref<128x128xf32, #tpu.memory_space<vmem>>
          %dma_wait3A_578 = arith.constant 0 : i32
          %dma_wait3A_579 = tpu.memref_slice %arg8[%run_scoped3A_527, %dma_wait3A_578] : memref<16x128xi32, #tpu.memory_space<vmem>> -> memref<1x128xi32, #tpu.memory_space<vmem>>
          %dma_wait3A_580 = tpu.memref_squeeze %dma_wait3A_579 : memref<1x128xi32, #tpu.memory_space<vmem>> -> memref<128xi32, #tpu.memory_space<vmem>>
          %dma_wait3A_581 = arith.constant 0 : i32
          %dma_wait3A_582 = arith.constant 0 : i32
          %dma_wait3A_583 = tpu.memref_slice %arg10[%dma_wait3A_581, %dma_wait3A_582] : memref<10240x128xf32, #tpu.memory_space<vmem_shared>> -> memref<10240x128xf32, #tpu.memory_space<vmem_shared>>
          tpu.wait_indirect_dma semaphore(%run_scoped3A_563 : memref<!tpu.dma_semaphore, #tpu.memory_space<semaphore_mem>>) src(%dma_wait3A_577 : memref<128x128xf32, #tpu.memory_space<vmem>>) dst(%dma_wait3A_583 : memref<10240x128xf32, #tpu.memory_space<vmem_shared>>)
          tpu.yield
        }) : () -> ()
        %add3A_528 = arith.constant 1 : i32
        %add3A_529 = arith.addi %add3A_350, %add3A_528 : i32
        %lt3A_530 = arith.constant 20 : i32
        %lt3A_531 = arith.cmpi slt, %add3A_529, %lt3A_530 : i32
        %convert_element_type3A_532 = arith.extui %lt3A_531 : i1 to i32
        %cond3A_533 = arith.constant 0 : i32
        %cond3A_534 = arith.cmpi ne, %convert_element_type3A_532, %cond3A_533 : i32
        scf.if %cond3A_534 {
          %dma_start3A_563 = arith.constant 0 : i32
          %dma_start3A_564 = arith.constant 0 : i32
          %dma_start3A_565 = arith.constant 0 : i32
          %dma_start3A_566 = arith.constant 0 : i32
          %dma_start3A_567 = tpu.memref_slice %arg9[%dma_start3A_564, %dma_start3A_565, %dma_start3A_566] : memref<2x128x128xf32, #tpu.memory_space<vmem>> -> memref<1x128x128xf32, #tpu.memory_space<vmem>>
          %dma_start3A_568 = tpu.memref_squeeze %dma_start3A_567 : memref<1x128x128xf32, #tpu.memory_space<vmem>> -> memref<128x128xf32, #tpu.memory_space<vmem>>
          %dma_start3A_569 = arith.constant 0 : i32
          %dma_start3A_570 = tpu.memref_slice %arg7[%dma_start3A_563, %dma_start3A_569] : memref<16x128xi32, #tpu.memory_space<vmem>> -> memref<1x128xi32, #tpu.memory_space<vmem>>
          %dma_start3A_571 = tpu.memref_squeeze %dma_start3A_570 : memref<1x128xi32, #tpu.memory_space<vmem>> -> memref<128xi32, #tpu.memory_space<vmem>>
          %dma_start3A_572 = arith.constant 0 : i32
          %dma_start3A_573 = arith.constant 0 : i32
          %dma_start3A_574 = tpu.memref_slice %arg2[%dma_start3A_572, %dma_start3A_573] : memref<10000x128xf32, #tpu.memory_space<hbm>> -> memref<10000x128xf32, #tpu.memory_space<hbm>>
          tpu.enqueue_indirect_dma source(%dma_start3A_574 : memref<10000x128xf32, #tpu.memory_space<hbm>>) target(%dma_start3A_568 : memref<128x128xf32, #tpu.memory_space<vmem>>) offsets(%dma_start3A_571 : memref<128xi32, #tpu.memory_space<vmem>>) semaphore(%arg15 : memref<!tpu.dma_semaphore, #tpu.memory_space<semaphore_mem>>)
        } else {
        }
        %dma_wait3A_535 = arith.constant 15 : i32
        %dma_wait3A_536 = arith.constant 1 : i32
        %dma_wait3A_537 = arith.constant 0 : i32
        %dma_wait3A_538 = arith.constant 0 : i32
        %dma_wait3A_539 = tpu.memref_slice %arg9[%dma_wait3A_536, %dma_wait3A_537, %dma_wait3A_538] : memref<2x128x128xf32, #tpu.memory_space<vmem>> -> memref<1x128x128xf32, #tpu.memory_space<vmem>>
        %dma_wait3A_540 = tpu.memref_squeeze %dma_wait3A_539 : memref<1x128x128xf32, #tpu.memory_space<vmem>> -> memref<128x128xf32, #tpu.memory_space<vmem>>
        %dma_wait3A_541 = arith.constant 0 : i32
        %dma_wait3A_542 = tpu.memref_slice %arg7[%dma_wait3A_535, %dma_wait3A_541] : memref<16x128xi32, #tpu.memory_space<vmem>> -> memref<1x128xi32, #tpu.memory_space<vmem>>
        %dma_wait3A_543 = tpu.memref_squeeze %dma_wait3A_542 : memref<1x128xi32, #tpu.memory_space<vmem>> -> memref<128xi32, #tpu.memory_space<vmem>>
        %dma_wait3A_544 = arith.constant 0 : i32
        %dma_wait3A_545 = arith.constant 0 : i32
        %dma_wait3A_546 = tpu.memref_slice %arg2[%dma_wait3A_544, %dma_wait3A_545] : memref<10000x128xf32, #tpu.memory_space<hbm>> -> memref<10000x128xf32, #tpu.memory_space<hbm>>
        tpu.wait_indirect_dma semaphore(%arg16 : memref<!tpu.dma_semaphore, #tpu.memory_space<semaphore_mem>>) src(%dma_wait3A_546 : memref<10000x128xf32, #tpu.memory_space<hbm>>) dst(%dma_wait3A_540 : memref<128x128xf32, #tpu.memory_space<vmem>>)
        %run_scoped3A_547 = arith.constant 1 : i32
        %run_scoped3A_548 = arith.constant 15 : i32
        "tpu.region"() ({
          %run_scoped3A_563 = tpu.sem_alloc : memref<!tpu.dma_semaphore, #tpu.memory_space<semaphore_mem>>
          %dma_start3A_564 = arith.constant 0 : i32
          %dma_start3A_565 = arith.constant 0 : i32
          %dma_start3A_566 = tpu.memref_slice %arg9[%run_scoped3A_547, %dma_start3A_564, %dma_start3A_565] : memref<2x128x128xf32, #tpu.memory_space<vmem>> -> memref<1x128x128xf32, #tpu.memory_space<vmem>>
          %dma_start3A_567 = tpu.memref_squeeze %dma_start3A_566 : memref<1x128x128xf32, #tpu.memory_space<vmem>> -> memref<128x128xf32, #tpu.memory_space<vmem>>
          %dma_start3A_568 = arith.constant 0 : i32
          %dma_start3A_569 = tpu.memref_slice %arg8[%run_scoped3A_548, %dma_start3A_568] : memref<16x128xi32, #tpu.memory_space<vmem>> -> memref<1x128xi32, #tpu.memory_space<vmem>>
          %dma_start3A_570 = tpu.memref_squeeze %dma_start3A_569 : memref<1x128xi32, #tpu.memory_space<vmem>> -> memref<128xi32, #tpu.memory_space<vmem>>
          %dma_start3A_571 = arith.constant 0 : i32
          %dma_start3A_572 = arith.constant 0 : i32
          %dma_start3A_573 = tpu.memref_slice %arg10[%dma_start3A_571, %dma_start3A_572] : memref<10240x128xf32, #tpu.memory_space<vmem_shared>> -> memref<10240x128xf32, #tpu.memory_space<vmem_shared>>
          tpu.enqueue_indirect_dma source(%dma_start3A_567 : memref<128x128xf32, #tpu.memory_space<vmem>>) target(%dma_start3A_573 : memref<10240x128xf32, #tpu.memory_space<vmem_shared>>) offsets(%dma_start3A_570 : memref<128xi32, #tpu.memory_space<vmem>>) semaphore(%run_scoped3A_563 : memref<!tpu.dma_semaphore, #tpu.memory_space<semaphore_mem>>) {add = true}
          %dma_wait3A_574 = arith.constant 0 : i32
          %dma_wait3A_575 = arith.constant 0 : i32
          %dma_wait3A_576 = tpu.memref_slice %arg9[%run_scoped3A_547, %dma_wait3A_574, %dma_wait3A_575] : memref<2x128x128xf32, #tpu.memory_space<vmem>> -> memref<1x128x128xf32, #tpu.memory_space<vmem>>
          %dma_wait3A_577 = tpu.memref_squeeze %dma_wait3A_576 : memref<1x128x128xf32, #tpu.memory_space<vmem>> -> memref<128x128xf32, #tpu.memory_space<vmem>>
          %dma_wait3A_578 = arith.constant 0 : i32
          %dma_wait3A_579 = tpu.memref_slice %arg8[%run_scoped3A_548, %dma_wait3A_578] : memref<16x128xi32, #tpu.memory_space<vmem>> -> memref<1x128xi32, #tpu.memory_space<vmem>>
          %dma_wait3A_580 = tpu.memref_squeeze %dma_wait3A_579 : memref<1x128xi32, #tpu.memory_space<vmem>> -> memref<128xi32, #tpu.memory_space<vmem>>
          %dma_wait3A_581 = arith.constant 0 : i32
          %dma_wait3A_582 = arith.constant 0 : i32
          %dma_wait3A_583 = tpu.memref_slice %arg10[%dma_wait3A_581, %dma_wait3A_582] : memref<10240x128xf32, #tpu.memory_space<vmem_shared>> -> memref<10240x128xf32, #tpu.memory_space<vmem_shared>>
          tpu.wait_indirect_dma semaphore(%run_scoped3A_563 : memref<!tpu.dma_semaphore, #tpu.memory_space<semaphore_mem>>) src(%dma_wait3A_577 : memref<128x128xf32, #tpu.memory_space<vmem>>) dst(%dma_wait3A_583 : memref<10240x128xf32, #tpu.memory_space<vmem_shared>>)
          tpu.yield
        }) : () -> ()
        %add3A_549 = arith.constant 1 : i32
        %add3A_550 = arith.addi %add3A_350, %add3A_549 : i32
        %lt3A_551 = arith.constant 20 : i32
        %lt3A_552 = arith.cmpi slt, %add3A_550, %lt3A_551 : i32
        %convert_element_type3A_553 = arith.extui %lt3A_552 : i1 to i32
        %cond3A_554 = arith.constant 0 : i32
        %cond3A_555 = arith.cmpi ne, %convert_element_type3A_553, %cond3A_554 : i32
        scf.if %cond3A_555 {
          %dma_start3A_563 = arith.constant 1 : i32
          %dma_start3A_564 = arith.constant 1 : i32
          %dma_start3A_565 = arith.constant 0 : i32
          %dma_start3A_566 = arith.constant 0 : i32
          %dma_start3A_567 = tpu.memref_slice %arg9[%dma_start3A_564, %dma_start3A_565, %dma_start3A_566] : memref<2x128x128xf32, #tpu.memory_space<vmem>> -> memref<1x128x128xf32, #tpu.memory_space<vmem>>
          %dma_start3A_568 = tpu.memref_squeeze %dma_start3A_567 : memref<1x128x128xf32, #tpu.memory_space<vmem>> -> memref<128x128xf32, #tpu.memory_space<vmem>>
          %dma_start3A_569 = arith.constant 0 : i32
          %dma_start3A_570 = tpu.memref_slice %arg7[%dma_start3A_563, %dma_start3A_569] : memref<16x128xi32, #tpu.memory_space<vmem>> -> memref<1x128xi32, #tpu.memory_space<vmem>>
          %dma_start3A_571 = tpu.memref_squeeze %dma_start3A_570 : memref<1x128xi32, #tpu.memory_space<vmem>> -> memref<128xi32, #tpu.memory_space<vmem>>
          %dma_start3A_572 = arith.constant 0 : i32
          %dma_start3A_573 = arith.constant 0 : i32
          %dma_start3A_574 = tpu.memref_slice %arg2[%dma_start3A_572, %dma_start3A_573] : memref<10000x128xf32, #tpu.memory_space<hbm>> -> memref<10000x128xf32, #tpu.memory_space<hbm>>
          tpu.enqueue_indirect_dma source(%dma_start3A_574 : memref<10000x128xf32, #tpu.memory_space<hbm>>) target(%dma_start3A_568 : memref<128x128xf32, #tpu.memory_space<vmem>>) offsets(%dma_start3A_571 : memref<128xi32, #tpu.memory_space<vmem>>) semaphore(%arg16 : memref<!tpu.dma_semaphore, #tpu.memory_space<semaphore_mem>>)
        } else {
        }
        %add3A_556 = arith.constant 2 : i32
        %add3A_557 = arith.addi %add3A_350, %add3A_556 : i32
        %lt3A_558 = arith.constant 20 : i32
        %lt3A_559 = arith.cmpi slt, %add3A_557, %lt3A_558 : i32
        %convert_element_type3A_560 = arith.extui %lt3A_559 : i1 to i32
        %cond3A_561 = arith.constant 0 : i32
        %cond3A_562 = arith.cmpi ne, %convert_element_type3A_560, %cond3A_561 : i32
        scf.if %cond3A_562 {
          %add3A_563 = arith.constant 2 : i32
          %add3A_564 = arith.addi %add3A_350, %add3A_563 : i32
          %add3A_565 = arith.addi %mul3A_0, %add3A_564 : i32
          %dma_start3A_566 = arith.constant 8 : i32
          %dma_start3A_567 = arith.constant 0 : i32
          %dma_start3A_568 = tpu.memref_slice %arg7[%dma_start3A_566, %dma_start3A_567] : memref<16x128xi32, #tpu.memory_space<vmem>> -> memref<8x128xi32, #tpu.memory_space<vmem>>
          %dma_start3A_569 = arith.constant 0 : i32
          %dma_start3A_570 = arith.constant 0 : i32
          %dma_start3A_571 = tpu.memref_slice %arg3[%add3A_565, %dma_start3A_569, %dma_start3A_570] : memref<320x8x128xi32, #tpu.memory_space<hbm>> -> memref<1x8x128xi32, #tpu.memory_space<hbm>>
          %dma_start3A_572 = tpu.memref_squeeze %dma_start3A_571 : memref<1x8x128xi32, #tpu.memory_space<hbm>> -> memref<8x128xi32, #tpu.memory_space<hbm>>
          %dma_start3A_573 = arith.constant 8 : i32
          %dma_start3A_574 = arith.constant 0 : i32
          %dma_start3A_575 = tpu.memref_slice %arg7[%dma_start3A_573, %dma_start3A_574] : memref<16x128xi32, #tpu.memory_space<vmem>> -> memref<8x128xi32, #tpu.memory_space<vmem>>
          %dma_start3A_576 = arith.constant 0 : i32
          %dma_start3A_577 = arith.constant 0 : i32
          %dma_start3A_578 = tpu.memref_slice %arg3[%add3A_565, %dma_start3A_576, %dma_start3A_577] : memref<320x8x128xi32, #tpu.memory_space<hbm>> -> memref<1x8x128xi32, #tpu.memory_space<hbm>>
          %dma_start3A_579 = tpu.memref_squeeze %dma_start3A_578 : memref<1x8x128xi32, #tpu.memory_space<hbm>> -> memref<8x128xi32, #tpu.memory_space<hbm>>
          tpu.enqueue_dma source(%dma_start3A_579 : memref<8x128xi32, #tpu.memory_space<hbm>>) target(%dma_start3A_575 : memref<8x128xi32, #tpu.memory_space<vmem>>) target_semaphore(%arg12 : memref<!tpu.dma_semaphore, #tpu.memory_space<semaphore_mem>>)
          %add3A_580 = arith.addi %mul3A_0, %add3A_564 : i32
          %dma_start3A_581 = arith.constant 8 : i32
          %dma_start3A_582 = arith.constant 0 : i32
          %dma_start3A_583 = tpu.memref_slice %arg8[%dma_start3A_581, %dma_start3A_582] : memref<16x128xi32, #tpu.memory_space<vmem>> -> memref<8x128xi32, #tpu.memory_space<vmem>>
          %dma_start3A_584 = arith.constant 0 : i32
          %dma_start3A_585 = arith.constant 0 : i32
          %dma_start3A_586 = tpu.memref_slice %arg4[%add3A_580, %dma_start3A_584, %dma_start3A_585] : memref<320x8x128xi32, #tpu.memory_space<hbm>> -> memref<1x8x128xi32, #tpu.memory_space<hbm>>
          %dma_start3A_587 = tpu.memref_squeeze %dma_start3A_586 : memref<1x8x128xi32, #tpu.memory_space<hbm>> -> memref<8x128xi32, #tpu.memory_space<hbm>>
          %dma_start3A_588 = arith.constant 8 : i32
          %dma_start3A_589 = arith.constant 0 : i32
          %dma_start3A_590 = tpu.memref_slice %arg8[%dma_start3A_588, %dma_start3A_589] : memref<16x128xi32, #tpu.memory_space<vmem>> -> memref<8x128xi32, #tpu.memory_space<vmem>>
          %dma_start3A_591 = arith.constant 0 : i32
          %dma_start3A_592 = arith.constant 0 : i32
          %dma_start3A_593 = tpu.memref_slice %arg4[%add3A_580, %dma_start3A_591, %dma_start3A_592] : memref<320x8x128xi32, #tpu.memory_space<hbm>> -> memref<1x8x128xi32, #tpu.memory_space<hbm>>
          %dma_start3A_594 = tpu.memref_squeeze %dma_start3A_593 : memref<1x8x128xi32, #tpu.memory_space<hbm>> -> memref<8x128xi32, #tpu.memory_space<hbm>>
          tpu.enqueue_dma source(%dma_start3A_594 : memref<8x128xi32, #tpu.memory_space<hbm>>) target(%dma_start3A_590 : memref<8x128xi32, #tpu.memory_space<vmem>>) target_semaphore(%arg14 : memref<!tpu.dma_semaphore, #tpu.memory_space<semaphore_mem>>)
        } else {
        }
      }
      %scan3A_126 = arith.constant 10 : i32
      %barrier3A_127 = arith.constant 0 : index
      tpu.barrier barrier_id(%barrier3A_127)
      %mul3A_128 = arith.constant 640 : i32
      %mul3A_129 = arith.muli %arg1, %mul3A_128 : i32
      %mul3A_130 = arith.constant 640 : i32
      %mul3A_131 = arith.muli %arg1, %mul3A_130 : i32
      "tpu.region"() ({
        %run_scoped3A = tpu.sem_alloc : memref<!tpu.dma_semaphore, #tpu.memory_space<semaphore_mem>>
        %dma_start3A_132 = arith.constant 0 : i32
        %dma_start3A_133 = tpu.memref_slice %arg6[%mul3A_131, %dma_start3A_132] : memref<10240x128xf32, #tpu.memory_space<hbm>> -> memref<640x128xf32, #tpu.memory_space<hbm>>
        %dma_start3A_134 = arith.constant 0 : i32
        %dma_start3A_135 = tpu.memref_slice %arg10[%mul3A_129, %dma_start3A_134] : memref<10240x128xf32, #tpu.memory_space<vmem_shared>> -> memref<640x128xf32, #tpu.memory_space<vmem_shared>>
        tpu.enqueue_dma source(%dma_start3A_135 : memref<640x128xf32, #tpu.memory_space<vmem_shared>>) target(%dma_start3A_133 : memref<640x128xf32, #tpu.memory_space<hbm>>) target_semaphore(%run_scoped3A : memref<!tpu.dma_semaphore, #tpu.memory_space<semaphore_mem>>)
        %dma_wait3A_136 = arith.constant 0 : i32
        %dma_wait3A_137 = tpu.memref_slice %arg6[%mul3A_131, %dma_wait3A_136] : memref<10240x128xf32, #tpu.memory_space<hbm>> -> memref<640x128xf32, #tpu.memory_space<hbm>>
        %dma_wait3A_138 = arith.constant 0 : i32
        %dma_wait3A_139 = tpu.memref_slice %arg10[%mul3A_129, %dma_wait3A_138] : memref<10240x128xf32, #tpu.memory_space<vmem_shared>> -> memref<640x128xf32, #tpu.memory_space<vmem_shared>>
        tpu.wait_dma2 semaphore(%run_scoped3A : memref<!tpu.dma_semaphore, #tpu.memory_space<semaphore_mem>>) src(%dma_wait3A_139 : memref<640x128xf32, #tpu.memory_space<vmem_shared>>) dst(%dma_wait3A_137 : memref<640x128xf32, #tpu.memory_space<hbm>>)
        tpu.yield
      }) : () -> ()
    } else {
    }
    return
  }
}

#map = affine_map<(d0, d1) -> (0, 0)>
#map1 = affine_map<(d0, d1) -> (0, 0, 0)>
module attributes {stable_mosaic.version = 14 : i64} {
  func.func @_sc_pass_body(%arg0: i32, %arg1: i32, %arg2: memref<10000x128xf32, #tpu.memory_space<hbm>>, %arg3: memref<320x8x128xi32, #tpu.memory_space<hbm>>, %arg4: memref<320x8x128xi32, #tpu.memory_space<hbm>>, %arg5: memref<640x128xf32, #tpu.memory_space<hbm>>, %arg6: memref<10240x128xf32, #tpu.memory_space<hbm>>, %arg7: memref<16x128xi32, #tpu.memory_space<vmem>>, %arg8: memref<16x128xi32, #tpu.memory_space<vmem>>, %arg9: memref<2x128x128xf32, #tpu.memory_space<vmem>>, %arg10: memref<10240x128xf32, #tpu.memory_space<vmem_shared>>, %arg11: memref<!tpu.dma_semaphore, #tpu.memory_space<semaphore_mem>>, %arg12: memref<!tpu.dma_semaphore, #tpu.memory_space<semaphore_mem>>, %arg13: memref<!tpu.dma_semaphore, #tpu.memory_space<semaphore_mem>>, %arg14: memref<!tpu.dma_semaphore, #tpu.memory_space<semaphore_mem>>, %arg15: memref<!tpu.dma_semaphore, #tpu.memory_space<semaphore_mem>>, %arg16: memref<!tpu.dma_semaphore, #tpu.memory_space<semaphore_mem>>) attributes {dimension_semantics = [#tpu.dimension_semantics<core_parallel>, #tpu.dimension_semantics<subcore_parallel>], iteration_bounds = array<i64: 2, 16>, scalar_prefetch = 0 : i64, scratch_operands = 10 : i64, tpu.core_type = #tpu.core_type<sc_vector_subcore>, window_params = [{transform_indices = #map}, {transform_indices = #map1}, {transform_indices = #map1}, {transform_indices = #map}, {transform_indices = #map}]} {
    %mul3A = arith.constant 20 : i32
    %mul3A_0 = arith.muli %arg1, %mul3A : i32
    %eq3A = arith.constant 0 : i32
    %eq3A_1 = arith.cmpi eq, %arg0, %eq3A : i32
    %convert_element_type3A = arith.extui %eq3A_1 : i1 to i32
    %cond3A = arith.constant 0 : i32
    %cond3A_2 = arith.cmpi ne, %convert_element_type3A, %cond3A : i32
    scf.if %cond3A_2 {
      %add3A = arith.constant 0 : i32
      %add3A_3 = arith.addi %mul3A_0, %add3A : i32
      %dma_start3A = arith.constant 0 : i32
      %dma_start3A_4 = arith.constant 0 : i32
      %dma_start3A_5 = tpu.memref_slice %arg7[%dma_start3A, %dma_start3A_4] : memref<16x128xi32, #tpu.memory_space<vmem>> -> memref<8x128xi32, #tpu.memory_space<vmem>>
      %dma_start3A_6 = arith.constant 0 : i32
      %dma_start3A_7 = arith.constant 0 : i32
      %dma_start3A_8 = tpu.memref_slice %arg3[%add3A_3, %dma_start3A_6, %dma_start3A_7] : memref<320x8x128xi32, #tpu.memory_space<hbm>> -> memref<1x8x128xi32, #tpu.memory_space<hbm>>
      %dma_start3A_9 = tpu.memref_squeeze %dma_start3A_8 : memref<1x8x128xi32, #tpu.memory_space<hbm>> -> memref<8x128xi32, #tpu.memory_space<hbm>>
      %dma_start3A_10 = arith.constant 0 : i32
      %dma_start3A_11 = arith.constant 0 : i32
      %dma_start3A_12 = tpu.memref_slice %arg7[%dma_start3A_10, %dma_start3A_11] : memref<16x128xi32, #tpu.memory_space<vmem>> -> memref<8x128xi32, #tpu.memory_space<vmem>>
      %dma_start3A_13 = arith.constant 0 : i32
      %dma_start3A_14 = arith.constant 0 : i32
      %dma_start3A_15 = tpu.memref_slice %arg3[%add3A_3, %dma_start3A_13, %dma_start3A_14] : memref<320x8x128xi32, #tpu.memory_space<hbm>> -> memref<1x8x128xi32, #tpu.memory_space<hbm>>
      %dma_start3A_16 = tpu.memref_squeeze %dma_start3A_15 : memref<1x8x128xi32, #tpu.memory_space<hbm>> -> memref<8x128xi32, #tpu.memory_space<hbm>>
      tpu.enqueue_dma source(%dma_start3A_16 : memref<8x128xi32, #tpu.memory_space<hbm>>) target(%dma_start3A_12 : memref<8x128xi32, #tpu.memory_space<vmem>>) target_semaphore(%arg11 : memref<!tpu.dma_semaphore, #tpu.memory_space<semaphore_mem>>)
      %add3A_17 = arith.constant 0 : i32
      %add3A_18 = arith.addi %mul3A_0, %add3A_17 : i32
      %dma_start3A_19 = arith.constant 0 : i32
      %dma_start3A_20 = arith.constant 0 : i32
      %dma_start3A_21 = tpu.memref_slice %arg8[%dma_start3A_19, %dma_start3A_20] : memref<16x128xi32, #tpu.memory_space<vmem>> -> memref<8x128xi32, #tpu.memory_space<vmem>>
      %dma_start3A_22 = arith.constant 0 : i32
      %dma_start3A_23 = arith.constant 0 : i32
      %dma_start3A_24 = tpu.memref_slice %arg4[%add3A_18, %dma_start3A_22, %dma_start3A_23] : memref<320x8x128xi32, #tpu.memory_space<hbm>> -> memref<1x8x128xi32, #tpu.memory_space<hbm>>
      %dma_start3A_25 = tpu.memref_squeeze %dma_start3A_24 : memref<1x8x128xi32, #tpu.memory_space<hbm>> -> memref<8x128xi32, #tpu.memory_space<hbm>>
      %dma_start3A_26 = arith.constant 0 : i32
      %dma_start3A_27 = arith.constant 0 : i32
      %dma_start3A_28 = tpu.memref_slice %arg8[%dma_start3A_26, %dma_start3A_27] : memref<16x128xi32, #tpu.memory_space<vmem>> -> memref<8x128xi32, #tpu.memory_space<vmem>>
      %dma_start3A_29 = arith.constant 0 : i32
      %dma_start3A_30 = arith.constant 0 : i32
      %dma_start3A_31 = tpu.memref_slice %arg4[%add3A_18, %dma_start3A_29, %dma_start3A_30] : memref<320x8x128xi32, #tpu.memory_space<hbm>> -> memref<1x8x128xi32, #tpu.memory_space<hbm>>
      %dma_start3A_32 = tpu.memref_squeeze %dma_start3A_31 : memref<1x8x128xi32, #tpu.memory_space<hbm>> -> memref<8x128xi32, #tpu.memory_space<hbm>>
      tpu.enqueue_dma source(%dma_start3A_32 : memref<8x128xi32, #tpu.memory_space<hbm>>) target(%dma_start3A_28 : memref<8x128xi32, #tpu.memory_space<vmem>>) target_semaphore(%arg13 : memref<!tpu.dma_semaphore, #tpu.memory_space<semaphore_mem>>)
      %add3A_33 = arith.constant 1 : i32
      %add3A_34 = arith.addi %mul3A_0, %add3A_33 : i32
      %dma_start3A_35 = arith.constant 8 : i32
      %dma_start3A_36 = arith.constant 0 : i32
      %dma_start3A_37 = tpu.memref_slice %arg7[%dma_start3A_35, %dma_start3A_36] : memref<16x128xi32, #tpu.memory_space<vmem>> -> memref<8x128xi32, #tpu.memory_space<vmem>>
      %dma_start3A_38 = arith.constant 0 : i32
      %dma_start3A_39 = arith.constant 0 : i32
      %dma_start3A_40 = tpu.memref_slice %arg3[%add3A_34, %dma_start3A_38, %dma_start3A_39] : memref<320x8x128xi32, #tpu.memory_space<hbm>> -> memref<1x8x128xi32, #tpu.memory_space<hbm>>
      %dma_start3A_41 = tpu.memref_squeeze %dma_start3A_40 : memref<1x8x128xi32, #tpu.memory_space<hbm>> -> memref<8x128xi32, #tpu.memory_space<hbm>>
      %dma_start3A_42 = arith.constant 8 : i32
      %dma_start3A_43 = arith.constant 0 : i32
      %dma_start3A_44 = tpu.memref_slice %arg7[%dma_start3A_42, %dma_start3A_43] : memref<16x128xi32, #tpu.memory_space<vmem>> -> memref<8x128xi32, #tpu.memory_space<vmem>>
      %dma_start3A_45 = arith.constant 0 : i32
      %dma_start3A_46 = arith.constant 0 : i32
      %dma_start3A_47 = tpu.memref_slice %arg3[%add3A_34, %dma_start3A_45, %dma_start3A_46] : memref<320x8x128xi32, #tpu.memory_space<hbm>> -> memref<1x8x128xi32, #tpu.memory_space<hbm>>
      %dma_start3A_48 = tpu.memref_squeeze %dma_start3A_47 : memref<1x8x128xi32, #tpu.memory_space<hbm>> -> memref<8x128xi32, #tpu.memory_space<hbm>>
      tpu.enqueue_dma source(%dma_start3A_48 : memref<8x128xi32, #tpu.memory_space<hbm>>) target(%dma_start3A_44 : memref<8x128xi32, #tpu.memory_space<vmem>>) target_semaphore(%arg12 : memref<!tpu.dma_semaphore, #tpu.memory_space<semaphore_mem>>)
      %add3A_49 = arith.constant 1 : i32
      %add3A_50 = arith.addi %mul3A_0, %add3A_49 : i32
      %dma_start3A_51 = arith.constant 8 : i32
      %dma_start3A_52 = arith.constant 0 : i32
      %dma_start3A_53 = tpu.memref_slice %arg8[%dma_start3A_51, %dma_start3A_52] : memref<16x128xi32, #tpu.memory_space<vmem>> -> memref<8x128xi32, #tpu.memory_space<vmem>>
      %dma_start3A_54 = arith.constant 0 : i32
      %dma_start3A_55 = arith.constant 0 : i32
      %dma_start3A_56 = tpu.memref_slice %arg4[%add3A_50, %dma_start3A_54, %dma_start3A_55] : memref<320x8x128xi32, #tpu.memory_space<hbm>> -> memref<1x8x128xi32, #tpu.memory_space<hbm>>
      %dma_start3A_57 = tpu.memref_squeeze %dma_start3A_56 : memref<1x8x128xi32, #tpu.memory_space<hbm>> -> memref<8x128xi32, #tpu.memory_space<hbm>>
      %dma_start3A_58 = arith.constant 8 : i32
      %dma_start3A_59 = arith.constant 0 : i32
      %dma_start3A_60 = tpu.memref_slice %arg8[%dma_start3A_58, %dma_start3A_59] : memref<16x128xi32, #tpu.memory_space<vmem>> -> memref<8x128xi32, #tpu.memory_space<vmem>>
      %dma_start3A_61 = arith.constant 0 : i32
      %dma_start3A_62 = arith.constant 0 : i32
      %dma_start3A_63 = tpu.memref_slice %arg4[%add3A_50, %dma_start3A_61, %dma_start3A_62] : memref<320x8x128xi32, #tpu.memory_space<hbm>> -> memref<1x8x128xi32, #tpu.memory_space<hbm>>
      %dma_start3A_64 = tpu.memref_squeeze %dma_start3A_63 : memref<1x8x128xi32, #tpu.memory_space<hbm>> -> memref<8x128xi32, #tpu.memory_space<hbm>>
      tpu.enqueue_dma source(%dma_start3A_64 : memref<8x128xi32, #tpu.memory_space<hbm>>) target(%dma_start3A_60 : memref<8x128xi32, #tpu.memory_space<vmem>>) target_semaphore(%arg14 : memref<!tpu.dma_semaphore, #tpu.memory_space<semaphore_mem>>)
      %mul3A_65 = arith.constant 640 : i32
      %mul3A_66 = arith.muli %arg1, %mul3A_65 : i32
      "tpu.region"() ({
        %run_scoped3A = tpu.sem_alloc : memref<!tpu.dma_semaphore, #tpu.memory_space<semaphore_mem>>
        %dma_start3A_132 = arith.constant 0 : i32
        %dma_start3A_133 = tpu.memref_slice %arg10[%mul3A_66, %dma_start3A_132] : memref<10240x128xf32, #tpu.memory_space<vmem_shared>> -> memref<640x128xf32, #tpu.memory_space<vmem_shared>>
        tpu.enqueue_dma source(%arg5 : memref<640x128xf32, #tpu.memory_space<hbm>>) target(%dma_start3A_133 : memref<640x128xf32, #tpu.memory_space<vmem_shared>>) target_semaphore(%run_scoped3A : memref<!tpu.dma_semaphore, #tpu.memory_space<semaphore_mem>>)
        %dma_wait3A_134 = arith.constant 0 : i32
        %dma_wait3A_135 = tpu.memref_slice %arg10[%mul3A_66, %dma_wait3A_134] : memref<10240x128xf32, #tpu.memory_space<vmem_shared>> -> memref<640x128xf32, #tpu.memory_space<vmem_shared>>
        tpu.wait_dma2 semaphore(%run_scoped3A : memref<!tpu.dma_semaphore, #tpu.memory_space<semaphore_mem>>) src(%arg5 : memref<640x128xf32, #tpu.memory_space<hbm>>) dst(%dma_wait3A_135 : memref<640x128xf32, #tpu.memory_space<vmem_shared>>)
        tpu.yield
      }) : () -> ()
      %barrier3A = arith.constant 0 : index
      tpu.barrier barrier_id(%barrier3A)
      %add3A_67 = arith.constant 0 : i32
      %add3A_68 = arith.addi %mul3A_0, %add3A_67 : i32
      %dma_wait3A = arith.constant 0 : i32
      %dma_wait3A_69 = arith.constant 0 : i32
      %dma_wait3A_70 = tpu.memref_slice %arg7[%dma_wait3A, %dma_wait3A_69] : memref<16x128xi32, #tpu.memory_space<vmem>> -> memref<8x128xi32, #tpu.memory_space<vmem>>
      %dma_wait3A_71 = arith.constant 0 : i32
      %dma_wait3A_72 = arith.constant 0 : i32
      %dma_wait3A_73 = tpu.memref_slice %arg3[%add3A_68, %dma_wait3A_71, %dma_wait3A_72] : memref<320x8x128xi32, #tpu.memory_space<hbm>> -> memref<1x8x128xi32, #tpu.memory_space<hbm>>
      %dma_wait3A_74 = tpu.memref_squeeze %dma_wait3A_73 : memref<1x8x128xi32, #tpu.memory_space<hbm>> -> memref<8x128xi32, #tpu.memory_space<hbm>>
      %dma_wait3A_75 = arith.constant 0 : i32
      %dma_wait3A_76 = arith.constant 0 : i32
      %dma_wait3A_77 = tpu.memref_slice %arg7[%dma_wait3A_75, %dma_wait3A_76] : memref<16x128xi32, #tpu.memory_space<vmem>> -> memref<8x128xi32, #tpu.memory_space<vmem>>
      %dma_wait3A_78 = arith.constant 0 : i32
      %dma_wait3A_79 = arith.constant 0 : i32
      %dma_wait3A_80 = tpu.memref_slice %arg3[%add3A_68, %dma_wait3A_78, %dma_wait3A_79] : memref<320x8x128xi32, #tpu.memory_space<hbm>> -> memref<1x8x128xi32, #tpu.memory_space<hbm>>
      %dma_wait3A_81 = tpu.memref_squeeze %dma_wait3A_80 : memref<1x8x128xi32, #tpu.memory_space<hbm>> -> memref<8x128xi32, #tpu.memory_space<hbm>>
      tpu.wait_dma2 semaphore(%arg11 : memref<!tpu.dma_semaphore, #tpu.memory_space<semaphore_mem>>) src(%dma_wait3A_81 : memref<8x128xi32, #tpu.memory_space<hbm>>) dst(%dma_wait3A_77 : memref<8x128xi32, #tpu.memory_space<vmem>>)
      %add3A_82 = arith.constant 0 : i32
      %add3A_83 = arith.addi %mul3A_0, %add3A_82 : i32
      %dma_wait3A_84 = arith.constant 0 : i32
      %dma_wait3A_85 = arith.constant 0 : i32
      %dma_wait3A_86 = tpu.memref_slice %arg8[%dma_wait3A_84, %dma_wait3A_85] : memref<16x128xi32, #tpu.memory_space<vmem>> -> memref<8x128xi32, #tpu.memory_space<vmem>>
      %dma_wait3A_87 = arith.constant 0 : i32
      %dma_wait3A_88 = arith.constant 0 : i32
      %dma_wait3A_89 = tpu.memref_slice %arg4[%add3A_83, %dma_wait3A_87, %dma_wait3A_88] : memref<320x8x128xi32, #tpu.memory_space<hbm>> -> memref<1x8x128xi32, #tpu.memory_space<hbm>>
      %dma_wait3A_90 = tpu.memref_squeeze %dma_wait3A_89 : memref<1x8x128xi32, #tpu.memory_space<hbm>> -> memref<8x128xi32, #tpu.memory_space<hbm>>
      %dma_wait3A_91 = arith.constant 0 : i32
      %dma_wait3A_92 = arith.constant 0 : i32
      %dma_wait3A_93 = tpu.memref_slice %arg8[%dma_wait3A_91, %dma_wait3A_92] : memref<16x128xi32, #tpu.memory_space<vmem>> -> memref<8x128xi32, #tpu.memory_space<vmem>>
      %dma_wait3A_94 = arith.constant 0 : i32
      %dma_wait3A_95 = arith.constant 0 : i32
      %dma_wait3A_96 = tpu.memref_slice %arg4[%add3A_83, %dma_wait3A_94, %dma_wait3A_95] : memref<320x8x128xi32, #tpu.memory_space<hbm>> -> memref<1x8x128xi32, #tpu.memory_space<hbm>>
      %dma_wait3A_97 = tpu.memref_squeeze %dma_wait3A_96 : memref<1x8x128xi32, #tpu.memory_space<hbm>> -> memref<8x128xi32, #tpu.memory_space<hbm>>
      tpu.wait_dma2 semaphore(%arg13 : memref<!tpu.dma_semaphore, #tpu.memory_space<semaphore_mem>>) src(%dma_wait3A_97 : memref<8x128xi32, #tpu.memory_space<hbm>>) dst(%dma_wait3A_93 : memref<8x128xi32, #tpu.memory_space<vmem>>)
      %dma_start3A_98 = arith.constant 0 : i32
      %dma_start3A_99 = arith.constant 0 : i32
      %dma_start3A_100 = arith.constant 0 : i32
      %dma_start3A_101 = arith.constant 0 : i32
      %dma_start3A_102 = tpu.memref_slice %arg9[%dma_start3A_99, %dma_start3A_100, %dma_start3A_101] : memref<2x128x128xf32, #tpu.memory_space<vmem>> -> memref<1x128x128xf32, #tpu.memory_space<vmem>>
      %dma_start3A_103 = tpu.memref_squeeze %dma_start3A_102 : memref<1x128x128xf32, #tpu.memory_space<vmem>> -> memref<128x128xf32, #tpu.memory_space<vmem>>
      %dma_start3A_104 = arith.constant 0 : i32
      %dma_start3A_105 = tpu.memref_slice %arg7[%dma_start3A_98, %dma_start3A_104] : memref<16x128xi32, #tpu.memory_space<vmem>> -> memref<1x128xi32, #tpu.memory_space<vmem>>
      %dma_start3A_106 = tpu.memref_squeeze %dma_start3A_105 : memref<1x128xi32, #tpu.memory_space<vmem>> -> memref<128xi32, #tpu.memory_space<vmem>>
      %dma_start3A_107 = arith.constant 0 : i32
      %dma_start3A_108 = arith.constant 0 : i32
      %dma_start3A_109 = tpu.memref_slice %arg2[%dma_start3A_107, %dma_start3A_108] : memref<10000x128xf32, #tpu.memory_space<hbm>> -> memref<10000x128xf32, #tpu.memory_space<hbm>>
      tpu.enqueue_indirect_dma source(%dma_start3A_109 : memref<10000x128xf32, #tpu.memory_space<hbm>>) target(%dma_start3A_103 : memref<128x128xf32, #tpu.memory_space<vmem>>) offsets(%dma_start3A_106 : memref<128xi32, #tpu.memory_space<vmem>>) semaphore(%arg15 : memref<!tpu.dma_semaphore, #tpu.memory_space<semaphore_mem>>)
      %dma_start3A_110 = arith.constant 1 : i32
      %dma_start3A_111 = arith.constant 1 : i32
      %dma_start3A_112 = arith.constant 0 : i32
      %dma_start3A_113 = arith.constant 0 : i32
      %dma_start3A_114 = tpu.memref_slice %arg9[%dma_start3A_111, %dma_start3A_112, %dma_start3A_113] : memref<2x128x128xf32, #tpu.memory_space<vmem>> -> memref<1x128x128xf32, #tpu.memory_space<vmem>>
      %dma_start3A_115 = tpu.memref_squeeze %dma_start3A_114 : memref<1x128x128xf32, #tpu.memory_space<vmem>> -> memref<128x128xf32, #tpu.memory_space<vmem>>
      %dma_start3A_116 = arith.constant 0 : i32
      %dma_start3A_117 = tpu.memref_slice %arg7[%dma_start3A_110, %dma_start3A_116] : memref<16x128xi32, #tpu.memory_space<vmem>> -> memref<1x128xi32, #tpu.memory_space<vmem>>
      %dma_start3A_118 = tpu.memref_squeeze %dma_start3A_117 : memref<1x128xi32, #tpu.memory_space<vmem>> -> memref<128xi32, #tpu.memory_space<vmem>>
      %dma_start3A_119 = arith.constant 0 : i32
      %dma_start3A_120 = arith.constant 0 : i32
      %dma_start3A_121 = tpu.memref_slice %arg2[%dma_start3A_119, %dma_start3A_120] : memref<10000x128xf32, #tpu.memory_space<hbm>> -> memref<10000x128xf32, #tpu.memory_space<hbm>>
      tpu.enqueue_indirect_dma source(%dma_start3A_121 : memref<10000x128xf32, #tpu.memory_space<hbm>>) target(%dma_start3A_115 : memref<128x128xf32, #tpu.memory_space<vmem>>) offsets(%dma_start3A_118 : memref<128xi32, #tpu.memory_space<vmem>>) semaphore(%arg16 : memref<!tpu.dma_semaphore, #tpu.memory_space<semaphore_mem>>)
      %scan3A = arith.constant 0 : i32
      %scan3A_122 = arith.constant 0 : i32
      %scan3A_123 = arith.constant 10 : i32
      %scan3A_124 = arith.addi %scan3A_122, %scan3A_123 : i32
      %scan3A_125 = arith.constant 1 : i32
      scf.for %scan3A_132 = %scan3A_122 to %scan3A_124 step %scan3A_125  : i32 {
        %mul3A_133 = arith.constant 2 : i32
        %mul3A_134 = arith.muli %mul3A_133, %scan3A_132 : i32
        %add3A_135 = arith.constant 0 : i32
        %add3A_136 = arith.addi %mul3A_134, %add3A_135 : i32
        %dma_wait3A_137 = arith.constant 0 : i32
        %dma_wait3A_138 = arith.constant 0 : i32
        %dma_wait3A_139 = arith.constant 0 : i32
        %dma_wait3A_140 = arith.constant 0 : i32
        %dma_wait3A_141 = tpu.memref_slice %arg9[%dma_wait3A_138, %dma_wait3A_139, %dma_wait3A_140] : memref<2x128x128xf32, #tpu.memory_space<vmem>> -> memref<1x128x128xf32, #tpu.memory_space<vmem>>
        %dma_wait3A_142 = tpu.memref_squeeze %dma_wait3A_141 : memref<1x128x128xf32, #tpu.memory_space<vmem>> -> memref<128x128xf32, #tpu.memory_space<vmem>>
        %dma_wait3A_143 = arith.constant 0 : i32
        %dma_wait3A_144 = tpu.memref_slice %arg7[%dma_wait3A_137, %dma_wait3A_143] : memref<16x128xi32, #tpu.memory_space<vmem>> -> memref<1x128xi32, #tpu.memory_space<vmem>>
        %dma_wait3A_145 = tpu.memref_squeeze %dma_wait3A_144 : memref<1x128xi32, #tpu.memory_space<vmem>> -> memref<128xi32, #tpu.memory_space<vmem>>
        %dma_wait3A_146 = arith.constant 0 : i32
        %dma_wait3A_147 = arith.constant 0 : i32
        %dma_wait3A_148 = tpu.memref_slice %arg2[%dma_wait3A_146, %dma_wait3A_147] : memref<10000x128xf32, #tpu.memory_space<hbm>> -> memref<10000x128xf32, #tpu.memory_space<hbm>>
        tpu.wait_indirect_dma semaphore(%arg15 : memref<!tpu.dma_semaphore, #tpu.memory_space<semaphore_mem>>) src(%dma_wait3A_148 : memref<10000x128xf32, #tpu.memory_space<hbm>>) dst(%dma_wait3A_142 : memref<128x128xf32, #tpu.memory_space<vmem>>)
        %run_scoped3A = arith.constant 0 : i32
        %run_scoped3A_149 = arith.constant 0 : i32
        "tpu.region"() ({
          %run_scoped3A_563 = tpu.sem_alloc : memref<!tpu.dma_semaphore, #tpu.memory_space<semaphore_mem>>
          %dma_start3A_564 = arith.constant 0 : i32
          %dma_start3A_565 = arith.constant 0 : i32
          %dma_start3A_566 = tpu.memref_slice %arg9[%run_scoped3A, %dma_start3A_564, %dma_start3A_565] : memref<2x128x128xf32, #tpu.memory_space<vmem>> -> memref<1x128x128xf32, #tpu.memory_space<vmem>>
          %dma_start3A_567 = tpu.memref_squeeze %dma_start3A_566 : memref<1x128x128xf32, #tpu.memory_space<vmem>> -> memref<128x128xf32, #tpu.memory_space<vmem>>
          %dma_start3A_568 = arith.constant 0 : i32
          %dma_start3A_569 = tpu.memref_slice %arg8[%run_scoped3A_149, %dma_start3A_568] : memref<16x128xi32, #tpu.memory_space<vmem>> -> memref<1x128xi32, #tpu.memory_space<vmem>>
          %dma_start3A_570 = tpu.memref_squeeze %dma_start3A_569 : memref<1x128xi32, #tpu.memory_space<vmem>> -> memref<128xi32, #tpu.memory_space<vmem>>
          %dma_start3A_571 = arith.constant 0 : i32
          %dma_start3A_572 = arith.constant 0 : i32
          %dma_start3A_573 = tpu.memref_slice %arg10[%dma_start3A_571, %dma_start3A_572] : memref<10240x128xf32, #tpu.memory_space<vmem_shared>> -> memref<10240x128xf32, #tpu.memory_space<vmem_shared>>
          tpu.enqueue_indirect_dma source(%dma_start3A_567 : memref<128x128xf32, #tpu.memory_space<vmem>>) target(%dma_start3A_573 : memref<10240x128xf32, #tpu.memory_space<vmem_shared>>) offsets(%dma_start3A_570 : memref<128xi32, #tpu.memory_space<vmem>>) semaphore(%run_scoped3A_563 : memref<!tpu.dma_semaphore, #tpu.memory_space<semaphore_mem>>) {add = true}
          %dma_wait3A_574 = arith.constant 0 : i32
          %dma_wait3A_575 = arith.constant 0 : i32
          %dma_wait3A_576 = tpu.memref_slice %arg9[%run_scoped3A, %dma_wait3A_574, %dma_wait3A_575] : memref<2x128x128xf32, #tpu.memory_space<vmem>> -> memref<1x128x128xf32, #tpu.memory_space<vmem>>
          %dma_wait3A_577 = tpu.memref_squeeze %dma_wait3A_576 : memref<1x128x128xf32, #tpu.memory_space<vmem>> -> memref<128x128xf32, #tpu.memory_space<vmem>>
          %dma_wait3A_578 = arith.constant 0 : i32
          %dma_wait3A_579 = tpu.memref_slice %arg8[%run_scoped3A_149, %dma_wait3A_578] : memref<16x128xi32, #tpu.memory_space<vmem>> -> memref<1x128xi32, #tpu.memory_space<vmem>>
          %dma_wait3A_580 = tpu.memref_squeeze %dma_wait3A_579 : memref<1x128xi32, #tpu.memory_space<vmem>> -> memref<128xi32, #tpu.memory_space<vmem>>
          %dma_wait3A_581 = arith.constant 0 : i32
          %dma_wait3A_582 = arith.constant 0 : i32
          %dma_wait3A_583 = tpu.memref_slice %arg10[%dma_wait3A_581, %dma_wait3A_582] : memref<10240x128xf32, #tpu.memory_space<vmem_shared>> -> memref<10240x128xf32, #tpu.memory_space<vmem_shared>>
          tpu.wait_indirect_dma semaphore(%run_scoped3A_563 : memref<!tpu.dma_semaphore, #tpu.memory_space<semaphore_mem>>) src(%dma_wait3A_577 : memref<128x128xf32, #tpu.memory_space<vmem>>) dst(%dma_wait3A_583 : memref<10240x128xf32, #tpu.memory_space<vmem_shared>>)
          tpu.yield
        }) : () -> ()
        %dma_start3A_150 = arith.constant 2 : i32
        %dma_start3A_151 = arith.constant 0 : i32
        %dma_start3A_152 = arith.constant 0 : i32
        %dma_start3A_153 = arith.constant 0 : i32
        %dma_start3A_154 = tpu.memref_slice %arg9[%dma_start3A_151, %dma_start3A_152, %dma_start3A_153] : memref<2x128x128xf32, #tpu.memory_space<vmem>> -> memref<1x128x128xf32, #tpu.memory_space<vmem>>
        %dma_start3A_155 = tpu.memref_squeeze %dma_start3A_154 : memref<1x128x128xf32, #tpu.memory_space<vmem>> -> memref<128x128xf32, #tpu.memory_space<vmem>>
        %dma_start3A_156 = arith.constant 0 : i32
        %dma_start3A_157 = tpu.memref_slice %arg7[%dma_start3A_150, %dma_start3A_156] : memref<16x128xi32, #tpu.memory_space<vmem>> -> memref<1x128xi32, #tpu.memory_space<vmem>>
        %dma_start3A_158 = tpu.memref_squeeze %dma_start3A_157 : memref<1x128xi32, #tpu.memory_space<vmem>> -> memref<128xi32, #tpu.memory_space<vmem>>
        %dma_start3A_159 = arith.constant 0 : i32
        %dma_start3A_160 = arith.constant 0 : i32
        %dma_start3A_161 = tpu.memref_slice %arg2[%dma_start3A_159, %dma_start3A_160] : memref<10000x128xf32, #tpu.memory_space<hbm>> -> memref<10000x128xf32, #tpu.memory_space<hbm>>
        tpu.enqueue_indirect_dma source(%dma_start3A_161 : memref<10000x128xf32, #tpu.memory_space<hbm>>) target(%dma_start3A_155 : memref<128x128xf32, #tpu.memory_space<vmem>>) offsets(%dma_start3A_158 : memref<128xi32, #tpu.memory_space<vmem>>) semaphore(%arg15 : memref<!tpu.dma_semaphore, #tpu.memory_space<semaphore_mem>>)
        %dma_wait3A_162 = arith.constant 1 : i32
        %dma_wait3A_163 = arith.constant 1 : i32
        %dma_wait3A_164 = arith.constant 0 : i32
        %dma_wait3A_165 = arith.constant 0 : i32
        %dma_wait3A_166 = tpu.memref_slice %arg9[%dma_wait3A_163, %dma_wait3A_164, %dma_wait3A_165] : memref<2x128x128xf32, #tpu.memory_space<vmem>> -> memref<1x128x128xf32, #tpu.memory_space<vmem>>
        %dma_wait3A_167 = tpu.memref_squeeze %dma_wait3A_166 : memref<1x128x128xf32, #tpu.memory_space<vmem>> -> memref<128x128xf32, #tpu.memory_space<vmem>>
        %dma_wait3A_168 = arith.constant 0 : i32
        %dma_wait3A_169 = tpu.memref_slice %arg7[%dma_wait3A_162, %dma_wait3A_168] : memref<16x128xi32, #tpu.memory_space<vmem>> -> memref<1x128xi32, #tpu.memory_space<vmem>>
        %dma_wait3A_170 = tpu.memref_squeeze %dma_wait3A_169 : memref<1x128xi32, #tpu.memory_space<vmem>> -> memref<128xi32, #tpu.memory_space<vmem>>
        %dma_wait3A_171 = arith.constant 0 : i32
        %dma_wait3A_172 = arith.constant 0 : i32
        %dma_wait3A_173 = tpu.memref_slice %arg2[%dma_wait3A_171, %dma_wait3A_172] : memref<10000x128xf32, #tpu.memory_space<hbm>> -> memref<10000x128xf32, #tpu.memory_space<hbm>>
        tpu.wait_indirect_dma semaphore(%arg16 : memref<!tpu.dma_semaphore, #tpu.memory_space<semaphore_mem>>) src(%dma_wait3A_173 : memref<10000x128xf32, #tpu.memory_space<hbm>>) dst(%dma_wait3A_167 : memref<128x128xf32, #tpu.memory_space<vmem>>)
        %run_scoped3A_174 = arith.constant 1 : i32
        %run_scoped3A_175 = arith.constant 1 : i32
        "tpu.region"() ({
          %run_scoped3A_563 = tpu.sem_alloc : memref<!tpu.dma_semaphore, #tpu.memory_space<semaphore_mem>>
          %dma_start3A_564 = arith.constant 0 : i32
          %dma_start3A_565 = arith.constant 0 : i32
          %dma_start3A_566 = tpu.memref_slice %arg9[%run_scoped3A_174, %dma_start3A_564, %dma_start3A_565] : memref<2x128x128xf32, #tpu.memory_space<vmem>> -> memref<1x128x128xf32, #tpu.memory_space<vmem>>
          %dma_start3A_567 = tpu.memref_squeeze %dma_start3A_566 : memref<1x128x128xf32, #tpu.memory_space<vmem>> -> memref<128x128xf32, #tpu.memory_space<vmem>>
          %dma_start3A_568 = arith.constant 0 : i32
          %dma_start3A_569 = tpu.memref_slice %arg8[%run_scoped3A_175, %dma_start3A_568] : memref<16x128xi32, #tpu.memory_space<vmem>> -> memref<1x128xi32, #tpu.memory_space<vmem>>
          %dma_start3A_570 = tpu.memref_squeeze %dma_start3A_569 : memref<1x128xi32, #tpu.memory_space<vmem>> -> memref<128xi32, #tpu.memory_space<vmem>>
          %dma_start3A_571 = arith.constant 0 : i32
          %dma_start3A_572 = arith.constant 0 : i32
          %dma_start3A_573 = tpu.memref_slice %arg10[%dma_start3A_571, %dma_start3A_572] : memref<10240x128xf32, #tpu.memory_space<vmem_shared>> -> memref<10240x128xf32, #tpu.memory_space<vmem_shared>>
          tpu.enqueue_indirect_dma source(%dma_start3A_567 : memref<128x128xf32, #tpu.memory_space<vmem>>) target(%dma_start3A_573 : memref<10240x128xf32, #tpu.memory_space<vmem_shared>>) offsets(%dma_start3A_570 : memref<128xi32, #tpu.memory_space<vmem>>) semaphore(%run_scoped3A_563 : memref<!tpu.dma_semaphore, #tpu.memory_space<semaphore_mem>>) {add = true}
          %dma_wait3A_574 = arith.constant 0 : i32
          %dma_wait3A_575 = arith.constant 0 : i32
          %dma_wait3A_576 = tpu.memref_slice %arg9[%run_scoped3A_174, %dma_wait3A_574, %dma_wait3A_575] : memref<2x128x128xf32, #tpu.memory_space<vmem>> -> memref<1x128x128xf32, #tpu.memory_space<vmem>>
          %dma_wait3A_577 = tpu.memref_squeeze %dma_wait3A_576 : memref<1x128x128xf32, #tpu.memory_space<vmem>> -> memref<128x128xf32, #tpu.memory_space<vmem>>
          %dma_wait3A_578 = arith.constant 0 : i32
          %dma_wait3A_579 = tpu.memref_slice %arg8[%run_scoped3A_175, %dma_wait3A_578] : memref<16x128xi32, #tpu.memory_space<vmem>> -> memref<1x128xi32, #tpu.memory_space<vmem>>
          %dma_wait3A_580 = tpu.memref_squeeze %dma_wait3A_579 : memref<1x128xi32, #tpu.memory_space<vmem>> -> memref<128xi32, #tpu.memory_space<vmem>>
          %dma_wait3A_581 = arith.constant 0 : i32
          %dma_wait3A_582 = arith.constant 0 : i32
          %dma_wait3A_583 = tpu.memref_slice %arg10[%dma_wait3A_581, %dma_wait3A_582] : memref<10240x128xf32, #tpu.memory_space<vmem_shared>> -> memref<10240x128xf32, #tpu.memory_space<vmem_shared>>
          tpu.wait_indirect_dma semaphore(%run_scoped3A_563 : memref<!tpu.dma_semaphore, #tpu.memory_space<semaphore_mem>>) src(%dma_wait3A_577 : memref<128x128xf32, #tpu.memory_space<vmem>>) dst(%dma_wait3A_583 : memref<10240x128xf32, #tpu.memory_space<vmem_shared>>)
          tpu.yield
        }) : () -> ()
        %dma_start3A_176 = arith.constant 3 : i32
        %dma_start3A_177 = arith.constant 1 : i32
        %dma_start3A_178 = arith.constant 0 : i32
        %dma_start3A_179 = arith.constant 0 : i32
        %dma_start3A_180 = tpu.memref_slice %arg9[%dma_start3A_177, %dma_start3A_178, %dma_start3A_179] : memref<2x128x128xf32, #tpu.memory_space<vmem>> -> memref<1x128x128xf32, #tpu.memory_space<vmem>>
        %dma_start3A_181 = tpu.memref_squeeze %dma_start3A_180 : memref<1x128x128xf32, #tpu.memory_space<vmem>> -> memref<128x128xf32, #tpu.memory_space<vmem>>
        %dma_start3A_182 = arith.constant 0 : i32
        %dma_start3A_183 = tpu.memref_slice %arg7[%dma_start3A_176, %dma_start3A_182] : memref<16x128xi32, #tpu.memory_space<vmem>> -> memref<1x128xi32, #tpu.memory_space<vmem>>
        %dma_start3A_184 = tpu.memref_squeeze %dma_start3A_183 : memref<1x128xi32, #tpu.memory_space<vmem>> -> memref<128xi32, #tpu.memory_space<vmem>>
        %dma_start3A_185 = arith.constant 0 : i32
        %dma_start3A_186 = arith.constant 0 : i32
        %dma_start3A_187 = tpu.memref_slice %arg2[%dma_start3A_185, %dma_start3A_186] : memref<10000x128xf32, #tpu.memory_space<hbm>> -> memref<10000x128xf32, #tpu.memory_space<hbm>>
        tpu.enqueue_indirect_dma source(%dma_start3A_187 : memref<10000x128xf32, #tpu.memory_space<hbm>>) target(%dma_start3A_181 : memref<128x128xf32, #tpu.memory_space<vmem>>) offsets(%dma_start3A_184 : memref<128xi32, #tpu.memory_space<vmem>>) semaphore(%arg16 : memref<!tpu.dma_semaphore, #tpu.memory_space<semaphore_mem>>)
        %dma_wait3A_188 = arith.constant 2 : i32
        %dma_wait3A_189 = arith.constant 0 : i32
        %dma_wait3A_190 = arith.constant 0 : i32
        %dma_wait3A_191 = arith.constant 0 : i32
        %dma_wait3A_192 = tpu.memref_slice %arg9[%dma_wait3A_189, %dma_wait3A_190, %dma_wait3A_191] : memref<2x128x128xf32, #tpu.memory_space<vmem>> -> memref<1x128x128xf32, #tpu.memory_space<vmem>>
        %dma_wait3A_193 = tpu.memref_squeeze %dma_wait3A_192 : memref<1x128x128xf32, #tpu.memory_space<vmem>> -> memref<128x128xf32, #tpu.memory_space<vmem>>
        %dma_wait3A_194 = arith.constant 0 : i32
        %dma_wait3A_195 = tpu.memref_slice %arg7[%dma_wait3A_188, %dma_wait3A_194] : memref<16x128xi32, #tpu.memory_space<vmem>> -> memref<1x128xi32, #tpu.memory_space<vmem>>
        %dma_wait3A_196 = tpu.memref_squeeze %dma_wait3A_195 : memref<1x128xi32, #tpu.memory_space<vmem>> -> memref<128xi32, #tpu.memory_space<vmem>>
        %dma_wait3A_197 = arith.constant 0 : i32
        %dma_wait3A_198 = arith.constant 0 : i32
        %dma_wait3A_199 = tpu.memref_slice %arg2[%dma_wait3A_197, %dma_wait3A_198] : memref<10000x128xf32, #tpu.memory_space<hbm>> -> memref<10000x128xf32, #tpu.memory_space<hbm>>
        tpu.wait_indirect_dma semaphore(%arg15 : memref<!tpu.dma_semaphore, #tpu.memory_space<semaphore_mem>>) src(%dma_wait3A_199 : memref<10000x128xf32, #tpu.memory_space<hbm>>) dst(%dma_wait3A_193 : memref<128x128xf32, #tpu.memory_space<vmem>>)
        %run_scoped3A_200 = arith.constant 0 : i32
        %run_scoped3A_201 = arith.constant 2 : i32
        "tpu.region"() ({
          %run_scoped3A_563 = tpu.sem_alloc : memref<!tpu.dma_semaphore, #tpu.memory_space<semaphore_mem>>
          %dma_start3A_564 = arith.constant 0 : i32
          %dma_start3A_565 = arith.constant 0 : i32
          %dma_start3A_566 = tpu.memref_slice %arg9[%run_scoped3A_200, %dma_start3A_564, %dma_start3A_565] : memref<2x128x128xf32, #tpu.memory_space<vmem>> -> memref<1x128x128xf32, #tpu.memory_space<vmem>>
          %dma_start3A_567 = tpu.memref_squeeze %dma_start3A_566 : memref<1x128x128xf32, #tpu.memory_space<vmem>> -> memref<128x128xf32, #tpu.memory_space<vmem>>
          %dma_start3A_568 = arith.constant 0 : i32
          %dma_start3A_569 = tpu.memref_slice %arg8[%run_scoped3A_201, %dma_start3A_568] : memref<16x128xi32, #tpu.memory_space<vmem>> -> memref<1x128xi32, #tpu.memory_space<vmem>>
          %dma_start3A_570 = tpu.memref_squeeze %dma_start3A_569 : memref<1x128xi32, #tpu.memory_space<vmem>> -> memref<128xi32, #tpu.memory_space<vmem>>
          %dma_start3A_571 = arith.constant 0 : i32
          %dma_start3A_572 = arith.constant 0 : i32
          %dma_start3A_573 = tpu.memref_slice %arg10[%dma_start3A_571, %dma_start3A_572] : memref<10240x128xf32, #tpu.memory_space<vmem_shared>> -> memref<10240x128xf32, #tpu.memory_space<vmem_shared>>
          tpu.enqueue_indirect_dma source(%dma_start3A_567 : memref<128x128xf32, #tpu.memory_space<vmem>>) target(%dma_start3A_573 : memref<10240x128xf32, #tpu.memory_space<vmem_shared>>) offsets(%dma_start3A_570 : memref<128xi32, #tpu.memory_space<vmem>>) semaphore(%run_scoped3A_563 : memref<!tpu.dma_semaphore, #tpu.memory_space<semaphore_mem>>) {add = true}
          %dma_wait3A_574 = arith.constant 0 : i32
          %dma_wait3A_575 = arith.constant 0 : i32
          %dma_wait3A_576 = tpu.memref_slice %arg9[%run_scoped3A_200, %dma_wait3A_574, %dma_wait3A_575] : memref<2x128x128xf32, #tpu.memory_space<vmem>> -> memref<1x128x128xf32, #tpu.memory_space<vmem>>
          %dma_wait3A_577 = tpu.memref_squeeze %dma_wait3A_576 : memref<1x128x128xf32, #tpu.memory_space<vmem>> -> memref<128x128xf32, #tpu.memory_space<vmem>>
          %dma_wait3A_578 = arith.constant 0 : i32
          %dma_wait3A_579 = tpu.memref_slice %arg8[%run_scoped3A_201, %dma_wait3A_578] : memref<16x128xi32, #tpu.memory_space<vmem>> -> memref<1x128xi32, #tpu.memory_space<vmem>>
          %dma_wait3A_580 = tpu.memref_squeeze %dma_wait3A_579 : memref<1x128xi32, #tpu.memory_space<vmem>> -> memref<128xi32, #tpu.memory_space<vmem>>
          %dma_wait3A_581 = arith.constant 0 : i32
          %dma_wait3A_582 = arith.constant 0 : i32
          %dma_wait3A_583 = tpu.memref_slice %arg10[%dma_wait3A_581, %dma_wait3A_582] : memref<10240x128xf32, #tpu.memory_space<vmem_shared>> -> memref<10240x128xf32, #tpu.memory_space<vmem_shared>>
          tpu.wait_indirect_dma semaphore(%run_scoped3A_563 : memref<!tpu.dma_semaphore, #tpu.memory_space<semaphore_mem>>) src(%dma_wait3A_577 : memref<128x128xf32, #tpu.memory_space<vmem>>) dst(%dma_wait3A_583 : memref<10240x128xf32, #tpu.memory_space<vmem_shared>>)
          tpu.yield
        }) : () -> ()
        %dma_start3A_202 = arith.constant 4 : i32
        %dma_start3A_203 = arith.constant 0 : i32
        %dma_start3A_204 = arith.constant 0 : i32
        %dma_start3A_205 = arith.constant 0 : i32
        %dma_start3A_206 = tpu.memref_slice %arg9[%dma_start3A_203, %dma_start3A_204, %dma_start3A_205] : memref<2x128x128xf32, #tpu.memory_space<vmem>> -> memref<1x128x128xf32, #tpu.memory_space<vmem>>
        %dma_start3A_207 = tpu.memref_squeeze %dma_start3A_206 : memref<1x128x128xf32, #tpu.memory_space<vmem>> -> memref<128x128xf32, #tpu.memory_space<vmem>>
        %dma_start3A_208 = arith.constant 0 : i32
        %dma_start3A_209 = tpu.memref_slice %arg7[%dma_start3A_202, %dma_start3A_208] : memref<16x128xi32, #tpu.memory_space<vmem>> -> memref<1x128xi32, #tpu.memory_space<vmem>>
        %dma_start3A_210 = tpu.memref_squeeze %dma_start3A_209 : memref<1x128xi32, #tpu.memory_space<vmem>> -> memref<128xi32, #tpu.memory_space<vmem>>
        %dma_start3A_211 = arith.constant 0 : i32
        %dma_start3A_212 = arith.constant 0 : i32
        %dma_start3A_213 = tpu.memref_slice %arg2[%dma_start3A_211, %dma_start3A_212] : memref<10000x128xf32, #tpu.memory_space<hbm>> -> memref<10000x128xf32, #tpu.memory_space<hbm>>
        tpu.enqueue_indirect_dma source(%dma_start3A_213 : memref<10000x128xf32, #tpu.memory_space<hbm>>) target(%dma_start3A_207 : memref<128x128xf32, #tpu.memory_space<vmem>>) offsets(%dma_start3A_210 : memref<128xi32, #tpu.memory_space<vmem>>) semaphore(%arg15 : memref<!tpu.dma_semaphore, #tpu.memory_space<semaphore_mem>>)
        %dma_wait3A_214 = arith.constant 3 : i32
        %dma_wait3A_215 = arith.constant 1 : i32
        %dma_wait3A_216 = arith.constant 0 : i32
        %dma_wait3A_217 = arith.constant 0 : i32
        %dma_wait3A_218 = tpu.memref_slice %arg9[%dma_wait3A_215, %dma_wait3A_216, %dma_wait3A_217] : memref<2x128x128xf32, #tpu.memory_space<vmem>> -> memref<1x128x128xf32, #tpu.memory_space<vmem>>
        %dma_wait3A_219 = tpu.memref_squeeze %dma_wait3A_218 : memref<1x128x128xf32, #tpu.memory_space<vmem>> -> memref<128x128xf32, #tpu.memory_space<vmem>>
        %dma_wait3A_220 = arith.constant 0 : i32
        %dma_wait3A_221 = tpu.memref_slice %arg7[%dma_wait3A_214, %dma_wait3A_220] : memref<16x128xi32, #tpu.memory_space<vmem>> -> memref<1x128xi32, #tpu.memory_space<vmem>>
        %dma_wait3A_222 = tpu.memref_squeeze %dma_wait3A_221 : memref<1x128xi32, #tpu.memory_space<vmem>> -> memref<128xi32, #tpu.memory_space<vmem>>
        %dma_wait3A_223 = arith.constant 0 : i32
        %dma_wait3A_224 = arith.constant 0 : i32
        %dma_wait3A_225 = tpu.memref_slice %arg2[%dma_wait3A_223, %dma_wait3A_224] : memref<10000x128xf32, #tpu.memory_space<hbm>> -> memref<10000x128xf32, #tpu.memory_space<hbm>>
        tpu.wait_indirect_dma semaphore(%arg16 : memref<!tpu.dma_semaphore, #tpu.memory_space<semaphore_mem>>) src(%dma_wait3A_225 : memref<10000x128xf32, #tpu.memory_space<hbm>>) dst(%dma_wait3A_219 : memref<128x128xf32, #tpu.memory_space<vmem>>)
        %run_scoped3A_226 = arith.constant 1 : i32
        %run_scoped3A_227 = arith.constant 3 : i32
        "tpu.region"() ({
          %run_scoped3A_563 = tpu.sem_alloc : memref<!tpu.dma_semaphore, #tpu.memory_space<semaphore_mem>>
          %dma_start3A_564 = arith.constant 0 : i32
          %dma_start3A_565 = arith.constant 0 : i32
          %dma_start3A_566 = tpu.memref_slice %arg9[%run_scoped3A_226, %dma_start3A_564, %dma_start3A_565] : memref<2x128x128xf32, #tpu.memory_space<vmem>> -> memref<1x128x128xf32, #tpu.memory_space<vmem>>
          %dma_start3A_567 = tpu.memref_squeeze %dma_start3A_566 : memref<1x128x128xf32, #tpu.memory_space<vmem>> -> memref<128x128xf32, #tpu.memory_space<vmem>>
          %dma_start3A_568 = arith.constant 0 : i32
          %dma_start3A_569 = tpu.memref_slice %arg8[%run_scoped3A_227, %dma_start3A_568] : memref<16x128xi32, #tpu.memory_space<vmem>> -> memref<1x128xi32, #tpu.memory_space<vmem>>
          %dma_start3A_570 = tpu.memref_squeeze %dma_start3A_569 : memref<1x128xi32, #tpu.memory_space<vmem>> -> memref<128xi32, #tpu.memory_space<vmem>>
          %dma_start3A_571 = arith.constant 0 : i32
          %dma_start3A_572 = arith.constant 0 : i32
          %dma_start3A_573 = tpu.memref_slice %arg10[%dma_start3A_571, %dma_start3A_572] : memref<10240x128xf32, #tpu.memory_space<vmem_shared>> -> memref<10240x128xf32, #tpu.memory_space<vmem_shared>>
          tpu.enqueue_indirect_dma source(%dma_start3A_567 : memref<128x128xf32, #tpu.memory_space<vmem>>) target(%dma_start3A_573 : memref<10240x128xf32, #tpu.memory_space<vmem_shared>>) offsets(%dma_start3A_570 : memref<128xi32, #tpu.memory_space<vmem>>) semaphore(%run_scoped3A_563 : memref<!tpu.dma_semaphore, #tpu.memory_space<semaphore_mem>>) {add = true}
          %dma_wait3A_574 = arith.constant 0 : i32
          %dma_wait3A_575 = arith.constant 0 : i32
          %dma_wait3A_576 = tpu.memref_slice %arg9[%run_scoped3A_226, %dma_wait3A_574, %dma_wait3A_575] : memref<2x128x128xf32, #tpu.memory_space<vmem>> -> memref<1x128x128xf32, #tpu.memory_space<vmem>>
          %dma_wait3A_577 = tpu.memref_squeeze %dma_wait3A_576 : memref<1x128x128xf32, #tpu.memory_space<vmem>> -> memref<128x128xf32, #tpu.memory_space<vmem>>
          %dma_wait3A_578 = arith.constant 0 : i32
          %dma_wait3A_579 = tpu.memref_slice %arg8[%run_scoped3A_227, %dma_wait3A_578] : memref<16x128xi32, #tpu.memory_space<vmem>> -> memref<1x128xi32, #tpu.memory_space<vmem>>
          %dma_wait3A_580 = tpu.memref_squeeze %dma_wait3A_579 : memref<1x128xi32, #tpu.memory_space<vmem>> -> memref<128xi32, #tpu.memory_space<vmem>>
          %dma_wait3A_581 = arith.constant 0 : i32
          %dma_wait3A_582 = arith.constant 0 : i32
          %dma_wait3A_583 = tpu.memref_slice %arg10[%dma_wait3A_581, %dma_wait3A_582] : memref<10240x128xf32, #tpu.memory_space<vmem_shared>> -> memref<10240x128xf32, #tpu.memory_space<vmem_shared>>
          tpu.wait_indirect_dma semaphore(%run_scoped3A_563 : memref<!tpu.dma_semaphore, #tpu.memory_space<semaphore_mem>>) src(%dma_wait3A_577 : memref<128x128xf32, #tpu.memory_space<vmem>>) dst(%dma_wait3A_583 : memref<10240x128xf32, #tpu.memory_space<vmem_shared>>)
          tpu.yield
        }) : () -> ()
        %dma_start3A_228 = arith.constant 5 : i32
        %dma_start3A_229 = arith.constant 1 : i32
        %dma_start3A_230 = arith.constant 0 : i32
        %dma_start3A_231 = arith.constant 0 : i32
        %dma_start3A_232 = tpu.memref_slice %arg9[%dma_start3A_229, %dma_start3A_230, %dma_start3A_231] : memref<2x128x128xf32, #tpu.memory_space<vmem>> -> memref<1x128x128xf32, #tpu.memory_space<vmem>>
        %dma_start3A_233 = tpu.memref_squeeze %dma_start3A_232 : memref<1x128x128xf32, #tpu.memory_space<vmem>> -> memref<128x128xf32, #tpu.memory_space<vmem>>
        %dma_start3A_234 = arith.constant 0 : i32
        %dma_start3A_235 = tpu.memref_slice %arg7[%dma_start3A_228, %dma_start3A_234] : memref<16x128xi32, #tpu.memory_space<vmem>> -> memref<1x128xi32, #tpu.memory_space<vmem>>
        %dma_start3A_236 = tpu.memref_squeeze %dma_start3A_235 : memref<1x128xi32, #tpu.memory_space<vmem>> -> memref<128xi32, #tpu.memory_space<vmem>>
        %dma_start3A_237 = arith.constant 0 : i32
        %dma_start3A_238 = arith.constant 0 : i32
        %dma_start3A_239 = tpu.memref_slice %arg2[%dma_start3A_237, %dma_start3A_238] : memref<10000x128xf32, #tpu.memory_space<hbm>> -> memref<10000x128xf32, #tpu.memory_space<hbm>>
        tpu.enqueue_indirect_dma source(%dma_start3A_239 : memref<10000x128xf32, #tpu.memory_space<hbm>>) target(%dma_start3A_233 : memref<128x128xf32, #tpu.memory_space<vmem>>) offsets(%dma_start3A_236 : memref<128xi32, #tpu.memory_space<vmem>>) semaphore(%arg16 : memref<!tpu.dma_semaphore, #tpu.memory_space<semaphore_mem>>)
        %dma_wait3A_240 = arith.constant 4 : i32
        %dma_wait3A_241 = arith.constant 0 : i32
        %dma_wait3A_242 = arith.constant 0 : i32
        %dma_wait3A_243 = arith.constant 0 : i32
        %dma_wait3A_244 = tpu.memref_slice %arg9[%dma_wait3A_241, %dma_wait3A_242, %dma_wait3A_243] : memref<2x128x128xf32, #tpu.memory_space<vmem>> -> memref<1x128x128xf32, #tpu.memory_space<vmem>>
        %dma_wait3A_245 = tpu.memref_squeeze %dma_wait3A_244 : memref<1x128x128xf32, #tpu.memory_space<vmem>> -> memref<128x128xf32, #tpu.memory_space<vmem>>
        %dma_wait3A_246 = arith.constant 0 : i32
        %dma_wait3A_247 = tpu.memref_slice %arg7[%dma_wait3A_240, %dma_wait3A_246] : memref<16x128xi32, #tpu.memory_space<vmem>> -> memref<1x128xi32, #tpu.memory_space<vmem>>
        %dma_wait3A_248 = tpu.memref_squeeze %dma_wait3A_247 : memref<1x128xi32, #tpu.memory_space<vmem>> -> memref<128xi32, #tpu.memory_space<vmem>>
        %dma_wait3A_249 = arith.constant 0 : i32
        %dma_wait3A_250 = arith.constant 0 : i32
        %dma_wait3A_251 = tpu.memref_slice %arg2[%dma_wait3A_249, %dma_wait3A_250] : memref<10000x128xf32, #tpu.memory_space<hbm>> -> memref<10000x128xf32, #tpu.memory_space<hbm>>
        tpu.wait_indirect_dma semaphore(%arg15 : memref<!tpu.dma_semaphore, #tpu.memory_space<semaphore_mem>>) src(%dma_wait3A_251 : memref<10000x128xf32, #tpu.memory_space<hbm>>) dst(%dma_wait3A_245 : memref<128x128xf32, #tpu.memory_space<vmem>>)
        %run_scoped3A_252 = arith.constant 0 : i32
        %run_scoped3A_253 = arith.constant 4 : i32
        "tpu.region"() ({
          %run_scoped3A_563 = tpu.sem_alloc : memref<!tpu.dma_semaphore, #tpu.memory_space<semaphore_mem>>
          %dma_start3A_564 = arith.constant 0 : i32
          %dma_start3A_565 = arith.constant 0 : i32
          %dma_start3A_566 = tpu.memref_slice %arg9[%run_scoped3A_252, %dma_start3A_564, %dma_start3A_565] : memref<2x128x128xf32, #tpu.memory_space<vmem>> -> memref<1x128x128xf32, #tpu.memory_space<vmem>>
          %dma_start3A_567 = tpu.memref_squeeze %dma_start3A_566 : memref<1x128x128xf32, #tpu.memory_space<vmem>> -> memref<128x128xf32, #tpu.memory_space<vmem>>
          %dma_start3A_568 = arith.constant 0 : i32
          %dma_start3A_569 = tpu.memref_slice %arg8[%run_scoped3A_253, %dma_start3A_568] : memref<16x128xi32, #tpu.memory_space<vmem>> -> memref<1x128xi32, #tpu.memory_space<vmem>>
          %dma_start3A_570 = tpu.memref_squeeze %dma_start3A_569 : memref<1x128xi32, #tpu.memory_space<vmem>> -> memref<128xi32, #tpu.memory_space<vmem>>
          %dma_start3A_571 = arith.constant 0 : i32
          %dma_start3A_572 = arith.constant 0 : i32
          %dma_start3A_573 = tpu.memref_slice %arg10[%dma_start3A_571, %dma_start3A_572] : memref<10240x128xf32, #tpu.memory_space<vmem_shared>> -> memref<10240x128xf32, #tpu.memory_space<vmem_shared>>
          tpu.enqueue_indirect_dma source(%dma_start3A_567 : memref<128x128xf32, #tpu.memory_space<vmem>>) target(%dma_start3A_573 : memref<10240x128xf32, #tpu.memory_space<vmem_shared>>) offsets(%dma_start3A_570 : memref<128xi32, #tpu.memory_space<vmem>>) semaphore(%run_scoped3A_563 : memref<!tpu.dma_semaphore, #tpu.memory_space<semaphore_mem>>) {add = true}
          %dma_wait3A_574 = arith.constant 0 : i32
          %dma_wait3A_575 = arith.constant 0 : i32
          %dma_wait3A_576 = tpu.memref_slice %arg9[%run_scoped3A_252, %dma_wait3A_574, %dma_wait3A_575] : memref<2x128x128xf32, #tpu.memory_space<vmem>> -> memref<1x128x128xf32, #tpu.memory_space<vmem>>
          %dma_wait3A_577 = tpu.memref_squeeze %dma_wait3A_576 : memref<1x128x128xf32, #tpu.memory_space<vmem>> -> memref<128x128xf32, #tpu.memory_space<vmem>>
          %dma_wait3A_578 = arith.constant 0 : i32
          %dma_wait3A_579 = tpu.memref_slice %arg8[%run_scoped3A_253, %dma_wait3A_578] : memref<16x128xi32, #tpu.memory_space<vmem>> -> memref<1x128xi32, #tpu.memory_space<vmem>>
          %dma_wait3A_580 = tpu.memref_squeeze %dma_wait3A_579 : memref<1x128xi32, #tpu.memory_space<vmem>> -> memref<128xi32, #tpu.memory_space<vmem>>
          %dma_wait3A_581 = arith.constant 0 : i32
          %dma_wait3A_582 = arith.constant 0 : i32
          %dma_wait3A_583 = tpu.memref_slice %arg10[%dma_wait3A_581, %dma_wait3A_582] : memref<10240x128xf32, #tpu.memory_space<vmem_shared>> -> memref<10240x128xf32, #tpu.memory_space<vmem_shared>>
          tpu.wait_indirect_dma semaphore(%run_scoped3A_563 : memref<!tpu.dma_semaphore, #tpu.memory_space<semaphore_mem>>) src(%dma_wait3A_577 : memref<128x128xf32, #tpu.memory_space<vmem>>) dst(%dma_wait3A_583 : memref<10240x128xf32, #tpu.memory_space<vmem_shared>>)
          tpu.yield
        }) : () -> ()
        %dma_start3A_254 = arith.constant 6 : i32
        %dma_start3A_255 = arith.constant 0 : i32
        %dma_start3A_256 = arith.constant 0 : i32
        %dma_start3A_257 = arith.constant 0 : i32
        %dma_start3A_258 = tpu.memref_slice %arg9[%dma_start3A_255, %dma_start3A_256, %dma_start3A_257] : memref<2x128x128xf32, #tpu.memory_space<vmem>> -> memref<1x128x128xf32, #tpu.memory_space<vmem>>
        %dma_start3A_259 = tpu.memref_squeeze %dma_start3A_258 : memref<1x128x128xf32, #tpu.memory_space<vmem>> -> memref<128x128xf32, #tpu.memory_space<vmem>>
        %dma_start3A_260 = arith.constant 0 : i32
        %dma_start3A_261 = tpu.memref_slice %arg7[%dma_start3A_254, %dma_start3A_260] : memref<16x128xi32, #tpu.memory_space<vmem>> -> memref<1x128xi32, #tpu.memory_space<vmem>>
        %dma_start3A_262 = tpu.memref_squeeze %dma_start3A_261 : memref<1x128xi32, #tpu.memory_space<vmem>> -> memref<128xi32, #tpu.memory_space<vmem>>
        %dma_start3A_263 = arith.constant 0 : i32
        %dma_start3A_264 = arith.constant 0 : i32
        %dma_start3A_265 = tpu.memref_slice %arg2[%dma_start3A_263, %dma_start3A_264] : memref<10000x128xf32, #tpu.memory_space<hbm>> -> memref<10000x128xf32, #tpu.memory_space<hbm>>
        tpu.enqueue_indirect_dma source(%dma_start3A_265 : memref<10000x128xf32, #tpu.memory_space<hbm>>) target(%dma_start3A_259 : memref<128x128xf32, #tpu.memory_space<vmem>>) offsets(%dma_start3A_262 : memref<128xi32, #tpu.memory_space<vmem>>) semaphore(%arg15 : memref<!tpu.dma_semaphore, #tpu.memory_space<semaphore_mem>>)
        %dma_wait3A_266 = arith.constant 5 : i32
        %dma_wait3A_267 = arith.constant 1 : i32
        %dma_wait3A_268 = arith.constant 0 : i32
        %dma_wait3A_269 = arith.constant 0 : i32
        %dma_wait3A_270 = tpu.memref_slice %arg9[%dma_wait3A_267, %dma_wait3A_268, %dma_wait3A_269] : memref<2x128x128xf32, #tpu.memory_space<vmem>> -> memref<1x128x128xf32, #tpu.memory_space<vmem>>
        %dma_wait3A_271 = tpu.memref_squeeze %dma_wait3A_270 : memref<1x128x128xf32, #tpu.memory_space<vmem>> -> memref<128x128xf32, #tpu.memory_space<vmem>>
        %dma_wait3A_272 = arith.constant 0 : i32
        %dma_wait3A_273 = tpu.memref_slice %arg7[%dma_wait3A_266, %dma_wait3A_272] : memref<16x128xi32, #tpu.memory_space<vmem>> -> memref<1x128xi32, #tpu.memory_space<vmem>>
        %dma_wait3A_274 = tpu.memref_squeeze %dma_wait3A_273 : memref<1x128xi32, #tpu.memory_space<vmem>> -> memref<128xi32, #tpu.memory_space<vmem>>
        %dma_wait3A_275 = arith.constant 0 : i32
        %dma_wait3A_276 = arith.constant 0 : i32
        %dma_wait3A_277 = tpu.memref_slice %arg2[%dma_wait3A_275, %dma_wait3A_276] : memref<10000x128xf32, #tpu.memory_space<hbm>> -> memref<10000x128xf32, #tpu.memory_space<hbm>>
        tpu.wait_indirect_dma semaphore(%arg16 : memref<!tpu.dma_semaphore, #tpu.memory_space<semaphore_mem>>) src(%dma_wait3A_277 : memref<10000x128xf32, #tpu.memory_space<hbm>>) dst(%dma_wait3A_271 : memref<128x128xf32, #tpu.memory_space<vmem>>)
        %run_scoped3A_278 = arith.constant 1 : i32
        %run_scoped3A_279 = arith.constant 5 : i32
        "tpu.region"() ({
          %run_scoped3A_563 = tpu.sem_alloc : memref<!tpu.dma_semaphore, #tpu.memory_space<semaphore_mem>>
          %dma_start3A_564 = arith.constant 0 : i32
          %dma_start3A_565 = arith.constant 0 : i32
          %dma_start3A_566 = tpu.memref_slice %arg9[%run_scoped3A_278, %dma_start3A_564, %dma_start3A_565] : memref<2x128x128xf32, #tpu.memory_space<vmem>> -> memref<1x128x128xf32, #tpu.memory_space<vmem>>
          %dma_start3A_567 = tpu.memref_squeeze %dma_start3A_566 : memref<1x128x128xf32, #tpu.memory_space<vmem>> -> memref<128x128xf32, #tpu.memory_space<vmem>>
          %dma_start3A_568 = arith.constant 0 : i32
          %dma_start3A_569 = tpu.memref_slice %arg8[%run_scoped3A_279, %dma_start3A_568] : memref<16x128xi32, #tpu.memory_space<vmem>> -> memref<1x128xi32, #tpu.memory_space<vmem>>
          %dma_start3A_570 = tpu.memref_squeeze %dma_start3A_569 : memref<1x128xi32, #tpu.memory_space<vmem>> -> memref<128xi32, #tpu.memory_space<vmem>>
          %dma_start3A_571 = arith.constant 0 : i32
          %dma_start3A_572 = arith.constant 0 : i32
          %dma_start3A_573 = tpu.memref_slice %arg10[%dma_start3A_571, %dma_start3A_572] : memref<10240x128xf32, #tpu.memory_space<vmem_shared>> -> memref<10240x128xf32, #tpu.memory_space<vmem_shared>>
          tpu.enqueue_indirect_dma source(%dma_start3A_567 : memref<128x128xf32, #tpu.memory_space<vmem>>) target(%dma_start3A_573 : memref<10240x128xf32, #tpu.memory_space<vmem_shared>>) offsets(%dma_start3A_570 : memref<128xi32, #tpu.memory_space<vmem>>) semaphore(%run_scoped3A_563 : memref<!tpu.dma_semaphore, #tpu.memory_space<semaphore_mem>>) {add = true}
          %dma_wait3A_574 = arith.constant 0 : i32
          %dma_wait3A_575 = arith.constant 0 : i32
          %dma_wait3A_576 = tpu.memref_slice %arg9[%run_scoped3A_278, %dma_wait3A_574, %dma_wait3A_575] : memref<2x128x128xf32, #tpu.memory_space<vmem>> -> memref<1x128x128xf32, #tpu.memory_space<vmem>>
          %dma_wait3A_577 = tpu.memref_squeeze %dma_wait3A_576 : memref<1x128x128xf32, #tpu.memory_space<vmem>> -> memref<128x128xf32, #tpu.memory_space<vmem>>
          %dma_wait3A_578 = arith.constant 0 : i32
          %dma_wait3A_579 = tpu.memref_slice %arg8[%run_scoped3A_279, %dma_wait3A_578] : memref<16x128xi32, #tpu.memory_space<vmem>> -> memref<1x128xi32, #tpu.memory_space<vmem>>
          %dma_wait3A_580 = tpu.memref_squeeze %dma_wait3A_579 : memref<1x128xi32, #tpu.memory_space<vmem>> -> memref<128xi32, #tpu.memory_space<vmem>>
          %dma_wait3A_581 = arith.constant 0 : i32
          %dma_wait3A_582 = arith.constant 0 : i32
          %dma_wait3A_583 = tpu.memref_slice %arg10[%dma_wait3A_581, %dma_wait3A_582] : memref<10240x128xf32, #tpu.memory_space<vmem_shared>> -> memref<10240x128xf32, #tpu.memory_space<vmem_shared>>
          tpu.wait_indirect_dma semaphore(%run_scoped3A_563 : memref<!tpu.dma_semaphore, #tpu.memory_space<semaphore_mem>>) src(%dma_wait3A_577 : memref<128x128xf32, #tpu.memory_space<vmem>>) dst(%dma_wait3A_583 : memref<10240x128xf32, #tpu.memory_space<vmem_shared>>)
          tpu.yield
        }) : () -> ()
        %dma_start3A_280 = arith.constant 7 : i32
        %dma_start3A_281 = arith.constant 1 : i32
        %dma_start3A_282 = arith.constant 0 : i32
        %dma_start3A_283 = arith.constant 0 : i32
        %dma_start3A_284 = tpu.memref_slice %arg9[%dma_start3A_281, %dma_start3A_282, %dma_start3A_283] : memref<2x128x128xf32, #tpu.memory_space<vmem>> -> memref<1x128x128xf32, #tpu.memory_space<vmem>>
        %dma_start3A_285 = tpu.memref_squeeze %dma_start3A_284 : memref<1x128x128xf32, #tpu.memory_space<vmem>> -> memref<128x128xf32, #tpu.memory_space<vmem>>
        %dma_start3A_286 = arith.constant 0 : i32
        %dma_start3A_287 = tpu.memref_slice %arg7[%dma_start3A_280, %dma_start3A_286] : memref<16x128xi32, #tpu.memory_space<vmem>> -> memref<1x128xi32, #tpu.memory_space<vmem>>
        %dma_start3A_288 = tpu.memref_squeeze %dma_start3A_287 : memref<1x128xi32, #tpu.memory_space<vmem>> -> memref<128xi32, #tpu.memory_space<vmem>>
        %dma_start3A_289 = arith.constant 0 : i32
        %dma_start3A_290 = arith.constant 0 : i32
        %dma_start3A_291 = tpu.memref_slice %arg2[%dma_start3A_289, %dma_start3A_290] : memref<10000x128xf32, #tpu.memory_space<hbm>> -> memref<10000x128xf32, #tpu.memory_space<hbm>>
        tpu.enqueue_indirect_dma source(%dma_start3A_291 : memref<10000x128xf32, #tpu.memory_space<hbm>>) target(%dma_start3A_285 : memref<128x128xf32, #tpu.memory_space<vmem>>) offsets(%dma_start3A_288 : memref<128xi32, #tpu.memory_space<vmem>>) semaphore(%arg16 : memref<!tpu.dma_semaphore, #tpu.memory_space<semaphore_mem>>)
        %add3A_292 = arith.constant 1 : i32
        %add3A_293 = arith.addi %add3A_136, %add3A_292 : i32
        %lt3A = arith.constant 20 : i32
        %lt3A_294 = arith.cmpi slt, %add3A_293, %lt3A : i32
        %convert_element_type3A_295 = arith.extui %lt3A_294 : i1 to i32
        %cond3A_296 = arith.constant 0 : i32
        %cond3A_297 = arith.cmpi ne, %convert_element_type3A_295, %cond3A_296 : i32
        scf.if %cond3A_297 {
          %add3A_563 = arith.constant 1 : i32
          %add3A_564 = arith.addi %add3A_136, %add3A_563 : i32
          %add3A_565 = arith.addi %mul3A_0, %add3A_564 : i32
          %dma_wait3A_566 = arith.constant 8 : i32
          %dma_wait3A_567 = arith.constant 0 : i32
          %dma_wait3A_568 = tpu.memref_slice %arg7[%dma_wait3A_566, %dma_wait3A_567] : memref<16x128xi32, #tpu.memory_space<vmem>> -> memref<8x128xi32, #tpu.memory_space<vmem>>
          %dma_wait3A_569 = arith.constant 0 : i32
          %dma_wait3A_570 = arith.constant 0 : i32
          %dma_wait3A_571 = tpu.memref_slice %arg3[%add3A_565, %dma_wait3A_569, %dma_wait3A_570] : memref<320x8x128xi32, #tpu.memory_space<hbm>> -> memref<1x8x128xi32, #tpu.memory_space<hbm>>
          %dma_wait3A_572 = tpu.memref_squeeze %dma_wait3A_571 : memref<1x8x128xi32, #tpu.memory_space<hbm>> -> memref<8x128xi32, #tpu.memory_space<hbm>>
          %dma_wait3A_573 = arith.constant 8 : i32
          %dma_wait3A_574 = arith.constant 0 : i32
          %dma_wait3A_575 = tpu.memref_slice %arg7[%dma_wait3A_573, %dma_wait3A_574] : memref<16x128xi32, #tpu.memory_space<vmem>> -> memref<8x128xi32, #tpu.memory_space<vmem>>
          %dma_wait3A_576 = arith.constant 0 : i32
          %dma_wait3A_577 = arith.constant 0 : i32
          %dma_wait3A_578 = tpu.memref_slice %arg3[%add3A_565, %dma_wait3A_576, %dma_wait3A_577] : memref<320x8x128xi32, #tpu.memory_space<hbm>> -> memref<1x8x128xi32, #tpu.memory_space<hbm>>
          %dma_wait3A_579 = tpu.memref_squeeze %dma_wait3A_578 : memref<1x8x128xi32, #tpu.memory_space<hbm>> -> memref<8x128xi32, #tpu.memory_space<hbm>>
          tpu.wait_dma2 semaphore(%arg12 : memref<!tpu.dma_semaphore, #tpu.memory_space<semaphore_mem>>) src(%dma_wait3A_579 : memref<8x128xi32, #tpu.memory_space<hbm>>) dst(%dma_wait3A_575 : memref<8x128xi32, #tpu.memory_space<vmem>>)
          %add3A_580 = arith.addi %mul3A_0, %add3A_564 : i32
          %dma_wait3A_581 = arith.constant 8 : i32
          %dma_wait3A_582 = arith.constant 0 : i32
          %dma_wait3A_583 = tpu.memref_slice %arg8[%dma_wait3A_581, %dma_wait3A_582] : memref<16x128xi32, #tpu.memory_space<vmem>> -> memref<8x128xi32, #tpu.memory_space<vmem>>
          %dma_wait3A_584 = arith.constant 0 : i32
          %dma_wait3A_585 = arith.constant 0 : i32
          %dma_wait3A_586 = tpu.memref_slice %arg4[%add3A_580, %dma_wait3A_584, %dma_wait3A_585] : memref<320x8x128xi32, #tpu.memory_space<hbm>> -> memref<1x8x128xi32, #tpu.memory_space<hbm>>
          %dma_wait3A_587 = tpu.memref_squeeze %dma_wait3A_586 : memref<1x8x128xi32, #tpu.memory_space<hbm>> -> memref<8x128xi32, #tpu.memory_space<hbm>>
          %dma_wait3A_588 = arith.constant 8 : i32
          %dma_wait3A_589 = arith.constant 0 : i32
          %dma_wait3A_590 = tpu.memref_slice %arg8[%dma_wait3A_588, %dma_wait3A_589] : memref<16x128xi32, #tpu.memory_space<vmem>> -> memref<8x128xi32, #tpu.memory_space<vmem>>
          %dma_wait3A_591 = arith.constant 0 : i32
          %dma_wait3A_592 = arith.constant 0 : i32
          %dma_wait3A_593 = tpu.memref_slice %arg4[%add3A_580, %dma_wait3A_591, %dma_wait3A_592] : memref<320x8x128xi32, #tpu.memory_space<hbm>> -> memref<1x8x128xi32, #tpu.memory_space<hbm>>
          %dma_wait3A_594 = tpu.memref_squeeze %dma_wait3A_593 : memref<1x8x128xi32, #tpu.memory_space<hbm>> -> memref<8x128xi32, #tpu.memory_space<hbm>>
          tpu.wait_dma2 semaphore(%arg14 : memref<!tpu.dma_semaphore, #tpu.memory_space<semaphore_mem>>) src(%dma_wait3A_594 : memref<8x128xi32, #tpu.memory_space<hbm>>) dst(%dma_wait3A_590 : memref<8x128xi32, #tpu.memory_space<vmem>>)
        } else {
        }
        %dma_wait3A_298 = arith.constant 6 : i32
        %dma_wait3A_299 = arith.constant 0 : i32
        %dma_wait3A_300 = arith.constant 0 : i32
        %dma_wait3A_301 = arith.constant 0 : i32
        %dma_wait3A_302 = tpu.memref_slice %arg9[%dma_wait3A_299, %dma_wait3A_300, %dma_wait3A_301] : memref<2x128x128xf32, #tpu.memory_space<vmem>> -> memref<1x128x128xf32, #tpu.memory_space<vmem>>
        %dma_wait3A_303 = tpu.memref_squeeze %dma_wait3A_302 : memref<1x128x128xf32, #tpu.memory_space<vmem>> -> memref<128x128xf32, #tpu.memory_space<vmem>>
        %dma_wait3A_304 = arith.constant 0 : i32
        %dma_wait3A_305 = tpu.memref_slice %arg7[%dma_wait3A_298, %dma_wait3A_304] : memref<16x128xi32, #tpu.memory_space<vmem>> -> memref<1x128xi32, #tpu.memory_space<vmem>>
        %dma_wait3A_306 = tpu.memref_squeeze %dma_wait3A_305 : memref<1x128xi32, #tpu.memory_space<vmem>> -> memref<128xi32, #tpu.memory_space<vmem>>
        %dma_wait3A_307 = arith.constant 0 : i32
        %dma_wait3A_308 = arith.constant 0 : i32
        %dma_wait3A_309 = tpu.memref_slice %arg2[%dma_wait3A_307, %dma_wait3A_308] : memref<10000x128xf32, #tpu.memory_space<hbm>> -> memref<10000x128xf32, #tpu.memory_space<hbm>>
        tpu.wait_indirect_dma semaphore(%arg15 : memref<!tpu.dma_semaphore, #tpu.memory_space<semaphore_mem>>) src(%dma_wait3A_309 : memref<10000x128xf32, #tpu.memory_space<hbm>>) dst(%dma_wait3A_303 : memref<128x128xf32, #tpu.memory_space<vmem>>)
        %run_scoped3A_310 = arith.constant 0 : i32
        %run_scoped3A_311 = arith.constant 6 : i32
        "tpu.region"() ({
          %run_scoped3A_563 = tpu.sem_alloc : memref<!tpu.dma_semaphore, #tpu.memory_space<semaphore_mem>>
          %dma_start3A_564 = arith.constant 0 : i32
          %dma_start3A_565 = arith.constant 0 : i32
          %dma_start3A_566 = tpu.memref_slice %arg9[%run_scoped3A_310, %dma_start3A_564, %dma_start3A_565] : memref<2x128x128xf32, #tpu.memory_space<vmem>> -> memref<1x128x128xf32, #tpu.memory_space<vmem>>
          %dma_start3A_567 = tpu.memref_squeeze %dma_start3A_566 : memref<1x128x128xf32, #tpu.memory_space<vmem>> -> memref<128x128xf32, #tpu.memory_space<vmem>>
          %dma_start3A_568 = arith.constant 0 : i32
          %dma_start3A_569 = tpu.memref_slice %arg8[%run_scoped3A_311, %dma_start3A_568] : memref<16x128xi32, #tpu.memory_space<vmem>> -> memref<1x128xi32, #tpu.memory_space<vmem>>
          %dma_start3A_570 = tpu.memref_squeeze %dma_start3A_569 : memref<1x128xi32, #tpu.memory_space<vmem>> -> memref<128xi32, #tpu.memory_space<vmem>>
          %dma_start3A_571 = arith.constant 0 : i32
          %dma_start3A_572 = arith.constant 0 : i32
          %dma_start3A_573 = tpu.memref_slice %arg10[%dma_start3A_571, %dma_start3A_572] : memref<10240x128xf32, #tpu.memory_space<vmem_shared>> -> memref<10240x128xf32, #tpu.memory_space<vmem_shared>>
          tpu.enqueue_indirect_dma source(%dma_start3A_567 : memref<128x128xf32, #tpu.memory_space<vmem>>) target(%dma_start3A_573 : memref<10240x128xf32, #tpu.memory_space<vmem_shared>>) offsets(%dma_start3A_570 : memref<128xi32, #tpu.memory_space<vmem>>) semaphore(%run_scoped3A_563 : memref<!tpu.dma_semaphore, #tpu.memory_space<semaphore_mem>>) {add = true}
          %dma_wait3A_574 = arith.constant 0 : i32
          %dma_wait3A_575 = arith.constant 0 : i32
          %dma_wait3A_576 = tpu.memref_slice %arg9[%run_scoped3A_310, %dma_wait3A_574, %dma_wait3A_575] : memref<2x128x128xf32, #tpu.memory_space<vmem>> -> memref<1x128x128xf32, #tpu.memory_space<vmem>>
          %dma_wait3A_577 = tpu.memref_squeeze %dma_wait3A_576 : memref<1x128x128xf32, #tpu.memory_space<vmem>> -> memref<128x128xf32, #tpu.memory_space<vmem>>
          %dma_wait3A_578 = arith.constant 0 : i32
          %dma_wait3A_579 = tpu.memref_slice %arg8[%run_scoped3A_311, %dma_wait3A_578] : memref<16x128xi32, #tpu.memory_space<vmem>> -> memref<1x128xi32, #tpu.memory_space<vmem>>
          %dma_wait3A_580 = tpu.memref_squeeze %dma_wait3A_579 : memref<1x128xi32, #tpu.memory_space<vmem>> -> memref<128xi32, #tpu.memory_space<vmem>>
          %dma_wait3A_581 = arith.constant 0 : i32
          %dma_wait3A_582 = arith.constant 0 : i32
          %dma_wait3A_583 = tpu.memref_slice %arg10[%dma_wait3A_581, %dma_wait3A_582] : memref<10240x128xf32, #tpu.memory_space<vmem_shared>> -> memref<10240x128xf32, #tpu.memory_space<vmem_shared>>
          tpu.wait_indirect_dma semaphore(%run_scoped3A_563 : memref<!tpu.dma_semaphore, #tpu.memory_space<semaphore_mem>>) src(%dma_wait3A_577 : memref<128x128xf32, #tpu.memory_space<vmem>>) dst(%dma_wait3A_583 : memref<10240x128xf32, #tpu.memory_space<vmem_shared>>)
          tpu.yield
        }) : () -> ()
        %add3A_312 = arith.constant 1 : i32
        %add3A_313 = arith.addi %add3A_136, %add3A_312 : i32
        %lt3A_314 = arith.constant 20 : i32
        %lt3A_315 = arith.cmpi slt, %add3A_313, %lt3A_314 : i32
        %convert_element_type3A_316 = arith.extui %lt3A_315 : i1 to i32
        %cond3A_317 = arith.constant 0 : i32
        %cond3A_318 = arith.cmpi ne, %convert_element_type3A_316, %cond3A_317 : i32
        scf.if %cond3A_318 {
          %dma_start3A_563 = arith.constant 8 : i32
          %dma_start3A_564 = arith.constant 0 : i32
          %dma_start3A_565 = arith.constant 0 : i32
          %dma_start3A_566 = arith.constant 0 : i32
          %dma_start3A_567 = tpu.memref_slice %arg9[%dma_start3A_564, %dma_start3A_565, %dma_start3A_566] : memref<2x128x128xf32, #tpu.memory_space<vmem>> -> memref<1x128x128xf32, #tpu.memory_space<vmem>>
          %dma_start3A_568 = tpu.memref_squeeze %dma_start3A_567 : memref<1x128x128xf32, #tpu.memory_space<vmem>> -> memref<128x128xf32, #tpu.memory_space<vmem>>
          %dma_start3A_569 = arith.constant 0 : i32
          %dma_start3A_570 = tpu.memref_slice %arg7[%dma_start3A_563, %dma_start3A_569] : memref<16x128xi32, #tpu.memory_space<vmem>> -> memref<1x128xi32, #tpu.memory_space<vmem>>
          %dma_start3A_571 = tpu.memref_squeeze %dma_start3A_570 : memref<1x128xi32, #tpu.memory_space<vmem>> -> memref<128xi32, #tpu.memory_space<vmem>>
          %dma_start3A_572 = arith.constant 0 : i32
          %dma_start3A_573 = arith.constant 0 : i32
          %dma_start3A_574 = tpu.memref_slice %arg2[%dma_start3A_572, %dma_start3A_573] : memref<10000x128xf32, #tpu.memory_space<hbm>> -> memref<10000x128xf32, #tpu.memory_space<hbm>>
          tpu.enqueue_indirect_dma source(%dma_start3A_574 : memref<10000x128xf32, #tpu.memory_space<hbm>>) target(%dma_start3A_568 : memref<128x128xf32, #tpu.memory_space<vmem>>) offsets(%dma_start3A_571 : memref<128xi32, #tpu.memory_space<vmem>>) semaphore(%arg15 : memref<!tpu.dma_semaphore, #tpu.memory_space<semaphore_mem>>)
        } else {
        }
        %dma_wait3A_319 = arith.constant 7 : i32
        %dma_wait3A_320 = arith.constant 1 : i32
        %dma_wait3A_321 = arith.constant 0 : i32
        %dma_wait3A_322 = arith.constant 0 : i32
        %dma_wait3A_323 = tpu.memref_slice %arg9[%dma_wait3A_320, %dma_wait3A_321, %dma_wait3A_322] : memref<2x128x128xf32, #tpu.memory_space<vmem>> -> memref<1x128x128xf32, #tpu.memory_space<vmem>>
        %dma_wait3A_324 = tpu.memref_squeeze %dma_wait3A_323 : memref<1x128x128xf32, #tpu.memory_space<vmem>> -> memref<128x128xf32, #tpu.memory_space<vmem>>
        %dma_wait3A_325 = arith.constant 0 : i32
        %dma_wait3A_326 = tpu.memref_slice %arg7[%dma_wait3A_319, %dma_wait3A_325] : memref<16x128xi32, #tpu.memory_space<vmem>> -> memref<1x128xi32, #tpu.memory_space<vmem>>
        %dma_wait3A_327 = tpu.memref_squeeze %dma_wait3A_326 : memref<1x128xi32, #tpu.memory_space<vmem>> -> memref<128xi32, #tpu.memory_space<vmem>>
        %dma_wait3A_328 = arith.constant 0 : i32
        %dma_wait3A_329 = arith.constant 0 : i32
        %dma_wait3A_330 = tpu.memref_slice %arg2[%dma_wait3A_328, %dma_wait3A_329] : memref<10000x128xf32, #tpu.memory_space<hbm>> -> memref<10000x128xf32, #tpu.memory_space<hbm>>
        tpu.wait_indirect_dma semaphore(%arg16 : memref<!tpu.dma_semaphore, #tpu.memory_space<semaphore_mem>>) src(%dma_wait3A_330 : memref<10000x128xf32, #tpu.memory_space<hbm>>) dst(%dma_wait3A_324 : memref<128x128xf32, #tpu.memory_space<vmem>>)
        %run_scoped3A_331 = arith.constant 1 : i32
        %run_scoped3A_332 = arith.constant 7 : i32
        "tpu.region"() ({
          %run_scoped3A_563 = tpu.sem_alloc : memref<!tpu.dma_semaphore, #tpu.memory_space<semaphore_mem>>
          %dma_start3A_564 = arith.constant 0 : i32
          %dma_start3A_565 = arith.constant 0 : i32
          %dma_start3A_566 = tpu.memref_slice %arg9[%run_scoped3A_331, %dma_start3A_564, %dma_start3A_565] : memref<2x128x128xf32, #tpu.memory_space<vmem>> -> memref<1x128x128xf32, #tpu.memory_space<vmem>>
          %dma_start3A_567 = tpu.memref_squeeze %dma_start3A_566 : memref<1x128x128xf32, #tpu.memory_space<vmem>> -> memref<128x128xf32, #tpu.memory_space<vmem>>
          %dma_start3A_568 = arith.constant 0 : i32
          %dma_start3A_569 = tpu.memref_slice %arg8[%run_scoped3A_332, %dma_start3A_568] : memref<16x128xi32, #tpu.memory_space<vmem>> -> memref<1x128xi32, #tpu.memory_space<vmem>>
          %dma_start3A_570 = tpu.memref_squeeze %dma_start3A_569 : memref<1x128xi32, #tpu.memory_space<vmem>> -> memref<128xi32, #tpu.memory_space<vmem>>
          %dma_start3A_571 = arith.constant 0 : i32
          %dma_start3A_572 = arith.constant 0 : i32
          %dma_start3A_573 = tpu.memref_slice %arg10[%dma_start3A_571, %dma_start3A_572] : memref<10240x128xf32, #tpu.memory_space<vmem_shared>> -> memref<10240x128xf32, #tpu.memory_space<vmem_shared>>
          tpu.enqueue_indirect_dma source(%dma_start3A_567 : memref<128x128xf32, #tpu.memory_space<vmem>>) target(%dma_start3A_573 : memref<10240x128xf32, #tpu.memory_space<vmem_shared>>) offsets(%dma_start3A_570 : memref<128xi32, #tpu.memory_space<vmem>>) semaphore(%run_scoped3A_563 : memref<!tpu.dma_semaphore, #tpu.memory_space<semaphore_mem>>) {add = true}
          %dma_wait3A_574 = arith.constant 0 : i32
          %dma_wait3A_575 = arith.constant 0 : i32
          %dma_wait3A_576 = tpu.memref_slice %arg9[%run_scoped3A_331, %dma_wait3A_574, %dma_wait3A_575] : memref<2x128x128xf32, #tpu.memory_space<vmem>> -> memref<1x128x128xf32, #tpu.memory_space<vmem>>
          %dma_wait3A_577 = tpu.memref_squeeze %dma_wait3A_576 : memref<1x128x128xf32, #tpu.memory_space<vmem>> -> memref<128x128xf32, #tpu.memory_space<vmem>>
          %dma_wait3A_578 = arith.constant 0 : i32
          %dma_wait3A_579 = tpu.memref_slice %arg8[%run_scoped3A_332, %dma_wait3A_578] : memref<16x128xi32, #tpu.memory_space<vmem>> -> memref<1x128xi32, #tpu.memory_space<vmem>>
          %dma_wait3A_580 = tpu.memref_squeeze %dma_wait3A_579 : memref<1x128xi32, #tpu.memory_space<vmem>> -> memref<128xi32, #tpu.memory_space<vmem>>
          %dma_wait3A_581 = arith.constant 0 : i32
          %dma_wait3A_582 = arith.constant 0 : i32
          %dma_wait3A_583 = tpu.memref_slice %arg10[%dma_wait3A_581, %dma_wait3A_582] : memref<10240x128xf32, #tpu.memory_space<vmem_shared>> -> memref<10240x128xf32, #tpu.memory_space<vmem_shared>>
          tpu.wait_indirect_dma semaphore(%run_scoped3A_563 : memref<!tpu.dma_semaphore, #tpu.memory_space<semaphore_mem>>) src(%dma_wait3A_577 : memref<128x128xf32, #tpu.memory_space<vmem>>) dst(%dma_wait3A_583 : memref<10240x128xf32, #tpu.memory_space<vmem_shared>>)
          tpu.yield
        }) : () -> ()
        %add3A_333 = arith.constant 1 : i32
        %add3A_334 = arith.addi %add3A_136, %add3A_333 : i32
        %lt3A_335 = arith.constant 20 : i32
        %lt3A_336 = arith.cmpi slt, %add3A_334, %lt3A_335 : i32
        %convert_element_type3A_337 = arith.extui %lt3A_336 : i1 to i32
        %cond3A_338 = arith.constant 0 : i32
        %cond3A_339 = arith.cmpi ne, %convert_element_type3A_337, %cond3A_338 : i32
        scf.if %cond3A_339 {
          %dma_start3A_563 = arith.constant 9 : i32
          %dma_start3A_564 = arith.constant 1 : i32
          %dma_start3A_565 = arith.constant 0 : i32
          %dma_start3A_566 = arith.constant 0 : i32
          %dma_start3A_567 = tpu.memref_slice %arg9[%dma_start3A_564, %dma_start3A_565, %dma_start3A_566] : memref<2x128x128xf32, #tpu.memory_space<vmem>> -> memref<1x128x128xf32, #tpu.memory_space<vmem>>
          %dma_start3A_568 = tpu.memref_squeeze %dma_start3A_567 : memref<1x128x128xf32, #tpu.memory_space<vmem>> -> memref<128x128xf32, #tpu.memory_space<vmem>>
          %dma_start3A_569 = arith.constant 0 : i32
          %dma_start3A_570 = tpu.memref_slice %arg7[%dma_start3A_563, %dma_start3A_569] : memref<16x128xi32, #tpu.memory_space<vmem>> -> memref<1x128xi32, #tpu.memory_space<vmem>>
          %dma_start3A_571 = tpu.memref_squeeze %dma_start3A_570 : memref<1x128xi32, #tpu.memory_space<vmem>> -> memref<128xi32, #tpu.memory_space<vmem>>
          %dma_start3A_572 = arith.constant 0 : i32
          %dma_start3A_573 = arith.constant 0 : i32
          %dma_start3A_574 = tpu.memref_slice %arg2[%dma_start3A_572, %dma_start3A_573] : memref<10000x128xf32, #tpu.memory_space<hbm>> -> memref<10000x128xf32, #tpu.memory_space<hbm>>
          tpu.enqueue_indirect_dma source(%dma_start3A_574 : memref<10000x128xf32, #tpu.memory_space<hbm>>) target(%dma_start3A_568 : memref<128x128xf32, #tpu.memory_space<vmem>>) offsets(%dma_start3A_571 : memref<128xi32, #tpu.memory_space<vmem>>) semaphore(%arg16 : memref<!tpu.dma_semaphore, #tpu.memory_space<semaphore_mem>>)
        } else {
        }
        %add3A_340 = arith.constant 2 : i32
        %add3A_341 = arith.addi %add3A_136, %add3A_340 : i32
        %lt3A_342 = arith.constant 20 : i32
        %lt3A_343 = arith.cmpi slt, %add3A_341, %lt3A_342 : i32
        %convert_element_type3A_344 = arith.extui %lt3A_343 : i1 to i32
        %cond3A_345 = arith.constant 0 : i32
        %cond3A_346 = arith.cmpi ne, %convert_element_type3A_344, %cond3A_345 : i32
        scf.if %cond3A_346 {
          %add3A_563 = arith.constant 2 : i32
          %add3A_564 = arith.addi %add3A_136, %add3A_563 : i32
          %add3A_565 = arith.addi %mul3A_0, %add3A_564 : i32
          %dma_start3A_566 = arith.constant 0 : i32
          %dma_start3A_567 = arith.constant 0 : i32
          %dma_start3A_568 = tpu.memref_slice %arg7[%dma_start3A_566, %dma_start3A_567] : memref<16x128xi32, #tpu.memory_space<vmem>> -> memref<8x128xi32, #tpu.memory_space<vmem>>
          %dma_start3A_569 = arith.constant 0 : i32
          %dma_start3A_570 = arith.constant 0 : i32
          %dma_start3A_571 = tpu.memref_slice %arg3[%add3A_565, %dma_start3A_569, %dma_start3A_570] : memref<320x8x128xi32, #tpu.memory_space<hbm>> -> memref<1x8x128xi32, #tpu.memory_space<hbm>>
          %dma_start3A_572 = tpu.memref_squeeze %dma_start3A_571 : memref<1x8x128xi32, #tpu.memory_space<hbm>> -> memref<8x128xi32, #tpu.memory_space<hbm>>
          %dma_start3A_573 = arith.constant 0 : i32
          %dma_start3A_574 = arith.constant 0 : i32
          %dma_start3A_575 = tpu.memref_slice %arg7[%dma_start3A_573, %dma_start3A_574] : memref<16x128xi32, #tpu.memory_space<vmem>> -> memref<8x128xi32, #tpu.memory_space<vmem>>
          %dma_start3A_576 = arith.constant 0 : i32
          %dma_start3A_577 = arith.constant 0 : i32
          %dma_start3A_578 = tpu.memref_slice %arg3[%add3A_565, %dma_start3A_576, %dma_start3A_577] : memref<320x8x128xi32, #tpu.memory_space<hbm>> -> memref<1x8x128xi32, #tpu.memory_space<hbm>>
          %dma_start3A_579 = tpu.memref_squeeze %dma_start3A_578 : memref<1x8x128xi32, #tpu.memory_space<hbm>> -> memref<8x128xi32, #tpu.memory_space<hbm>>
          tpu.enqueue_dma source(%dma_start3A_579 : memref<8x128xi32, #tpu.memory_space<hbm>>) target(%dma_start3A_575 : memref<8x128xi32, #tpu.memory_space<vmem>>) target_semaphore(%arg11 : memref<!tpu.dma_semaphore, #tpu.memory_space<semaphore_mem>>)
          %add3A_580 = arith.addi %mul3A_0, %add3A_564 : i32
          %dma_start3A_581 = arith.constant 0 : i32
          %dma_start3A_582 = arith.constant 0 : i32
          %dma_start3A_583 = tpu.memref_slice %arg8[%dma_start3A_581, %dma_start3A_582] : memref<16x128xi32, #tpu.memory_space<vmem>> -> memref<8x128xi32, #tpu.memory_space<vmem>>
          %dma_start3A_584 = arith.constant 0 : i32
          %dma_start3A_585 = arith.constant 0 : i32
          %dma_start3A_586 = tpu.memref_slice %arg4[%add3A_580, %dma_start3A_584, %dma_start3A_585] : memref<320x8x128xi32, #tpu.memory_space<hbm>> -> memref<1x8x128xi32, #tpu.memory_space<hbm>>
          %dma_start3A_587 = tpu.memref_squeeze %dma_start3A_586 : memref<1x8x128xi32, #tpu.memory_space<hbm>> -> memref<8x128xi32, #tpu.memory_space<hbm>>
          %dma_start3A_588 = arith.constant 0 : i32
          %dma_start3A_589 = arith.constant 0 : i32
          %dma_start3A_590 = tpu.memref_slice %arg8[%dma_start3A_588, %dma_start3A_589] : memref<16x128xi32, #tpu.memory_space<vmem>> -> memref<8x128xi32, #tpu.memory_space<vmem>>
          %dma_start3A_591 = arith.constant 0 : i32
          %dma_start3A_592 = arith.constant 0 : i32
          %dma_start3A_593 = tpu.memref_slice %arg4[%add3A_580, %dma_start3A_591, %dma_start3A_592] : memref<320x8x128xi32, #tpu.memory_space<hbm>> -> memref<1x8x128xi32, #tpu.memory_space<hbm>>
          %dma_start3A_594 = tpu.memref_squeeze %dma_start3A_593 : memref<1x8x128xi32, #tpu.memory_space<hbm>> -> memref<8x128xi32, #tpu.memory_space<hbm>>
          tpu.enqueue_dma source(%dma_start3A_594 : memref<8x128xi32, #tpu.memory_space<hbm>>) target(%dma_start3A_590 : memref<8x128xi32, #tpu.memory_space<vmem>>) target_semaphore(%arg13 : memref<!tpu.dma_semaphore, #tpu.memory_space<semaphore_mem>>)
        } else {
        }
        %mul3A_347 = arith.constant 2 : i32
        %mul3A_348 = arith.muli %mul3A_347, %scan3A_132 : i32
        %add3A_349 = arith.constant 1 : i32
        %add3A_350 = arith.addi %mul3A_348, %add3A_349 : i32
        %dma_wait3A_351 = arith.constant 8 : i32
        %dma_wait3A_352 = arith.constant 0 : i32
        %dma_wait3A_353 = arith.constant 0 : i32
        %dma_wait3A_354 = arith.constant 0 : i32
        %dma_wait3A_355 = tpu.memref_slice %arg9[%dma_wait3A_352, %dma_wait3A_353, %dma_wait3A_354] : memref<2x128x128xf32, #tpu.memory_space<vmem>> -> memref<1x128x128xf32, #tpu.memory_space<vmem>>
        %dma_wait3A_356 = tpu.memref_squeeze %dma_wait3A_355 : memref<1x128x128xf32, #tpu.memory_space<vmem>> -> memref<128x128xf32, #tpu.memory_space<vmem>>
        %dma_wait3A_357 = arith.constant 0 : i32
        %dma_wait3A_358 = tpu.memref_slice %arg7[%dma_wait3A_351, %dma_wait3A_357] : memref<16x128xi32, #tpu.memory_space<vmem>> -> memref<1x128xi32, #tpu.memory_space<vmem>>
        %dma_wait3A_359 = tpu.memref_squeeze %dma_wait3A_358 : memref<1x128xi32, #tpu.memory_space<vmem>> -> memref<128xi32, #tpu.memory_space<vmem>>
        %dma_wait3A_360 = arith.constant 0 : i32
        %dma_wait3A_361 = arith.constant 0 : i32
        %dma_wait3A_362 = tpu.memref_slice %arg2[%dma_wait3A_360, %dma_wait3A_361] : memref<10000x128xf32, #tpu.memory_space<hbm>> -> memref<10000x128xf32, #tpu.memory_space<hbm>>
        tpu.wait_indirect_dma semaphore(%arg15 : memref<!tpu.dma_semaphore, #tpu.memory_space<semaphore_mem>>) src(%dma_wait3A_362 : memref<10000x128xf32, #tpu.memory_space<hbm>>) dst(%dma_wait3A_356 : memref<128x128xf32, #tpu.memory_space<vmem>>)
        %run_scoped3A_363 = arith.constant 0 : i32
        %run_scoped3A_364 = arith.constant 8 : i32
        "tpu.region"() ({
          %run_scoped3A_563 = tpu.sem_alloc : memref<!tpu.dma_semaphore, #tpu.memory_space<semaphore_mem>>
          %dma_start3A_564 = arith.constant 0 : i32
          %dma_start3A_565 = arith.constant 0 : i32
          %dma_start3A_566 = tpu.memref_slice %arg9[%run_scoped3A_363, %dma_start3A_564, %dma_start3A_565] : memref<2x128x128xf32, #tpu.memory_space<vmem>> -> memref<1x128x128xf32, #tpu.memory_space<vmem>>
          %dma_start3A_567 = tpu.memref_squeeze %dma_start3A_566 : memref<1x128x128xf32, #tpu.memory_space<vmem>> -> memref<128x128xf32, #tpu.memory_space<vmem>>
          %dma_start3A_568 = arith.constant 0 : i32
          %dma_start3A_569 = tpu.memref_slice %arg8[%run_scoped3A_364, %dma_start3A_568] : memref<16x128xi32, #tpu.memory_space<vmem>> -> memref<1x128xi32, #tpu.memory_space<vmem>>
          %dma_start3A_570 = tpu.memref_squeeze %dma_start3A_569 : memref<1x128xi32, #tpu.memory_space<vmem>> -> memref<128xi32, #tpu.memory_space<vmem>>
          %dma_start3A_571 = arith.constant 0 : i32
          %dma_start3A_572 = arith.constant 0 : i32
          %dma_start3A_573 = tpu.memref_slice %arg10[%dma_start3A_571, %dma_start3A_572] : memref<10240x128xf32, #tpu.memory_space<vmem_shared>> -> memref<10240x128xf32, #tpu.memory_space<vmem_shared>>
          tpu.enqueue_indirect_dma source(%dma_start3A_567 : memref<128x128xf32, #tpu.memory_space<vmem>>) target(%dma_start3A_573 : memref<10240x128xf32, #tpu.memory_space<vmem_shared>>) offsets(%dma_start3A_570 : memref<128xi32, #tpu.memory_space<vmem>>) semaphore(%run_scoped3A_563 : memref<!tpu.dma_semaphore, #tpu.memory_space<semaphore_mem>>) {add = true}
          %dma_wait3A_574 = arith.constant 0 : i32
          %dma_wait3A_575 = arith.constant 0 : i32
          %dma_wait3A_576 = tpu.memref_slice %arg9[%run_scoped3A_363, %dma_wait3A_574, %dma_wait3A_575] : memref<2x128x128xf32, #tpu.memory_space<vmem>> -> memref<1x128x128xf32, #tpu.memory_space<vmem>>
          %dma_wait3A_577 = tpu.memref_squeeze %dma_wait3A_576 : memref<1x128x128xf32, #tpu.memory_space<vmem>> -> memref<128x128xf32, #tpu.memory_space<vmem>>
          %dma_wait3A_578 = arith.constant 0 : i32
          %dma_wait3A_579 = tpu.memref_slice %arg8[%run_scoped3A_364, %dma_wait3A_578] : memref<16x128xi32, #tpu.memory_space<vmem>> -> memref<1x128xi32, #tpu.memory_space<vmem>>
          %dma_wait3A_580 = tpu.memref_squeeze %dma_wait3A_579 : memref<1x128xi32, #tpu.memory_space<vmem>> -> memref<128xi32, #tpu.memory_space<vmem>>
          %dma_wait3A_581 = arith.constant 0 : i32
          %dma_wait3A_582 = arith.constant 0 : i32
          %dma_wait3A_583 = tpu.memref_slice %arg10[%dma_wait3A_581, %dma_wait3A_582] : memref<10240x128xf32, #tpu.memory_space<vmem_shared>> -> memref<10240x128xf32, #tpu.memory_space<vmem_shared>>
          tpu.wait_indirect_dma semaphore(%run_scoped3A_563 : memref<!tpu.dma_semaphore, #tpu.memory_space<semaphore_mem>>) src(%dma_wait3A_577 : memref<128x128xf32, #tpu.memory_space<vmem>>) dst(%dma_wait3A_583 : memref<10240x128xf32, #tpu.memory_space<vmem_shared>>)
          tpu.yield
        }) : () -> ()
        %dma_start3A_365 = arith.constant 10 : i32
        %dma_start3A_366 = arith.constant 0 : i32
        %dma_start3A_367 = arith.constant 0 : i32
        %dma_start3A_368 = arith.constant 0 : i32
        %dma_start3A_369 = tpu.memref_slice %arg9[%dma_start3A_366, %dma_start3A_367, %dma_start3A_368] : memref<2x128x128xf32, #tpu.memory_space<vmem>> -> memref<1x128x128xf32, #tpu.memory_space<vmem>>
        %dma_start3A_370 = tpu.memref_squeeze %dma_start3A_369 : memref<1x128x128xf32, #tpu.memory_space<vmem>> -> memref<128x128xf32, #tpu.memory_space<vmem>>
        %dma_start3A_371 = arith.constant 0 : i32
        %dma_start3A_372 = tpu.memref_slice %arg7[%dma_start3A_365, %dma_start3A_371] : memref<16x128xi32, #tpu.memory_space<vmem>> -> memref<1x128xi32, #tpu.memory_space<vmem>>
        %dma_start3A_373 = tpu.memref_squeeze %dma_start3A_372 : memref<1x128xi32, #tpu.memory_space<vmem>> -> memref<128xi32, #tpu.memory_space<vmem>>
        %dma_start3A_374 = arith.constant 0 : i32
        %dma_start3A_375 = arith.constant 0 : i32
        %dma_start3A_376 = tpu.memref_slice %arg2[%dma_start3A_374, %dma_start3A_375] : memref<10000x128xf32, #tpu.memory_space<hbm>> -> memref<10000x128xf32, #tpu.memory_space<hbm>>
        tpu.enqueue_indirect_dma source(%dma_start3A_376 : memref<10000x128xf32, #tpu.memory_space<hbm>>) target(%dma_start3A_370 : memref<128x128xf32, #tpu.memory_space<vmem>>) offsets(%dma_start3A_373 : memref<128xi32, #tpu.memory_space<vmem>>) semaphore(%arg15 : memref<!tpu.dma_semaphore, #tpu.memory_space<semaphore_mem>>)
        %dma_wait3A_377 = arith.constant 9 : i32
        %dma_wait3A_378 = arith.constant 1 : i32
        %dma_wait3A_379 = arith.constant 0 : i32
        %dma_wait3A_380 = arith.constant 0 : i32
        %dma_wait3A_381 = tpu.memref_slice %arg9[%dma_wait3A_378, %dma_wait3A_379, %dma_wait3A_380] : memref<2x128x128xf32, #tpu.memory_space<vmem>> -> memref<1x128x128xf32, #tpu.memory_space<vmem>>
        %dma_wait3A_382 = tpu.memref_squeeze %dma_wait3A_381 : memref<1x128x128xf32, #tpu.memory_space<vmem>> -> memref<128x128xf32, #tpu.memory_space<vmem>>
        %dma_wait3A_383 = arith.constant 0 : i32
        %dma_wait3A_384 = tpu.memref_slice %arg7[%dma_wait3A_377, %dma_wait3A_383] : memref<16x128xi32, #tpu.memory_space<vmem>> -> memref<1x128xi32, #tpu.memory_space<vmem>>
        %dma_wait3A_385 = tpu.memref_squeeze %dma_wait3A_384 : memref<1x128xi32, #tpu.memory_space<vmem>> -> memref<128xi32, #tpu.memory_space<vmem>>
        %dma_wait3A_386 = arith.constant 0 : i32
        %dma_wait3A_387 = arith.constant 0 : i32
        %dma_wait3A_388 = tpu.memref_slice %arg2[%dma_wait3A_386, %dma_wait3A_387] : memref<10000x128xf32, #tpu.memory_space<hbm>> -> memref<10000x128xf32, #tpu.memory_space<hbm>>
        tpu.wait_indirect_dma semaphore(%arg16 : memref<!tpu.dma_semaphore, #tpu.memory_space<semaphore_mem>>) src(%dma_wait3A_388 : memref<10000x128xf32, #tpu.memory_space<hbm>>) dst(%dma_wait3A_382 : memref<128x128xf32, #tpu.memory_space<vmem>>)
        %run_scoped3A_389 = arith.constant 1 : i32
        %run_scoped3A_390 = arith.constant 9 : i32
        "tpu.region"() ({
          %run_scoped3A_563 = tpu.sem_alloc : memref<!tpu.dma_semaphore, #tpu.memory_space<semaphore_mem>>
          %dma_start3A_564 = arith.constant 0 : i32
          %dma_start3A_565 = arith.constant 0 : i32
          %dma_start3A_566 = tpu.memref_slice %arg9[%run_scoped3A_389, %dma_start3A_564, %dma_start3A_565] : memref<2x128x128xf32, #tpu.memory_space<vmem>> -> memref<1x128x128xf32, #tpu.memory_space<vmem>>
          %dma_start3A_567 = tpu.memref_squeeze %dma_start3A_566 : memref<1x128x128xf32, #tpu.memory_space<vmem>> -> memref<128x128xf32, #tpu.memory_space<vmem>>
          %dma_start3A_568 = arith.constant 0 : i32
          %dma_start3A_569 = tpu.memref_slice %arg8[%run_scoped3A_390, %dma_start3A_568] : memref<16x128xi32, #tpu.memory_space<vmem>> -> memref<1x128xi32, #tpu.memory_space<vmem>>
          %dma_start3A_570 = tpu.memref_squeeze %dma_start3A_569 : memref<1x128xi32, #tpu.memory_space<vmem>> -> memref<128xi32, #tpu.memory_space<vmem>>
          %dma_start3A_571 = arith.constant 0 : i32
          %dma_start3A_572 = arith.constant 0 : i32
          %dma_start3A_573 = tpu.memref_slice %arg10[%dma_start3A_571, %dma_start3A_572] : memref<10240x128xf32, #tpu.memory_space<vmem_shared>> -> memref<10240x128xf32, #tpu.memory_space<vmem_shared>>
          tpu.enqueue_indirect_dma source(%dma_start3A_567 : memref<128x128xf32, #tpu.memory_space<vmem>>) target(%dma_start3A_573 : memref<10240x128xf32, #tpu.memory_space<vmem_shared>>) offsets(%dma_start3A_570 : memref<128xi32, #tpu.memory_space<vmem>>) semaphore(%run_scoped3A_563 : memref<!tpu.dma_semaphore, #tpu.memory_space<semaphore_mem>>) {add = true}
          %dma_wait3A_574 = arith.constant 0 : i32
          %dma_wait3A_575 = arith.constant 0 : i32
          %dma_wait3A_576 = tpu.memref_slice %arg9[%run_scoped3A_389, %dma_wait3A_574, %dma_wait3A_575] : memref<2x128x128xf32, #tpu.memory_space<vmem>> -> memref<1x128x128xf32, #tpu.memory_space<vmem>>
          %dma_wait3A_577 = tpu.memref_squeeze %dma_wait3A_576 : memref<1x128x128xf32, #tpu.memory_space<vmem>> -> memref<128x128xf32, #tpu.memory_space<vmem>>
          %dma_wait3A_578 = arith.constant 0 : i32
          %dma_wait3A_579 = tpu.memref_slice %arg8[%run_scoped3A_390, %dma_wait3A_578] : memref<16x128xi32, #tpu.memory_space<vmem>> -> memref<1x128xi32, #tpu.memory_space<vmem>>
          %dma_wait3A_580 = tpu.memref_squeeze %dma_wait3A_579 : memref<1x128xi32, #tpu.memory_space<vmem>> -> memref<128xi32, #tpu.memory_space<vmem>>
          %dma_wait3A_581 = arith.constant 0 : i32
          %dma_wait3A_582 = arith.constant 0 : i32
          %dma_wait3A_583 = tpu.memref_slice %arg10[%dma_wait3A_581, %dma_wait3A_582] : memref<10240x128xf32, #tpu.memory_space<vmem_shared>> -> memref<10240x128xf32, #tpu.memory_space<vmem_shared>>
          tpu.wait_indirect_dma semaphore(%run_scoped3A_563 : memref<!tpu.dma_semaphore, #tpu.memory_space<semaphore_mem>>) src(%dma_wait3A_577 : memref<128x128xf32, #tpu.memory_space<vmem>>) dst(%dma_wait3A_583 : memref<10240x128xf32, #tpu.memory_space<vmem_shared>>)
          tpu.yield
        }) : () -> ()
        %dma_start3A_391 = arith.constant 11 : i32
        %dma_start3A_392 = arith.constant 1 : i32
        %dma_start3A_393 = arith.constant 0 : i32
        %dma_start3A_394 = arith.constant 0 : i32
        %dma_start3A_395 = tpu.memref_slice %arg9[%dma_start3A_392, %dma_start3A_393, %dma_start3A_394] : memref<2x128x128xf32, #tpu.memory_space<vmem>> -> memref<1x128x128xf32, #tpu.memory_space<vmem>>
        %dma_start3A_396 = tpu.memref_squeeze %dma_start3A_395 : memref<1x128x128xf32, #tpu.memory_space<vmem>> -> memref<128x128xf32, #tpu.memory_space<vmem>>
        %dma_start3A_397 = arith.constant 0 : i32
        %dma_start3A_398 = tpu.memref_slice %arg7[%dma_start3A_391, %dma_start3A_397] : memref<16x128xi32, #tpu.memory_space<vmem>> -> memref<1x128xi32, #tpu.memory_space<vmem>>
        %dma_start3A_399 = tpu.memref_squeeze %dma_start3A_398 : memref<1x128xi32, #tpu.memory_space<vmem>> -> memref<128xi32, #tpu.memory_space<vmem>>
        %dma_start3A_400 = arith.constant 0 : i32
        %dma_start3A_401 = arith.constant 0 : i32
        %dma_start3A_402 = tpu.memref_slice %arg2[%dma_start3A_400, %dma_start3A_401] : memref<10000x128xf32, #tpu.memory_space<hbm>> -> memref<10000x128xf32, #tpu.memory_space<hbm>>
        tpu.enqueue_indirect_dma source(%dma_start3A_402 : memref<10000x128xf32, #tpu.memory_space<hbm>>) target(%dma_start3A_396 : memref<128x128xf32, #tpu.memory_space<vmem>>) offsets(%dma_start3A_399 : memref<128xi32, #tpu.memory_space<vmem>>) semaphore(%arg16 : memref<!tpu.dma_semaphore, #tpu.memory_space<semaphore_mem>>)
        %dma_wait3A_403 = arith.constant 10 : i32
        %dma_wait3A_404 = arith.constant 0 : i32
        %dma_wait3A_405 = arith.constant 0 : i32
        %dma_wait3A_406 = arith.constant 0 : i32
        %dma_wait3A_407 = tpu.memref_slice %arg9[%dma_wait3A_404, %dma_wait3A_405, %dma_wait3A_406] : memref<2x128x128xf32, #tpu.memory_space<vmem>> -> memref<1x128x128xf32, #tpu.memory_space<vmem>>
        %dma_wait3A_408 = tpu.memref_squeeze %dma_wait3A_407 : memref<1x128x128xf32, #tpu.memory_space<vmem>> -> memref<128x128xf32, #tpu.memory_space<vmem>>
        %dma_wait3A_409 = arith.constant 0 : i32
        %dma_wait3A_410 = tpu.memref_slice %arg7[%dma_wait3A_403, %dma_wait3A_409] : memref<16x128xi32, #tpu.memory_space<vmem>> -> memref<1x128xi32, #tpu.memory_space<vmem>>
        %dma_wait3A_411 = tpu.memref_squeeze %dma_wait3A_410 : memref<1x128xi32, #tpu.memory_space<vmem>> -> memref<128xi32, #tpu.memory_space<vmem>>
        %dma_wait3A_412 = arith.constant 0 : i32
        %dma_wait3A_413 = arith.constant 0 : i32
        %dma_wait3A_414 = tpu.memref_slice %arg2[%dma_wait3A_412, %dma_wait3A_413] : memref<10000x128xf32, #tpu.memory_space<hbm>> -> memref<10000x128xf32, #tpu.memory_space<hbm>>
        tpu.wait_indirect_dma semaphore(%arg15 : memref<!tpu.dma_semaphore, #tpu.memory_space<semaphore_mem>>) src(%dma_wait3A_414 : memref<10000x128xf32, #tpu.memory_space<hbm>>) dst(%dma_wait3A_408 : memref<128x128xf32, #tpu.memory_space<vmem>>)
        %run_scoped3A_415 = arith.constant 0 : i32
        %run_scoped3A_416 = arith.constant 10 : i32
        "tpu.region"() ({
          %run_scoped3A_563 = tpu.sem_alloc : memref<!tpu.dma_semaphore, #tpu.memory_space<semaphore_mem>>
          %dma_start3A_564 = arith.constant 0 : i32
          %dma_start3A_565 = arith.constant 0 : i32
          %dma_start3A_566 = tpu.memref_slice %arg9[%run_scoped3A_415, %dma_start3A_564, %dma_start3A_565] : memref<2x128x128xf32, #tpu.memory_space<vmem>> -> memref<1x128x128xf32, #tpu.memory_space<vmem>>
          %dma_start3A_567 = tpu.memref_squeeze %dma_start3A_566 : memref<1x128x128xf32, #tpu.memory_space<vmem>> -> memref<128x128xf32, #tpu.memory_space<vmem>>
          %dma_start3A_568 = arith.constant 0 : i32
          %dma_start3A_569 = tpu.memref_slice %arg8[%run_scoped3A_416, %dma_start3A_568] : memref<16x128xi32, #tpu.memory_space<vmem>> -> memref<1x128xi32, #tpu.memory_space<vmem>>
          %dma_start3A_570 = tpu.memref_squeeze %dma_start3A_569 : memref<1x128xi32, #tpu.memory_space<vmem>> -> memref<128xi32, #tpu.memory_space<vmem>>
          %dma_start3A_571 = arith.constant 0 : i32
          %dma_start3A_572 = arith.constant 0 : i32
          %dma_start3A_573 = tpu.memref_slice %arg10[%dma_start3A_571, %dma_start3A_572] : memref<10240x128xf32, #tpu.memory_space<vmem_shared>> -> memref<10240x128xf32, #tpu.memory_space<vmem_shared>>
          tpu.enqueue_indirect_dma source(%dma_start3A_567 : memref<128x128xf32, #tpu.memory_space<vmem>>) target(%dma_start3A_573 : memref<10240x128xf32, #tpu.memory_space<vmem_shared>>) offsets(%dma_start3A_570 : memref<128xi32, #tpu.memory_space<vmem>>) semaphore(%run_scoped3A_563 : memref<!tpu.dma_semaphore, #tpu.memory_space<semaphore_mem>>) {add = true}
          %dma_wait3A_574 = arith.constant 0 : i32
          %dma_wait3A_575 = arith.constant 0 : i32
          %dma_wait3A_576 = tpu.memref_slice %arg9[%run_scoped3A_415, %dma_wait3A_574, %dma_wait3A_575] : memref<2x128x128xf32, #tpu.memory_space<vmem>> -> memref<1x128x128xf32, #tpu.memory_space<vmem>>
          %dma_wait3A_577 = tpu.memref_squeeze %dma_wait3A_576 : memref<1x128x128xf32, #tpu.memory_space<vmem>> -> memref<128x128xf32, #tpu.memory_space<vmem>>
          %dma_wait3A_578 = arith.constant 0 : i32
          %dma_wait3A_579 = tpu.memref_slice %arg8[%run_scoped3A_416, %dma_wait3A_578] : memref<16x128xi32, #tpu.memory_space<vmem>> -> memref<1x128xi32, #tpu.memory_space<vmem>>
          %dma_wait3A_580 = tpu.memref_squeeze %dma_wait3A_579 : memref<1x128xi32, #tpu.memory_space<vmem>> -> memref<128xi32, #tpu.memory_space<vmem>>
          %dma_wait3A_581 = arith.constant 0 : i32
          %dma_wait3A_582 = arith.constant 0 : i32
          %dma_wait3A_583 = tpu.memref_slice %arg10[%dma_wait3A_581, %dma_wait3A_582] : memref<10240x128xf32, #tpu.memory_space<vmem_shared>> -> memref<10240x128xf32, #tpu.memory_space<vmem_shared>>
          tpu.wait_indirect_dma semaphore(%run_scoped3A_563 : memref<!tpu.dma_semaphore, #tpu.memory_space<semaphore_mem>>) src(%dma_wait3A_577 : memref<128x128xf32, #tpu.memory_space<vmem>>) dst(%dma_wait3A_583 : memref<10240x128xf32, #tpu.memory_space<vmem_shared>>)
          tpu.yield
        }) : () -> ()
        %dma_start3A_417 = arith.constant 12 : i32
        %dma_start3A_418 = arith.constant 0 : i32
        %dma_start3A_419 = arith.constant 0 : i32
        %dma_start3A_420 = arith.constant 0 : i32
        %dma_start3A_421 = tpu.memref_slice %arg9[%dma_start3A_418, %dma_start3A_419, %dma_start3A_420] : memref<2x128x128xf32, #tpu.memory_space<vmem>> -> memref<1x128x128xf32, #tpu.memory_space<vmem>>
        %dma_start3A_422 = tpu.memref_squeeze %dma_start3A_421 : memref<1x128x128xf32, #tpu.memory_space<vmem>> -> memref<128x128xf32, #tpu.memory_space<vmem>>
        %dma_start3A_423 = arith.constant 0 : i32
        %dma_start3A_424 = tpu.memref_slice %arg7[%dma_start3A_417, %dma_start3A_423] : memref<16x128xi32, #tpu.memory_space<vmem>> -> memref<1x128xi32, #tpu.memory_space<vmem>>
        %dma_start3A_425 = tpu.memref_squeeze %dma_start3A_424 : memref<1x128xi32, #tpu.memory_space<vmem>> -> memref<128xi32, #tpu.memory_space<vmem>>
        %dma_start3A_426 = arith.constant 0 : i32
        %dma_start3A_427 = arith.constant 0 : i32
        %dma_start3A_428 = tpu.memref_slice %arg2[%dma_start3A_426, %dma_start3A_427] : memref<10000x128xf32, #tpu.memory_space<hbm>> -> memref<10000x128xf32, #tpu.memory_space<hbm>>
        tpu.enqueue_indirect_dma source(%dma_start3A_428 : memref<10000x128xf32, #tpu.memory_space<hbm>>) target(%dma_start3A_422 : memref<128x128xf32, #tpu.memory_space<vmem>>) offsets(%dma_start3A_425 : memref<128xi32, #tpu.memory_space<vmem>>) semaphore(%arg15 : memref<!tpu.dma_semaphore, #tpu.memory_space<semaphore_mem>>)
        %dma_wait3A_429 = arith.constant 11 : i32
        %dma_wait3A_430 = arith.constant 1 : i32
        %dma_wait3A_431 = arith.constant 0 : i32
        %dma_wait3A_432 = arith.constant 0 : i32
        %dma_wait3A_433 = tpu.memref_slice %arg9[%dma_wait3A_430, %dma_wait3A_431, %dma_wait3A_432] : memref<2x128x128xf32, #tpu.memory_space<vmem>> -> memref<1x128x128xf32, #tpu.memory_space<vmem>>
        %dma_wait3A_434 = tpu.memref_squeeze %dma_wait3A_433 : memref<1x128x128xf32, #tpu.memory_space<vmem>> -> memref<128x128xf32, #tpu.memory_space<vmem>>
        %dma_wait3A_435 = arith.constant 0 : i32
        %dma_wait3A_436 = tpu.memref_slice %arg7[%dma_wait3A_429, %dma_wait3A_435] : memref<16x128xi32, #tpu.memory_space<vmem>> -> memref<1x128xi32, #tpu.memory_space<vmem>>
        %dma_wait3A_437 = tpu.memref_squeeze %dma_wait3A_436 : memref<1x128xi32, #tpu.memory_space<vmem>> -> memref<128xi32, #tpu.memory_space<vmem>>
        %dma_wait3A_438 = arith.constant 0 : i32
        %dma_wait3A_439 = arith.constant 0 : i32
        %dma_wait3A_440 = tpu.memref_slice %arg2[%dma_wait3A_438, %dma_wait3A_439] : memref<10000x128xf32, #tpu.memory_space<hbm>> -> memref<10000x128xf32, #tpu.memory_space<hbm>>
        tpu.wait_indirect_dma semaphore(%arg16 : memref<!tpu.dma_semaphore, #tpu.memory_space<semaphore_mem>>) src(%dma_wait3A_440 : memref<10000x128xf32, #tpu.memory_space<hbm>>) dst(%dma_wait3A_434 : memref<128x128xf32, #tpu.memory_space<vmem>>)
        %run_scoped3A_441 = arith.constant 1 : i32
        %run_scoped3A_442 = arith.constant 11 : i32
        "tpu.region"() ({
          %run_scoped3A_563 = tpu.sem_alloc : memref<!tpu.dma_semaphore, #tpu.memory_space<semaphore_mem>>
          %dma_start3A_564 = arith.constant 0 : i32
          %dma_start3A_565 = arith.constant 0 : i32
          %dma_start3A_566 = tpu.memref_slice %arg9[%run_scoped3A_441, %dma_start3A_564, %dma_start3A_565] : memref<2x128x128xf32, #tpu.memory_space<vmem>> -> memref<1x128x128xf32, #tpu.memory_space<vmem>>
          %dma_start3A_567 = tpu.memref_squeeze %dma_start3A_566 : memref<1x128x128xf32, #tpu.memory_space<vmem>> -> memref<128x128xf32, #tpu.memory_space<vmem>>
          %dma_start3A_568 = arith.constant 0 : i32
          %dma_start3A_569 = tpu.memref_slice %arg8[%run_scoped3A_442, %dma_start3A_568] : memref<16x128xi32, #tpu.memory_space<vmem>> -> memref<1x128xi32, #tpu.memory_space<vmem>>
          %dma_start3A_570 = tpu.memref_squeeze %dma_start3A_569 : memref<1x128xi32, #tpu.memory_space<vmem>> -> memref<128xi32, #tpu.memory_space<vmem>>
          %dma_start3A_571 = arith.constant 0 : i32
          %dma_start3A_572 = arith.constant 0 : i32
          %dma_start3A_573 = tpu.memref_slice %arg10[%dma_start3A_571, %dma_start3A_572] : memref<10240x128xf32, #tpu.memory_space<vmem_shared>> -> memref<10240x128xf32, #tpu.memory_space<vmem_shared>>
          tpu.enqueue_indirect_dma source(%dma_start3A_567 : memref<128x128xf32, #tpu.memory_space<vmem>>) target(%dma_start3A_573 : memref<10240x128xf32, #tpu.memory_space<vmem_shared>>) offsets(%dma_start3A_570 : memref<128xi32, #tpu.memory_space<vmem>>) semaphore(%run_scoped3A_563 : memref<!tpu.dma_semaphore, #tpu.memory_space<semaphore_mem>>) {add = true}
          %dma_wait3A_574 = arith.constant 0 : i32
          %dma_wait3A_575 = arith.constant 0 : i32
          %dma_wait3A_576 = tpu.memref_slice %arg9[%run_scoped3A_441, %dma_wait3A_574, %dma_wait3A_575] : memref<2x128x128xf32, #tpu.memory_space<vmem>> -> memref<1x128x128xf32, #tpu.memory_space<vmem>>
          %dma_wait3A_577 = tpu.memref_squeeze %dma_wait3A_576 : memref<1x128x128xf32, #tpu.memory_space<vmem>> -> memref<128x128xf32, #tpu.memory_space<vmem>>
          %dma_wait3A_578 = arith.constant 0 : i32
          %dma_wait3A_579 = tpu.memref_slice %arg8[%run_scoped3A_442, %dma_wait3A_578] : memref<16x128xi32, #tpu.memory_space<vmem>> -> memref<1x128xi32, #tpu.memory_space<vmem>>
          %dma_wait3A_580 = tpu.memref_squeeze %dma_wait3A_579 : memref<1x128xi32, #tpu.memory_space<vmem>> -> memref<128xi32, #tpu.memory_space<vmem>>
          %dma_wait3A_581 = arith.constant 0 : i32
          %dma_wait3A_582 = arith.constant 0 : i32
          %dma_wait3A_583 = tpu.memref_slice %arg10[%dma_wait3A_581, %dma_wait3A_582] : memref<10240x128xf32, #tpu.memory_space<vmem_shared>> -> memref<10240x128xf32, #tpu.memory_space<vmem_shared>>
          tpu.wait_indirect_dma semaphore(%run_scoped3A_563 : memref<!tpu.dma_semaphore, #tpu.memory_space<semaphore_mem>>) src(%dma_wait3A_577 : memref<128x128xf32, #tpu.memory_space<vmem>>) dst(%dma_wait3A_583 : memref<10240x128xf32, #tpu.memory_space<vmem_shared>>)
          tpu.yield
        }) : () -> ()
        %dma_start3A_443 = arith.constant 13 : i32
        %dma_start3A_444 = arith.constant 1 : i32
        %dma_start3A_445 = arith.constant 0 : i32
        %dma_start3A_446 = arith.constant 0 : i32
        %dma_start3A_447 = tpu.memref_slice %arg9[%dma_start3A_444, %dma_start3A_445, %dma_start3A_446] : memref<2x128x128xf32, #tpu.memory_space<vmem>> -> memref<1x128x128xf32, #tpu.memory_space<vmem>>
        %dma_start3A_448 = tpu.memref_squeeze %dma_start3A_447 : memref<1x128x128xf32, #tpu.memory_space<vmem>> -> memref<128x128xf32, #tpu.memory_space<vmem>>
        %dma_start3A_449 = arith.constant 0 : i32
        %dma_start3A_450 = tpu.memref_slice %arg7[%dma_start3A_443, %dma_start3A_449] : memref<16x128xi32, #tpu.memory_space<vmem>> -> memref<1x128xi32, #tpu.memory_space<vmem>>
        %dma_start3A_451 = tpu.memref_squeeze %dma_start3A_450 : memref<1x128xi32, #tpu.memory_space<vmem>> -> memref<128xi32, #tpu.memory_space<vmem>>
        %dma_start3A_452 = arith.constant 0 : i32
        %dma_start3A_453 = arith.constant 0 : i32
        %dma_start3A_454 = tpu.memref_slice %arg2[%dma_start3A_452, %dma_start3A_453] : memref<10000x128xf32, #tpu.memory_space<hbm>> -> memref<10000x128xf32, #tpu.memory_space<hbm>>
        tpu.enqueue_indirect_dma source(%dma_start3A_454 : memref<10000x128xf32, #tpu.memory_space<hbm>>) target(%dma_start3A_448 : memref<128x128xf32, #tpu.memory_space<vmem>>) offsets(%dma_start3A_451 : memref<128xi32, #tpu.memory_space<vmem>>) semaphore(%arg16 : memref<!tpu.dma_semaphore, #tpu.memory_space<semaphore_mem>>)
        %dma_wait3A_455 = arith.constant 12 : i32
        %dma_wait3A_456 = arith.constant 0 : i32
        %dma_wait3A_457 = arith.constant 0 : i32
        %dma_wait3A_458 = arith.constant 0 : i32
        %dma_wait3A_459 = tpu.memref_slice %arg9[%dma_wait3A_456, %dma_wait3A_457, %dma_wait3A_458] : memref<2x128x128xf32, #tpu.memory_space<vmem>> -> memref<1x128x128xf32, #tpu.memory_space<vmem>>
        %dma_wait3A_460 = tpu.memref_squeeze %dma_wait3A_459 : memref<1x128x128xf32, #tpu.memory_space<vmem>> -> memref<128x128xf32, #tpu.memory_space<vmem>>
        %dma_wait3A_461 = arith.constant 0 : i32
        %dma_wait3A_462 = tpu.memref_slice %arg7[%dma_wait3A_455, %dma_wait3A_461] : memref<16x128xi32, #tpu.memory_space<vmem>> -> memref<1x128xi32, #tpu.memory_space<vmem>>
        %dma_wait3A_463 = tpu.memref_squeeze %dma_wait3A_462 : memref<1x128xi32, #tpu.memory_space<vmem>> -> memref<128xi32, #tpu.memory_space<vmem>>
        %dma_wait3A_464 = arith.constant 0 : i32
        %dma_wait3A_465 = arith.constant 0 : i32
        %dma_wait3A_466 = tpu.memref_slice %arg2[%dma_wait3A_464, %dma_wait3A_465] : memref<10000x128xf32, #tpu.memory_space<hbm>> -> memref<10000x128xf32, #tpu.memory_space<hbm>>
        tpu.wait_indirect_dma semaphore(%arg15 : memref<!tpu.dma_semaphore, #tpu.memory_space<semaphore_mem>>) src(%dma_wait3A_466 : memref<10000x128xf32, #tpu.memory_space<hbm>>) dst(%dma_wait3A_460 : memref<128x128xf32, #tpu.memory_space<vmem>>)
        %run_scoped3A_467 = arith.constant 0 : i32
        %run_scoped3A_468 = arith.constant 12 : i32
        "tpu.region"() ({
          %run_scoped3A_563 = tpu.sem_alloc : memref<!tpu.dma_semaphore, #tpu.memory_space<semaphore_mem>>
          %dma_start3A_564 = arith.constant 0 : i32
          %dma_start3A_565 = arith.constant 0 : i32
          %dma_start3A_566 = tpu.memref_slice %arg9[%run_scoped3A_467, %dma_start3A_564, %dma_start3A_565] : memref<2x128x128xf32, #tpu.memory_space<vmem>> -> memref<1x128x128xf32, #tpu.memory_space<vmem>>
          %dma_start3A_567 = tpu.memref_squeeze %dma_start3A_566 : memref<1x128x128xf32, #tpu.memory_space<vmem>> -> memref<128x128xf32, #tpu.memory_space<vmem>>
          %dma_start3A_568 = arith.constant 0 : i32
          %dma_start3A_569 = tpu.memref_slice %arg8[%run_scoped3A_468, %dma_start3A_568] : memref<16x128xi32, #tpu.memory_space<vmem>> -> memref<1x128xi32, #tpu.memory_space<vmem>>
          %dma_start3A_570 = tpu.memref_squeeze %dma_start3A_569 : memref<1x128xi32, #tpu.memory_space<vmem>> -> memref<128xi32, #tpu.memory_space<vmem>>
          %dma_start3A_571 = arith.constant 0 : i32
          %dma_start3A_572 = arith.constant 0 : i32
          %dma_start3A_573 = tpu.memref_slice %arg10[%dma_start3A_571, %dma_start3A_572] : memref<10240x128xf32, #tpu.memory_space<vmem_shared>> -> memref<10240x128xf32, #tpu.memory_space<vmem_shared>>
          tpu.enqueue_indirect_dma source(%dma_start3A_567 : memref<128x128xf32, #tpu.memory_space<vmem>>) target(%dma_start3A_573 : memref<10240x128xf32, #tpu.memory_space<vmem_shared>>) offsets(%dma_start3A_570 : memref<128xi32, #tpu.memory_space<vmem>>) semaphore(%run_scoped3A_563 : memref<!tpu.dma_semaphore, #tpu.memory_space<semaphore_mem>>) {add = true}
          %dma_wait3A_574 = arith.constant 0 : i32
          %dma_wait3A_575 = arith.constant 0 : i32
          %dma_wait3A_576 = tpu.memref_slice %arg9[%run_scoped3A_467, %dma_wait3A_574, %dma_wait3A_575] : memref<2x128x128xf32, #tpu.memory_space<vmem>> -> memref<1x128x128xf32, #tpu.memory_space<vmem>>
          %dma_wait3A_577 = tpu.memref_squeeze %dma_wait3A_576 : memref<1x128x128xf32, #tpu.memory_space<vmem>> -> memref<128x128xf32, #tpu.memory_space<vmem>>
          %dma_wait3A_578 = arith.constant 0 : i32
          %dma_wait3A_579 = tpu.memref_slice %arg8[%run_scoped3A_468, %dma_wait3A_578] : memref<16x128xi32, #tpu.memory_space<vmem>> -> memref<1x128xi32, #tpu.memory_space<vmem>>
          %dma_wait3A_580 = tpu.memref_squeeze %dma_wait3A_579 : memref<1x128xi32, #tpu.memory_space<vmem>> -> memref<128xi32, #tpu.memory_space<vmem>>
          %dma_wait3A_581 = arith.constant 0 : i32
          %dma_wait3A_582 = arith.constant 0 : i32
          %dma_wait3A_583 = tpu.memref_slice %arg10[%dma_wait3A_581, %dma_wait3A_582] : memref<10240x128xf32, #tpu.memory_space<vmem_shared>> -> memref<10240x128xf32, #tpu.memory_space<vmem_shared>>
          tpu.wait_indirect_dma semaphore(%run_scoped3A_563 : memref<!tpu.dma_semaphore, #tpu.memory_space<semaphore_mem>>) src(%dma_wait3A_577 : memref<128x128xf32, #tpu.memory_space<vmem>>) dst(%dma_wait3A_583 : memref<10240x128xf32, #tpu.memory_space<vmem_shared>>)
          tpu.yield
        }) : () -> ()
        %dma_start3A_469 = arith.constant 14 : i32
        %dma_start3A_470 = arith.constant 0 : i32
        %dma_start3A_471 = arith.constant 0 : i32
        %dma_start3A_472 = arith.constant 0 : i32
        %dma_start3A_473 = tpu.memref_slice %arg9[%dma_start3A_470, %dma_start3A_471, %dma_start3A_472] : memref<2x128x128xf32, #tpu.memory_space<vmem>> -> memref<1x128x128xf32, #tpu.memory_space<vmem>>
        %dma_start3A_474 = tpu.memref_squeeze %dma_start3A_473 : memref<1x128x128xf32, #tpu.memory_space<vmem>> -> memref<128x128xf32, #tpu.memory_space<vmem>>
        %dma_start3A_475 = arith.constant 0 : i32
        %dma_start3A_476 = tpu.memref_slice %arg7[%dma_start3A_469, %dma_start3A_475] : memref<16x128xi32, #tpu.memory_space<vmem>> -> memref<1x128xi32, #tpu.memory_space<vmem>>
        %dma_start3A_477 = tpu.memref_squeeze %dma_start3A_476 : memref<1x128xi32, #tpu.memory_space<vmem>> -> memref<128xi32, #tpu.memory_space<vmem>>
        %dma_start3A_478 = arith.constant 0 : i32
        %dma_start3A_479 = arith.constant 0 : i32
        %dma_start3A_480 = tpu.memref_slice %arg2[%dma_start3A_478, %dma_start3A_479] : memref<10000x128xf32, #tpu.memory_space<hbm>> -> memref<10000x128xf32, #tpu.memory_space<hbm>>
        tpu.enqueue_indirect_dma source(%dma_start3A_480 : memref<10000x128xf32, #tpu.memory_space<hbm>>) target(%dma_start3A_474 : memref<128x128xf32, #tpu.memory_space<vmem>>) offsets(%dma_start3A_477 : memref<128xi32, #tpu.memory_space<vmem>>) semaphore(%arg15 : memref<!tpu.dma_semaphore, #tpu.memory_space<semaphore_mem>>)
        %dma_wait3A_481 = arith.constant 13 : i32
        %dma_wait3A_482 = arith.constant 1 : i32
        %dma_wait3A_483 = arith.constant 0 : i32
        %dma_wait3A_484 = arith.constant 0 : i32
        %dma_wait3A_485 = tpu.memref_slice %arg9[%dma_wait3A_482, %dma_wait3A_483, %dma_wait3A_484] : memref<2x128x128xf32, #tpu.memory_space<vmem>> -> memref<1x128x128xf32, #tpu.memory_space<vmem>>
        %dma_wait3A_486 = tpu.memref_squeeze %dma_wait3A_485 : memref<1x128x128xf32, #tpu.memory_space<vmem>> -> memref<128x128xf32, #tpu.memory_space<vmem>>
        %dma_wait3A_487 = arith.constant 0 : i32
        %dma_wait3A_488 = tpu.memref_slice %arg7[%dma_wait3A_481, %dma_wait3A_487] : memref<16x128xi32, #tpu.memory_space<vmem>> -> memref<1x128xi32, #tpu.memory_space<vmem>>
        %dma_wait3A_489 = tpu.memref_squeeze %dma_wait3A_488 : memref<1x128xi32, #tpu.memory_space<vmem>> -> memref<128xi32, #tpu.memory_space<vmem>>
        %dma_wait3A_490 = arith.constant 0 : i32
        %dma_wait3A_491 = arith.constant 0 : i32
        %dma_wait3A_492 = tpu.memref_slice %arg2[%dma_wait3A_490, %dma_wait3A_491] : memref<10000x128xf32, #tpu.memory_space<hbm>> -> memref<10000x128xf32, #tpu.memory_space<hbm>>
        tpu.wait_indirect_dma semaphore(%arg16 : memref<!tpu.dma_semaphore, #tpu.memory_space<semaphore_mem>>) src(%dma_wait3A_492 : memref<10000x128xf32, #tpu.memory_space<hbm>>) dst(%dma_wait3A_486 : memref<128x128xf32, #tpu.memory_space<vmem>>)
        %run_scoped3A_493 = arith.constant 1 : i32
        %run_scoped3A_494 = arith.constant 13 : i32
        "tpu.region"() ({
          %run_scoped3A_563 = tpu.sem_alloc : memref<!tpu.dma_semaphore, #tpu.memory_space<semaphore_mem>>
          %dma_start3A_564 = arith.constant 0 : i32
          %dma_start3A_565 = arith.constant 0 : i32
          %dma_start3A_566 = tpu.memref_slice %arg9[%run_scoped3A_493, %dma_start3A_564, %dma_start3A_565] : memref<2x128x128xf32, #tpu.memory_space<vmem>> -> memref<1x128x128xf32, #tpu.memory_space<vmem>>
          %dma_start3A_567 = tpu.memref_squeeze %dma_start3A_566 : memref<1x128x128xf32, #tpu.memory_space<vmem>> -> memref<128x128xf32, #tpu.memory_space<vmem>>
          %dma_start3A_568 = arith.constant 0 : i32
          %dma_start3A_569 = tpu.memref_slice %arg8[%run_scoped3A_494, %dma_start3A_568] : memref<16x128xi32, #tpu.memory_space<vmem>> -> memref<1x128xi32, #tpu.memory_space<vmem>>
          %dma_start3A_570 = tpu.memref_squeeze %dma_start3A_569 : memref<1x128xi32, #tpu.memory_space<vmem>> -> memref<128xi32, #tpu.memory_space<vmem>>
          %dma_start3A_571 = arith.constant 0 : i32
          %dma_start3A_572 = arith.constant 0 : i32
          %dma_start3A_573 = tpu.memref_slice %arg10[%dma_start3A_571, %dma_start3A_572] : memref<10240x128xf32, #tpu.memory_space<vmem_shared>> -> memref<10240x128xf32, #tpu.memory_space<vmem_shared>>
          tpu.enqueue_indirect_dma source(%dma_start3A_567 : memref<128x128xf32, #tpu.memory_space<vmem>>) target(%dma_start3A_573 : memref<10240x128xf32, #tpu.memory_space<vmem_shared>>) offsets(%dma_start3A_570 : memref<128xi32, #tpu.memory_space<vmem>>) semaphore(%run_scoped3A_563 : memref<!tpu.dma_semaphore, #tpu.memory_space<semaphore_mem>>) {add = true}
          %dma_wait3A_574 = arith.constant 0 : i32
          %dma_wait3A_575 = arith.constant 0 : i32
          %dma_wait3A_576 = tpu.memref_slice %arg9[%run_scoped3A_493, %dma_wait3A_574, %dma_wait3A_575] : memref<2x128x128xf32, #tpu.memory_space<vmem>> -> memref<1x128x128xf32, #tpu.memory_space<vmem>>
          %dma_wait3A_577 = tpu.memref_squeeze %dma_wait3A_576 : memref<1x128x128xf32, #tpu.memory_space<vmem>> -> memref<128x128xf32, #tpu.memory_space<vmem>>
          %dma_wait3A_578 = arith.constant 0 : i32
          %dma_wait3A_579 = tpu.memref_slice %arg8[%run_scoped3A_494, %dma_wait3A_578] : memref<16x128xi32, #tpu.memory_space<vmem>> -> memref<1x128xi32, #tpu.memory_space<vmem>>
          %dma_wait3A_580 = tpu.memref_squeeze %dma_wait3A_579 : memref<1x128xi32, #tpu.memory_space<vmem>> -> memref<128xi32, #tpu.memory_space<vmem>>
          %dma_wait3A_581 = arith.constant 0 : i32
          %dma_wait3A_582 = arith.constant 0 : i32
          %dma_wait3A_583 = tpu.memref_slice %arg10[%dma_wait3A_581, %dma_wait3A_582] : memref<10240x128xf32, #tpu.memory_space<vmem_shared>> -> memref<10240x128xf32, #tpu.memory_space<vmem_shared>>
          tpu.wait_indirect_dma semaphore(%run_scoped3A_563 : memref<!tpu.dma_semaphore, #tpu.memory_space<semaphore_mem>>) src(%dma_wait3A_577 : memref<128x128xf32, #tpu.memory_space<vmem>>) dst(%dma_wait3A_583 : memref<10240x128xf32, #tpu.memory_space<vmem_shared>>)
          tpu.yield
        }) : () -> ()
        %dma_start3A_495 = arith.constant 15 : i32
        %dma_start3A_496 = arith.constant 1 : i32
        %dma_start3A_497 = arith.constant 0 : i32
        %dma_start3A_498 = arith.constant 0 : i32
        %dma_start3A_499 = tpu.memref_slice %arg9[%dma_start3A_496, %dma_start3A_497, %dma_start3A_498] : memref<2x128x128xf32, #tpu.memory_space<vmem>> -> memref<1x128x128xf32, #tpu.memory_space<vmem>>
        %dma_start3A_500 = tpu.memref_squeeze %dma_start3A_499 : memref<1x128x128xf32, #tpu.memory_space<vmem>> -> memref<128x128xf32, #tpu.memory_space<vmem>>
        %dma_start3A_501 = arith.constant 0 : i32
        %dma_start3A_502 = tpu.memref_slice %arg7[%dma_start3A_495, %dma_start3A_501] : memref<16x128xi32, #tpu.memory_space<vmem>> -> memref<1x128xi32, #tpu.memory_space<vmem>>
        %dma_start3A_503 = tpu.memref_squeeze %dma_start3A_502 : memref<1x128xi32, #tpu.memory_space<vmem>> -> memref<128xi32, #tpu.memory_space<vmem>>
        %dma_start3A_504 = arith.constant 0 : i32
        %dma_start3A_505 = arith.constant 0 : i32
        %dma_start3A_506 = tpu.memref_slice %arg2[%dma_start3A_504, %dma_start3A_505] : memref<10000x128xf32, #tpu.memory_space<hbm>> -> memref<10000x128xf32, #tpu.memory_space<hbm>>
        tpu.enqueue_indirect_dma source(%dma_start3A_506 : memref<10000x128xf32, #tpu.memory_space<hbm>>) target(%dma_start3A_500 : memref<128x128xf32, #tpu.memory_space<vmem>>) offsets(%dma_start3A_503 : memref<128xi32, #tpu.memory_space<vmem>>) semaphore(%arg16 : memref<!tpu.dma_semaphore, #tpu.memory_space<semaphore_mem>>)
        %add3A_507 = arith.constant 1 : i32
        %add3A_508 = arith.addi %add3A_350, %add3A_507 : i32
        %lt3A_509 = arith.constant 20 : i32
        %lt3A_510 = arith.cmpi slt, %add3A_508, %lt3A_509 : i32
        %convert_element_type3A_511 = arith.extui %lt3A_510 : i1 to i32
        %cond3A_512 = arith.constant 0 : i32
        %cond3A_513 = arith.cmpi ne, %convert_element_type3A_511, %cond3A_512 : i32
        scf.if %cond3A_513 {
          %add3A_563 = arith.constant 1 : i32
          %add3A_564 = arith.addi %add3A_350, %add3A_563 : i32
          %add3A_565 = arith.addi %mul3A_0, %add3A_564 : i32
          %dma_wait3A_566 = arith.constant 0 : i32
          %dma_wait3A_567 = arith.constant 0 : i32
          %dma_wait3A_568 = tpu.memref_slice %arg7[%dma_wait3A_566, %dma_wait3A_567] : memref<16x128xi32, #tpu.memory_space<vmem>> -> memref<8x128xi32, #tpu.memory_space<vmem>>
          %dma_wait3A_569 = arith.constant 0 : i32
          %dma_wait3A_570 = arith.constant 0 : i32
          %dma_wait3A_571 = tpu.memref_slice %arg3[%add3A_565, %dma_wait3A_569, %dma_wait3A_570] : memref<320x8x128xi32, #tpu.memory_space<hbm>> -> memref<1x8x128xi32, #tpu.memory_space<hbm>>
          %dma_wait3A_572 = tpu.memref_squeeze %dma_wait3A_571 : memref<1x8x128xi32, #tpu.memory_space<hbm>> -> memref<8x128xi32, #tpu.memory_space<hbm>>
          %dma_wait3A_573 = arith.constant 0 : i32
          %dma_wait3A_574 = arith.constant 0 : i32
          %dma_wait3A_575 = tpu.memref_slice %arg7[%dma_wait3A_573, %dma_wait3A_574] : memref<16x128xi32, #tpu.memory_space<vmem>> -> memref<8x128xi32, #tpu.memory_space<vmem>>
          %dma_wait3A_576 = arith.constant 0 : i32
          %dma_wait3A_577 = arith.constant 0 : i32
          %dma_wait3A_578 = tpu.memref_slice %arg3[%add3A_565, %dma_wait3A_576, %dma_wait3A_577] : memref<320x8x128xi32, #tpu.memory_space<hbm>> -> memref<1x8x128xi32, #tpu.memory_space<hbm>>
          %dma_wait3A_579 = tpu.memref_squeeze %dma_wait3A_578 : memref<1x8x128xi32, #tpu.memory_space<hbm>> -> memref<8x128xi32, #tpu.memory_space<hbm>>
          tpu.wait_dma2 semaphore(%arg11 : memref<!tpu.dma_semaphore, #tpu.memory_space<semaphore_mem>>) src(%dma_wait3A_579 : memref<8x128xi32, #tpu.memory_space<hbm>>) dst(%dma_wait3A_575 : memref<8x128xi32, #tpu.memory_space<vmem>>)
          %add3A_580 = arith.addi %mul3A_0, %add3A_564 : i32
          %dma_wait3A_581 = arith.constant 0 : i32
          %dma_wait3A_582 = arith.constant 0 : i32
          %dma_wait3A_583 = tpu.memref_slice %arg8[%dma_wait3A_581, %dma_wait3A_582] : memref<16x128xi32, #tpu.memory_space<vmem>> -> memref<8x128xi32, #tpu.memory_space<vmem>>
          %dma_wait3A_584 = arith.constant 0 : i32
          %dma_wait3A_585 = arith.constant 0 : i32
          %dma_wait3A_586 = tpu.memref_slice %arg4[%add3A_580, %dma_wait3A_584, %dma_wait3A_585] : memref<320x8x128xi32, #tpu.memory_space<hbm>> -> memref<1x8x128xi32, #tpu.memory_space<hbm>>
          %dma_wait3A_587 = tpu.memref_squeeze %dma_wait3A_586 : memref<1x8x128xi32, #tpu.memory_space<hbm>> -> memref<8x128xi32, #tpu.memory_space<hbm>>
          %dma_wait3A_588 = arith.constant 0 : i32
          %dma_wait3A_589 = arith.constant 0 : i32
          %dma_wait3A_590 = tpu.memref_slice %arg8[%dma_wait3A_588, %dma_wait3A_589] : memref<16x128xi32, #tpu.memory_space<vmem>> -> memref<8x128xi32, #tpu.memory_space<vmem>>
          %dma_wait3A_591 = arith.constant 0 : i32
          %dma_wait3A_592 = arith.constant 0 : i32
          %dma_wait3A_593 = tpu.memref_slice %arg4[%add3A_580, %dma_wait3A_591, %dma_wait3A_592] : memref<320x8x128xi32, #tpu.memory_space<hbm>> -> memref<1x8x128xi32, #tpu.memory_space<hbm>>
          %dma_wait3A_594 = tpu.memref_squeeze %dma_wait3A_593 : memref<1x8x128xi32, #tpu.memory_space<hbm>> -> memref<8x128xi32, #tpu.memory_space<hbm>>
          tpu.wait_dma2 semaphore(%arg13 : memref<!tpu.dma_semaphore, #tpu.memory_space<semaphore_mem>>) src(%dma_wait3A_594 : memref<8x128xi32, #tpu.memory_space<hbm>>) dst(%dma_wait3A_590 : memref<8x128xi32, #tpu.memory_space<vmem>>)
        } else {
        }
        %dma_wait3A_514 = arith.constant 14 : i32
        %dma_wait3A_515 = arith.constant 0 : i32
        %dma_wait3A_516 = arith.constant 0 : i32
        %dma_wait3A_517 = arith.constant 0 : i32
        %dma_wait3A_518 = tpu.memref_slice %arg9[%dma_wait3A_515, %dma_wait3A_516, %dma_wait3A_517] : memref<2x128x128xf32, #tpu.memory_space<vmem>> -> memref<1x128x128xf32, #tpu.memory_space<vmem>>
        %dma_wait3A_519 = tpu.memref_squeeze %dma_wait3A_518 : memref<1x128x128xf32, #tpu.memory_space<vmem>> -> memref<128x128xf32, #tpu.memory_space<vmem>>
        %dma_wait3A_520 = arith.constant 0 : i32
        %dma_wait3A_521 = tpu.memref_slice %arg7[%dma_wait3A_514, %dma_wait3A_520] : memref<16x128xi32, #tpu.memory_space<vmem>> -> memref<1x128xi32, #tpu.memory_space<vmem>>
        %dma_wait3A_522 = tpu.memref_squeeze %dma_wait3A_521 : memref<1x128xi32, #tpu.memory_space<vmem>> -> memref<128xi32, #tpu.memory_space<vmem>>
        %dma_wait3A_523 = arith.constant 0 : i32
        %dma_wait3A_524 = arith.constant 0 : i32
        %dma_wait3A_525 = tpu.memref_slice %arg2[%dma_wait3A_523, %dma_wait3A_524] : memref<10000x128xf32, #tpu.memory_space<hbm>> -> memref<10000x128xf32, #tpu.memory_space<hbm>>
        tpu.wait_indirect_dma semaphore(%arg15 : memref<!tpu.dma_semaphore, #tpu.memory_space<semaphore_mem>>) src(%dma_wait3A_525 : memref<10000x128xf32, #tpu.memory_space<hbm>>) dst(%dma_wait3A_519 : memref<128x128xf32, #tpu.memory_space<vmem>>)
        %run_scoped3A_526 = arith.constant 0 : i32
        %run_scoped3A_527 = arith.constant 14 : i32
        "tpu.region"() ({
          %run_scoped3A_563 = tpu.sem_alloc : memref<!tpu.dma_semaphore, #tpu.memory_space<semaphore_mem>>
          %dma_start3A_564 = arith.constant 0 : i32
          %dma_start3A_565 = arith.constant 0 : i32
          %dma_start3A_566 = tpu.memref_slice %arg9[%run_scoped3A_526, %dma_start3A_564, %dma_start3A_565] : memref<2x128x128xf32, #tpu.memory_space<vmem>> -> memref<1x128x128xf32, #tpu.memory_space<vmem>>
          %dma_start3A_567 = tpu.memref_squeeze %dma_start3A_566 : memref<1x128x128xf32, #tpu.memory_space<vmem>> -> memref<128x128xf32, #tpu.memory_space<vmem>>
          %dma_start3A_568 = arith.constant 0 : i32
          %dma_start3A_569 = tpu.memref_slice %arg8[%run_scoped3A_527, %dma_start3A_568] : memref<16x128xi32, #tpu.memory_space<vmem>> -> memref<1x128xi32, #tpu.memory_space<vmem>>
          %dma_start3A_570 = tpu.memref_squeeze %dma_start3A_569 : memref<1x128xi32, #tpu.memory_space<vmem>> -> memref<128xi32, #tpu.memory_space<vmem>>
          %dma_start3A_571 = arith.constant 0 : i32
          %dma_start3A_572 = arith.constant 0 : i32
          %dma_start3A_573 = tpu.memref_slice %arg10[%dma_start3A_571, %dma_start3A_572] : memref<10240x128xf32, #tpu.memory_space<vmem_shared>> -> memref<10240x128xf32, #tpu.memory_space<vmem_shared>>
          tpu.enqueue_indirect_dma source(%dma_start3A_567 : memref<128x128xf32, #tpu.memory_space<vmem>>) target(%dma_start3A_573 : memref<10240x128xf32, #tpu.memory_space<vmem_shared>>) offsets(%dma_start3A_570 : memref<128xi32, #tpu.memory_space<vmem>>) semaphore(%run_scoped3A_563 : memref<!tpu.dma_semaphore, #tpu.memory_space<semaphore_mem>>) {add = true}
          %dma_wait3A_574 = arith.constant 0 : i32
          %dma_wait3A_575 = arith.constant 0 : i32
          %dma_wait3A_576 = tpu.memref_slice %arg9[%run_scoped3A_526, %dma_wait3A_574, %dma_wait3A_575] : memref<2x128x128xf32, #tpu.memory_space<vmem>> -> memref<1x128x128xf32, #tpu.memory_space<vmem>>
          %dma_wait3A_577 = tpu.memref_squeeze %dma_wait3A_576 : memref<1x128x128xf32, #tpu.memory_space<vmem>> -> memref<128x128xf32, #tpu.memory_space<vmem>>
          %dma_wait3A_578 = arith.constant 0 : i32
          %dma_wait3A_579 = tpu.memref_slice %arg8[%run_scoped3A_527, %dma_wait3A_578] : memref<16x128xi32, #tpu.memory_space<vmem>> -> memref<1x128xi32, #tpu.memory_space<vmem>>
          %dma_wait3A_580 = tpu.memref_squeeze %dma_wait3A_579 : memref<1x128xi32, #tpu.memory_space<vmem>> -> memref<128xi32, #tpu.memory_space<vmem>>
          %dma_wait3A_581 = arith.constant 0 : i32
          %dma_wait3A_582 = arith.constant 0 : i32
          %dma_wait3A_583 = tpu.memref_slice %arg10[%dma_wait3A_581, %dma_wait3A_582] : memref<10240x128xf32, #tpu.memory_space<vmem_shared>> -> memref<10240x128xf32, #tpu.memory_space<vmem_shared>>
          tpu.wait_indirect_dma semaphore(%run_scoped3A_563 : memref<!tpu.dma_semaphore, #tpu.memory_space<semaphore_mem>>) src(%dma_wait3A_577 : memref<128x128xf32, #tpu.memory_space<vmem>>) dst(%dma_wait3A_583 : memref<10240x128xf32, #tpu.memory_space<vmem_shared>>)
          tpu.yield
        }) : () -> ()
        %add3A_528 = arith.constant 1 : i32
        %add3A_529 = arith.addi %add3A_350, %add3A_528 : i32
        %lt3A_530 = arith.constant 20 : i32
        %lt3A_531 = arith.cmpi slt, %add3A_529, %lt3A_530 : i32
        %convert_element_type3A_532 = arith.extui %lt3A_531 : i1 to i32
        %cond3A_533 = arith.constant 0 : i32
        %cond3A_534 = arith.cmpi ne, %convert_element_type3A_532, %cond3A_533 : i32
        scf.if %cond3A_534 {
          %dma_start3A_563 = arith.constant 0 : i32
          %dma_start3A_564 = arith.constant 0 : i32
          %dma_start3A_565 = arith.constant 0 : i32
          %dma_start3A_566 = arith.constant 0 : i32
          %dma_start3A_567 = tpu.memref_slice %arg9[%dma_start3A_564, %dma_start3A_565, %dma_start3A_566] : memref<2x128x128xf32, #tpu.memory_space<vmem>> -> memref<1x128x128xf32, #tpu.memory_space<vmem>>
          %dma_start3A_568 = tpu.memref_squeeze %dma_start3A_567 : memref<1x128x128xf32, #tpu.memory_space<vmem>> -> memref<128x128xf32, #tpu.memory_space<vmem>>
          %dma_start3A_569 = arith.constant 0 : i32
          %dma_start3A_570 = tpu.memref_slice %arg7[%dma_start3A_563, %dma_start3A_569] : memref<16x128xi32, #tpu.memory_space<vmem>> -> memref<1x128xi32, #tpu.memory_space<vmem>>
          %dma_start3A_571 = tpu.memref_squeeze %dma_start3A_570 : memref<1x128xi32, #tpu.memory_space<vmem>> -> memref<128xi32, #tpu.memory_space<vmem>>
          %dma_start3A_572 = arith.constant 0 : i32
          %dma_start3A_573 = arith.constant 0 : i32
          %dma_start3A_574 = tpu.memref_slice %arg2[%dma_start3A_572, %dma_start3A_573] : memref<10000x128xf32, #tpu.memory_space<hbm>> -> memref<10000x128xf32, #tpu.memory_space<hbm>>
          tpu.enqueue_indirect_dma source(%dma_start3A_574 : memref<10000x128xf32, #tpu.memory_space<hbm>>) target(%dma_start3A_568 : memref<128x128xf32, #tpu.memory_space<vmem>>) offsets(%dma_start3A_571 : memref<128xi32, #tpu.memory_space<vmem>>) semaphore(%arg15 : memref<!tpu.dma_semaphore, #tpu.memory_space<semaphore_mem>>)
        } else {
        }
        %dma_wait3A_535 = arith.constant 15 : i32
        %dma_wait3A_536 = arith.constant 1 : i32
        %dma_wait3A_537 = arith.constant 0 : i32
        %dma_wait3A_538 = arith.constant 0 : i32
        %dma_wait3A_539 = tpu.memref_slice %arg9[%dma_wait3A_536, %dma_wait3A_537, %dma_wait3A_538] : memref<2x128x128xf32, #tpu.memory_space<vmem>> -> memref<1x128x128xf32, #tpu.memory_space<vmem>>
        %dma_wait3A_540 = tpu.memref_squeeze %dma_wait3A_539 : memref<1x128x128xf32, #tpu.memory_space<vmem>> -> memref<128x128xf32, #tpu.memory_space<vmem>>
        %dma_wait3A_541 = arith.constant 0 : i32
        %dma_wait3A_542 = tpu.memref_slice %arg7[%dma_wait3A_535, %dma_wait3A_541] : memref<16x128xi32, #tpu.memory_space<vmem>> -> memref<1x128xi32, #tpu.memory_space<vmem>>
        %dma_wait3A_543 = tpu.memref_squeeze %dma_wait3A_542 : memref<1x128xi32, #tpu.memory_space<vmem>> -> memref<128xi32, #tpu.memory_space<vmem>>
        %dma_wait3A_544 = arith.constant 0 : i32
        %dma_wait3A_545 = arith.constant 0 : i32
        %dma_wait3A_546 = tpu.memref_slice %arg2[%dma_wait3A_544, %dma_wait3A_545] : memref<10000x128xf32, #tpu.memory_space<hbm>> -> memref<10000x128xf32, #tpu.memory_space<hbm>>
        tpu.wait_indirect_dma semaphore(%arg16 : memref<!tpu.dma_semaphore, #tpu.memory_space<semaphore_mem>>) src(%dma_wait3A_546 : memref<10000x128xf32, #tpu.memory_space<hbm>>) dst(%dma_wait3A_540 : memref<128x128xf32, #tpu.memory_space<vmem>>)
        %run_scoped3A_547 = arith.constant 1 : i32
        %run_scoped3A_548 = arith.constant 15 : i32
        "tpu.region"() ({
          %run_scoped3A_563 = tpu.sem_alloc : memref<!tpu.dma_semaphore, #tpu.memory_space<semaphore_mem>>
          %dma_start3A_564 = arith.constant 0 : i32
          %dma_start3A_565 = arith.constant 0 : i32
          %dma_start3A_566 = tpu.memref_slice %arg9[%run_scoped3A_547, %dma_start3A_564, %dma_start3A_565] : memref<2x128x128xf32, #tpu.memory_space<vmem>> -> memref<1x128x128xf32, #tpu.memory_space<vmem>>
          %dma_start3A_567 = tpu.memref_squeeze %dma_start3A_566 : memref<1x128x128xf32, #tpu.memory_space<vmem>> -> memref<128x128xf32, #tpu.memory_space<vmem>>
          %dma_start3A_568 = arith.constant 0 : i32
          %dma_start3A_569 = tpu.memref_slice %arg8[%run_scoped3A_548, %dma_start3A_568] : memref<16x128xi32, #tpu.memory_space<vmem>> -> memref<1x128xi32, #tpu.memory_space<vmem>>
          %dma_start3A_570 = tpu.memref_squeeze %dma_start3A_569 : memref<1x128xi32, #tpu.memory_space<vmem>> -> memref<128xi32, #tpu.memory_space<vmem>>
          %dma_start3A_571 = arith.constant 0 : i32
          %dma_start3A_572 = arith.constant 0 : i32
          %dma_start3A_573 = tpu.memref_slice %arg10[%dma_start3A_571, %dma_start3A_572] : memref<10240x128xf32, #tpu.memory_space<vmem_shared>> -> memref<10240x128xf32, #tpu.memory_space<vmem_shared>>
          tpu.enqueue_indirect_dma source(%dma_start3A_567 : memref<128x128xf32, #tpu.memory_space<vmem>>) target(%dma_start3A_573 : memref<10240x128xf32, #tpu.memory_space<vmem_shared>>) offsets(%dma_start3A_570 : memref<128xi32, #tpu.memory_space<vmem>>) semaphore(%run_scoped3A_563 : memref<!tpu.dma_semaphore, #tpu.memory_space<semaphore_mem>>) {add = true}
          %dma_wait3A_574 = arith.constant 0 : i32
          %dma_wait3A_575 = arith.constant 0 : i32
          %dma_wait3A_576 = tpu.memref_slice %arg9[%run_scoped3A_547, %dma_wait3A_574, %dma_wait3A_575] : memref<2x128x128xf32, #tpu.memory_space<vmem>> -> memref<1x128x128xf32, #tpu.memory_space<vmem>>
          %dma_wait3A_577 = tpu.memref_squeeze %dma_wait3A_576 : memref<1x128x128xf32, #tpu.memory_space<vmem>> -> memref<128x128xf32, #tpu.memory_space<vmem>>
          %dma_wait3A_578 = arith.constant 0 : i32
          %dma_wait3A_579 = tpu.memref_slice %arg8[%run_scoped3A_548, %dma_wait3A_578] : memref<16x128xi32, #tpu.memory_space<vmem>> -> memref<1x128xi32, #tpu.memory_space<vmem>>
          %dma_wait3A_580 = tpu.memref_squeeze %dma_wait3A_579 : memref<1x128xi32, #tpu.memory_space<vmem>> -> memref<128xi32, #tpu.memory_space<vmem>>
          %dma_wait3A_581 = arith.constant 0 : i32
          %dma_wait3A_582 = arith.constant 0 : i32
          %dma_wait3A_583 = tpu.memref_slice %arg10[%dma_wait3A_581, %dma_wait3A_582] : memref<10240x128xf32, #tpu.memory_space<vmem_shared>> -> memref<10240x128xf32, #tpu.memory_space<vmem_shared>>
          tpu.wait_indirect_dma semaphore(%run_scoped3A_563 : memref<!tpu.dma_semaphore, #tpu.memory_space<semaphore_mem>>) src(%dma_wait3A_577 : memref<128x128xf32, #tpu.memory_space<vmem>>) dst(%dma_wait3A_583 : memref<10240x128xf32, #tpu.memory_space<vmem_shared>>)
          tpu.yield
        }) : () -> ()
        %add3A_549 = arith.constant 1 : i32
        %add3A_550 = arith.addi %add3A_350, %add3A_549 : i32
        %lt3A_551 = arith.constant 20 : i32
        %lt3A_552 = arith.cmpi slt, %add3A_550, %lt3A_551 : i32
        %convert_element_type3A_553 = arith.extui %lt3A_552 : i1 to i32
        %cond3A_554 = arith.constant 0 : i32
        %cond3A_555 = arith.cmpi ne, %convert_element_type3A_553, %cond3A_554 : i32
        scf.if %cond3A_555 {
          %dma_start3A_563 = arith.constant 1 : i32
          %dma_start3A_564 = arith.constant 1 : i32
          %dma_start3A_565 = arith.constant 0 : i32
          %dma_start3A_566 = arith.constant 0 : i32
          %dma_start3A_567 = tpu.memref_slice %arg9[%dma_start3A_564, %dma_start3A_565, %dma_start3A_566] : memref<2x128x128xf32, #tpu.memory_space<vmem>> -> memref<1x128x128xf32, #tpu.memory_space<vmem>>
          %dma_start3A_568 = tpu.memref_squeeze %dma_start3A_567 : memref<1x128x128xf32, #tpu.memory_space<vmem>> -> memref<128x128xf32, #tpu.memory_space<vmem>>
          %dma_start3A_569 = arith.constant 0 : i32
          %dma_start3A_570 = tpu.memref_slice %arg7[%dma_start3A_563, %dma_start3A_569] : memref<16x128xi32, #tpu.memory_space<vmem>> -> memref<1x128xi32, #tpu.memory_space<vmem>>
          %dma_start3A_571 = tpu.memref_squeeze %dma_start3A_570 : memref<1x128xi32, #tpu.memory_space<vmem>> -> memref<128xi32, #tpu.memory_space<vmem>>
          %dma_start3A_572 = arith.constant 0 : i32
          %dma_start3A_573 = arith.constant 0 : i32
          %dma_start3A_574 = tpu.memref_slice %arg2[%dma_start3A_572, %dma_start3A_573] : memref<10000x128xf32, #tpu.memory_space<hbm>> -> memref<10000x128xf32, #tpu.memory_space<hbm>>
          tpu.enqueue_indirect_dma source(%dma_start3A_574 : memref<10000x128xf32, #tpu.memory_space<hbm>>) target(%dma_start3A_568 : memref<128x128xf32, #tpu.memory_space<vmem>>) offsets(%dma_start3A_571 : memref<128xi32, #tpu.memory_space<vmem>>) semaphore(%arg16 : memref<!tpu.dma_semaphore, #tpu.memory_space<semaphore_mem>>)
        } else {
        }
        %add3A_556 = arith.constant 2 : i32
        %add3A_557 = arith.addi %add3A_350, %add3A_556 : i32
        %lt3A_558 = arith.constant 20 : i32
        %lt3A_559 = arith.cmpi slt, %add3A_557, %lt3A_558 : i32
        %convert_element_type3A_560 = arith.extui %lt3A_559 : i1 to i32
        %cond3A_561 = arith.constant 0 : i32
        %cond3A_562 = arith.cmpi ne, %convert_element_type3A_560, %cond3A_561 : i32
        scf.if %cond3A_562 {
          %add3A_563 = arith.constant 2 : i32
          %add3A_564 = arith.addi %add3A_350, %add3A_563 : i32
          %add3A_565 = arith.addi %mul3A_0, %add3A_564 : i32
          %dma_start3A_566 = arith.constant 8 : i32
          %dma_start3A_567 = arith.constant 0 : i32
          %dma_start3A_568 = tpu.memref_slice %arg7[%dma_start3A_566, %dma_start3A_567] : memref<16x128xi32, #tpu.memory_space<vmem>> -> memref<8x128xi32, #tpu.memory_space<vmem>>
          %dma_start3A_569 = arith.constant 0 : i32
          %dma_start3A_570 = arith.constant 0 : i32
          %dma_start3A_571 = tpu.memref_slice %arg3[%add3A_565, %dma_start3A_569, %dma_start3A_570] : memref<320x8x128xi32, #tpu.memory_space<hbm>> -> memref<1x8x128xi32, #tpu.memory_space<hbm>>
          %dma_start3A_572 = tpu.memref_squeeze %dma_start3A_571 : memref<1x8x128xi32, #tpu.memory_space<hbm>> -> memref<8x128xi32, #tpu.memory_space<hbm>>
          %dma_start3A_573 = arith.constant 8 : i32
          %dma_start3A_574 = arith.constant 0 : i32
          %dma_start3A_575 = tpu.memref_slice %arg7[%dma_start3A_573, %dma_start3A_574] : memref<16x128xi32, #tpu.memory_space<vmem>> -> memref<8x128xi32, #tpu.memory_space<vmem>>
          %dma_start3A_576 = arith.constant 0 : i32
          %dma_start3A_577 = arith.constant 0 : i32
          %dma_start3A_578 = tpu.memref_slice %arg3[%add3A_565, %dma_start3A_576, %dma_start3A_577] : memref<320x8x128xi32, #tpu.memory_space<hbm>> -> memref<1x8x128xi32, #tpu.memory_space<hbm>>
          %dma_start3A_579 = tpu.memref_squeeze %dma_start3A_578 : memref<1x8x128xi32, #tpu.memory_space<hbm>> -> memref<8x128xi32, #tpu.memory_space<hbm>>
          tpu.enqueue_dma source(%dma_start3A_579 : memref<8x128xi32, #tpu.memory_space<hbm>>) target(%dma_start3A_575 : memref<8x128xi32, #tpu.memory_space<vmem>>) target_semaphore(%arg12 : memref<!tpu.dma_semaphore, #tpu.memory_space<semaphore_mem>>)
          %add3A_580 = arith.addi %mul3A_0, %add3A_564 : i32
          %dma_start3A_581 = arith.constant 8 : i32
          %dma_start3A_582 = arith.constant 0 : i32
          %dma_start3A_583 = tpu.memref_slice %arg8[%dma_start3A_581, %dma_start3A_582] : memref<16x128xi32, #tpu.memory_space<vmem>> -> memref<8x128xi32, #tpu.memory_space<vmem>>
          %dma_start3A_584 = arith.constant 0 : i32
          %dma_start3A_585 = arith.constant 0 : i32
          %dma_start3A_586 = tpu.memref_slice %arg4[%add3A_580, %dma_start3A_584, %dma_start3A_585] : memref<320x8x128xi32, #tpu.memory_space<hbm>> -> memref<1x8x128xi32, #tpu.memory_space<hbm>>
          %dma_start3A_587 = tpu.memref_squeeze %dma_start3A_586 : memref<1x8x128xi32, #tpu.memory_space<hbm>> -> memref<8x128xi32, #tpu.memory_space<hbm>>
          %dma_start3A_588 = arith.constant 8 : i32
          %dma_start3A_589 = arith.constant 0 : i32
          %dma_start3A_590 = tpu.memref_slice %arg8[%dma_start3A_588, %dma_start3A_589] : memref<16x128xi32, #tpu.memory_space<vmem>> -> memref<8x128xi32, #tpu.memory_space<vmem>>
          %dma_start3A_591 = arith.constant 0 : i32
          %dma_start3A_592 = arith.constant 0 : i32
          %dma_start3A_593 = tpu.memref_slice %arg4[%add3A_580, %dma_start3A_591, %dma_start3A_592] : memref<320x8x128xi32, #tpu.memory_space<hbm>> -> memref<1x8x128xi32, #tpu.memory_space<hbm>>
          %dma_start3A_594 = tpu.memref_squeeze %dma_start3A_593 : memref<1x8x128xi32, #tpu.memory_space<hbm>> -> memref<8x128xi32, #tpu.memory_space<hbm>>
          tpu.enqueue_dma source(%dma_start3A_594 : memref<8x128xi32, #tpu.memory_space<hbm>>) target(%dma_start3A_590 : memref<8x128xi32, #tpu.memory_space<vmem>>) target_semaphore(%arg14 : memref<!tpu.dma_semaphore, #tpu.memory_space<semaphore_mem>>)
        } else {
        }
      }
      %scan3A_126 = arith.constant 10 : i32
      %barrier3A_127 = arith.constant 0 : index
      tpu.barrier barrier_id(%barrier3A_127)
      %mul3A_128 = arith.constant 640 : i32
      %mul3A_129 = arith.muli %arg1, %mul3A_128 : i32
      %mul3A_130 = arith.constant 640 : i32
      %mul3A_131 = arith.muli %arg1, %mul3A_130 : i32
      "tpu.region"() ({
        %run_scoped3A = tpu.sem_alloc : memref<!tpu.dma_semaphore, #tpu.memory_space<semaphore_mem>>
        %dma_start3A_132 = arith.constant 0 : i32
        %dma_start3A_133 = tpu.memref_slice %arg6[%mul3A_131, %dma_start3A_132] : memref<10240x128xf32, #tpu.memory_space<hbm>> -> memref<640x128xf32, #tpu.memory_space<hbm>>
        %dma_start3A_134 = arith.constant 0 : i32
        %dma_start3A_135 = tpu.memref_slice %arg10[%mul3A_129, %dma_start3A_134] : memref<10240x128xf32, #tpu.memory_space<vmem_shared>> -> memref<640x128xf32, #tpu.memory_space<vmem_shared>>
        tpu.enqueue_dma source(%dma_start3A_135 : memref<640x128xf32, #tpu.memory_space<vmem_shared>>) target(%dma_start3A_133 : memref<640x128xf32, #tpu.memory_space<hbm>>) target_semaphore(%run_scoped3A : memref<!tpu.dma_semaphore, #tpu.memory_space<semaphore_mem>>)
        %dma_wait3A_136 = arith.constant 0 : i32
        %dma_wait3A_137 = tpu.memref_slice %arg6[%mul3A_131, %dma_wait3A_136] : memref<10240x128xf32, #tpu.memory_space<hbm>> -> memref<640x128xf32, #tpu.memory_space<hbm>>
        %dma_wait3A_138 = arith.constant 0 : i32
        %dma_wait3A_139 = tpu.memref_slice %arg10[%mul3A_129, %dma_wait3A_138] : memref<10240x128xf32, #tpu.memory_space<vmem_shared>> -> memref<640x128xf32, #tpu.memory_space<vmem_shared>>
        tpu.wait_dma2 semaphore(%run_scoped3A : memref<!tpu.dma_semaphore, #tpu.memory_space<semaphore_mem>>) src(%dma_wait3A_139 : memref<640x128xf32, #tpu.memory_space<vmem_shared>>) dst(%dma_wait3A_137 : memref<640x128xf32, #tpu.memory_space<hbm>>)
        tpu.yield
      }) : () -> ()
    } else {
    }
    return
  }
}

module attributes {stable_mosaic.version = 14 : i64} {
  func.func @_k1_body(%arg0: i32, %arg1: memref<1000x128xf32, #tpu.memory_space<vmem>>, %arg2: memref<1000x128xf32, #tpu.memory_space<vmem>>, %arg3: memref<128x128xf32, #tpu.memory_space<vmem>>, %arg4: memref<128x128xf32, #tpu.memory_space<vmem>>, %arg5: memref<1x128xf32, #tpu.memory_space<vmem>>, %arg6: memref<128x128xf32, #tpu.memory_space<vmem>>, %arg7: memref<1x128xf32, #tpu.memory_space<vmem>>, %arg8: memref<1x128xf32, #tpu.memory_space<vmem>>, %arg9: memref<1x128xf32, #tpu.memory_space<vmem>>, %arg10: memref<1000x128xf32, #tpu.memory_space<vmem>>, %arg11: memref<1000x128xf32, #tpu.memory_space<vmem>>, %arg12: memref<1000x100xf32, #tpu.memory_space<vmem>>) attributes {dimension_semantics = [#tpu.dimension_semantics<arbitrary>], iteration_bounds = array<i64: 10>, scalar_prefetch = 0 : i64, scratch_operands = 0 : i64, tpu.core_type = #tpu.core_type<tc>, window_params = [{transform_indices = @transform_0, window_bounds = array<i64: 1000, 128>}, {transform_indices = @transform_1, window_bounds = array<i64: 1000, 128>}, {pipeline_mode = #tpu.pipeline_mode<synchronous>, transform_indices = @transform_2, window_bounds = array<i64: 128, 128>}, {pipeline_mode = #tpu.pipeline_mode<synchronous>, transform_indices = @transform_3, window_bounds = array<i64: 128, 128>}, {pipeline_mode = #tpu.pipeline_mode<synchronous>, transform_indices = @transform_4, window_bounds = array<i64: 1, 128>}, {pipeline_mode = #tpu.pipeline_mode<synchronous>, transform_indices = @transform_5, window_bounds = array<i64: 128, 128>}, {pipeline_mode = #tpu.pipeline_mode<synchronous>, transform_indices = @transform_6, window_bounds = array<i64: 1, 128>}, {pipeline_mode = #tpu.pipeline_mode<synchronous>, transform_indices = @transform_7, window_bounds = array<i64: 1, 128>}, {pipeline_mode = #tpu.pipeline_mode<synchronous>, transform_indices = @transform_8, window_bounds = array<i64: 1, 128>}, {transform_indices = @transform_9, window_bounds = array<i64: 1000, 128>}, {transform_indices = @transform_10, window_bounds = array<i64: 1000, 128>}, {transform_indices = @transform_11, window_bounds = array<i64: 1000, 100>}]} {
    %get3A = arith.constant 0 : index
    %get3A_0 = arith.constant 0 : index
    %get3A_1 = vector.load %arg1[%get3A, %get3A_0] : memref<1000x128xf32, #tpu.memory_space<vmem>>, vector<1000x128xf32>
    %get3A_2 = arith.constant 0 : index
    %get3A_3 = arith.constant 0 : index
    %get3A_4 = vector.load %arg2[%get3A_2, %get3A_3] : memref<1000x128xf32, #tpu.memory_space<vmem>>, vector<1000x128xf32>
    %get3A_5 = arith.constant 0 : index
    %get3A_6 = arith.constant 0 : index
    %get3A_7 = vector.load %arg4[%get3A_5, %get3A_6] : memref<128x128xf32, #tpu.memory_space<vmem>>, vector<128x128xf32>
    %dot_general3A = arith.constant dense<0.000000e+00> : vector<1000x128xf32>
    %dot_general3A_8 = tpu.matmul %get3A_4, %get3A_7, %dot_general3A {dimension_numbers = #tpu.dot_dimension_numbers<[1], [0], [0], [1], [0, 0, 1, 1], [], []>, transpose_lhs_hint = false} : vector<1000x128xf32>, vector<128x128xf32>, vector<1000x128xf32> -> vector<1000x128xf32>
    %get3A_9 = arith.constant 0 : index
    %get3A_10 = arith.constant 0 : index
    %get3A_11 = vector.load %arg3[%get3A_9, %get3A_10] : memref<128x128xf32, #tpu.memory_space<vmem>>, vector<128x128xf32>
    %dot_general3A_12 = arith.constant dense<0.000000e+00> : vector<1000x128xf32>
    %dot_general3A_13 = tpu.matmul %get3A_1, %get3A_11, %dot_general3A_12 {dimension_numbers = #tpu.dot_dimension_numbers<[1], [0], [0], [1], [0, 0, 1, 1], [], []>, transpose_lhs_hint = false} : vector<1000x128xf32>, vector<128x128xf32>, vector<1000x128xf32> -> vector<1000x128xf32>
    %add3A = arith.addf %dot_general3A_8, %dot_general3A_13 : vector<1000x128xf32>
    %get3A_14 = arith.constant 0 : index
    %get3A_15 = arith.constant 0 : index
    %get3A_16 = vector.load %arg5[%get3A_14, %get3A_15] : memref<1x128xf32, #tpu.memory_space<vmem>>, vector<1x128xf32>
    %add3A_17 = vector.broadcast %get3A_16 : vector<1x128xf32> to vector<1000x128xf32>
    %add3A_18 = arith.addf %add3A, %add3A_17 : vector<1000x128xf32>
    %max3A = arith.constant 0.000000e+00 : f32
    %max3A_19 = vector.broadcast %max3A : f32 to vector<1000x128xf32>
    %max3A_20 = arith.maximumf %add3A_18, %max3A_19 : vector<1000x128xf32>
    %swap3A = arith.constant 0 : index
    %swap3A_21 = arith.constant 0 : index
    %swap3A_22 = vector.load %arg10[%swap3A, %swap3A_21] : memref<1000x128xf32, #tpu.memory_space<vmem>>, vector<1000x128xf32>
    tpu.vector_store %arg10[%swap3A, %swap3A_21], %max3A_20 {strides = array<i32>} : memref<1000x128xf32, #tpu.memory_space<vmem>>, vector<1000x128xf32>,
    %get3A_23 = arith.constant 0 : index
    %get3A_24 = arith.constant 0 : index
    %get3A_25 = vector.load %arg6[%get3A_23, %get3A_24] : memref<128x128xf32, #tpu.memory_space<vmem>>, vector<128x128xf32>
    %dot_general3A_26 = arith.constant dense<0.000000e+00> : vector<1000x128xf32>
    %dot_general3A_27 = tpu.matmul %max3A_20, %get3A_25, %dot_general3A_26 {dimension_numbers = #tpu.dot_dimension_numbers<[1], [0], [0], [1], [0, 0, 1, 1], [], []>, transpose_lhs_hint = false} : vector<1000x128xf32>, vector<128x128xf32>, vector<1000x128xf32> -> vector<1000x128xf32>
    %get3A_28 = arith.constant 0 : index
    %get3A_29 = arith.constant 0 : index
    %get3A_30 = vector.load %arg7[%get3A_28, %get3A_29] : memref<1x128xf32, #tpu.memory_space<vmem>>, vector<1x128xf32>
    %add3A_31 = vector.broadcast %get3A_30 : vector<1x128xf32> to vector<1000x128xf32>
    %add3A_32 = arith.addf %dot_general3A_27, %add3A_31 : vector<1000x128xf32>
    %iota3A = tpu.iota {dimensions = array<i32: 1>} : vector<1000x128xi32>
    %lt3A = arith.constant 100 : i32
    %lt3A_33 = vector.broadcast %lt3A : i32 to vector<1000x128xi32>
    %lt3A_34 = arith.cmpi slt, %iota3A, %lt3A_33 : vector<1000x128xi32>
    %jit3A = arith.constant 0.000000e+00 : f32
    %broadcast_in_dim3A = vector.broadcast %jit3A : f32 to vector<1000x128xf32>
    %select_n3A = arith.select %lt3A_34, %add3A_32, %broadcast_in_dim3A : vector<1000x128xi1>, vector<1000x128xf32>
    %reduce_sum3A = arith.constant dense<0.000000e+00> : vector<1000xf32>
    %reduce_sum3A_35 = vector.multi_reduction <add>, %select_n3A, %reduce_sum3A [1] : vector<1000x128xf32> to vector<1000xf32>
    %broadcast_in_dim3A_36 = vector.shape_cast %reduce_sum3A_35 : vector<1000xf32> to vector<1000x1xf32>
    %mul3A = arith.constant 0.00999999977 : f32
    %mul3A_37 = vector.broadcast %mul3A : f32 to vector<1000x1xf32>
    %mul3A_38 = arith.mulf %broadcast_in_dim3A_36, %mul3A_37 : vector<1000x1xf32>
    %sub3A = vector.broadcast %mul3A_38 : vector<1000x1xf32> to vector<1000x128xf32>
    %sub3A_39 = arith.subf %add3A_32, %sub3A : vector<1000x128xf32>
    %jit3A_40 = arith.constant 0.000000e+00 : f32
    %broadcast_in_dim3A_41 = vector.broadcast %jit3A_40 : f32 to vector<1000x128xf32>
    %select_n3A_42 = arith.select %lt3A_34, %sub3A_39, %broadcast_in_dim3A_41 : vector<1000x128xi1>, vector<1000x128xf32>
    %mul3A_43 = arith.mulf %select_n3A_42, %select_n3A_42 : vector<1000x128xf32>
    %reduce_sum3A_44 = arith.constant dense<0.000000e+00> : vector<1000xf32>
    %reduce_sum3A_45 = vector.multi_reduction <add>, %mul3A_43, %reduce_sum3A_44 [1] : vector<1000x128xf32> to vector<1000xf32>
    %broadcast_in_dim3A_46 = vector.shape_cast %reduce_sum3A_45 : vector<1000xf32> to vector<1000x1xf32>
    %mul3A_47 = arith.constant 0.00999999977 : f32
    %mul3A_48 = vector.broadcast %mul3A_47 : f32 to vector<1000x1xf32>
    %mul3A_49 = arith.mulf %broadcast_in_dim3A_46, %mul3A_48 : vector<1000x1xf32>
    %sub3A_50 = vector.broadcast %mul3A_38 : vector<1000x1xf32> to vector<1000x128xf32>
    %sub3A_51 = arith.subf %add3A_32, %sub3A_50 : vector<1000x128xf32>
    %add3A_52 = arith.constant 9.99999974E-6 : f32
    %add3A_53 = vector.broadcast %add3A_52 : f32 to vector<1000x1xf32>
    %add3A_54 = arith.addf %mul3A_49, %add3A_53 : vector<1000x1xf32>
    %sqrt3A = math.sqrt %add3A_54 : vector<1000x1xf32>
    %div3A = vector.broadcast %sqrt3A : vector<1000x1xf32> to vector<1000x128xf32>
    %div3A_55 = arith.divf %sub3A_51, %div3A : vector<1000x128xf32>
    %get3A_56 = arith.constant 0 : index
    %get3A_57 = arith.constant 0 : index
    %get3A_58 = vector.load %arg8[%get3A_56, %get3A_57] : memref<1x128xf32, #tpu.memory_space<vmem>>, vector<1x128xf32>
    %mul3A_59 = vector.broadcast %get3A_58 : vector<1x128xf32> to vector<1000x128xf32>
    %mul3A_60 = arith.mulf %div3A_55, %mul3A_59 : vector<1000x128xf32>
    %get3A_61 = arith.constant 0 : index
    %get3A_62 = arith.constant 0 : index
    %get3A_63 = vector.load %arg9[%get3A_61, %get3A_62] : memref<1x128xf32, #tpu.memory_space<vmem>>, vector<1x128xf32>
    %add3A_64 = vector.broadcast %get3A_63 : vector<1x128xf32> to vector<1000x128xf32>
    %add3A_65 = arith.addf %mul3A_60, %add3A_64 : vector<1000x128xf32>
    %jit3A_66 = arith.constant 0xFF800000 : f32
    %broadcast_in_dim3A_67 = vector.broadcast %jit3A_66 : f32 to vector<1000x128xf32>
    %select_n3A_68 = arith.select %lt3A_34, %add3A_65, %broadcast_in_dim3A_67 : vector<1000x128xi1>, vector<1000x128xf32>
    %reduce_max3A = arith.constant dense<0xFF800000> : vector<1000xf32>
    %reduce_max3A_69 = vector.multi_reduction <maximumf>, %select_n3A_68, %reduce_max3A [1] : vector<1000x128xf32> to vector<1000xf32>
    %broadcast_in_dim3A_70 = vector.shape_cast %reduce_max3A_69 : vector<1000xf32> to vector<1000x1xf32>
    %sub3A_71 = vector.broadcast %broadcast_in_dim3A_70 : vector<1000x1xf32> to vector<1000x128xf32>
    %sub3A_72 = arith.subf %add3A_65, %sub3A_71 : vector<1000x128xf32>
    %exp3A = math.exp %sub3A_72 : vector<1000x128xf32>
    %jit3A_73 = arith.constant 0.000000e+00 : f32
    %broadcast_in_dim3A_74 = vector.broadcast %jit3A_73 : f32 to vector<1000x128xf32>
    %select_n3A_75 = arith.select %lt3A_34, %exp3A, %broadcast_in_dim3A_74 : vector<1000x128xi1>, vector<1000x128xf32>
    %reduce_sum3A_76 = arith.constant dense<0.000000e+00> : vector<1000xf32>
    %reduce_sum3A_77 = vector.multi_reduction <add>, %select_n3A_75, %reduce_sum3A_76 [1] : vector<1000x128xf32> to vector<1000xf32>
    %broadcast_in_dim3A_78 = vector.shape_cast %reduce_sum3A_77 : vector<1000xf32> to vector<1000x1xf32>
    %sub3A_79 = vector.broadcast %broadcast_in_dim3A_70 : vector<1000x1xf32> to vector<1000x128xf32>
    %sub3A_80 = arith.subf %add3A_65, %sub3A_79 : vector<1000x128xf32>
    %log3A = math.log %broadcast_in_dim3A_78 : vector<1000x1xf32>
    %sub3A_81 = vector.broadcast %log3A : vector<1000x1xf32> to vector<1000x128xf32>
    %sub3A_82 = arith.subf %sub3A_80, %sub3A_81 : vector<1000x128xf32>
    %slice3A = vector.extract_strided_slice %sub3A_82 {offsets = [0, 0], sizes = [1000, 100], strides = [1, 1]} : vector<1000x128xf32> to vector<1000x100xf32>
    %swap3A_83 = arith.constant 0 : index
    %swap3A_84 = arith.constant 0 : index
    %swap3A_85 = vector.load %arg12[%swap3A_83, %swap3A_84] : memref<1000x100xf32, #tpu.memory_space<vmem>>, vector<1000x100xf32>
    tpu.vector_store %arg12[%swap3A_83, %swap3A_84], %slice3A {strides = array<i32>} : memref<1000x100xf32, #tpu.memory_space<vmem>>, vector<1000x100xf32>,
    %div3A_86 = vector.broadcast %broadcast_in_dim3A_78 : vector<1000x1xf32> to vector<1000x128xf32>
    %div3A_87 = arith.divf %select_n3A_75, %div3A_86 : vector<1000x128xf32>
    %eq3A = arith.constant 100 : i32
    %eq3A_88 = vector.broadcast %eq3A : i32 to vector<1000x128xi32>
    %eq3A_89 = arith.cmpi eq, %iota3A, %eq3A_88 : vector<1000x128xi32>
    %jit3A_90 = arith.constant 1.000000e+00 : f32
    %broadcast_in_dim3A_91 = vector.broadcast %jit3A_90 : f32 to vector<1000x128xf32>
    %select_n3A_92 = arith.select %eq3A_89, %broadcast_in_dim3A_91, %div3A_87 : vector<1000x128xi1>, vector<1000x128xf32>
    %swap3A_93 = arith.constant 0 : index
    %swap3A_94 = arith.constant 0 : index
    %swap3A_95 = vector.load %arg11[%swap3A_93, %swap3A_94] : memref<1000x128xf32, #tpu.memory_space<vmem>>, vector<1000x128xf32>
    tpu.vector_store %arg11[%swap3A_93, %swap3A_94], %select_n3A_92 {strides = array<i32>} : memref<1000x128xf32, #tpu.memory_space<vmem>>, vector<1000x128xf32>,
    return
  }
  func.func @transform_0(%arg0: i32) -> (i32, i32) {
    %c0_i32 = arith.constant 0 : i32
    %c0_i32_0 = arith.constant 0 : i32
    return %arg0, %c0_i32 : i32, i32
  }
  func.func @transform_1(%arg0: i32) -> (i32, i32) {
    %c0_i32 = arith.constant 0 : i32
    %c0_i32_0 = arith.constant 0 : i32
    return %arg0, %c0_i32 : i32, i32
  }
  func.func @transform_2(%arg0: i32) -> (i32, i32) {
    %c0_i32 = arith.constant 0 : i32
    %c0_i32_0 = arith.constant 0 : i32
    %c0_i32_1 = arith.constant 0 : i32
    return %c0_i32, %c0_i32_0 : i32, i32
  }
  func.func @transform_3(%arg0: i32) -> (i32, i32) {
    %c0_i32 = arith.constant 0 : i32
    %c0_i32_0 = arith.constant 0 : i32
    %c0_i32_1 = arith.constant 0 : i32
    return %c0_i32, %c0_i32_0 : i32, i32
  }
  func.func @transform_4(%arg0: i32) -> (i32, i32) {
    %c0_i32 = arith.constant 0 : i32
    %c0_i32_0 = arith.constant 0 : i32
    %c0_i32_1 = arith.constant 0 : i32
    return %c0_i32, %c0_i32_0 : i32, i32
  }
  func.func @transform_5(%arg0: i32) -> (i32, i32) {
    %c0_i32 = arith.constant 0 : i32
    %c0_i32_0 = arith.constant 0 : i32
    %c0_i32_1 = arith.constant 0 : i32
    return %c0_i32, %c0_i32_0 : i32, i32
  }
  func.func @transform_6(%arg0: i32) -> (i32, i32) {
    %c0_i32 = arith.constant 0 : i32
    %c0_i32_0 = arith.constant 0 : i32
    %c0_i32_1 = arith.constant 0 : i32
    return %c0_i32, %c0_i32_0 : i32, i32
  }
  func.func @transform_7(%arg0: i32) -> (i32, i32) {
    %c0_i32 = arith.constant 0 : i32
    %c0_i32_0 = arith.constant 0 : i32
    %c0_i32_1 = arith.constant 0 : i32
    return %c0_i32, %c0_i32_0 : i32, i32
  }
  func.func @transform_8(%arg0: i32) -> (i32, i32) {
    %c0_i32 = arith.constant 0 : i32
    %c0_i32_0 = arith.constant 0 : i32
    %c0_i32_1 = arith.constant 0 : i32
    return %c0_i32, %c0_i32_0 : i32, i32
  }
  func.func @transform_9(%arg0: i32) -> (i32, i32) {
    %c0_i32 = arith.constant 0 : i32
    %c0_i32_0 = arith.constant 0 : i32
    return %arg0, %c0_i32 : i32, i32
  }
  func.func @transform_10(%arg0: i32) -> (i32, i32) {
    %c0_i32 = arith.constant 0 : i32
    %c0_i32_0 = arith.constant 0 : i32
    return %arg0, %c0_i32 : i32, i32
  }
  func.func @transform_11(%arg0: i32) -> (i32, i32) {
    %c0_i32 = arith.constant 0 : i32
    %c0_i32_0 = arith.constant 0 : i32
    return %arg0, %c0_i32 : i32, i32
  }
}

module attributes {stable_mosaic.version = 14 : i64} {
  func.func @_k2_body(%arg0: i32, %arg1: memref<1000x128xf32, #tpu.memory_space<vmem>>, %arg2: memref<1000x128xf32, #tpu.memory_space<vmem>>, %arg3: memref<1000x128xf32, #tpu.memory_space<vmem>>, %arg4: memref<128x128xf32, #tpu.memory_space<vmem>>, %arg5: memref<128x128xf32, #tpu.memory_space<vmem>>, %arg6: memref<1x128xf32, #tpu.memory_space<vmem>>, %arg7: memref<128x128xf32, #tpu.memory_space<vmem>>, %arg8: memref<1x128xf32, #tpu.memory_space<vmem>>, %arg9: memref<1x128xf32, #tpu.memory_space<vmem>>, %arg10: memref<1x128xf32, #tpu.memory_space<vmem>>, %arg11: memref<1x1xf32, #tpu.memory_space<vmem>>, %arg12: memref<1x1xf32, #tpu.memory_space<vmem>>, %arg13: memref<1x1xf32, #tpu.memory_space<vmem>>, %arg14: memref<1x1xf32, #tpu.memory_space<vmem>>, %arg15: memref<100x10xf32, #tpu.memory_space<vmem>>, %arg16: memref<128x128xf32, #tpu.memory_space<vmem>>, %arg17: memref<128x128xf32, #tpu.memory_space<vmem>>, %arg18: memref<128x128xf32, #tpu.memory_space<vmem>>, %arg19: memref<128x128xf32, #tpu.memory_space<vmem>>) attributes {dimension_semantics = [#tpu.dimension_semantics<arbitrary>], iteration_bounds = array<i64: 10>, scalar_prefetch = 0 : i64, scratch_operands = 4 : i64, tpu.core_type = #tpu.core_type<tc>, window_params = [{transform_indices = @transform_0, window_bounds = array<i64: 1000, 128>}, {transform_indices = @transform_1, window_bounds = array<i64: 1000, 128>}, {transform_indices = @transform_2, window_bounds = array<i64: 1000, 128>}, {pipeline_mode = #tpu.pipeline_mode<synchronous>, transform_indices = @transform_3, window_bounds = array<i64: 128, 128>}, {pipeline_mode = #tpu.pipeline_mode<synchronous>, transform_indices = @transform_4, window_bounds = array<i64: 128, 128>}, {pipeline_mode = #tpu.pipeline_mode<synchronous>, transform_indices = @transform_5, window_bounds = array<i64: 1, 128>}, {pipeline_mode = #tpu.pipeline_mode<synchronous>, transform_indices = @transform_6, window_bounds = array<i64: 128, 128>}, {pipeline_mode = #tpu.pipeline_mode<synchronous>, transform_indices = @transform_7, window_bounds = array<i64: 1, 128>}, {pipeline_mode = #tpu.pipeline_mode<synchronous>, transform_indices = @transform_8, window_bounds = array<i64: 1, 128>}, {pipeline_mode = #tpu.pipeline_mode<synchronous>, transform_indices = @transform_9, window_bounds = array<i64: 1, 128>}, {pipeline_mode = #tpu.pipeline_mode<synchronous>, transform_indices = @transform_10, window_bounds = array<i64: 1, 1>}, {pipeline_mode = #tpu.pipeline_mode<synchronous>, transform_indices = @transform_11, window_bounds = array<i64: 1, 1>}, {pipeline_mode = #tpu.pipeline_mode<synchronous>, transform_indices = @transform_12, window_bounds = array<i64: 1, 1>}, {pipeline_mode = #tpu.pipeline_mode<synchronous>, transform_indices = @transform_13, window_bounds = array<i64: 1, 1>}, {pipeline_mode = #tpu.pipeline_mode<synchronous>, transform_indices = @transform_14, window_bounds = array<i64: 100, 10>}]} {
    %eq3A = arith.constant 0 : i32
    %eq3A_0 = arith.cmpi eq, %arg0, %eq3A : i32
    %convert_element_type3A = arith.extui %eq3A_0 : i1 to i32
    %cond3A = arith.constant 0 : i32
    %cond3A_1 = arith.cmpi ne, %convert_element_type3A, %cond3A : i32
    scf.if %cond3A_1 {
      %broadcast_in_dim3A_54 = arith.constant 0.000000e+00 : f32
      %broadcast_in_dim3A_55 = vector.broadcast %broadcast_in_dim3A_54 : f32 to vector<128x128xf32>
      %swap3A_56 = arith.constant 0 : index
      %swap3A_57 = arith.constant 0 : index
      %swap3A_58 = vector.load %arg16[%swap3A_56, %swap3A_57] : memref<128x128xf32, #tpu.memory_space<vmem>>, vector<128x128xf32>
      tpu.vector_store %arg16[%swap3A_56, %swap3A_57], %broadcast_in_dim3A_55 {strides = array<i32>} : memref<128x128xf32, #tpu.memory_space<vmem>>, vector<128x128xf32>,
      %broadcast_in_dim3A_59 = arith.constant 0.000000e+00 : f32
      %broadcast_in_dim3A_60 = vector.broadcast %broadcast_in_dim3A_59 : f32 to vector<128x128xf32>
      %swap3A_61 = arith.constant 0 : index
      %swap3A_62 = arith.constant 0 : index
      %swap3A_63 = vector.load %arg17[%swap3A_61, %swap3A_62] : memref<128x128xf32, #tpu.memory_space<vmem>>, vector<128x128xf32>
      tpu.vector_store %arg17[%swap3A_61, %swap3A_62], %broadcast_in_dim3A_60 {strides = array<i32>} : memref<128x128xf32, #tpu.memory_space<vmem>>, vector<128x128xf32>,
      %broadcast_in_dim3A_64 = arith.constant 0.000000e+00 : f32
      %broadcast_in_dim3A_65 = vector.broadcast %broadcast_in_dim3A_64 : f32 to vector<128x128xf32>
      %swap3A_66 = arith.constant 0 : index
      %swap3A_67 = arith.constant 0 : index
      %swap3A_68 = vector.load %arg18[%swap3A_66, %swap3A_67] : memref<128x128xf32, #tpu.memory_space<vmem>>, vector<128x128xf32>
      tpu.vector_store %arg18[%swap3A_66, %swap3A_67], %broadcast_in_dim3A_65 {strides = array<i32>} : memref<128x128xf32, #tpu.memory_space<vmem>>, vector<128x128xf32>,
      %broadcast_in_dim3A_69 = arith.constant 0.000000e+00 : f32
      %broadcast_in_dim3A_70 = vector.broadcast %broadcast_in_dim3A_69 : f32 to vector<128x128xf32>
      %swap3A_71 = arith.constant 0 : index
      %swap3A_72 = arith.constant 0 : index
      %swap3A_73 = vector.load %arg19[%swap3A_71, %swap3A_72] : memref<128x128xf32, #tpu.memory_space<vmem>>, vector<128x128xf32>
      tpu.vector_store %arg19[%swap3A_71, %swap3A_72], %broadcast_in_dim3A_70 {strides = array<i32>} : memref<128x128xf32, #tpu.memory_space<vmem>>, vector<128x128xf32>,
    } else {
    }
    %get3A = arith.constant 0 : index
    %get3A_2 = arith.constant 0 : index
    %get3A_3 = vector.load %arg2[%get3A, %get3A_2] : memref<1000x128xf32, #tpu.memory_space<vmem>>, vector<1000x128xf32>
    %get3A_4 = arith.constant 0 : index
    %get3A_5 = arith.constant 0 : index
    %get3A_6 = vector.load %arg1[%get3A_4, %get3A_5] : memref<1000x128xf32, #tpu.memory_space<vmem>>, vector<1000x128xf32>
    %get3A_7 = arith.constant 0 : index
    %get3A_8 = arith.constant 0 : index
    %get3A_9 = vector.load %arg3[%get3A_7, %get3A_8] : memref<1000x128xf32, #tpu.memory_space<vmem>>, vector<1000x128xf32>
    %iota3A = tpu.iota {dimensions = array<i32: 1>} : vector<1000x128xi32>
    %eq3A_10 = arith.constant 100 : i32
    %eq3A_11 = vector.broadcast %eq3A_10 : i32 to vector<1000x128xi32>
    %eq3A_12 = arith.cmpi eq, %iota3A, %eq3A_11 : vector<1000x128xi32>
    %jit3A = arith.constant 0.000000e+00 : f32
    %broadcast_in_dim3A = vector.broadcast %jit3A : f32 to vector<1000x128xf32>
    %select_n3A = arith.select %eq3A_12, %get3A_9, %broadcast_in_dim3A : vector<1000x128xi1>, vector<1000x128xf32>
    %reduce_sum3A = arith.constant dense<0.000000e+00> : vector<1000xf32>
    %reduce_sum3A_13 = vector.multi_reduction <add>, %select_n3A, %reduce_sum3A [1] : vector<1000x128xf32> to vector<1000xf32>
    %broadcast_in_dim3A_14 = vector.shape_cast %reduce_sum3A_13 : vector<1000xf32> to vector<1000x1xf32>
    %get3A_15 = arith.constant 0 : index
    %get3A_16 = arith.constant 0 : index
    %get3A_17 = vector.load %arg16[%get3A_15, %get3A_16] : memref<128x128xf32, #tpu.memory_space<vmem>>, vector<128x128xf32>
    %dot_general3A = arith.constant dense<0.000000e+00> : vector<128x128xf32>
    %dot_general3A_18 = tpu.matmul %get3A_3, %get3A_6, %dot_general3A {dimension_numbers = #tpu.dot_dimension_numbers<[0], [0], [1], [1], [0, 1, 1, 1], [], []>, transpose_lhs_hint = false} : vector<1000x128xf32>, vector<1000x128xf32>, vector<128x128xf32> -> vector<128x128xf32>
    %add3A = arith.addf %get3A_17, %dot_general3A_18 : vector<128x128xf32>
    %swap3A = arith.constant 0 : index
    %swap3A_19 = arith.constant 0 : index
    %swap3A_20 = vector.load %arg16[%swap3A, %swap3A_19] : memref<128x128xf32, #tpu.memory_space<vmem>>, vector<128x128xf32>
    tpu.vector_store %arg16[%swap3A, %swap3A_19], %add3A {strides = array<i32>} : memref<128x128xf32, #tpu.memory_space<vmem>>, vector<128x128xf32>,
    %get3A_21 = arith.constant 0 : index
    %get3A_22 = arith.constant 0 : index
    %get3A_23 = vector.load %arg17[%get3A_21, %get3A_22] : memref<128x128xf32, #tpu.memory_space<vmem>>, vector<128x128xf32>
    %dot_general3A_24 = arith.constant dense<0.000000e+00> : vector<128x128xf32>
    %dot_general3A_25 = tpu.matmul %get3A_3, %get3A_9, %dot_general3A_24 {dimension_numbers = #tpu.dot_dimension_numbers<[0], [0], [1], [1], [0, 1, 1, 1], [], []>, transpose_lhs_hint = false} : vector<1000x128xf32>, vector<1000x128xf32>, vector<128x128xf32> -> vector<128x128xf32>
    %add3A_26 = arith.addf %get3A_23, %dot_general3A_25 : vector<128x128xf32>
    %swap3A_27 = arith.constant 0 : index
    %swap3A_28 = arith.constant 0 : index
    %swap3A_29 = vector.load %arg17[%swap3A_27, %swap3A_28] : memref<128x128xf32, #tpu.memory_space<vmem>>, vector<128x128xf32>
    tpu.vector_store %arg17[%swap3A_27, %swap3A_28], %add3A_26 {strides = array<i32>} : memref<128x128xf32, #tpu.memory_space<vmem>>, vector<128x128xf32>,
    %get3A_30 = arith.constant 0 : index
    %get3A_31 = arith.constant 0 : index
    %get3A_32 = vector.load %arg18[%get3A_30, %get3A_31] : memref<128x128xf32, #tpu.memory_space<vmem>>, vector<128x128xf32>
    %dot_general3A_33 = arith.constant dense<0.000000e+00> : vector<128x128xf32>
    %dot_general3A_34 = tpu.matmul %get3A_3, %get3A_3, %dot_general3A_33 {dimension_numbers = #tpu.dot_dimension_numbers<[0], [0], [1], [1], [0, 1, 1, 1], [], []>, transpose_lhs_hint = false} : vector<1000x128xf32>, vector<1000x128xf32>, vector<128x128xf32> -> vector<128x128xf32>
    %add3A_35 = arith.addf %get3A_32, %dot_general3A_34 : vector<128x128xf32>
    %swap3A_36 = arith.constant 0 : index
    %swap3A_37 = arith.constant 0 : index
    %swap3A_38 = vector.load %arg18[%swap3A_36, %swap3A_37] : memref<128x128xf32, #tpu.memory_space<vmem>>, vector<128x128xf32>
    tpu.vector_store %arg18[%swap3A_36, %swap3A_37], %add3A_35 {strides = array<i32>} : memref<128x128xf32, #tpu.memory_space<vmem>>, vector<128x128xf32>,
    %get3A_39 = arith.constant 0 : index
    %get3A_40 = arith.constant 0 : index
    %get3A_41 = vector.load %arg19[%get3A_39, %get3A_40] : memref<128x128xf32, #tpu.memory_space<vmem>>, vector<128x128xf32>
    %mul3A = vector.broadcast %broadcast_in_dim3A_14 : vector<1000x1xf32> to vector<1000x128xf32>
    %mul3A_42 = arith.mulf %get3A_3, %mul3A : vector<1000x128xf32>
    %dot_general3A_43 = arith.constant dense<0.000000e+00> : vector<128x128xf32>
    %dot_general3A_44 = tpu.matmul %get3A_3, %mul3A_42, %dot_general3A_43 {dimension_numbers = #tpu.dot_dimension_numbers<[0], [0], [1], [1], [0, 1, 1, 1], [], []>, transpose_lhs_hint = false} : vector<1000x128xf32>, vector<1000x128xf32>, vector<128x128xf32> -> vector<128x128xf32>
    %add3A_45 = arith.addf %get3A_41, %dot_general3A_44 : vector<128x128xf32>
    %swap3A_46 = arith.constant 0 : index
    %swap3A_47 = arith.constant 0 : index
    %swap3A_48 = vector.load %arg19[%swap3A_46, %swap3A_47] : memref<128x128xf32, #tpu.memory_space<vmem>>, vector<128x128xf32>
    tpu.vector_store %arg19[%swap3A_46, %swap3A_47], %add3A_45 {strides = array<i32>} : memref<128x128xf32, #tpu.memory_space<vmem>>, vector<128x128xf32>,
    %eq3A_49 = arith.constant 9 : i32
    %eq3A_50 = arith.cmpi eq, %arg0, %eq3A_49 : i32
    %convert_element_type3A_51 = arith.extui %eq3A_50 : i1 to i32
    %cond3A_52 = arith.constant 0 : i32
    %cond3A_53 = arith.cmpi ne, %convert_element_type3A_51, %cond3A_52 : i32
    scf.if %cond3A_53 {
      %iota3A_54 = tpu.iota {dimensions = array<i32: 0>} : vector<128x128xi32>
      %iota3A_55 = tpu.iota {dimensions = array<i32: 1>} : vector<128x128xi32>
      %lt3A = arith.constant 100 : i32
      %lt3A_56 = vector.broadcast %lt3A : i32 to vector<128x128xi32>
      %lt3A_57 = arith.cmpi slt, %iota3A_54, %lt3A_56 : vector<128x128xi32>
      %lt3A_58 = arith.constant 100 : i32
      %lt3A_59 = vector.broadcast %lt3A_58 : i32 to vector<128x128xi32>
      %lt3A_60 = arith.cmpi slt, %iota3A_55, %lt3A_59 : vector<128x128xi32>
      %and3A = arith.andi %lt3A_57, %lt3A_60 : vector<128x128xi1>
      %eq3A_61 = arith.cmpi eq, %iota3A_54, %iota3A_55 : vector<128x128xi32>
      %lt3A_62 = arith.constant 100 : i32
      %lt3A_63 = vector.broadcast %lt3A_62 : i32 to vector<128x128xi32>
      %lt3A_64 = arith.cmpi slt, %iota3A_54, %lt3A_63 : vector<128x128xi32>
      %and3A_65 = arith.andi %eq3A_61, %lt3A_64 : vector<128x128xi1>
      %jit3A_66 = arith.constant 1.000000e+00 : f32
      %jit3A_67 = arith.constant 0.000000e+00 : f32
      %broadcast_in_dim3A_68 = vector.broadcast %jit3A_66 : f32 to vector<128x128xf32>
      %broadcast_in_dim3A_69 = vector.broadcast %jit3A_67 : f32 to vector<128x128xf32>
      %select_n3A_70 = arith.select %and3A_65, %broadcast_in_dim3A_68, %broadcast_in_dim3A_69 : vector<128x128xi1>, vector<128x128xf32>
      %eq3A_71 = arith.cmpi eq, %iota3A_54, %iota3A_55 : vector<128x128xi32>
      %jit3A_72 = arith.constant 1.000000e+00 : f32
      %jit3A_73 = arith.constant 0.000000e+00 : f32
      %broadcast_in_dim3A_74 = vector.broadcast %jit3A_72 : f32 to vector<128x128xf32>
      %broadcast_in_dim3A_75 = vector.broadcast %jit3A_73 : f32 to vector<128x128xf32>
      %select_n3A_76 = arith.select %eq3A_71, %broadcast_in_dim3A_74, %broadcast_in_dim3A_75 : vector<128x128xi1>, vector<128x128xf32>
      %get3A_77 = arith.constant 0 : index
      %get3A_78 = arith.constant 0 : index
      %get3A_79 = vector.load %arg17[%get3A_77, %get3A_78] : memref<128x128xf32, #tpu.memory_space<vmem>>, vector<128x128xf32>
      %jit3A_80 = arith.constant 0.000000e+00 : f32
      %broadcast_in_dim3A_81 = vector.broadcast %jit3A_80 : f32 to vector<128x128xf32>
      %select_n3A_82 = arith.select %and3A, %get3A_79, %broadcast_in_dim3A_81 : vector<128x128xi1>, vector<128x128xf32>
      %mul3A_83 = arith.mulf %select_n3A_82, %select_n3A_70 : vector<128x128xf32>
      %reduce_sum3A_84 = vector.shape_cast %mul3A_83 : vector<128x128xf32> to vector<1x128x128xf32>
      %reduce_sum3A_85 = arith.constant dense<0.000000e+00> : vector<1xf32>
      %reduce_sum3A_86 = vector.multi_reduction <add>, %reduce_sum3A_84, %reduce_sum3A_85 [1, 2] : vector<1x128x128xf32> to vector<1xf32>
      %reduce_sum3A_87 = vector.shape_cast %reduce_sum3A_86 : vector<1xf32> to vector<1x1x1xf32>
      %reduce_sum3A_88 = vector.extract %reduce_sum3A_87[0, 0, 0] : f32 from vector<1x1x1xf32>
      %get3A_89 = arith.constant 0 : index
      %get3A_90 = arith.constant 0 : index
      %get3A_91 = vector.load %arg19[%get3A_89, %get3A_90] : memref<128x128xf32, #tpu.memory_space<vmem>>, vector<128x128xf32>
      %jit3A_92 = arith.constant 0.000000e+00 : f32
      %broadcast_in_dim3A_93 = vector.broadcast %jit3A_92 : f32 to vector<128x128xf32>
      %select_n3A_94 = arith.select %and3A, %get3A_91, %broadcast_in_dim3A_93 : vector<128x128xi1>, vector<128x128xf32>
      %mul3A_95 = arith.mulf %select_n3A_94, %select_n3A_70 : vector<128x128xf32>
      %reduce_sum3A_96 = vector.shape_cast %mul3A_95 : vector<128x128xf32> to vector<1x128x128xf32>
      %reduce_sum3A_97 = arith.constant dense<0.000000e+00> : vector<1xf32>
      %reduce_sum3A_98 = vector.multi_reduction <add>, %reduce_sum3A_96, %reduce_sum3A_97 [1, 2] : vector<1x128x128xf32> to vector<1xf32>
      %reduce_sum3A_99 = vector.shape_cast %reduce_sum3A_98 : vector<1xf32> to vector<1x1x1xf32>
      %reduce_sum3A_100 = vector.extract %reduce_sum3A_99[0, 0, 0] : f32 from vector<1x1x1xf32>
      %add3A_101 = arith.constant 1.000000e-10 : f32
      %add3A_102 = arith.addf %reduce_sum3A_100, %add3A_101 : f32
      %neg3A = arith.constant 0.000000e+00 : f32
      %neg3A_103 = arith.subf %neg3A, %reduce_sum3A_88 : f32
      %div3A = arith.divf %neg3A_103, %add3A_102 : f32
      %reshape3A = vector.broadcast %div3A : f32 to vector<1x1xf32>
      %swap3A_104 = arith.constant 0 : index
      %swap3A_105 = arith.constant 0 : index
      %swap3A_106 = vector.load %arg11[%swap3A_104, %swap3A_105] : memref<1x1xf32, #tpu.memory_space<vmem>>, vector<1x1xf32>
      tpu.vector_store %arg11[%swap3A_104, %swap3A_105], %reshape3A {strides = array<i32>} : memref<1x1xf32, #tpu.memory_space<vmem>>, vector<1x1xf32>,
      %get3A_107 = arith.constant 0 : index
      %get3A_108 = arith.constant 0 : index
      %get3A_109 = vector.load %arg18[%get3A_107, %get3A_108] : memref<128x128xf32, #tpu.memory_space<vmem>>, vector<128x128xf32>
      %jit3A_110 = arith.constant 0.000000e+00 : f32
      %broadcast_in_dim3A_111 = vector.broadcast %jit3A_110 : f32 to vector<128x128xf32>
      %select_n3A_112 = arith.select %and3A, %get3A_109, %broadcast_in_dim3A_111 : vector<128x128xi1>, vector<128x128xf32>
      %mul3A_113 = arith.mulf %select_n3A_112, %select_n3A_112 : vector<128x128xf32>
      %reduce_sum3A_114 = vector.shape_cast %mul3A_113 : vector<128x128xf32> to vector<1x128x128xf32>
      %reduce_sum3A_115 = arith.constant dense<0.000000e+00> : vector<1xf32>
      %reduce_sum3A_116 = vector.multi_reduction <add>, %reduce_sum3A_114, %reduce_sum3A_115 [1, 2] : vector<1x128x128xf32> to vector<1xf32>
      %reduce_sum3A_117 = vector.shape_cast %reduce_sum3A_116 : vector<1xf32> to vector<1x1x1xf32>
      %reduce_sum3A_118 = vector.extract %reduce_sum3A_117[0, 0, 0] : f32 from vector<1x1x1xf32>
      %sqrt3A = math.sqrt %reduce_sum3A_118 : f32
      %add3A_119 = arith.constant 1.000000e-10 : f32
      %add3A_120 = arith.addf %sqrt3A, %add3A_119 : f32
      %div3A_121 = vector.broadcast %add3A_120 : f32 to vector<128x128xf32>
      %div3A_122 = arith.divf %select_n3A_112, %div3A_121 : vector<128x128xf32>
      %mul3A_123 = arith.constant 1.000000e-01 : f32
      %mul3A_124 = vector.broadcast %mul3A_123 : f32 to vector<128x128xf32>
      %mul3A_125 = arith.mulf %select_n3A_70, %mul3A_124 : vector<128x128xf32>
      %sub3A = arith.subf %div3A_122, %mul3A_125 : vector<128x128xf32>
      %mul3A_126 = arith.mulf %sub3A, %sub3A : vector<128x128xf32>
      %reduce_sum3A_127 = vector.shape_cast %mul3A_126 : vector<128x128xf32> to vector<1x128x128xf32>
      %reduce_sum3A_128 = arith.constant dense<0.000000e+00> : vector<1xf32>
      %reduce_sum3A_129 = vector.multi_reduction <add>, %reduce_sum3A_127, %reduce_sum3A_128 [1, 2] : vector<1x128x128xf32> to vector<1xf32>
      %reduce_sum3A_130 = vector.shape_cast %reduce_sum3A_129 : vector<1xf32> to vector<1x1x1xf32>
      %reduce_sum3A_131 = vector.extract %reduce_sum3A_130[0, 0, 0] : f32 from vector<1x1x1xf32>
      %sqrt3A_132 = math.sqrt %reduce_sum3A_131 : f32
      %reshape3A_133 = vector.broadcast %sqrt3A_132 : f32 to vector<1x1xf32>
      %swap3A_134 = arith.constant 0 : index
      %swap3A_135 = arith.constant 0 : index
      %swap3A_136 = vector.load %arg12[%swap3A_134, %swap3A_135] : memref<1x1xf32, #tpu.memory_space<vmem>>, vector<1x1xf32>
      tpu.vector_store %arg12[%swap3A_134, %swap3A_135], %reshape3A_133 {strides = array<i32>} : memref<1x1xf32, #tpu.memory_space<vmem>>, vector<1x1xf32>,
      %sub3A_137 = arith.constant 1.000000e+00 : f32
      %sub3A_138 = vector.broadcast %sub3A_137 : f32 to vector<128x128xf32>
      %sub3A_139 = arith.subf %sub3A_138, %select_n3A_70 : vector<128x128xf32>
      %mul3A_140 = arith.mulf %select_n3A_82, %sub3A_139 : vector<128x128xf32>
      %reduce_sum3A_141 = arith.constant dense<0.000000e+00> : vector<128xf32>
      %reduce_sum3A_142 = vector.multi_reduction <add>, %mul3A_140, %reduce_sum3A_141 [1] : vector<128x128xf32> to vector<128xf32>
      %broadcast_in_dim3A_143 = vector.shape_cast %reduce_sum3A_142 : vector<128xf32> to vector<128x1xf32>
      %sqrt3A_144 = math.sqrt %broadcast_in_dim3A_143 : vector<128x1xf32>
      %add3A_145 = arith.constant 1.000000e-15 : f32
      %add3A_146 = vector.broadcast %add3A_145 : f32 to vector<128x1xf32>
      %add3A_147 = arith.addf %sqrt3A_144, %add3A_146 : vector<128x1xf32>
      %div3A_148 = arith.constant 1.000000e+00 : f32
      %div3A_149 = vector.broadcast %div3A_148 : f32 to vector<128x1xf32>
      %div3A_150 = arith.divf %div3A_149, %add3A_147 : vector<128x1xf32>
      %dot_general3A_151 = arith.constant dense<0.000000e+00> : vector<1x128xf32>
      %dot_general3A_152 = tpu.matmul %div3A_150, %select_n3A_76, %dot_general3A_151 {dimension_numbers = #tpu.dot_dimension_numbers<[0], [0], [1], [1], [0, 1, 1, 1], [], []>, transpose_lhs_hint = false} : vector<128x1xf32>, vector<128x128xf32>, vector<1x128xf32> -> vector<1x128xf32>
      %mul3A_153 = vector.broadcast %div3A_150 : vector<128x1xf32> to vector<128x128xf32>
      %mul3A_154 = arith.mulf %mul3A_140, %mul3A_153 : vector<128x128xf32>
      %mul3A_155 = vector.broadcast %dot_general3A_152 : vector<1x128xf32> to vector<128x128xf32>
      %mul3A_156 = arith.mulf %mul3A_154, %mul3A_155 : vector<128x128xf32>
      %gt3A = arith.constant 0.0101010101 : f32
      %gt3A_157 = vector.broadcast %gt3A : f32 to vector<128x128xf32>
      %gt3A_158 = arith.cmpf ogt, %mul3A_156, %gt3A_157 : vector<128x128xf32>
      %jit3A_159 = arith.constant 1.000000e+00 : f32
      %jit3A_160 = arith.constant 0.000000e+00 : f32
      %broadcast_in_dim3A_161 = vector.broadcast %jit3A_159 : f32 to vector<128x128xf32>
      %broadcast_in_dim3A_162 = vector.broadcast %jit3A_160 : f32 to vector<128x128xf32>
      %select_n3A_163 = arith.select %gt3A_158, %broadcast_in_dim3A_161, %broadcast_in_dim3A_162 : vector<128x128xi1>, vector<128x128xf32>
      %lt3A_164 = arith.constant 100 : i32
      %lt3A_165 = vector.broadcast %lt3A_164 : i32 to vector<128x128xi32>
      %lt3A_166 = arith.cmpi slt, %iota3A_54, %lt3A_165 : vector<128x128xi32>
      %get3A_167 = arith.constant 0 : index
      %get3A_168 = arith.constant 0 : index
      %get3A_169 = vector.load %arg16[%get3A_167, %get3A_168] : memref<128x128xf32, #tpu.memory_space<vmem>>, vector<128x128xf32>
      %jit3A_170 = arith.constant 0.000000e+00 : f32
      %broadcast_in_dim3A_171 = vector.broadcast %jit3A_170 : f32 to vector<128x128xf32>
      %select_n3A_172 = arith.select %lt3A_166, %get3A_169, %broadcast_in_dim3A_171 : vector<128x128xi1>, vector<128x128xf32>
      %dot_general3A_173 = arith.constant dense<0.000000e+00> : vector<128x128xf32>
      %dot_general3A_174 = tpu.matmul %select_n3A_163, %select_n3A_172, %dot_general3A_173 {dimension_numbers = #tpu.dot_dimension_numbers<[0], [0], [1], [1], [0, 1, 1, 1], [], []>, transpose_lhs_hint = false} : vector<128x128xf32>, vector<128x128xf32>, vector<128x128xf32> -> vector<128x128xf32>
      %get3A_175 = arith.constant 0 : index
      %get3A_176 = arith.constant 0 : index
      %get3A_177 = vector.load %arg5[%get3A_175, %get3A_176] : memref<128x128xf32, #tpu.memory_space<vmem>>, vector<128x128xf32>
      %dot_general3A_178 = arith.constant dense<0.000000e+00> : vector<128x128xf32>
      %dot_general3A_179 = tpu.matmul %dot_general3A_174, %get3A_177, %dot_general3A_178 {dimension_numbers = #tpu.dot_dimension_numbers<[1], [0], [0], [1], [0, 0, 1, 1], [], []>, transpose_lhs_hint = false} : vector<128x128xf32>, vector<128x128xf32>, vector<128x128xf32> -> vector<128x128xf32>
      %get3A_180 = arith.constant 0 : index
      %get3A_181 = arith.constant 0 : index
      %get3A_182 = vector.load %arg4[%get3A_180, %get3A_181] : memref<128x128xf32, #tpu.memory_space<vmem>>, vector<128x128xf32>
      %dot_general3A_183 = arith.constant dense<0.000000e+00> : vector<128x128xf32>
      %dot_general3A_184 = tpu.matmul %select_n3A_172, %get3A_182, %dot_general3A_183 {dimension_numbers = #tpu.dot_dimension_numbers<[1], [0], [0], [1], [0, 0, 1, 1], [], []>, transpose_lhs_hint = false} : vector<128x128xf32>, vector<128x128xf32>, vector<128x128xf32> -> vector<128x128xf32>
      %add3A_185 = arith.addf %dot_general3A_179, %dot_general3A_184 : vector<128x128xf32>
      %get3A_186 = arith.constant 0 : index
      %get3A_187 = arith.constant 0 : index
      %get3A_188 = vector.load %arg6[%get3A_186, %get3A_187] : memref<1x128xf32, #tpu.memory_space<vmem>>, vector<1x128xf32>
      %add3A_189 = vector.broadcast %get3A_188 : vector<1x128xf32> to vector<128x128xf32>
      %add3A_190 = arith.addf %add3A_185, %add3A_189 : vector<128x128xf32>
      %max3A = arith.constant 0.000000e+00 : f32
      %max3A_191 = vector.broadcast %max3A : f32 to vector<128x128xf32>
      %max3A_192 = arith.maximumf %add3A_190, %max3A_191 : vector<128x128xf32>
      %lt3A_193 = arith.constant 100 : i32
      %lt3A_194 = vector.broadcast %lt3A_193 : i32 to vector<128x128xi32>
      %lt3A_195 = arith.cmpi slt, %iota3A_54, %lt3A_194 : vector<128x128xi32>
      %jit3A_196 = arith.constant 0.000000e+00 : f32
      %broadcast_in_dim3A_197 = vector.broadcast %jit3A_196 : f32 to vector<128x128xf32>
      %select_n3A_198 = arith.select %lt3A_195, %max3A_192, %broadcast_in_dim3A_197 : vector<128x128xi1>, vector<128x128xf32>
      %get3A_199 = arith.constant 0 : index
      %get3A_200 = arith.constant 0 : index
      %get3A_201 = vector.load %arg7[%get3A_199, %get3A_200] : memref<128x128xf32, #tpu.memory_space<vmem>>, vector<128x128xf32>
      %dot_general3A_202 = arith.constant dense<0.000000e+00> : vector<128x128xf32>
      %dot_general3A_203 = tpu.matmul %select_n3A_198, %get3A_201, %dot_general3A_202 {dimension_numbers = #tpu.dot_dimension_numbers<[1], [0], [0], [1], [0, 0, 1, 1], [], []>, transpose_lhs_hint = false} : vector<128x128xf32>, vector<128x128xf32>, vector<128x128xf32> -> vector<128x128xf32>
      %get3A_204 = arith.constant 0 : index
      %get3A_205 = arith.constant 0 : index
      %get3A_206 = vector.load %arg8[%get3A_204, %get3A_205] : memref<1x128xf32, #tpu.memory_space<vmem>>, vector<1x128xf32>
      %add3A_207 = vector.broadcast %get3A_206 : vector<1x128xf32> to vector<128x128xf32>
      %add3A_208 = arith.addf %dot_general3A_203, %add3A_207 : vector<128x128xf32>
      %lt3A_209 = arith.constant 10 : i32
      %lt3A_210 = vector.broadcast %lt3A_209 : i32 to vector<128x128xi32>
      %lt3A_211 = arith.cmpi slt, %iota3A_55, %lt3A_210 : vector<128x128xi32>
      %jit3A_212 = arith.constant 0.000000e+00 : f32
      %broadcast_in_dim3A_213 = vector.broadcast %jit3A_212 : f32 to vector<128x128xf32>
      %select_n3A_214 = arith.select %lt3A_211, %add3A_208, %broadcast_in_dim3A_213 : vector<128x128xi1>, vector<128x128xf32>
      %reduce_sum3A_215 = arith.constant dense<0.000000e+00> : vector<128xf32>
      %reduce_sum3A_216 = vector.multi_reduction <add>, %select_n3A_214, %reduce_sum3A_215 [1] : vector<128x128xf32> to vector<128xf32>
      %broadcast_in_dim3A_217 = vector.shape_cast %reduce_sum3A_216 : vector<128xf32> to vector<128x1xf32>
      %mul3A_218 = arith.constant 1.000000e-01 : f32
      %mul3A_219 = vector.broadcast %mul3A_218 : f32 to vector<128x1xf32>
      %mul3A_220 = arith.mulf %broadcast_in_dim3A_217, %mul3A_219 : vector<128x1xf32>
      %sub3A_221 = vector.broadcast %mul3A_220 : vector<128x1xf32> to vector<128x128xf32>
      %sub3A_222 = arith.subf %add3A_208, %sub3A_221 : vector<128x128xf32>
      %jit3A_223 = arith.constant 0.000000e+00 : f32
      %broadcast_in_dim3A_224 = vector.broadcast %jit3A_223 : f32 to vector<128x128xf32>
      %select_n3A_225 = arith.select %lt3A_211, %sub3A_222, %broadcast_in_dim3A_224 : vector<128x128xi1>, vector<128x128xf32>
      %mul3A_226 = arith.mulf %select_n3A_225, %select_n3A_225 : vector<128x128xf32>
      %reduce_sum3A_227 = arith.constant dense<0.000000e+00> : vector<128xf32>
      %reduce_sum3A_228 = vector.multi_reduction <add>, %mul3A_226, %reduce_sum3A_227 [1] : vector<128x128xf32> to vector<128xf32>
      %broadcast_in_dim3A_229 = vector.shape_cast %reduce_sum3A_228 : vector<128xf32> to vector<128x1xf32>
      %mul3A_230 = arith.constant 1.000000e-01 : f32
      %mul3A_231 = vector.broadcast %mul3A_230 : f32 to vector<128x1xf32>
      %mul3A_232 = arith.mulf %broadcast_in_dim3A_229, %mul3A_231 : vector<128x1xf32>
      %sub3A_233 = vector.broadcast %mul3A_220 : vector<128x1xf32> to vector<128x128xf32>
      %sub3A_234 = arith.subf %add3A_208, %sub3A_233 : vector<128x128xf32>
      %add3A_235 = arith.constant 9.99999974E-6 : f32
      %add3A_236 = vector.broadcast %add3A_235 : f32 to vector<128x1xf32>
      %add3A_237 = arith.addf %mul3A_232, %add3A_236 : vector<128x1xf32>
      %sqrt3A_238 = math.sqrt %add3A_237 : vector<128x1xf32>
      %div3A_239 = vector.broadcast %sqrt3A_238 : vector<128x1xf32> to vector<128x128xf32>
      %div3A_240 = arith.divf %sub3A_234, %div3A_239 : vector<128x128xf32>
      %get3A_241 = arith.constant 0 : index
      %get3A_242 = arith.constant 0 : index
      %get3A_243 = vector.load %arg9[%get3A_241, %get3A_242] : memref<1x128xf32, #tpu.memory_space<vmem>>, vector<1x128xf32>
      %mul3A_244 = vector.broadcast %get3A_243 : vector<1x128xf32> to vector<128x128xf32>
      %mul3A_245 = arith.mulf %div3A_240, %mul3A_244 : vector<128x128xf32>
      %get3A_246 = arith.constant 0 : index
      %get3A_247 = arith.constant 0 : index
      %get3A_248 = vector.load %arg10[%get3A_246, %get3A_247] : memref<1x128xf32, #tpu.memory_space<vmem>>, vector<1x128xf32>
      %add3A_249 = vector.broadcast %get3A_248 : vector<1x128xf32> to vector<128x128xf32>
      %add3A_250 = arith.addf %mul3A_245, %add3A_249 : vector<128x128xf32>
      %jit3A_251 = arith.constant 0xFF800000 : f32
      %broadcast_in_dim3A_252 = vector.broadcast %jit3A_251 : f32 to vector<128x128xf32>
      %select_n3A_253 = arith.select %lt3A_211, %add3A_250, %broadcast_in_dim3A_252 : vector<128x128xi1>, vector<128x128xf32>
      %reduce_max3A = arith.constant dense<0xFF800000> : vector<128xf32>
      %reduce_max3A_254 = vector.multi_reduction <maximumf>, %select_n3A_253, %reduce_max3A [1] : vector<128x128xf32> to vector<128xf32>
      %broadcast_in_dim3A_255 = vector.shape_cast %reduce_max3A_254 : vector<128xf32> to vector<128x1xf32>
      %sub3A_256 = vector.broadcast %broadcast_in_dim3A_255 : vector<128x1xf32> to vector<128x128xf32>
      %sub3A_257 = arith.subf %add3A_250, %sub3A_256 : vector<128x128xf32>
      %exp3A = math.exp %sub3A_257 : vector<128x128xf32>
      %jit3A_258 = arith.constant 0.000000e+00 : f32
      %broadcast_in_dim3A_259 = vector.broadcast %jit3A_258 : f32 to vector<128x128xf32>
      %select_n3A_260 = arith.select %lt3A_211, %exp3A, %broadcast_in_dim3A_259 : vector<128x128xi1>, vector<128x128xf32>
      %reduce_sum3A_261 = arith.constant dense<0.000000e+00> : vector<128xf32>
      %reduce_sum3A_262 = vector.multi_reduction <add>, %select_n3A_260, %reduce_sum3A_261 [1] : vector<128x128xf32> to vector<128xf32>
      %broadcast_in_dim3A_263 = vector.shape_cast %reduce_sum3A_262 : vector<128xf32> to vector<128x1xf32>
      %sub3A_264 = vector.broadcast %broadcast_in_dim3A_255 : vector<128x1xf32> to vector<128x128xf32>
      %sub3A_265 = arith.subf %add3A_250, %sub3A_264 : vector<128x128xf32>
      %log3A = math.log %broadcast_in_dim3A_263 : vector<128x1xf32>
      %sub3A_266 = vector.broadcast %log3A : vector<128x1xf32> to vector<128x128xf32>
      %sub3A_267 = arith.subf %sub3A_265, %sub3A_266 : vector<128x128xf32>
      %slice3A = vector.extract_strided_slice %sub3A_267 {offsets = [0, 0], sizes = [100, 10], strides = [1, 1]} : vector<128x128xf32> to vector<100x10xf32>
      %swap3A_268 = arith.constant 0 : index
      %swap3A_269 = arith.constant 0 : index
      %swap3A_270 = vector.load %arg15[%swap3A_268, %swap3A_269] : memref<100x10xf32, #tpu.memory_space<vmem>>, vector<100x10xf32>
      tpu.vector_store %arg15[%swap3A_268, %swap3A_269], %slice3A {strides = array<i32>} : memref<100x10xf32, #tpu.memory_space<vmem>>, vector<100x10xf32>,
      %lt3A_271 = arith.constant 100 : i32
      %lt3A_272 = vector.broadcast %lt3A_271 : i32 to vector<128x128xi32>
      %lt3A_273 = arith.cmpi slt, %iota3A_54, %lt3A_272 : vector<128x128xi32>
      %div3A_274 = vector.broadcast %broadcast_in_dim3A_263 : vector<128x1xf32> to vector<128x128xf32>
      %div3A_275 = arith.divf %select_n3A_260, %div3A_274 : vector<128x128xf32>
      %jit3A_276 = arith.constant 0.000000e+00 : f32
      %broadcast_in_dim3A_277 = vector.broadcast %jit3A_276 : f32 to vector<128x128xf32>
      %select_n3A_278 = arith.select %lt3A_273, %div3A_275, %broadcast_in_dim3A_277 : vector<128x128xi1>, vector<128x128xf32>
      %dot_general3A_279 = arith.constant dense<0.000000e+00> : vector<128x128xf32>
      %dot_general3A_280 = tpu.matmul %select_n3A_163, %select_n3A_278, %dot_general3A_279 {dimension_numbers = #tpu.dot_dimension_numbers<[1], [0], [0], [1], [0, 0, 1, 1], [], []>, transpose_lhs_hint = false} : vector<128x128xf32>, vector<128x128xf32>, vector<128x128xf32> -> vector<128x128xf32>
      %reduce_sum3A_281 = arith.constant dense<0.000000e+00> : vector<128xf32>
      %reduce_sum3A_282 = vector.multi_reduction <add>, %select_n3A_163, %reduce_sum3A_281 [1] : vector<128x128xf32> to vector<128xf32>
      %broadcast_in_dim3A_283 = vector.shape_cast %reduce_sum3A_282 : vector<128xf32> to vector<128x1xf32>
      %dot_general3A_284 = arith.constant dense<0.000000e+00> : vector<128x128xf32>
      %dot_general3A_285 = tpu.matmul %select_n3A_278, %dot_general3A_280, %dot_general3A_284 {dimension_numbers = #tpu.dot_dimension_numbers<[0], [0], [1], [1], [0, 1, 1, 1], [], []>, transpose_lhs_hint = false} : vector<128x128xf32>, vector<128x128xf32>, vector<128x128xf32> -> vector<128x128xf32>
      %eq3A_286 = arith.cmpi eq, %iota3A_54, %iota3A_55 : vector<128x128xi32>
      %lt3A_287 = arith.constant 10 : i32
      %lt3A_288 = vector.broadcast %lt3A_287 : i32 to vector<128x128xi32>
      %lt3A_289 = arith.cmpi slt, %iota3A_54, %lt3A_288 : vector<128x128xi32>
      %and3A_290 = arith.andi %eq3A_286, %lt3A_289 : vector<128x128xi1>
      %jit3A_291 = arith.constant 1.000000e+00 : f32
      %jit3A_292 = arith.constant 0.000000e+00 : f32
      %broadcast_in_dim3A_293 = vector.broadcast %jit3A_291 : f32 to vector<128x128xf32>
      %broadcast_in_dim3A_294 = vector.broadcast %jit3A_292 : f32 to vector<128x128xf32>
      %select_n3A_295 = arith.select %and3A_290, %broadcast_in_dim3A_293, %broadcast_in_dim3A_294 : vector<128x128xi1>, vector<128x128xf32>
      %mul3A_296 = arith.mulf %dot_general3A_285, %select_n3A_295 : vector<128x128xf32>
      %reduce_sum3A_297 = vector.shape_cast %mul3A_296 : vector<128x128xf32> to vector<1x128x128xf32>
      %reduce_sum3A_298 = arith.constant dense<0.000000e+00> : vector<1xf32>
      %reduce_sum3A_299 = vector.multi_reduction <add>, %reduce_sum3A_297, %reduce_sum3A_298 [1, 2] : vector<1x128x128xf32> to vector<1xf32>
      %reduce_sum3A_300 = vector.shape_cast %reduce_sum3A_299 : vector<1xf32> to vector<1x1x1xf32>
      %reduce_sum3A_301 = vector.extract %reduce_sum3A_300[0, 0, 0] : f32 from vector<1x1x1xf32>
      %mul3A_302 = arith.mulf %select_n3A_278, %select_n3A_278 : vector<128x128xf32>
      %reduce_sum3A_303 = arith.constant dense<0.000000e+00> : vector<128xf32>
      %reduce_sum3A_304 = vector.multi_reduction <add>, %mul3A_302, %reduce_sum3A_303 [1] : vector<128x128xf32> to vector<128xf32>
      %broadcast_in_dim3A_305 = vector.shape_cast %reduce_sum3A_304 : vector<128xf32> to vector<128x1xf32>
      %mul3A_306 = arith.mulf %broadcast_in_dim3A_283, %broadcast_in_dim3A_305 : vector<128x1xf32>
      %reduce_sum3A_307 = vector.shape_cast %mul3A_306 : vector<128x1xf32> to vector<1x128x1xf32>
      %reduce_sum3A_308 = arith.constant dense<0.000000e+00> : vector<1xf32>
      %reduce_sum3A_309 = vector.multi_reduction <add>, %reduce_sum3A_307, %reduce_sum3A_308 [1, 2] : vector<1x128x1xf32> to vector<1xf32>
      %reduce_sum3A_310 = vector.shape_cast %reduce_sum3A_309 : vector<1xf32> to vector<1x1x1xf32>
      %reduce_sum3A_311 = vector.extract %reduce_sum3A_310[0, 0, 0] : f32 from vector<1x1x1xf32>
      %add3A_312 = arith.constant 1.000000e-10 : f32
      %add3A_313 = arith.addf %reduce_sum3A_311, %add3A_312 : f32
      %neg3A_314 = arith.constant 0.000000e+00 : f32
      %neg3A_315 = arith.subf %neg3A_314, %reduce_sum3A_301 : f32
      %div3A_316 = arith.divf %neg3A_315, %add3A_313 : f32
      %reshape3A_317 = vector.broadcast %div3A_316 : f32 to vector<1x1xf32>
      %swap3A_318 = arith.constant 0 : index
      %swap3A_319 = arith.constant 0 : index
      %swap3A_320 = vector.load %arg13[%swap3A_318, %swap3A_319] : memref<1x1xf32, #tpu.memory_space<vmem>>, vector<1x1xf32>
      tpu.vector_store %arg13[%swap3A_318, %swap3A_319], %reshape3A_317 {strides = array<i32>} : memref<1x1xf32, #tpu.memory_space<vmem>>, vector<1x1xf32>,
      %dot_general3A_321 = arith.constant dense<0.000000e+00> : vector<128x128xf32>
      %dot_general3A_322 = tpu.matmul %select_n3A_278, %select_n3A_278, %dot_general3A_321 {dimension_numbers = #tpu.dot_dimension_numbers<[0], [0], [1], [1], [0, 1, 1, 1], [], []>, transpose_lhs_hint = false} : vector<128x128xf32>, vector<128x128xf32>, vector<128x128xf32> -> vector<128x128xf32>
      %mul3A_323 = arith.mulf %dot_general3A_322, %dot_general3A_322 : vector<128x128xf32>
      %reduce_sum3A_324 = vector.shape_cast %mul3A_323 : vector<128x128xf32> to vector<1x128x128xf32>
      %reduce_sum3A_325 = arith.constant dense<0.000000e+00> : vector<1xf32>
      %reduce_sum3A_326 = vector.multi_reduction <add>, %reduce_sum3A_324, %reduce_sum3A_325 [1, 2] : vector<1x128x128xf32> to vector<1xf32>
      %reduce_sum3A_327 = vector.shape_cast %reduce_sum3A_326 : vector<1xf32> to vector<1x1x1xf32>
      %reduce_sum3A_328 = vector.extract %reduce_sum3A_327[0, 0, 0] : f32 from vector<1x1x1xf32>
      %sqrt3A_329 = math.sqrt %reduce_sum3A_328 : f32
      %add3A_330 = arith.constant 1.000000e-10 : f32
      %add3A_331 = arith.addf %sqrt3A_329, %add3A_330 : f32
      %div3A_332 = vector.broadcast %add3A_331 : f32 to vector<128x128xf32>
      %div3A_333 = arith.divf %dot_general3A_322, %div3A_332 : vector<128x128xf32>
      %sqrt3A_334 = arith.constant 1.000000e+01 : f32
      %sqrt3A_335 = math.sqrt %sqrt3A_334 : f32
      %div3A_336 = arith.constant 1.000000e+00 : f32
      %div3A_337 = arith.divf %div3A_336, %sqrt3A_335 : f32
      %mul3A_338 = vector.broadcast %div3A_337 : f32 to vector<128x128xf32>
      %mul3A_339 = arith.mulf %select_n3A_295, %mul3A_338 : vector<128x128xf32>
      %sub3A_340 = arith.subf %div3A_333, %mul3A_339 : vector<128x128xf32>
      %mul3A_341 = arith.mulf %sub3A_340, %sub3A_340 : vector<128x128xf32>
      %reduce_sum3A_342 = vector.shape_cast %mul3A_341 : vector<128x128xf32> to vector<1x128x128xf32>
      %reduce_sum3A_343 = arith.constant dense<0.000000e+00> : vector<1xf32>
      %reduce_sum3A_344 = vector.multi_reduction <add>, %reduce_sum3A_342, %reduce_sum3A_343 [1, 2] : vector<1x128x128xf32> to vector<1xf32>
      %reduce_sum3A_345 = vector.shape_cast %reduce_sum3A_344 : vector<1xf32> to vector<1x1x1xf32>
      %reduce_sum3A_346 = vector.extract %reduce_sum3A_345[0, 0, 0] : f32 from vector<1x1x1xf32>
      %sqrt3A_347 = math.sqrt %reduce_sum3A_346 : f32
      %reshape3A_348 = vector.broadcast %sqrt3A_347 : f32 to vector<1x1xf32>
      %swap3A_349 = arith.constant 0 : index
      %swap3A_350 = arith.constant 0 : index
      %swap3A_351 = vector.load %arg14[%swap3A_349, %swap3A_350] : memref<1x1xf32, #tpu.memory_space<vmem>>, vector<1x1xf32>
      tpu.vector_store %arg14[%swap3A_349, %swap3A_350], %reshape3A_348 {strides = array<i32>} : memref<1x1xf32, #tpu.memory_space<vmem>>, vector<1x1xf32>,
    } else {
    }
    return
  }
  func.func @transform_0(%arg0: i32) -> (i32, i32) {
    %c0_i32 = arith.constant 0 : i32
    %c0_i32_0 = arith.constant 0 : i32
    return %arg0, %c0_i32 : i32, i32
  }
  func.func @transform_1(%arg0: i32) -> (i32, i32) {
    %c0_i32 = arith.constant 0 : i32
    %c0_i32_0 = arith.constant 0 : i32
    return %arg0, %c0_i32 : i32, i32
  }
  func.func @transform_2(%arg0: i32) -> (i32, i32) {
    %c0_i32 = arith.constant 0 : i32
    %c0_i32_0 = arith.constant 0 : i32
    return %arg0, %c0_i32 : i32, i32
  }
  func.func @transform_3(%arg0: i32) -> (i32, i32) {
    %c0_i32 = arith.constant 0 : i32
    %c0_i32_0 = arith.constant 0 : i32
    %c0_i32_1 = arith.constant 0 : i32
    return %c0_i32, %c0_i32_0 : i32, i32
  }
  func.func @transform_4(%arg0: i32) -> (i32, i32) {
    %c0_i32 = arith.constant 0 : i32
    %c0_i32_0 = arith.constant 0 : i32
    %c0_i32_1 = arith.constant 0 : i32
    return %c0_i32, %c0_i32_0 : i32, i32
  }
  func.func @transform_5(%arg0: i32) -> (i32, i32) {
    %c0_i32 = arith.constant 0 : i32
    %c0_i32_0 = arith.constant 0 : i32
    %c0_i32_1 = arith.constant 0 : i32
    return %c0_i32, %c0_i32_0 : i32, i32
  }
  func.func @transform_6(%arg0: i32) -> (i32, i32) {
    %c0_i32 = arith.constant 0 : i32
    %c0_i32_0 = arith.constant 0 : i32
    %c0_i32_1 = arith.constant 0 : i32
    return %c0_i32, %c0_i32_0 : i32, i32
  }
  func.func @transform_7(%arg0: i32) -> (i32, i32) {
    %c0_i32 = arith.constant 0 : i32
    %c0_i32_0 = arith.constant 0 : i32
    %c0_i32_1 = arith.constant 0 : i32
    return %c0_i32, %c0_i32_0 : i32, i32
  }
  func.func @transform_8(%arg0: i32) -> (i32, i32) {
    %c0_i32 = arith.constant 0 : i32
    %c0_i32_0 = arith.constant 0 : i32
    %c0_i32_1 = arith.constant 0 : i32
    return %c0_i32, %c0_i32_0 : i32, i32
  }
  func.func @transform_9(%arg0: i32) -> (i32, i32) {
    %c0_i32 = arith.constant 0 : i32
    %c0_i32_0 = arith.constant 0 : i32
    %c0_i32_1 = arith.constant 0 : i32
    return %c0_i32, %c0_i32_0 : i32, i32
  }
  func.func @transform_10(%arg0: i32) -> (i32, i32) {
    %c0_i32 = arith.constant 0 : i32
    %c0_i32_0 = arith.constant 0 : i32
    %c0_i32_1 = arith.constant 0 : i32
    return %c0_i32, %c0_i32_0 : i32, i32
  }
  func.func @transform_11(%arg0: i32) -> (i32, i32) {
    %c0_i32 = arith.constant 0 : i32
    %c0_i32_0 = arith.constant 0 : i32
    %c0_i32_1 = arith.constant 0 : i32
    return %c0_i32, %c0_i32_0 : i32, i32
  }
  func.func @transform_12(%arg0: i32) -> (i32, i32) {
    %c0_i32 = arith.constant 0 : i32
    %c0_i32_0 = arith.constant 0 : i32
    %c0_i32_1 = arith.constant 0 : i32
    return %c0_i32, %c0_i32_0 : i32, i32
  }
  func.func @transform_13(%arg0: i32) -> (i32, i32) {
    %c0_i32 = arith.constant 0 : i32
    %c0_i32_0 = arith.constant 0 : i32
    %c0_i32_1 = arith.constant 0 : i32
    return %c0_i32, %c0_i32_0 : i32, i32
  }
  func.func @transform_14(%arg0: i32) -> (i32, i32) {
    %c0_i32 = arith.constant 0 : i32
    %c0_i32_0 = arith.constant 0 : i32
    %c0_i32_1 = arith.constant 0 : i32
    return %c0_i32, %c0_i32_0 : i32, i32
  }
}

</mosaic_0001>

<sc_bundles>
// kernel: kernel.6.cloned.1.call-start
scs
__scs_entry_jumppad:
0x0: {  	(pc) =	sbr.rel $0x88, $3  }
0x1: {  	(tag) =	ssettag $0x0;
	lr =	simm.s32 $0x1  }
0x2: {  	[smem:$0x3F91] =	sst lr;
	_ =	strace $0xD0000000  }
0x3: {  	_ = 	snop  }
0x4: {  	_ = 	snop  }
0x5: {  	_ = 	snop  }
0x6: {  	_ = 	snop  }
0x7: {  	_ = 	snop  }
__scs_overlays_trampoline_lowered:
0x8: {  	[smem:$0x3FA0] =	sst s0  }
0x9: {  	[smem:$0x3FA1] =	sst s1  }
0xa: {  	[smem:$0x3FA2] =	sst s2  }
0xb: {  	[smem:$0x3FA3] =	sst s3  }
0xc: {  	[smem:$0x3FA4] =	sst s4  }
0xd: {  	[smem:$0x3FA5] =	sst s5  }
0xe: {  	[smem:$0x3FA6] =	sst s6  }
0xf: {  	[smem:$0x3FA7] =	sst s7  }
0x10: {  	[smem:$0x3FA8] =	sst s8  }
0x11: {  	[smem:$0x3FA9] =	sst s9;
	s0 =	simm.s32 @!p0 $0x0  }
0x12: {  	s1 =	sld [smem:$0x3F8F];
	s0 =	simm.s32 @p0 $0x1  }
0x13: {  	[smem:$0x3FAA] =	sst s0;
	s0 =	simm.s32 @!p1 $0x0  }
0x14: {  	s2 =	sld [smem:$0x3F8E];
	s0 =	simm.s32 @p1 $0x1  }
0x15: {  	[smem:$0x3FAB] =	sst s0;
	s0 =	simm.s32 @!p2 $0x0  }
0x16: {  	s3 =	sld [smem:$0x3FDB];
	s0 =	simm.s32 @p2 $0x1  }
0x17: {  	s4 =	simm.s32 $0x1BF5;
	[smem:$0x3FAD] =	sst s0  }
0x18: {  	s0 =	sld [smem:$0x3F90];
	_ =	swait.ge [sflag:s4], $0x0  }
0x19: {  	s7 =	sld [smem:$0x3F91]  }
0x1a: {  	s8 =	sadd.s32 $0xFFFFE003, lr  }
0x1b: {  	s9 =	sadd.s32 $0xFFFFFEF7, lr;
	s5 =	simm.s32 $0xFFFFFFFF;
	p2 =	slt.u32 s8, $0xFFFFF086  }
0x1c: {  	p1 =	slt.u32 s9, $0xF7A;
	s5 =	simm.s32 @!p2 $0x0  }
0x1d: {  	s5 =	simm.s32 @p1 $0x1;
	p0 =	seq.s32 s7, s2  }
0x1e: {  	s7 =	smul.u32 @!p0 $0xF7A, s2;
	p2 =	seq.s32 @!p0 s5, $0x0  }
0x1f: {  	s9 =	smul.u32 $0xF7A, s1;
	s8 =	simm.s32 @!p0 $0x1BF5;
	p2 =	por !p2, p0  }
0x20: {  	[sflag:s8] =	ssyncset.s32 @!p0 $0xFFFFF086;
	s6 =	sadd.s32 @!p0 s3, s7;
	s7 =	simm.s32 @!p0 $0x108  }
0x21: {  	s3 =	sadd.s32 s3, s9;
	s6 =	sadd.s32 @!p0 $0x88, s6;
	s7 =	simm.s32 @p2 $0x1082  }
0x22: {  	[simem:s7], [sflag:s8] =	dma.local @!p0 [hbm:s6], $0xF7A  }
0x23: {  	s9 =	sor.u32 $0xD0000000, s2;
	s6 =	simm.s32 $0x108;
	_ =	swait.ge @!p0 [sflag:s8], $0x0  }
0x24: {  	s3 =	sadd.s32 $0x88, s3;
	s6 =	simm.s32 @!p1 $0x1082;
	[sflag:s4] =	ssyncset.s32 $0xFFFFF086  }
0x25: {  	[simem:s6], [sflag:s4] =	dma.local [hbm:s3], $0xF7A  }
0x26: {  	[smem:$0x3F91] =	sst s1;
	(tag) =	ssettag s2;
	_ =	strace s9  }
0x27: {  	s1 =	sld [smem:$0x3FA1]  }
0x28: {  	s2 =	sld [smem:$0x3FA2]  }
0x29: {  	s4 =	sld [smem:$0x3FA4]  }
0x2a: {  	p0 =	seq.s32 s5, $0x0;
	s5 =	sld [smem:$0x3FA5]  }
0x2b: {  	s6 =	sld [smem:$0x3FA6]  }
0x2c: {  	s7 =	sld [smem:$0x3FA7]  }
0x2d: {  	s3 =	simm.s32 $0x108;
	s8 =	sld [smem:$0x3FA8]  }
0x2e: {  	s3 =	simm.s32 @!p0 $0x1082;
	s9 =	sld [smem:$0x3FA9]  }
0x2f: {  	lr =	sadd.s32 s0, s3;
	s0 =	sld [smem:$0x3FA0]  }
0x30: {  	s3 =	sld [smem:$0x3FA3]  }
0x31: {  	[smem:$0x3FAC] =	sst s10  }
0x32: {  	s10 =	sld [smem:$0x3FAA];
	_ =	sdelay $0x3  }
0x33: {  	p0 =	seq.s32 s10, $0x1;
	s10 =	sld [smem:$0x3FAC];
	_ =	sdelay $0x3  }
0x34: {  	[smem:$0x3FAC] =	sst s10  }
0x35: {  	s10 =	sld [smem:$0x3FAB];
	_ =	sdelay $0x3  }
0x36: {  	p1 =	seq.s32 s10, $0x1;
	s10 =	sld [smem:$0x3FAC];
	_ =	sdelay $0x3  }
0x37: {  	[smem:$0x3FAC] =	sst s10  }
0x38: {  	s10 =	sld [smem:$0x3FAD]  }
0x39: {  	_ = 	snop;
	(pc) =	sbr.ind lr, $3  }
0x3a: {  	_ = 	snop  }
0x3b: {  	_ = 	snop  }
0x3c: {  	p2 =	seq.s32 s10, $0x1;
	s10 =	sld [smem:$0x3FAC]  }
0x3d: {  	_ =	shalt  }
0x3e: {  	_ =	shalt  }
0x3f: {  	_ =	shalt  }
0x40: {  	_ =	shalt  }
0x41: {  	_ =	shalt  }
0x42: {  	_ =	shalt  }
0x43: {  	_ =	shalt  }
0x44: {  	_ =	shalt  }
0x45: {  	_ =	shalt  }
0x46: {  	_ =	shalt  }
0x47: {  	_ =	shalt  }
0x48: {  	_ =	shalt  }
0x49: {  	_ =	shalt  }
0x4a: {  	_ =	shalt  }
0x4b: {  	_ =	shalt  }
0x4c: {  	_ =	shalt  }
0x4d: {  	_ =	shalt  }
0x4e: {  	_ =	shalt  }
0x4f: {  	_ =	shalt  }
0x50: {  	_ =	shalt  }
0x51: {  	_ =	shalt  }
0x52: {  	_ =	shalt  }
0x53: {  	_ =	shalt  }
0x54: {  	_ =	shalt  }
0x55: {  	_ =	shalt  }
0x56: {  	_ =	shalt  }
0x57: {  	_ =	shalt  }
0x58: {  	_ =	shalt  }
0x59: {  	_ =	shalt  }
0x5a: {  	_ =	shalt  }
0x5b: {  	_ =	shalt  }
0x5c: {  	_ =	shalt  }
0x5d: {  	_ =	shalt  }
0x5e: {  	_ =	shalt  }
0x5f: {  	_ =	shalt  }
0x60: {  	_ =	shalt  }
0x61: {  	_ =	shalt  }
0x62: {  	_ =	shalt  }
0x63: {  	_ =	shalt  }
0x64: {  	_ =	shalt  }
0x65: {  	_ =	shalt  }
0x66: {  	_ =	shalt  }
0x67: {  	_ =	shalt  }
0x68: {  	_ =	shalt  }
0x69: {  	_ =	shalt  }
0x6a: {  	_ =	shalt  }
0x6b: {  	_ =	shalt  }
0x6c: {  	_ =	shalt  }
0x6d: {  	_ =	shalt  }
0x6e: {  	_ =	shalt  }
0x6f: {  	_ =	shalt  }
0x70: {  	_ =	shalt  }
0x71: {  	_ =	shalt  }
0x72: {  	_ =	shalt  }
0x73: {  	_ =	shalt  }
0x74: {  	_ =	shalt  }
0x75: {  	_ =	shalt  }
0x76: {  	_ =	shalt  }
0x77: {  	_ =	shalt  }
0x78: {  	_ =	shalt  }
0x79: {  	_ =	shalt  }
0x7a: {  	_ =	shalt  }
0x7b: {  	_ =	shalt  }
0x7c: {  	_ =	shalt  }
0x7d: {  	_ =	shalt  }
0x7e: {  	_ =	shalt  }
0x7f: {  	_ =	shalt  }
0x80: {  	_ =	shalt  }
0x81: {  	_ =	shalt  }
0x82: {  	_ =	shalt  }
0x83: {  	_ =	shalt  }
0x84: {  	_ =	shalt  }
0x85: {  	_ =	shalt  }
0x86: {  	_ =	shalt  }
0x87: {  	_ =	shalt  }
.Lfunc_end0:
.L_simem_size_0:
called_computation_lowered:
.L_overlay_start_0:
0x88: {  	s2 =	sld [smem:$0x3FD9]  }
0x89: {  	s3 =	sld [smem:$0x3FFE];
	_ =	sdelay $0x1  }
0x8a: {  	s1 =	srdreg.scid  }
0x8b: {  	s0 =	sand.u32 $0x1, s1  }
0x8c: {  	s14 =	sshll.u32 s0, $0xA;
	s2 =	sadd.s32 s3, s2  }
0x8d: {  	s2 =	sadd.s32 s2, s14  }
0x8e: {  	[smem:$0x3FB8] =	sst s2  }
0x8f: {  	_ = 	snop  }
0x90: {  	s2 =	sld [smem:$0x3FD0];
	_ =	sdelay $0x2  }
0x91: {  	s4 =	simm.s32 $0xA;
	s5 =	simm.s32 $0x10;
	s15 =	sld [smem:$0x3FC9]  }
0x92: {  	[smem:s5], [sflag:s4] =	dma.local [hbm:s2], $0x1  }
0x93: {  	_ =	swait.eq [sflag:s4], $0x1  }
0x94: {  	[sflag:s4] =	ssyncset.done $0x0  }
0x95: {  	[sflag:s4] =	ssyncadd.s32 $0xFFFFFFFF  }
0x96: {  	s16 =	sld [smem:$0x14];
	(tm) =	ssettm $0x1  }
0x97: {  	s17 =	sld [smem:$0x3FFB];
	_ =	sdelay $0x3  }
0x98: {  	_ =	strace s17  }
0x99: {  	s4 =	sld [smem:$0x3FFC];
	_ =	sdelay $0x3  }
0x9a: {  	_ =	strace s4  }
0x9b: {  	s4 =	sld [smem:$0x3FFD];
	_ =	sdelay $0x3  }
0x9c: {  	_ =	strace s4  }
0x9d: {  	_ =	strace $0x8FFFFFFF  }
0x9e: {  	s18 =	sld [smem:$0x3FDB];
	_ =	sdelay $0x1  }
0x9f: {  	s19 =	simm.s32 $_scs_section_size  }
0xa0: {  	s6 =	simm.s32 $_size__tile_overlayer_lowered;
	s7 =	simm.s32 $_tile_overlayer_lowered  }
0xa1: {  	s22 =	simm.s32 $0x1BFF;
	s21 =	sshll.u32 s7, $0x1;
	s4 =	sadd.s32 s19, s18  }
0xa2: {  	s8 =	simm.s32 $0x0;
	s20 =	sshll.u32 s6, $0x1;
	s6 =	sadd.s32 s21, s4  }
0xa3: {  	[timem:s8], [sflag:s22] =	dma.local [hbm:s6], s20  }
0xa4: {  	_ =	swait.ge [sflag:s22], s20  }
0xa5: {  	s5 =	ssub.s32 $0x0, s20;
	[sflag:s22] =	ssyncset.done $0x0  }
0xa6: {  	[sflag:s22] =	ssyncadd.s32 s5;
	_ =	sdelay $0x1  }
0xa7: {  	s23 =	simm.s32 $0x1B8B  }
0xa8: {  	_ =	swait.ge [sflag:s23], $0x1  }
0xa9: {  	[sflag:s23] =	ssyncset.done $0x0  }
0xaa: {  	s25 =	simm.s32 $0x1B8E;
	s24 =	sld [smem:$0x3FFE];
	[sflag:s23] =	ssyncadd.s32 $0xFFFFFFFF  }
0xab: {  	s26 =	simm.s32 $execute0_lowered;
	[smem:$0x3FD2] =	sst s25  }
0xac: {  	s6 =	sshll.u32 s26, $0x1;
	_ =	strace $0x80000046;
	[dreg:$0x1] =	wrdreg $0xFFFFFFFF  }
0xad: {  	s28 =	simm.s32 $_size_execute0_lowered;
	s4 =	sadd.s32 s4, s6;
	[dreg:$0x0] =	wrdreg $0x0  }
0xae: {  	s6 =	sshll.u32 s28, $0x1;
	[dreg:$0x2] =	wrdreg s4  }
0xaf: {  	[dreg:$0x3] =	wrdreg s6  }
0xb0: {  	[dreg:$0x4] =	wrdreg $0xC0  }
0xb1: {  	_ =	task [dreg:s8], $0x5FFFF  }
0xb2: {  	[dreg:$0x1] =	wrdreg $0xFFFFFFFF  }
0xb3: {  	[dreg:$0x0] =	wrdreg $0x60  }
0xb4: {  	[dreg:$0x2] =	wrdreg s15  }
0xb5: {  	[dreg:$0x3] =	wrdreg s24  }
0xb6: {  	[dreg:$0x4] =	wrdreg s16  }
0xb7: {  	[dreg:$0x5] =	wrdreg $0x90000  }
0xb8: {  	[dreg:$0x6] =	wrdreg $0x9  }
0xb9: {  	_ =	task.clear_ibuf [dreg:s8], $0x7FFFF;
	_ =	strace $0x90000046  }
0xba: {  	s29 =	simm.s32 $0x9;
	_ =	strace $0x80000048  }
0xbb: {  	_ =	swait.ge [sflag:s29], $0x1  }
0xbc: {  	[sflag:s29] =	ssyncadd.s32 $0xFFFFFFFF  }
0xbd: {  	_ =	strace $0x90000048  }
0xbe: {  	_ =	sfence  }
0xbf: {  	s30 =	sld [smem:$0x0];
	_ =	sdelay $0x2  }
0xc0: {  	s31 =	sshll.u32 s1, $0xD;
	s1 =	sshrl.u32 s1, $0x2  }
0xc1: {  	s3 =	sand.u32 $0x4000, s31;
	s1 =	sadd.s32 s1, s30  }
0xc2: {  	s0 =	sor.u32 s3, s0;
	s1 =	sshll.u32 s1, $0x11  }
0xc3: {  	s0 =	sor.u32 s1, s0  }
0xc4: {  	s0 =	sadd.s32 $0x8F2B, s0  }
0xc5: {  	[sflag:s0] =	ssyncadd.remote.s32 $0x1  }
0xc6: {  	_ =	sfence.sel $0xFFFF  }
0xc7: {  	[dreg:$0x0] =	wrdreg $0xFFFFFFFF;
	(pc) =	sbr.abs _section_cstart, $3  }
0xc8: {  	[dreg:$0x1] =	wrdreg $0xFFFFFFFF  }
0xc9: {  	_ =	task.clear_ibuf [dreg:s8], $0x2FFFF;
	_ =	strace $0x9FFFFFFF  }
0xca: {  	(tm) =	ssettm $0x7FFFFFFF  }
0xcb: {  	_ =	shalt  }
tec
execute0_lowered:
.L_overlay_start_1:
0x0: {  	(tag) =	ssettag $0x1  }
0x1: {  	s5 =	srdreg.scid  }
0x2: {  	s5 =	sand.u32 $0x1, s5  }
0x3: {  	s2 =	rddreg [dreg:$0x0];
	p0 =	seq.s32 s5, $0x1  }
.Ltmp0:
0x4: {  	s0 =	rddreg [dreg:$0x1];
	(pc) =	sbr.rel @p0 .LBB2_5-.Ltmp0, $4  }
0x5: {  	s1 =	rddreg [dreg:$0x2]  }
0x6: {  	s3 =	rddreg [dreg:$0x3];
	s4 =	simm.s32 $0x0  }
0x7: {  	[smem:$0x7FF] =	sst s4  }
0x8: {  	s6 =	rddreg [dreg:$0x4];
	s11 =	stileid.u32;
	_ =	strace $0x80000047  }
0x9: {  	s5 =	smul.u32 $0x50000, s11  }
0xa: {  	s6 =	smul.u32 $0xA00, s11;
	s7 =	sadd.s32 $0x2E00, s0;
	s10 =	simm.s32 $0x800  }
0xb: {  	s21 =	sshll.u32 s11, $0x6;
	s22 =	sadd.s32 $0x20E00, s0;
	s12 =	simm.s32 $0x7  }
0xc: {  	s23 =	simm.s32 $0x1;
	s8 =	sshrl.u32 s5, $0x2;
	s5 =	sadd.s32 s7, s6  }
0xd: {  	[tilespmem:s4], [sflag:$0x1] =	stream.linear.gather [hbm4b:s5+s4], $0x400, $0x38;
	[tilespmem:$0x1D000] =	vst v63  }
0xe: {  	s9 =	sor.u32 $0x80, s6;
	s6 =	sadd.s32 s1, s6;
	s19 =	sadd.s32 s8, s3  }
0xf: {  	[tilespmem:s10], [sflag:$0x3] =	stream.linear.gather [hbm4b:s6+s4], $0x400, $0x38;
	[tilespmem:$0x1D000] =	vst v63  }
0x10: {  	s7 =	sadd.s32 s7, s9;
	s8 =	simm.s32 $0x400;
	s10 =	sshrl.u32 s19, $0x3  }
0x11: {  	[tilespmem:s8], [sflag:$0x2] =	stream.linear.gather [hbm4b:s7+s4], $0x400, $0x38;
	[tilespmem:$0x1D000] =	vst v63  }
0x12: {  	s24 =	simm.s32 $0x3;
	[dreg:$0x6] =	wrdreg s10;
	s7 =	sor.u32 $0x1C07, s21  }
0x13: {  	s20 =	sadd.s32 s1, s9;
	s9 =	simm.s32 $0xC00;
	[dreg:$0x5] =	wrdreg s7  }
0x14: {  	[tilespmem:s9], [sflag:$0x4] =	stream.linear.gather [hbm4b:s20+s4], $0x400, $0x38;
	[tilespmem:$0x1D000] =	vst v63  }
0x15: {  	[spmem:s10], [sflag:s7] =	dma.local [hbm:s22], $0x2800  }
0x16: {  	s25 =	smul.u32 $0x2800, s11;
	s13 =	simm.s32 $0x80;
	_ =	swait.ge [sflag:s12], $0x2800  }
0x17: {  	s14 =	simm.s32 $0x1000;
	s16 =	simm.s32 $0x5000;
	[sflag:s12] =	ssyncset.done $0x0  }
0x18: {  	s17 =	simm.s32 $0xFFFFF700;
	s18 =	simm.s32 $0x5;
	[sflag:s12] =	ssyncadd.s32 $0xFFFFD800  }
0x19: {  	s15 =	simm.s32 $0x4;
	s28 =	simm.s32 $0x700;
	[bflag:$0x0] =	sbarrier.arrive $0xFFFF  }
0x1a: {  	s29 =	simm.s32 $0xE80;
	s30 =	simm.s32 $0x780;
	_ =	swait.ge [sflag:s23], $0x400  }
0x1b: {  	s31 =	simm.s32 $0xF80;
	s26 =	sadd.s32 s25, s0;
	[sflag:s23] =	ssyncset.done $0x0  }
0x1c: {  	s25 =	simm.s32 $0x680;
	s0 =	sadd.s32 $0x23600, s26;
	[sflag:s23] =	ssyncadd.s32 $0xFFFFFC00  }
0x1d: {  	s26 =	simm.s32 $0xE00;
	s19 =	simm.s32 $0xC80;
	_ =	swait.ge [sflag:s24], $0x400  }
0x1e: {  	s21 =	simm.s32 $0x580;
	s20 =	simm.s32 $0x6;
	[sflag:s24] =	ssyncset.done $0x0  }
0x1f: {  	s22 =	simm.s32 $0xD00;
	s23 =	simm.s32 $0x600;
	[sflag:s24] =	ssyncadd.s32 $0xFFFFFC00  }
0x20: {  	[tilespmem:s14], [sflag:$0x5] =	stream.indirect.gather [hbm4b:s2+s13], $0x80, s4, s13, $0xb8;
	[tilespmem:$0x1D000] =	vst v63  }
0x21: {  	[dreg:$0x7] =	wrdreg s0;
	s0 =	simm.s32 $0x2;
	s24 =	simm.s32 $0xD80  }
0x22: {  	[tilespmem:s16], [sflag:$0x6] =	stream.indirect.gather [hbm4b:s2+s13], $0x80, s13, s13, $0xb8;
	[tilespmem:$0x1D000] =	vst v63  }
.LBB2_2:
0x23: {  	_ =	swait.ge [sflag:s18], $0x4000  }
0x24: {  	[sflag:s18] =	ssyncset.done $0x0  }
0x25: {  	s1 =	simm.s32 $0x800;
	[sflag:s18] =	ssyncadd.s32 $0xFFFFC000  }
0x26: {  	[spmem:s3] =	stream.indirect.scatter.add.f32 [tilespmem:s14], [sflag:$0x7], $0x80, s1, s13, $0xb8;
	[tilespmem:$0x1D000] =	vst v63  }
0x27: {  	_ =	swait.ge [sflag:s12], $0x4000  }
0x28: {  	[sflag:s12] =	ssyncset.done $0x0  }
0x29: {  	s7 =	simm.s32 $0x100;
	[sflag:s12] =	ssyncadd.s32 $0xFFFFC000  }
0x2a: {  	[tilespmem:s14], [sflag:$0x5] =	stream.indirect.gather [hbm4b:s2+s13], $0x80, s7, s13, $0xb8;
	[tilespmem:$0x1D000] =	vst v63  }
0x2b: {  	_ =	swait.ge [sflag:s20], $0x4000  }
0x2c: {  	[sflag:s20] =	ssyncset.done $0x0  }
0x2d: {  	s10 =	simm.s32 $0x880;
	[sflag:s20] =	ssyncadd.s32 $0xFFFFC000  }
0x2e: {  	[spmem:s3] =	stream.indirect.scatter.add.f32 [tilespmem:s16], [sflag:$0x7], $0x80, s10, s13, $0xb8;
	[tilespmem:$0x1D000] =	vst v63  }
0x2f: {  	_ =	swait.ge [sflag:s12], $0x4000  }
0x30: {  	[sflag:s12] =	ssyncset.done $0x0  }
0x31: {  	s11 =	simm.s32 $0x180;
	[sflag:s12] =	ssyncadd.s32 $0xFFFFC000  }
0x32: {  	[tilespmem:s16], [sflag:$0x6] =	stream.indirect.gather [hbm4b:s2+s13], $0x80, s11, s13, $0xb8;
	[tilespmem:$0x1D000] =	vst v63  }
0x33: {  	_ =	swait.ge [sflag:s18], $0x4000  }
0x34: {  	[sflag:s18] =	ssyncset.done $0x0  }
0x35: {  	s7 =	simm.s32 $0x900;
	[sflag:s18] =	ssyncadd.s32 $0xFFFFC000  }
0x36: {  	[spmem:s3] =	stream.indirect.scatter.add.f32 [tilespmem:s14], [sflag:$0x7], $0x80, s7, s13, $0xb8;
	[tilespmem:$0x1D000] =	vst v63  }
0x37: {  	_ =	swait.ge [sflag:s12], $0x4000  }
0x38: {  	[sflag:s12] =	ssyncset.done $0x0  }
0x39: {  	s10 =	simm.s32 $0x200;
	[sflag:s12] =	ssyncadd.s32 $0xFFFFC000  }
0x3a: {  	[tilespmem:s14], [sflag:$0x5] =	stream.indirect.gather [hbm4b:s2+s13], $0x80, s10, s13, $0xb8;
	[tilespmem:$0x1D000] =	vst v63  }
0x3b: {  	_ =	swait.ge [sflag:s20], $0x4000  }
0x3c: {  	[sflag:s20] =	ssyncset.done $0x0  }
0x3d: {  	s11 =	simm.s32 $0x980;
	[sflag:s20] =	ssyncadd.s32 $0xFFFFC000  }
0x3e: {  	[spmem:s3] =	stream.indirect.scatter.add.f32 [tilespmem:s16], [sflag:$0x7], $0x80, s11, s13, $0xb8;
	[tilespmem:$0x1D000] =	vst v63  }
0x3f: {  	_ =	swait.ge [sflag:s12], $0x4000  }
0x40: {  	[sflag:s12] =	ssyncset.done $0x0  }
0x41: {  	s7 =	simm.s32 $0x280;
	[sflag:s12] =	ssyncadd.s32 $0xFFFFC000  }
0x42: {  	[tilespmem:s16], [sflag:$0x6] =	stream.indirect.gather [hbm4b:s2+s13], $0x80, s7, s13, $0xb8;
	[tilespmem:$0x1D000] =	vst v63  }
0x43: {  	_ =	swait.ge [sflag:s18], $0x4000  }
0x44: {  	[sflag:s18] =	ssyncset.done $0x0  }
0x45: {  	s10 =	simm.s32 $0xA00;
	[sflag:s18] =	ssyncadd.s32 $0xFFFFC000  }
0x46: {  	[spmem:s3] =	stream.indirect.scatter.add.f32 [tilespmem:s14], [sflag:$0x7], $0x80, s10, s13, $0xb8;
	[tilespmem:$0x1D000] =	vst v63  }
0x47: {  	_ =	swait.ge [sflag:s12], $0x4000  }
0x48: {  	[sflag:s12] =	ssyncset.done $0x0  }
0x49: {  	s11 =	simm.s32 $0x300;
	[sflag:s12] =	ssyncadd.s32 $0xFFFFC000  }
0x4a: {  	[tilespmem:s14], [sflag:$0x5] =	stream.indirect.gather [hbm4b:s2+s13], $0x80, s11, s13, $0xb8;
	[tilespmem:$0x1D000] =	vst v63  }
0x4b: {  	_ =	swait.ge [sflag:s20], $0x4000  }
0x4c: {  	[sflag:s20] =	ssyncset.done $0x0  }
0x4d: {  	s7 =	simm.s32 $0xA80;
	[sflag:s20] =	ssyncadd.s32 $0xFFFFC000  }
0x4e: {  	[spmem:s3] =	stream.indirect.scatter.add.f32 [tilespmem:s16], [sflag:$0x7], $0x80, s7, s13, $0xb8;
	[tilespmem:$0x1D000] =	vst v63  }
0x4f: {  	_ =	swait.ge [sflag:s12], $0x4000  }
0x50: {  	[sflag:s12] =	ssyncset.done $0x0  }
0x51: {  	s10 =	simm.s32 $0x380;
	[sflag:s12] =	ssyncadd.s32 $0xFFFFC000  }
0x52: {  	[tilespmem:s16], [sflag:$0x6] =	stream.indirect.gather [hbm4b:s2+s13], $0x80, s10, s13, $0xb8;
	[tilespmem:$0x1D000] =	vst v63  }
0x53: {  	_ =	swait.ge [sflag:s0], $0x400  }
0x54: {  	[sflag:s0] =	ssyncset.done $0x0  }
0x55: {  	[sflag:s0] =	ssyncadd.s32 $0xFFFFFC00  }
0x56: {  	_ =	swait.ge [sflag:s15], $0x400  }
0x57: {  	[sflag:s15] =	ssyncset.done $0x0  }
0x58: {  	[sflag:s15] =	ssyncadd.s32 $0xFFFFFC00  }
0x59: {  	_ =	swait.ge [sflag:s18], $0x4000  }
0x5a: {  	[sflag:s18] =	ssyncset.done $0x0  }
0x5b: {  	s11 =	simm.s32 $0xB00;
	[sflag:s18] =	ssyncadd.s32 $0xFFFFC000  }
0x5c: {  	[spmem:s3] =	stream.indirect.scatter.add.f32 [tilespmem:s14], [sflag:$0x7], $0x80, s11, s13, $0xb8;
	[tilespmem:$0x1D000] =	vst v63  }
0x5d: {  	_ =	swait.ge [sflag:s12], $0x4000  }
0x5e: {  	[sflag:s12] =	ssyncset.done $0x0  }
0x5f: {  	[sflag:s12] =	ssyncadd.s32 $0xFFFFC000  }
0x60: {  	[tilespmem:s14], [sflag:$0x5] =	stream.indirect.gather [hbm4b:s2+s13], $0x80, s8, s13, $0xb8;
	[tilespmem:$0x1D000] =	vst v63  }
0x61: {  	_ =	swait.ge [sflag:s20], $0x4000  }
0x62: {  	[sflag:s20] =	ssyncset.done $0x0  }
0x63: {  	s7 =	simm.s32 $0xB80;
	[sflag:s20] =	ssyncadd.s32 $0xFFFFC000  }
0x64: {  	[spmem:s3] =	stream.indirect.scatter.add.f32 [tilespmem:s16], [sflag:$0x7], $0x80, s7, s13, $0xb8;
	[tilespmem:$0x1D000] =	vst v63  }
0x65: {  	_ =	swait.ge [sflag:s12], $0x4000  }
0x66: {  	[sflag:s12] =	ssyncset.done $0x0  }
0x67: {  	p0 =	seq.s32 s17, $0x0;
	s10 =	simm.s32 $0x480;
	[sflag:s12] =	ssyncadd.s32 $0xFFFFC000  }
0x68: {  	[tilespmem:s16], [sflag:$0x6] =	stream.indirect.gather [hbm4b:s2+s13], $0x80, s10, s13, $0xb8;
	[tilespmem:$0x1D000] =	vst v63  }
0x69: {  	s10 =	sadd.s32 @!p0 s17, s5  }
0x6a: {  	s11 =	sadd.s32 @!p0 $0xA00, s10;
	s10 =	simm.s32 @!p0 $0x0  }
0x6b: {  	[tilespmem:s10], [sflag:$0x1] =	stream.linear.gather @!p0 [hbm4b:s11+s10], $0x400, $0x38;
	[tilespmem:$0x1D000] =	vst v63  }
0x6c: {  	s11 =	sadd.s32 @!p0 s17, s6  }
0x6d: {  	s1 =	simm.s32 @!p0 $0x800;
	s11 =	sadd.s32 @!p0 $0xA00, s11  }
0x6e: {  	[tilespmem:s1], [sflag:$0x3] =	stream.linear.gather @!p0 [hbm4b:s11+s10], $0x400, $0x38;
	[tilespmem:$0x1D000] =	vst v63  }
0x6f: {  	_ =	swait.ge [sflag:s18], $0x4000  }
0x70: {  	[sflag:s18] =	ssyncset.done $0x0  }
0x71: {  	[sflag:s18] =	ssyncadd.s32 $0xFFFFC000  }
0x72: {  	[spmem:s3] =	stream.indirect.scatter.add.f32 [tilespmem:s14], [sflag:$0x7], $0x80, s9, s13, $0xb8;
	[tilespmem:$0x1D000] =	vst v63  }
0x73: {  	_ =	swait.ge [sflag:s12], $0x4000  }
0x74: {  	[sflag:s12] =	ssyncset.done $0x0  }
0x75: {  	s11 =	simm.s32 $0x500;
	[sflag:s12] =	ssyncadd.s32 $0xFFFFC000  }
0x76: {  	[tilespmem:s14], [sflag:$0x5] =	stream.indirect.gather [hbm4b:s2+s13], $0x80, s11, s13, $0xb8;
	[tilespmem:$0x1D000] =	vst v63  }
0x77: {  	_ =	swait.ge [sflag:s20], $0x4000  }
0x78: {  	[sflag:s20] =	ssyncset.done $0x0  }
0x79: {  	[sflag:s20] =	ssyncadd.s32 $0xFFFFC000  }
0x7a: {  	[spmem:s3] =	stream.indirect.scatter.add.f32 [tilespmem:s16], [sflag:$0x7], $0x80, s19, s13, $0xb8;
	[tilespmem:$0x1D000] =	vst v63  }
0x7b: {  	_ =	swait.ge [sflag:s12], $0x4000  }
0x7c: {  	[sflag:s12] =	ssyncset.done $0x0  }
0x7d: {  	[sflag:s12] =	ssyncadd.s32 $0xFFFFC000  }
0x7e: {  	[tilespmem:s16], [sflag:$0x6] =	stream.indirect.gather [hbm4b:s2+s13], $0x80, s21, s13, $0xb8;
	[tilespmem:$0x1D000] =	vst v63  }
0x7f: {  	_ =	swait.ge [sflag:s18], $0x4000  }
0x80: {  	[sflag:s18] =	ssyncset.done $0x0  }
0x81: {  	[sflag:s18] =	ssyncadd.s32 $0xFFFFC000  }
0x82: {  	[spmem:s3] =	stream.indirect.scatter.add.f32 [tilespmem:s14], [sflag:$0x7], $0x80, s22, s13, $0xb8;
	[tilespmem:$0x1D000] =	vst v63  }
0x83: {  	_ =	swait.ge [sflag:s12], $0x4000  }
0x84: {  	[sflag:s12] =	ssyncset.done $0x0  }
0x85: {  	[sflag:s12] =	ssyncadd.s32 $0xFFFFC000  }
0x86: {  	[tilespmem:s14], [sflag:$0x5] =	stream.indirect.gather [hbm4b:s2+s13], $0x80, s23, s13, $0xb8;
	[tilespmem:$0x1D000] =	vst v63  }
0x87: {  	_ =	swait.ge [sflag:s20], $0x4000  }
0x88: {  	[sflag:s20] =	ssyncset.done $0x0  }
0x89: {  	[sflag:s20] =	ssyncadd.s32 $0xFFFFC000  }
0x8a: {  	[spmem:s3] =	stream.indirect.scatter.add.f32 [tilespmem:s16], [sflag:$0x7], $0x80, s24, s13, $0xb8;
	[tilespmem:$0x1D000] =	vst v63  }
0x8b: {  	_ =	swait.ge [sflag:s12], $0x4000  }
0x8c: {  	[sflag:s12] =	ssyncset.done $0x0  }
0x8d: {  	[sflag:s12] =	ssyncadd.s32 $0xFFFFC000  }
0x8e: {  	[tilespmem:s16], [sflag:$0x6] =	stream.indirect.gather [hbm4b:s2+s13], $0x80, s25, s13, $0xb8;
	[tilespmem:$0x1D000] =	vst v63  }
0x8f: {  	_ =	swait.ge [sflag:s18], $0x4000  }
0x90: {  	[sflag:s18] =	ssyncset.done $0x0  }
0x91: {  	[sflag:s18] =	ssyncadd.s32 $0xFFFFC000  }
0x92: {  	[spmem:s3] =	stream.indirect.scatter.add.f32 [tilespmem:s14], [sflag:$0x7], $0x80, s26, s13, $0xb8;
	[tilespmem:$0x1D000] =	vst v63  }
0x93: {  	_ =	swait.ge [sflag:s12], $0x4000  }
0x94: {  	[sflag:s12] =	ssyncset.done $0x0  }
0x95: {  	[sflag:s12] =	ssyncadd.s32 $0xFFFFC000  }
0x96: {  	[tilespmem:s14], [sflag:$0x5] =	stream.indirect.gather [hbm4b:s2+s13], $0x80, s28, s13, $0xb8;
	[tilespmem:$0x1D000] =	vst v63  }
0x97: {  	_ =	swait.ge [sflag:s20], $0x4000  }
0x98: {  	[sflag:s20] =	ssyncset.done $0x0  }
0x99: {  	[sflag:s20] =	ssyncadd.s32 $0xFFFFC000  }
0x9a: {  	[spmem:s3] =	stream.indirect.scatter.add.f32 [tilespmem:s16], [sflag:$0x7], $0x80, s29, s13, $0xb8;
	[tilespmem:$0x1D000] =	vst v63  }
0x9b: {  	_ =	swait.ge [sflag:s12], $0x4000  }
0x9c: {  	[sflag:s12] =	ssyncset.done $0x0  }
0x9d: {  	s1 =	simm.s32 @p0 $0x5;
	[sflag:s12] =	ssyncadd.s32 $0xFFFFC000  }
0x9e: {  	[tilespmem:s16], [sflag:$0x6] =	stream.indirect.gather [hbm4b:s2+s13], $0x80, s30, s13, $0xb8;
	[tilespmem:$0x1D000] =	vst v63  }
0x9f: {  	_ =	swait.ge @p0 [sflag:s1], $0x4000  }
0xa0: {  	s7 =	simm.s32 @p0 $0x1000;
	[sflag:s1] =	ssyncset.done @p0 $0x0  }
0xa1: {  	s11 =	simm.s32 @p0 $0xF00;
	[sflag:s1] =	ssyncadd.s32 @p0 $0xFFFFC000;
	s1 =	simm.s32 @p0 $0x80  }
0xa2: {  	[spmem:s3] =	stream.indirect.scatter.add.f32 @p0 [tilespmem:s7], [sflag:$0x7], $0x80, s11, s1, $0xb8;
	[tilespmem:$0x1D000] =	vst v63  }
0xa3: {  	s1 =	simm.s32 @p0 $0x7  }
0xa4: {  	_ =	swait.ge @p0 [sflag:s1], $0x4000  }
0xa5: {  	[sflag:s1] =	ssyncset.done @p0 $0x0  }
0xa6: {  	[sflag:s1] =	ssyncadd.s32 @p0 $0xFFFFC000;
	s1 =	simm.s32 @!p0 $0x1  }
0xa7: {  	_ =	swait.ge @!p0 [sflag:s1], $0x400  }
0xa8: {  	[sflag:s1] =	ssyncset.done @!p0 $0x0  }
0xa9: {  	[sflag:s1] =	ssyncadd.s32 @!p0 $0xFFFFFC00;
	s1 =	simm.s32 @!p0 $0x3  }
0xaa: {  	_ =	swait.ge @!p0 [sflag:s1], $0x400  }
0xab: {  	[sflag:s1] =	ssyncset.done @!p0 $0x0  }
0xac: {  	[sflag:s1] =	ssyncadd.s32 @!p0 $0xFFFFFC00;
	s1 =	simm.s32 @!p0 $0x5  }
0xad: {  	_ =	swait.ge @!p0 [sflag:s1], $0x4000  }
0xae: {  	s7 =	simm.s32 @!p0 $0xF00;
	[sflag:s1] =	ssyncset.done @!p0 $0x0  }
0xaf: {  	s11 =	simm.s32 @!p0 $0x1000;
	[sflag:s1] =	ssyncadd.s32 @!p0 $0xFFFFC000;
	s1 =	simm.s32 @!p0 $0x80  }
0xb0: {  	[spmem:s3] =	stream.indirect.scatter.add.f32 @!p0 [tilespmem:s11], [sflag:$0x7], $0x80, s7, s1, $0xb8;
	[tilespmem:$0x1D000] =	vst v63  }
0xb1: {  	s7 =	simm.s32 @!p0 $0x7  }
0xb2: {  	_ =	swait.ge @!p0 [sflag:s7], $0x4000  }
0xb3: {  	[sflag:s7] =	ssyncset.done @!p0 $0x0  }
0xb4: {  	[sflag:s7] =	ssyncadd.s32 @!p0 $0xFFFFC000  }
0xb5: {  	[tilespmem:s11], [sflag:$0x5] =	stream.indirect.gather @!p0 [hbm4b:s2+s1], $0x80, s10, s1, $0xb8;
	[tilespmem:$0x1D000] =	vst v63  }
0xb6: {  	_ =	swait.ge [sflag:s20], $0x4000  }
0xb7: {  	[sflag:s20] =	ssyncset.done $0x0  }
.Ltmp1:
0xb8: {  	[sflag:s20] =	ssyncadd.s32 $0xFFFFC000;
	(pc) =	sbr.rel @p0 .LBB2_4-.Ltmp1, $4  }
0xb9: {  	[spmem:s3] =	stream.indirect.scatter.add.f32 [tilespmem:s16], [sflag:$0x7], $0x80, s31, s13, $0xb8;
	[tilespmem:$0x1D000] =	vst v63  }
0xba: {  	_ =	swait.ge [sflag:s12], $0x4000  }
0xbb: {  	[sflag:s12] =	ssyncset.done $0x0  }
0xbc: {  	[sflag:s12] =	ssyncadd.s32 $0xFFFFC000  }
0xbd: {  	[tilespmem:s16], [sflag:$0x6] =	stream.indirect.gather [hbm4b:s2+s13], $0x80, s13, s13, $0xb8;
	[tilespmem:$0x1D000] =	vst v63  }
.Ltmp2:
0xbe: {  	s1 =	sadd.s32 s17, s5;
	(pc) =	sbr.rel .LBB2_2-.Ltmp2, $4  }
0xbf: {  	s11 =	sadd.s32 s17, s6;
	s1 =	sadd.s32 $0xA80, s1  }
0xc0: {  	[tilespmem:s8], [sflag:$0x2] =	stream.linear.gather [hbm4b:s1+s4], $0x400, $0x38;
	[tilespmem:$0x1D000] =	vst v63  }
0xc1: {  	s17 =	sadd.s32 $0x100, s17;
	s1 =	sadd.s32 $0xA80, s11  }
0xc2: {  	[tilespmem:s9], [sflag:$0x4] =	stream.linear.gather [hbm4b:s1+s4], $0x400, $0x38;
	[tilespmem:$0x1D000] =	vst v63  }
.LBB2_4:
0xc3: {  	[bflag:$0x0] =	sbarrier.arrive $0xFFFF  }
0xc4: {  	s0 =	rddreg [dreg:$0x5]  }
0xc5: {  	s1 =	rddreg [dreg:$0x6]  }
0xc6: {  	s31 =	simm.s32 $0x7;
	s2 =	rddreg [dreg:$0x7]  }
0xc7: {  	[hbm:s2], [sflag:s0] =	dma.local [spmem:s1], $0x2800  }
0xc8: {  	_ =	swait.ge [sflag:s31], $0x2800  }
0xc9: {  	[sflag:s31] =	ssyncset.done $0x0  }
0xca: {  	[sflag:s31] =	ssyncadd.s32 $0xFFFFD800  }
0xcb: {  	s11 =	stileid.u32;
	s6 =	rddreg [dreg:$0x4]  }
.LBB2_5:
0xcc: {  	_ =	sfence.sel $0x180000  }
0xcd: {  	[bflag:$0x0] =	sbarrier.arrive $0xFFFF  }
0xce: {  	p0 =	sne.s32 s11, $0x0;
	_ =	strace $0x90000047  }
0xcf: {  	s0 =	sadd.s32 @!p0 $0x100000, s6;
	[bflag:$0x2] =	sbarrier.arrive $0xFFFF  }
0xd0: {  	[sflag:s0] =	ssyncadd.tile.s32 @!p0 $0x1;
	_ =	shalt  }
.Lfunc_end2:
_tile_overlayer_lowered:
.L_overlay_start_2:
0xd1: {  	(tag) =	ssettag $0x2  }
0xd2: {  	s0 =	rddreg [dreg:$0x0];
	s2 =	stileid.u32  }
0xd3: {  	s1 =	rddreg [dreg:$0x1];
	p0 =	sne.s32 s2, $0x0  }
0xd4: {  	s3 =	rddreg [dreg:$0x2];
	[bflag:$0x3] =	sbarrier.arrive $0xFFFF;
	s2 =	simm.s32 @!p0 $0x1C07  }
0xd5: {  	[timem:s3], [sflag:s2] =	dma.local @!p0 [hbm:s0], s1  }
0xd6: {  	s0 =	simm.s32 @!p0 $0x7  }
0xd7: {  	_ =	swait.ge @!p0 [sflag:s0], s1  }
0xd8: {  	s1 =	ssub.s32 @!p0 $0x0, s1;
	[sflag:s0] =	ssyncset.done @!p0 $0x0  }
0xd9: {  	[sflag:s0] =	ssyncadd.s32 @!p0 s1  }
0xda: {  	[bflag:$0x3] =	sbarrier.arrive $0xFFFF  }
0xdb: {  	_ =	shalt  }

// kernel: kernel.9.cloned.1.call-start
scs
__scs_entry_jumppad:
0x0: {  	(pc) =	sbr.rel $0x88, $3  }
0x1: {  	(tag) =	ssettag $0x0;
	lr =	simm.s32 $0x1  }
0x2: {  	[smem:$0x3F91] =	sst lr;
	_ =	strace $0xD0000000  }
0x3: {  	_ = 	snop  }
0x4: {  	_ = 	snop  }
0x5: {  	_ = 	snop  }
0x6: {  	_ = 	snop  }
0x7: {  	_ = 	snop  }
__scs_overlays_trampoline_lowered:
0x8: {  	[smem:$0x3FA0] =	sst s0  }
0x9: {  	[smem:$0x3FA1] =	sst s1  }
0xa: {  	[smem:$0x3FA2] =	sst s2  }
0xb: {  	[smem:$0x3FA3] =	sst s3  }
0xc: {  	[smem:$0x3FA4] =	sst s4  }
0xd: {  	[smem:$0x3FA5] =	sst s5  }
0xe: {  	[smem:$0x3FA6] =	sst s6  }
0xf: {  	[smem:$0x3FA7] =	sst s7  }
0x10: {  	[smem:$0x3FA8] =	sst s8  }
0x11: {  	[smem:$0x3FA9] =	sst s9;
	s0 =	simm.s32 @!p0 $0x0  }
0x12: {  	s1 =	sld [smem:$0x3F8F];
	s0 =	simm.s32 @p0 $0x1  }
0x13: {  	[smem:$0x3FAA] =	sst s0;
	s0 =	simm.s32 @!p1 $0x0  }
0x14: {  	s2 =	sld [smem:$0x3F8E];
	s0 =	simm.s32 @p1 $0x1  }
0x15: {  	[smem:$0x3FAB] =	sst s0;
	s0 =	simm.s32 @!p2 $0x0  }
0x16: {  	s3 =	sld [smem:$0x3FDB];
	s0 =	simm.s32 @p2 $0x1  }
0x17: {  	s4 =	simm.s32 $0x1BF5;
	[smem:$0x3FAD] =	sst s0  }
0x18: {  	s0 =	sld [smem:$0x3F90];
	_ =	swait.ge [sflag:s4], $0x0  }
0x19: {  	s7 =	sld [smem:$0x3F91]  }
0x1a: {  	s8 =	sadd.s32 $0xFFFFE003, lr  }
0x1b: {  	s9 =	sadd.s32 $0xFFFFFEF7, lr;
	s5 =	simm.s32 $0xFFFFFFFF;
	p2 =	slt.u32 s8, $0xFFFFF086  }
0x1c: {  	p1 =	slt.u32 s9, $0xF7A;
	s5 =	simm.s32 @!p2 $0x0  }
0x1d: {  	s5 =	simm.s32 @p1 $0x1;
	p0 =	seq.s32 s7, s2  }
0x1e: {  	s7 =	smul.u32 @!p0 $0xF7A, s2;
	p2 =	seq.s32 @!p0 s5, $0x0  }
0x1f: {  	s9 =	smul.u32 $0xF7A, s1;
	s8 =	simm.s32 @!p0 $0x1BF5;
	p2 =	por !p2, p0  }
0x20: {  	[sflag:s8] =	ssyncset.s32 @!p0 $0xFFFFF086;
	s6 =	sadd.s32 @!p0 s3, s7;
	s7 =	simm.s32 @!p0 $0x108  }
0x21: {  	s3 =	sadd.s32 s3, s9;
	s6 =	sadd.s32 @!p0 $0x88, s6;
	s7 =	simm.s32 @p2 $0x1082  }
0x22: {  	[simem:s7], [sflag:s8] =	dma.local @!p0 [hbm:s6], $0xF7A  }
0x23: {  	s9 =	sor.u32 $0xD0000000, s2;
	s6 =	simm.s32 $0x108;
	_ =	swait.ge @!p0 [sflag:s8], $0x0  }
0x24: {  	s3 =	sadd.s32 $0x88, s3;
	s6 =	simm.s32 @!p1 $0x1082;
	[sflag:s4] =	ssyncset.s32 $0xFFFFF086  }
0x25: {  	[simem:s6], [sflag:s4] =	dma.local [hbm:s3], $0xF7A  }
0x26: {  	[smem:$0x3F91] =	sst s1;
	(tag) =	ssettag s2;
	_ =	strace s9  }
0x27: {  	s1 =	sld [smem:$0x3FA1]  }
0x28: {  	s2 =	sld [smem:$0x3FA2]  }
0x29: {  	s4 =	sld [smem:$0x3FA4]  }
0x2a: {  	p0 =	seq.s32 s5, $0x0;
	s5 =	sld [smem:$0x3FA5]  }
0x2b: {  	s6 =	sld [smem:$0x3FA6]  }
0x2c: {  	s7 =	sld [smem:$0x3FA7]  }
0x2d: {  	s3 =	simm.s32 $0x108;
	s8 =	sld [smem:$0x3FA8]  }
0x2e: {  	s3 =	simm.s32 @!p0 $0x1082;
	s9 =	sld [smem:$0x3FA9]  }
0x2f: {  	lr =	sadd.s32 s0, s3;
	s0 =	sld [smem:$0x3FA0]  }
0x30: {  	s3 =	sld [smem:$0x3FA3]  }
0x31: {  	[smem:$0x3FAC] =	sst s10  }
0x32: {  	s10 =	sld [smem:$0x3FAA];
	_ =	sdelay $0x3  }
0x33: {  	p0 =	seq.s32 s10, $0x1;
	s10 =	sld [smem:$0x3FAC];
	_ =	sdelay $0x3  }
0x34: {  	[smem:$0x3FAC] =	sst s10  }
0x35: {  	s10 =	sld [smem:$0x3FAB];
	_ =	sdelay $0x3  }
0x36: {  	p1 =	seq.s32 s10, $0x1;
	s10 =	sld [smem:$0x3FAC];
	_ =	sdelay $0x3  }
0x37: {  	[smem:$0x3FAC] =	sst s10  }
0x38: {  	s10 =	sld [smem:$0x3FAD]  }
0x39: {  	_ = 	snop;
	(pc) =	sbr.ind lr, $3  }
0x3a: {  	_ = 	snop  }
0x3b: {  	_ = 	snop  }
0x3c: {  	p2 =	seq.s32 s10, $0x1;
	s10 =	sld [smem:$0x3FAC]  }
0x3d: {  	_ =	shalt  }
0x3e: {  	_ =	shalt  }
0x3f: {  	_ =	shalt  }
0x40: {  	_ =	shalt  }
0x41: {  	_ =	shalt  }
0x42: {  	_ =	shalt  }
0x43: {  	_ =	shalt  }
0x44: {  	_ =	shalt  }
0x45: {  	_ =	shalt  }
0x46: {  	_ =	shalt  }
0x47: {  	_ =	shalt  }
0x48: {  	_ =	shalt  }
0x49: {  	_ =	shalt  }
0x4a: {  	_ =	shalt  }
0x4b: {  	_ =	shalt  }
0x4c: {  	_ =	shalt  }
0x4d: {  	_ =	shalt  }
0x4e: {  	_ =	shalt  }
0x4f: {  	_ =	shalt  }
0x50: {  	_ =	shalt  }
0x51: {  	_ =	shalt  }
0x52: {  	_ =	shalt  }
0x53: {  	_ =	shalt  }
0x54: {  	_ =	shalt  }
0x55: {  	_ =	shalt  }
0x56: {  	_ =	shalt  }
0x57: {  	_ =	shalt  }
0x58: {  	_ =	shalt  }
0x59: {  	_ =	shalt  }
0x5a: {  	_ =	shalt  }
0x5b: {  	_ =	shalt  }
0x5c: {  	_ =	shalt  }
0x5d: {  	_ =	shalt  }
0x5e: {  	_ =	shalt  }
0x5f: {  	_ =	shalt  }
0x60: {  	_ =	shalt  }
0x61: {  	_ =	shalt  }
0x62: {  	_ =	shalt  }
0x63: {  	_ =	shalt  }
0x64: {  	_ =	shalt  }
0x65: {  	_ =	shalt  }
0x66: {  	_ =	shalt  }
0x67: {  	_ =	shalt  }
0x68: {  	_ =	shalt  }
0x69: {  	_ =	shalt  }
0x6a: {  	_ =	shalt  }
0x6b: {  	_ =	shalt  }
0x6c: {  	_ =	shalt  }
0x6d: {  	_ =	shalt  }
0x6e: {  	_ =	shalt  }
0x6f: {  	_ =	shalt  }
0x70: {  	_ =	shalt  }
0x71: {  	_ =	shalt  }
0x72: {  	_ =	shalt  }
0x73: {  	_ =	shalt  }
0x74: {  	_ =	shalt  }
0x75: {  	_ =	shalt  }
0x76: {  	_ =	shalt  }
0x77: {  	_ =	shalt  }
0x78: {  	_ =	shalt  }
0x79: {  	_ =	shalt  }
0x7a: {  	_ =	shalt  }
0x7b: {  	_ =	shalt  }
0x7c: {  	_ =	shalt  }
0x7d: {  	_ =	shalt  }
0x7e: {  	_ =	shalt  }
0x7f: {  	_ =	shalt  }
0x80: {  	_ =	shalt  }
0x81: {  	_ =	shalt  }
0x82: {  	_ =	shalt  }
0x83: {  	_ =	shalt  }
0x84: {  	_ =	shalt  }
0x85: {  	_ =	shalt  }
0x86: {  	_ =	shalt  }
0x87: {  	_ =	shalt  }
.Lfunc_end0:
.L_simem_size_0:
called_computation.1_lowered:
.L_overlay_start_0:
0x88: {  	s2 =	sld [smem:$0x3FD9]  }
0x89: {  	s3 =	sld [smem:$0x3FFE];
	_ =	sdelay $0x1  }
0x8a: {  	s1 =	srdreg.scid  }
0x8b: {  	s0 =	sand.u32 $0x1, s1  }
0x8c: {  	s16 =	sshll.u32 s0, $0xA;
	s2 =	sadd.s32 s3, s2  }
0x8d: {  	s2 =	sadd.s32 s2, s16  }
0x8e: {  	[smem:$0x3FB8] =	sst s2  }
0x8f: {  	_ = 	snop  }
0x90: {  	(tm) =	ssettm $0x1  }
0x91: {  	s17 =	sld [smem:$0x3FFB];
	_ =	sdelay $0x3  }
0x92: {  	_ =	strace s17  }
0x93: {  	s2 =	sld [smem:$0x3FFC];
	_ =	sdelay $0x3  }
0x94: {  	_ =	strace s2  }
0x95: {  	s2 =	sld [smem:$0x3FFD];
	_ =	sdelay $0x3  }
0x96: {  	_ =	strace s2  }
0x97: {  	_ =	strace $0x8FFFFFFF  }
0x98: {  	s18 =	sld [smem:$0x3FDB];
	_ =	sdelay $0x1  }
0x99: {  	s19 =	simm.s32 $_scs_section_size  }
0x9a: {  	s4 =	simm.s32 $_size__tile_overlayer_lowered;
	s5 =	simm.s32 $_tile_overlayer_lowered  }
0x9b: {  	s22 =	simm.s32 $0x1BFF;
	s21 =	sshll.u32 s5, $0x1;
	s2 =	sadd.s32 s19, s18  }
0x9c: {  	s6 =	simm.s32 $0x0;
	s20 =	sshll.u32 s4, $0x1;
	s4 =	sadd.s32 s21, s2  }
0x9d: {  	[timem:s6], [sflag:s22] =	dma.local [hbm:s4], s20  }
0x9e: {  	_ =	swait.ge [sflag:s22], s20  }
0x9f: {  	s3 =	ssub.s32 $0x0, s20;
	[sflag:s22] =	ssyncset.done $0x0  }
0xa0: {  	[sflag:s22] =	ssyncadd.s32 s3;
	_ =	sdelay $0x1  }
0xa1: {  	s23 =	simm.s32 $0x1B8B  }
0xa2: {  	_ =	swait.ge [sflag:s23], $0x1  }
0xa3: {  	[sflag:s23] =	ssyncset.done $0x0  }
0xa4: {  	s25 =	simm.s32 $0x1B8E;
	s24 =	sld [smem:$0x3FFE];
	[sflag:s23] =	ssyncadd.s32 $0xFFFFFFFF  }
0xa5: {  	s26 =	simm.s32 $execute0_lowered;
	[smem:$0x3FD2] =	sst s25  }
0xa6: {  	s4 =	sshll.u32 s26, $0x1;
	_ =	strace $0x80000049;
	[dreg:$0x1] =	wrdreg $0xFFFFFFFF  }
0xa7: {  	s28 =	simm.s32 $_size_execute0_lowered;
	s2 =	sadd.s32 s2, s4;
	[dreg:$0x0] =	wrdreg $0x0  }
0xa8: {  	s4 =	sshll.u32 s28, $0x1;
	[dreg:$0x2] =	wrdreg s2  }
0xa9: {  	[dreg:$0x3] =	wrdreg s4  }
0xaa: {  	[dreg:$0x4] =	wrdreg $0xC0  }
0xab: {  	_ =	task [dreg:s6], $0x5FFFF  }
0xac: {  	[dreg:$0x1] =	wrdreg $0xFFFFFFFF  }
0xad: {  	[dreg:$0x0] =	wrdreg $0x60  }
0xae: {  	[dreg:$0x2] =	wrdreg s24  }
0xaf: {  	[dreg:$0x3] =	wrdreg $0x90000  }
0xb0: {  	[dreg:$0x4] =	wrdreg $0x9  }
0xb1: {  	_ =	task.clear_ibuf [dreg:s6], $0x5FFFF;
	_ =	strace $0x90000049  }
0xb2: {  	s29 =	simm.s32 $0x9;
	_ =	strace $0x8000004B  }
0xb3: {  	_ =	swait.ge [sflag:s29], $0x1  }
0xb4: {  	[sflag:s29] =	ssyncadd.s32 $0xFFFFFFFF  }
0xb5: {  	_ =	strace $0x9000004B  }
0xb6: {  	_ =	sfence  }
0xb7: {  	s30 =	sld [smem:$0x0];
	_ =	sdelay $0x2  }
0xb8: {  	s31 =	sshll.u32 s1, $0xD;
	s1 =	sshrl.u32 s1, $0x2  }
0xb9: {  	s3 =	sand.u32 $0x4000, s31;
	s1 =	sadd.s32 s1, s30  }
0xba: {  	s0 =	sor.u32 s3, s0;
	s1 =	sshll.u32 s1, $0x11  }
0xbb: {  	s0 =	sor.u32 s1, s0  }
0xbc: {  	s0 =	sadd.s32 $0x8F2B, s0  }
0xbd: {  	[sflag:s0] =	ssyncadd.remote.s32 $0x1  }
0xbe: {  	_ =	sfence.sel $0xFFFF  }
0xbf: {  	[dreg:$0x0] =	wrdreg $0xFFFFFFFF;
	(pc) =	sbr.abs _section_cstart, $3  }
0xc0: {  	[dreg:$0x1] =	wrdreg $0xFFFFFFFF  }
0xc1: {  	_ =	task.clear_ibuf [dreg:s6], $0x2FFFF;
	_ =	strace $0x9FFFFFFF  }
0xc2: {  	(tm) =	ssettm $0x7FFFFFFF  }
0xc3: {  	_ =	shalt  }
tec
execute0_lowered:
.L_overlay_start_1:
0x0: {  	(tag) =	ssettag $0x1  }
0x1: {  	s1 =	srdreg.scid  }
0x2: {  	s1 =	sand.u32 $0x1, s1  }
0x3: {  	p0 =	seq.s32 s1, $0x1  }
.Ltmp0:
0x4: {  	_ = 	snop;
	(pc) =	sbr.rel @p0 .LBB2_5-.Ltmp0, $4  }
0x5: {  	s0 =	rddreg [dreg:$0x0]  }
0x6: {  	s2 =	rddreg [dreg:$0x1];
	s3 =	simm.s32 $0x0  }
0x7: {  	[smem:$0x7FF] =	sst s3  }
0x8: {  	s4 =	rddreg [dreg:$0x2];
	s10 =	stileid.u32;
	_ =	strace $0x8000004A  }
0x9: {  	s1 =	smul.u32 $0x50000, s10  }
0xa: {  	s5 =	smul.u32 $0xA00, s10;
	s6 =	sadd.s32 $0xCE00, s0  }
0xb: {  	s8 =	sadd.s32 $0x16E00, s0;
	s7 =	simm.s32 $0x800;
	s21 =	sshll.u32 s10, $0x6  }
0xc: {  	s22 =	sadd.s32 $0x20E00, s0;
	s11 =	simm.s32 $0x7;
	s23 =	simm.s32 $0x1  }
0xd: {  	s24 =	simm.s32 $0x3;
	s1 =	sshrl.u32 s1, $0x2;
	s4 =	sadd.s32 s6, s5  }
0xe: {  	[tilespmem:s3], [sflag:$0x1] =	stream.linear.gather [hbm4b:s4+s3], $0x400, $0x38;
	[tilespmem:$0x1D000] =	vst v63  }
0xf: {  	s9 =	sor.u32 $0x80, s5;
	s5 =	sadd.s32 s8, s5;
	s1 =	sadd.s32 s1, s2  }
0x10: {  	s6 =	sadd.s32 s6, s9;
	s20 =	sadd.s32 s8, s9;
	s9 =	sor.u32 $0x1C07, s21  }
0x11: {  	[tilespmem:s7], [sflag:$0x3] =	stream.linear.gather [hbm4b:s5+s3], $0x400, $0x38;
	[tilespmem:$0x1D000] =	vst v63  }
0x12: {  	s1 =	sshrl.u32 s1, $0x3;
	[dreg:$0x3] =	wrdreg s9;
	s7 =	simm.s32 $0x400  }
0x13: {  	[tilespmem:s7], [sflag:$0x2] =	stream.linear.gather [hbm4b:s6+s3], $0x400, $0x38;
	[tilespmem:$0x1D000] =	vst v63  }
0x14: {  	s12 =	sadd.s32 $0x23600, s0;
	s8 =	simm.s32 $0xC00;
	[dreg:$0x4] =	wrdreg s1  }
0x15: {  	[tilespmem:s8], [sflag:$0x4] =	stream.linear.gather [hbm4b:s20+s3], $0x400, $0x38;
	[tilespmem:$0x1D000] =	vst v63  }
0x16: {  	[spmem:s1], [sflag:s9] =	dma.local [hbm:s22], $0x2800  }
0x17: {  	s25 =	smul.u32 $0x2800, s10;
	s13 =	simm.s32 $0x80;
	_ =	swait.ge [sflag:s11], $0x2800  }
0x18: {  	s14 =	simm.s32 $0x1000;
	s16 =	simm.s32 $0x5000;
	[sflag:s11] =	ssyncset.done $0x0  }
0x19: {  	s17 =	simm.s32 $0xFFFFF700;
	s18 =	simm.s32 $0x5;
	[sflag:s11] =	ssyncadd.s32 $0xFFFFD800  }
0x1a: {  	s15 =	simm.s32 $0x4;
	s19 =	simm.s32 $0xC80;
	[bflag:$0x0] =	sbarrier.arrive $0xFFFF  }
0x1b: {  	s28 =	simm.s32 $0x700;
	s29 =	simm.s32 $0xE80;
	_ =	swait.ge [sflag:s23], $0x400  }
0x1c: {  	s30 =	simm.s32 $0x780;
	s31 =	simm.s32 $0xF80;
	[sflag:s23] =	ssyncset.done $0x0  }
0x1d: {  	s26 =	sadd.s32 s25, s0;
	s25 =	simm.s32 $0x680;
	[sflag:s23] =	ssyncadd.s32 $0xFFFFFC00  }
0x1e: {  	s0 =	sadd.s32 $0x4A800, s26;
	s21 =	simm.s32 $0x580;
	_ =	swait.ge [sflag:s24], $0x400  }
0x1f: {  	s26 =	simm.s32 $0xE00;
	s20 =	simm.s32 $0x6;
	[sflag:s24] =	ssyncset.done $0x0  }
0x20: {  	s22 =	simm.s32 $0xD00;
	s23 =	simm.s32 $0x600;
	[sflag:s24] =	ssyncadd.s32 $0xFFFFFC00  }
0x21: {  	[tilespmem:s14], [sflag:$0x5] =	stream.indirect.gather [hbm4b:s12+s13], $0x80, s3, s13, $0xb8;
	[tilespmem:$0x1D000] =	vst v63  }
0x22: {  	[dreg:$0x5] =	wrdreg s0;
	s0 =	simm.s32 $0x2;
	s24 =	simm.s32 $0xD80  }
0x23: {  	[tilespmem:s16], [sflag:$0x6] =	stream.indirect.gather [hbm4b:s12+s13], $0x80, s13, s13, $0xb8;
	[tilespmem:$0x1D000] =	vst v63  }
.LBB2_2:
0x24: {  	_ =	swait.ge [sflag:s18], $0x4000  }
0x25: {  	[sflag:s18] =	ssyncset.done $0x0  }
0x26: {  	s1 =	simm.s32 $0x800;
	[sflag:s18] =	ssyncadd.s32 $0xFFFFC000  }
0x27: {  	[spmem:s2] =	stream.indirect.scatter.add.f32 [tilespmem:s14], [sflag:$0x7], $0x80, s1, s13, $0xb8;
	[tilespmem:$0x1D000] =	vst v63  }
0x28: {  	_ =	swait.ge [sflag:s11], $0x4000  }
0x29: {  	[sflag:s11] =	ssyncset.done $0x0  }
0x2a: {  	s6 =	simm.s32 $0x100;
	[sflag:s11] =	ssyncadd.s32 $0xFFFFC000  }
0x2b: {  	[tilespmem:s14], [sflag:$0x5] =	stream.indirect.gather [hbm4b:s12+s13], $0x80, s6, s13, $0xb8;
	[tilespmem:$0x1D000] =	vst v63  }
0x2c: {  	_ =	swait.ge [sflag:s20], $0x4000  }
0x2d: {  	[sflag:s20] =	ssyncset.done $0x0  }
0x2e: {  	s9 =	simm.s32 $0x880;
	[sflag:s20] =	ssyncadd.s32 $0xFFFFC000  }
0x2f: {  	[spmem:s2] =	stream.indirect.scatter.add.f32 [tilespmem:s16], [sflag:$0x7], $0x80, s9, s13, $0xb8;
	[tilespmem:$0x1D000] =	vst v63  }
0x30: {  	_ =	swait.ge [sflag:s11], $0x4000  }
0x31: {  	[sflag:s11] =	ssyncset.done $0x0  }
0x32: {  	s10 =	simm.s32 $0x180;
	[sflag:s11] =	ssyncadd.s32 $0xFFFFC000  }
0x33: {  	[tilespmem:s16], [sflag:$0x6] =	stream.indirect.gather [hbm4b:s12+s13], $0x80, s10, s13, $0xb8;
	[tilespmem:$0x1D000] =	vst v63  }
0x34: {  	_ =	swait.ge [sflag:s18], $0x4000  }
0x35: {  	[sflag:s18] =	ssyncset.done $0x0  }
0x36: {  	s6 =	simm.s32 $0x900;
	[sflag:s18] =	ssyncadd.s32 $0xFFFFC000  }
0x37: {  	[spmem:s2] =	stream.indirect.scatter.add.f32 [tilespmem:s14], [sflag:$0x7], $0x80, s6, s13, $0xb8;
	[tilespmem:$0x1D000] =	vst v63  }
0x38: {  	_ =	swait.ge [sflag:s11], $0x4000  }
0x39: {  	[sflag:s11] =	ssyncset.done $0x0  }
0x3a: {  	s9 =	simm.s32 $0x200;
	[sflag:s11] =	ssyncadd.s32 $0xFFFFC000  }
0x3b: {  	[tilespmem:s14], [sflag:$0x5] =	stream.indirect.gather [hbm4b:s12+s13], $0x80, s9, s13, $0xb8;
	[tilespmem:$0x1D000] =	vst v63  }
0x3c: {  	_ =	swait.ge [sflag:s20], $0x4000  }
0x3d: {  	[sflag:s20] =	ssyncset.done $0x0  }
0x3e: {  	s10 =	simm.s32 $0x980;
	[sflag:s20] =	ssyncadd.s32 $0xFFFFC000  }
0x3f: {  	[spmem:s2] =	stream.indirect.scatter.add.f32 [tilespmem:s16], [sflag:$0x7], $0x80, s10, s13, $0xb8;
	[tilespmem:$0x1D000] =	vst v63  }
0x40: {  	_ =	swait.ge [sflag:s11], $0x4000  }
0x41: {  	[sflag:s11] =	ssyncset.done $0x0  }
0x42: {  	s6 =	simm.s32 $0x280;
	[sflag:s11] =	ssyncadd.s32 $0xFFFFC000  }
0x43: {  	[tilespmem:s16], [sflag:$0x6] =	stream.indirect.gather [hbm4b:s12+s13], $0x80, s6, s13, $0xb8;
	[tilespmem:$0x1D000] =	vst v63  }
0x44: {  	_ =	swait.ge [sflag:s18], $0x4000  }
0x45: {  	[sflag:s18] =	ssyncset.done $0x0  }
0x46: {  	s9 =	simm.s32 $0xA00;
	[sflag:s18] =	ssyncadd.s32 $0xFFFFC000  }
0x47: {  	[spmem:s2] =	stream.indirect.scatter.add.f32 [tilespmem:s14], [sflag:$0x7], $0x80, s9, s13, $0xb8;
	[tilespmem:$0x1D000] =	vst v63  }
0x48: {  	_ =	swait.ge [sflag:s11], $0x4000  }
0x49: {  	[sflag:s11] =	ssyncset.done $0x0  }
0x4a: {  	s10 =	simm.s32 $0x300;
	[sflag:s11] =	ssyncadd.s32 $0xFFFFC000  }
0x4b: {  	[tilespmem:s14], [sflag:$0x5] =	stream.indirect.gather [hbm4b:s12+s13], $0x80, s10, s13, $0xb8;
	[tilespmem:$0x1D000] =	vst v63  }
0x4c: {  	_ =	swait.ge [sflag:s20], $0x4000  }
0x4d: {  	[sflag:s20] =	ssyncset.done $0x0  }
0x4e: {  	s6 =	simm.s32 $0xA80;
	[sflag:s20] =	ssyncadd.s32 $0xFFFFC000  }
0x4f: {  	[spmem:s2] =	stream.indirect.scatter.add.f32 [tilespmem:s16], [sflag:$0x7], $0x80, s6, s13, $0xb8;
	[tilespmem:$0x1D000] =	vst v63  }
0x50: {  	_ =	swait.ge [sflag:s11], $0x4000  }
0x51: {  	[sflag:s11] =	ssyncset.done $0x0  }
0x52: {  	s9 =	simm.s32 $0x380;
	[sflag:s11] =	ssyncadd.s32 $0xFFFFC000  }
0x53: {  	[tilespmem:s16], [sflag:$0x6] =	stream.indirect.gather [hbm4b:s12+s13], $0x80, s9, s13, $0xb8;
	[tilespmem:$0x1D000] =	vst v63  }
0x54: {  	_ =	swait.ge [sflag:s0], $0x400  }
0x55: {  	[sflag:s0] =	ssyncset.done $0x0  }
0x56: {  	[sflag:s0] =	ssyncadd.s32 $0xFFFFFC00  }
0x57: {  	_ =	swait.ge [sflag:s15], $0x400  }
0x58: {  	[sflag:s15] =	ssyncset.done $0x0  }
0x59: {  	[sflag:s15] =	ssyncadd.s32 $0xFFFFFC00  }
0x5a: {  	_ =	swait.ge [sflag:s18], $0x4000  }
0x5b: {  	[sflag:s18] =	ssyncset.done $0x0  }
0x5c: {  	s10 =	simm.s32 $0xB00;
	[sflag:s18] =	ssyncadd.s32 $0xFFFFC000  }
0x5d: {  	[spmem:s2] =	stream.indirect.scatter.add.f32 [tilespmem:s14], [sflag:$0x7], $0x80, s10, s13, $0xb8;
	[tilespmem:$0x1D000] =	vst v63  }
0x5e: {  	_ =	swait.ge [sflag:s11], $0x4000  }
0x5f: {  	[sflag:s11] =	ssyncset.done $0x0  }
0x60: {  	[sflag:s11] =	ssyncadd.s32 $0xFFFFC000  }
0x61: {  	[tilespmem:s14], [sflag:$0x5] =	stream.indirect.gather [hbm4b:s12+s13], $0x80, s7, s13, $0xb8;
	[tilespmem:$0x1D000] =	vst v63  }
0x62: {  	_ =	swait.ge [sflag:s20], $0x4000  }
0x63: {  	[sflag:s20] =	ssyncset.done $0x0  }
0x64: {  	s6 =	simm.s32 $0xB80;
	[sflag:s20] =	ssyncadd.s32 $0xFFFFC000  }
0x65: {  	[spmem:s2] =	stream.indirect.scatter.add.f32 [tilespmem:s16], [sflag:$0x7], $0x80, s6, s13, $0xb8;
	[tilespmem:$0x1D000] =	vst v63  }
0x66: {  	_ =	swait.ge [sflag:s11], $0x4000  }
0x67: {  	[sflag:s11] =	ssyncset.done $0x0  }
0x68: {  	p0 =	seq.s32 s17, $0x0;
	s9 =	simm.s32 $0x480;
	[sflag:s11] =	ssyncadd.s32 $0xFFFFC000  }
0x69: {  	[tilespmem:s16], [sflag:$0x6] =	stream.indirect.gather [hbm4b:s12+s13], $0x80, s9, s13, $0xb8;
	[tilespmem:$0x1D000] =	vst v63  }
0x6a: {  	s9 =	sadd.s32 @!p0 s17, s4  }
0x6b: {  	s10 =	sadd.s32 @!p0 $0xA00, s9;
	s9 =	simm.s32 @!p0 $0x0  }
0x6c: {  	[tilespmem:s9], [sflag:$0x1] =	stream.linear.gather @!p0 [hbm4b:s10+s9], $0x400, $0x38;
	[tilespmem:$0x1D000] =	vst v63  }
0x6d: {  	s10 =	sadd.s32 @!p0 s17, s5  }
0x6e: {  	s1 =	simm.s32 @!p0 $0x800;
	s10 =	sadd.s32 @!p0 $0xA00, s10  }
0x6f: {  	[tilespmem:s1], [sflag:$0x3] =	stream.linear.gather @!p0 [hbm4b:s10+s9], $0x400, $0x38;
	[tilespmem:$0x1D000] =	vst v63  }
0x70: {  	_ =	swait.ge [sflag:s18], $0x4000  }
0x71: {  	[sflag:s18] =	ssyncset.done $0x0  }
0x72: {  	[sflag:s18] =	ssyncadd.s32 $0xFFFFC000  }
0x73: {  	[spmem:s2] =	stream.indirect.scatter.add.f32 [tilespmem:s14], [sflag:$0x7], $0x80, s8, s13, $0xb8;
	[tilespmem:$0x1D000] =	vst v63  }
0x74: {  	_ =	swait.ge [sflag:s11], $0x4000  }
0x75: {  	[sflag:s11] =	ssyncset.done $0x0  }
0x76: {  	s10 =	simm.s32 $0x500;
	[sflag:s11] =	ssyncadd.s32 $0xFFFFC000  }
0x77: {  	[tilespmem:s14], [sflag:$0x5] =	stream.indirect.gather [hbm4b:s12+s13], $0x80, s10, s13, $0xb8;
	[tilespmem:$0x1D000] =	vst v63  }
0x78: {  	_ =	swait.ge [sflag:s20], $0x4000  }
0x79: {  	[sflag:s20] =	ssyncset.done $0x0  }
0x7a: {  	[sflag:s20] =	ssyncadd.s32 $0xFFFFC000  }
0x7b: {  	[spmem:s2] =	stream.indirect.scatter.add.f32 [tilespmem:s16], [sflag:$0x7], $0x80, s19, s13, $0xb8;
	[tilespmem:$0x1D000] =	vst v63  }
0x7c: {  	_ =	swait.ge [sflag:s11], $0x4000  }
0x7d: {  	[sflag:s11] =	ssyncset.done $0x0  }
0x7e: {  	[sflag:s11] =	ssyncadd.s32 $0xFFFFC000  }
0x7f: {  	[tilespmem:s16], [sflag:$0x6] =	stream.indirect.gather [hbm4b:s12+s13], $0x80, s21, s13, $0xb8;
	[tilespmem:$0x1D000] =	vst v63  }
0x80: {  	_ =	swait.ge [sflag:s18], $0x4000  }
0x81: {  	[sflag:s18] =	ssyncset.done $0x0  }
0x82: {  	[sflag:s18] =	ssyncadd.s32 $0xFFFFC000  }
0x83: {  	[spmem:s2] =	stream.indirect.scatter.add.f32 [tilespmem:s14], [sflag:$0x7], $0x80, s22, s13, $0xb8;
	[tilespmem:$0x1D000] =	vst v63  }
0x84: {  	_ =	swait.ge [sflag:s11], $0x4000  }
0x85: {  	[sflag:s11] =	ssyncset.done $0x0  }
0x86: {  	[sflag:s11] =	ssyncadd.s32 $0xFFFFC000  }
0x87: {  	[tilespmem:s14], [sflag:$0x5] =	stream.indirect.gather [hbm4b:s12+s13], $0x80, s23, s13, $0xb8;
	[tilespmem:$0x1D000] =	vst v63  }
0x88: {  	_ =	swait.ge [sflag:s20], $0x4000  }
0x89: {  	[sflag:s20] =	ssyncset.done $0x0  }
0x8a: {  	[sflag:s20] =	ssyncadd.s32 $0xFFFFC000  }
0x8b: {  	[spmem:s2] =	stream.indirect.scatter.add.f32 [tilespmem:s16], [sflag:$0x7], $0x80, s24, s13, $0xb8;
	[tilespmem:$0x1D000] =	vst v63  }
0x8c: {  	_ =	swait.ge [sflag:s11], $0x4000  }
0x8d: {  	[sflag:s11] =	ssyncset.done $0x0  }
0x8e: {  	[sflag:s11] =	ssyncadd.s32 $0xFFFFC000  }
0x8f: {  	[tilespmem:s16], [sflag:$0x6] =	stream.indirect.gather [hbm4b:s12+s13], $0x80, s25, s13, $0xb8;
	[tilespmem:$0x1D000] =	vst v63  }
0x90: {  	_ =	swait.ge [sflag:s18], $0x4000  }
0x91: {  	[sflag:s18] =	ssyncset.done $0x0  }
0x92: {  	[sflag:s18] =	ssyncadd.s32 $0xFFFFC000  }
0x93: {  	[spmem:s2] =	stream.indirect.scatter.add.f32 [tilespmem:s14], [sflag:$0x7], $0x80, s26, s13, $0xb8;
	[tilespmem:$0x1D000] =	vst v63  }
0x94: {  	_ =	swait.ge [sflag:s11], $0x4000  }
0x95: {  	[sflag:s11] =	ssyncset.done $0x0  }
0x96: {  	[sflag:s11] =	ssyncadd.s32 $0xFFFFC000  }
0x97: {  	[tilespmem:s14], [sflag:$0x5] =	stream.indirect.gather [hbm4b:s12+s13], $0x80, s28, s13, $0xb8;
	[tilespmem:$0x1D000] =	vst v63  }
0x98: {  	_ =	swait.ge [sflag:s20], $0x4000  }
0x99: {  	[sflag:s20] =	ssyncset.done $0x0  }
0x9a: {  	[sflag:s20] =	ssyncadd.s32 $0xFFFFC000  }
0x9b: {  	[spmem:s2] =	stream.indirect.scatter.add.f32 [tilespmem:s16], [sflag:$0x7], $0x80, s29, s13, $0xb8;
	[tilespmem:$0x1D000] =	vst v63  }
0x9c: {  	_ =	swait.ge [sflag:s11], $0x4000  }
0x9d: {  	[sflag:s11] =	ssyncset.done $0x0  }
0x9e: {  	s1 =	simm.s32 @p0 $0x5;
	[sflag:s11] =	ssyncadd.s32 $0xFFFFC000  }
0x9f: {  	[tilespmem:s16], [sflag:$0x6] =	stream.indirect.gather [hbm4b:s12+s13], $0x80, s30, s13, $0xb8;
	[tilespmem:$0x1D000] =	vst v63  }
0xa0: {  	_ =	swait.ge @p0 [sflag:s1], $0x4000  }
0xa1: {  	s6 =	simm.s32 @p0 $0x1000;
	[sflag:s1] =	ssyncset.done @p0 $0x0  }
0xa2: {  	s10 =	simm.s32 @p0 $0xF00;
	[sflag:s1] =	ssyncadd.s32 @p0 $0xFFFFC000;
	s1 =	simm.s32 @p0 $0x80  }
0xa3: {  	[spmem:s2] =	stream.indirect.scatter.add.f32 @p0 [tilespmem:s6], [sflag:$0x7], $0x80, s10, s1, $0xb8;
	[tilespmem:$0x1D000] =	vst v63  }
0xa4: {  	s1 =	simm.s32 @p0 $0x7  }
0xa5: {  	_ =	swait.ge @p0 [sflag:s1], $0x4000  }
0xa6: {  	[sflag:s1] =	ssyncset.done @p0 $0x0  }
0xa7: {  	[sflag:s1] =	ssyncadd.s32 @p0 $0xFFFFC000;
	s1 =	simm.s32 @!p0 $0x1  }
0xa8: {  	_ =	swait.ge @!p0 [sflag:s1], $0x400  }
0xa9: {  	[sflag:s1] =	ssyncset.done @!p0 $0x0  }
0xaa: {  	[sflag:s1] =	ssyncadd.s32 @!p0 $0xFFFFFC00;
	s1 =	simm.s32 @!p0 $0x3  }
0xab: {  	_ =	swait.ge @!p0 [sflag:s1], $0x400  }
0xac: {  	[sflag:s1] =	ssyncset.done @!p0 $0x0  }
0xad: {  	[sflag:s1] =	ssyncadd.s32 @!p0 $0xFFFFFC00;
	s1 =	simm.s32 @!p0 $0x5  }
0xae: {  	_ =	swait.ge @!p0 [sflag:s1], $0x4000  }
0xaf: {  	s6 =	simm.s32 @!p0 $0xF00;
	[sflag:s1] =	ssyncset.done @!p0 $0x0  }
0xb0: {  	s10 =	simm.s32 @!p0 $0x1000;
	[sflag:s1] =	ssyncadd.s32 @!p0 $0xFFFFC000;
	s1 =	simm.s32 @!p0 $0x80  }
0xb1: {  	[spmem:s2] =	stream.indirect.scatter.add.f32 @!p0 [tilespmem:s10], [sflag:$0x7], $0x80, s6, s1, $0xb8;
	[tilespmem:$0x1D000] =	vst v63  }
0xb2: {  	s6 =	simm.s32 @!p0 $0x7  }
0xb3: {  	_ =	swait.ge @!p0 [sflag:s6], $0x4000  }
0xb4: {  	[sflag:s6] =	ssyncset.done @!p0 $0x0  }
0xb5: {  	[sflag:s6] =	ssyncadd.s32 @!p0 $0xFFFFC000  }
0xb6: {  	[tilespmem:s10], [sflag:$0x5] =	stream.indirect.gather @!p0 [hbm4b:s12+s1], $0x80, s9, s1, $0xb8;
	[tilespmem:$0x1D000] =	vst v63  }
0xb7: {  	_ =	swait.ge [sflag:s20], $0x4000  }
0xb8: {  	[sflag:s20] =	ssyncset.done $0x0  }
.Ltmp1:
0xb9: {  	[sflag:s20] =	ssyncadd.s32 $0xFFFFC000;
	(pc) =	sbr.rel @p0 .LBB2_4-.Ltmp1, $4  }
0xba: {  	[spmem:s2] =	stream.indirect.scatter.add.f32 [tilespmem:s16], [sflag:$0x7], $0x80, s31, s13, $0xb8;
	[tilespmem:$0x1D000] =	vst v63  }
0xbb: {  	_ =	swait.ge [sflag:s11], $0x4000  }
0xbc: {  	[sflag:s11] =	ssyncset.done $0x0  }
0xbd: {  	[sflag:s11] =	ssyncadd.s32 $0xFFFFC000  }
0xbe: {  	[tilespmem:s16], [sflag:$0x6] =	stream.indirect.gather [hbm4b:s12+s13], $0x80, s13, s13, $0xb8;
	[tilespmem:$0x1D000] =	vst v63  }
.Ltmp2:
0xbf: {  	s1 =	sadd.s32 s17, s4;
	(pc) =	sbr.rel .LBB2_2-.Ltmp2, $4  }
0xc0: {  	s10 =	sadd.s32 s17, s5;
	s1 =	sadd.s32 $0xA80, s1  }
0xc1: {  	[tilespmem:s7], [sflag:$0x2] =	stream.linear.gather [hbm4b:s1+s3], $0x400, $0x38;
	[tilespmem:$0x1D000] =	vst v63  }
0xc2: {  	s17 =	sadd.s32 $0x100, s17;
	s1 =	sadd.s32 $0xA80, s10  }
0xc3: {  	[tilespmem:s8], [sflag:$0x4] =	stream.linear.gather [hbm4b:s1+s3], $0x400, $0x38;
	[tilespmem:$0x1D000] =	vst v63  }
.LBB2_4:
0xc4: {  	[bflag:$0x0] =	sbarrier.arrive $0xFFFF  }
0xc5: {  	s0 =	rddreg [dreg:$0x3]  }
0xc6: {  	s1 =	rddreg [dreg:$0x4]  }
0xc7: {  	s31 =	simm.s32 $0x7;
	s2 =	rddreg [dreg:$0x5]  }
0xc8: {  	[hbm:s2], [sflag:s0] =	dma.local [spmem:s1], $0x2800  }
0xc9: {  	_ =	swait.ge [sflag:s31], $0x2800  }
0xca: {  	[sflag:s31] =	ssyncset.done $0x0  }
0xcb: {  	[sflag:s31] =	ssyncadd.s32 $0xFFFFD800  }
0xcc: {  	s10 =	stileid.u32;
	s4 =	rddreg [dreg:$0x2]  }
.LBB2_5:
0xcd: {  	_ =	sfence.sel $0x180000  }
0xce: {  	[bflag:$0x0] =	sbarrier.arrive $0xFFFF  }
0xcf: {  	p0 =	sne.s32 s10, $0x0;
	_ =	strace $0x9000004A  }
0xd0: {  	s0 =	sadd.s32 @!p0 $0x100000, s4;
	[bflag:$0x2] =	sbarrier.arrive $0xFFFF  }
0xd1: {  	[sflag:s0] =	ssyncadd.tile.s32 @!p0 $0x1;
	_ =	shalt  }
.Lfunc_end2:
_tile_overlayer_lowered:
.L_overlay_start_2:
0xd2: {  	(tag) =	ssettag $0x2  }
0xd3: {  	s0 =	rddreg [dreg:$0x0];
	s2 =	stileid.u32  }
0xd4: {  	s1 =	rddreg [dreg:$0x1];
	p0 =	sne.s32 s2, $0x0  }
0xd5: {  	s3 =	rddreg [dreg:$0x2];
	[bflag:$0x3] =	sbarrier.arrive $0xFFFF;
	s2 =	simm.s32 @!p0 $0x1C07  }
0xd6: {  	[timem:s3], [sflag:s2] =	dma.local @!p0 [hbm:s0], s1  }
0xd7: {  	s0 =	simm.s32 @!p0 $0x7  }
0xd8: {  	_ =	swait.ge @!p0 [sflag:s0], s1  }
0xd9: {  	s1 =	ssub.s32 @!p0 $0x0, s1;
	[sflag:s0] =	ssyncset.done @!p0 $0x0  }
0xda: {  	[sflag:s0] =	ssyncadd.s32 @!p0 s1  }
0xdb: {  	[bflag:$0x3] =	sbarrier.arrive $0xFFFF  }
0xdc: {  	_ =	shalt  }

</sc_bundles>
